<compile_context>
chip_gen: v7x
topology: tpu7x:2x2x1
jax: 0.10.2.dev20260603
libtpu: 0.0.44.dev20260713+nightly
codegen_flags: <defaults>
</compile_context>

<pallas_src>
import functools

import jax
import jax.numpy as jnp
from jax import lax
from jax.experimental import pallas as pl
from jax.experimental.pallas import tpu as pltpu
from jax.experimental.pallas import tpu_sc as plsc

_N = 10000
_E = 320000
_D = 128
_H = 64
_G = 64
_EPS = 1e-5

_NC = 2
_NS = 16
_SBE = 500
_NSB = _E // _SBE
_SBT = _NSB // _NS
_NP = 10240
_RPT = _NP // _NS


def _sc_scatter_body(h0_hbm, h1_hbm, src_hbm, dst_hbm, out_hbm,
                     si0, si1, si2, si3, di0, di1, di2, di3,
                     rw0, rw1, acc, gs0, gs1, is0, is1, is2, is3):
    c = lax.axis_index("c")
    s = lax.axis_index("s")
    r0 = s * _RPT
    sidx = (si0, si1, si2, si3)
    didx = (di0, di1, di2, di3)
    rows = (rw0, rw1)
    gsem = (gs0, gs1)
    isem = (is0, is1, is2, is3)

    with jax.named_scope("sc_zero"):
        zv = jnp.zeros((16,), jnp.float32)

        def zbody(i, carry):
            for jj in range(_H // 16):
                rw0[i, pl.ds(jj * 16, 16)] = zv
            return carry

        lax.fori_loop(0, _RPT // 2, zbody, 0)
        pltpu.sync_copy(rw0.at[pl.ds(0, _RPT // 2), :],
                        acc.at[pl.ds(r0, _RPT // 2), :])
        pltpu.sync_copy(rw0.at[pl.ds(0, _RPT // 2), :],
                        acc.at[pl.ds(r0 + _RPT // 2, _RPT // 2), :])
        plsc.subcore_barrier()

    def sb_of(j):
        return s + j * _NS

    for core, h_hbm in ((0, h0_hbm), (1, h1_hbm)):
        @pl.when(c == core)
        def _(h_hbm=h_hbm):
            def idx_load(j, p, sync=False):
                m = p % 4
                if sync:
                    pltpu.sync_copy(src_hbm.at[sb_of(j)], sidx[m])
                    pltpu.sync_copy(dst_hbm.at[sb_of(j)], didx[m])
                else:
                    pltpu.async_copy(src_hbm.at[sb_of(j)], sidx[m], isem[m])
                    pltpu.async_copy(dst_hbm.at[sb_of(j)], didx[m], isem[m])

            def idx_wait(j, p):
                m = p % 4
                pltpu.make_async_copy(src_hbm.at[sb_of(j)], sidx[m],
                                      isem[m]).wait()
                pltpu.make_async_copy(dst_hbm.at[sb_of(j)], didx[m],
                                      isem[m]).wait()

            def gather(j, p):
                pltpu.async_copy(h_hbm.at[sidx[p % 4]], rows[p % 2],
                                 gsem[p % 2])

            def gather_wait(j, p):
                pltpu.make_async_copy(h_hbm.at[sidx[p % 4]], rows[p % 2],
                                      gsem[p % 2]).wait()

            def scat(j, p):
                with jax.named_scope("sc_scat"):
                    pltpu.sync_copy(rows[p % 2], acc.at[didx[p % 4]],
                                    add=True)

            def step(j, p, load=True, gath=True):
                gather_wait(j, p)
                scat(j, p)
                if load:
                    idx_load(j + 3, p + 3)
                if gath:
                    idx_wait(j + 2, p + 2)
                    gather(j + 2, p + 2)

            idx_load(0, 0, sync=True)
            idx_load(1, 1)
            idx_load(2, 2)
            gather(0, 0)
            idx_wait(1, 1)
            gather(1, 1)

            def body(k, carry):
                j0 = 4 * k
                step(j0, 0)
                step(j0 + 1, 1)
                step(j0 + 2, 2)
                step(j0 + 3, 3)
                return carry

            lax.fori_loop(0, _SBT // 4 - 1, body, 0)
            for j in range(_SBT - 4, _SBT):
                step(j, j % 4, load=(j + 3 < _SBT), gath=(j + 2 < _SBT))

    plsc.subcore_barrier()
    with jax.named_scope("sc_out"):
        pltpu.sync_copy(acc.at[pl.ds(r0, _RPT), :],
                        out_hbm.at[c, pl.ds(r0, _RPT), :])


@functools.cache
def _get_sc_scatter():
    return pl.kernel(
        _sc_scatter_body,
        out_type=jax.ShapeDtypeStruct((_NC, _NP, _H), jnp.float32),
        mesh=plsc.VectorSubcoreMesh(core_axis_name="c", subcore_axis_name="s"),
        compiler_params=pltpu.CompilerParams(use_tc_tiling_on_sc=False),
        scratch_types=(
            [pltpu.VMEM((_SBE,), jnp.int32)] * 8
            + [pltpu.VMEM((_SBE, _H), jnp.float32)] * 2
            + [pltpu.VMEM_SHARED((_NP, _H), jnp.float32)]
            + [pltpu.SemaphoreType.DMA] * 6
        ),
    )


def _tc_layer_body(final, ha_ref, hb_ref, aggr_ref, batch_ref,
                   vw_ref, vb_ref, aw_ref, ab_ref, rw_ref, rb_ref,
                   g_ref, b_ref, lw_ref, lb_ref, *out_refs):
    h = jnp.concatenate([ha_ref[...], hb_ref[...]], axis=1)
    aggr = jnp.concatenate([aggr_ref[0, :_N], aggr_ref[1, :_N]], axis=1)
    onehot = (batch_ref[...] ==
              lax.broadcasted_iota(jnp.int32, (_N, _G), 1)).astype(jnp.float32)
    pooled = lax.dot_general(onehot, h, (((0,), (0,)), ((), ())),
                             preferred_element_type=jnp.float32)
    pr = jnp.dot(pooled, rw_ref[...], preferred_element_type=jnp.float32)
    comb = (jnp.dot(h, vw_ref[...], preferred_element_type=jnp.float32)
            + jnp.dot(aggr, aw_ref[...], preferred_element_type=jnp.float32)
            + jnp.dot(onehot, pr, preferred_element_type=jnp.float32)
            + vb_ref[...] + ab_ref[...] + rb_ref[...])
    hr = jnp.maximum(comb, 0.0)
    mean = jnp.mean(hr, axis=0, keepdims=True)
    var = jnp.mean((hr - mean) * (hr - mean), axis=0, keepdims=True)
    hn = (hr - mean) * lax.rsqrt(var + _EPS) * g_ref[...] + b_ref[...]
    if final:
        out_refs[0][...] = (jnp.dot(hn, lw_ref[...],
                                    preferred_element_type=jnp.float32)
                            + lb_ref[...])
    else:
        out_refs[0][...] = hn[:, :_H]
        out_refs[1][...] = hn[:, _H:]


def _tc_layer(final, ha, hb, aggr, batch_col,
              vw, vb, aw, ab, rw, rb, g, b, lw, lb):
    if final:
        out_shape = jax.ShapeDtypeStruct((_N, lw.shape[1]), jnp.float32)
    else:
        out_shape = (jax.ShapeDtypeStruct((_N, _H), jnp.float32),
                     jax.ShapeDtypeStruct((_N, _H), jnp.float32))
    return pl.pallas_call(
        functools.partial(_tc_layer_body, final),
        out_shape=out_shape,
    )(ha, hb, aggr, batch_col, vw, vb.reshape(1, -1), aw, ab.reshape(1, -1),
      rw, rb.reshape(1, -1), g.reshape(1, -1), b.reshape(1, -1),
      lw, lb.reshape(1, -1))


def kernel(x, edge_index, batch,
           V0w, V0b, A0w, A0b, R0w, R0b, bn0_g, bn0_b,
           V1w, V1b, A1w, A1b, R1w, R1b, bn1_g, bn1_b,
           lin_w, lin_b):
    src = edge_index[0].reshape(_NSB, _SBE)
    dst = edge_index[1].reshape(_NSB, _SBE)
    batch_col = batch.reshape(_N, 1)
    xa = x[:, :_H]
    xb = x[:, _H:]

    sc_scatter = _get_sc_scatter()
    aggr0 = sc_scatter(xa, xb, src, dst)
    h1a, h1b = _tc_layer(False, xa, xb, aggr0, batch_col,
                         V0w, V0b, A0w, A0b, R0w, R0b, bn0_g, bn0_b,
                         lin_w, lin_b)
    aggr1 = sc_scatter(h1a, h1b, src, dst)
    out = _tc_layer(True, h1a, h1b, aggr1, batch_col,
                    V1w, V1b, A1w, A1b, R1w, R1b, bn1_g, bn1_b, lin_w, lin_b)
    return out

# --- scband reference (transcript-rebuilt; emitter-appended) ---
"""Pipeline reference for scband-acrgnn-66855460929770 (READ-ONLY COPY).

The authoritative reference and input builder live on the scoring server;
editing this copy changes nothing except your own understanding.
"""

import jax, jax.numpy as jnp
import numpy as np

N = 10000
E = 320000
D = 128          # input_dim == hidden_dim, so ConstantPad1d pads zero width (no-op)
OUT = 128
G = 64           # number of graphs in the batch vector
L = 2            # num_layers
EPS = 1e-5       # BatchNorm1d eps


def _linear_params(key, din, dout):
    kw, kb = jax.random.split(key)
    w = jax.random.normal(kw, (din, dout), dtype=jnp.float32) / np.sqrt(din)
    b = jax.random.normal(kb, (dout,), dtype=jnp.float32) * 0.01
    return w, b


def setup_inputs(seed: int = 0) -> dict:
    key = jax.random.key(seed)
    ks = jax.random.split(key, 32)
    inp = {}
    inp["x"] = jax.random.normal(ks[0], (N, D), dtype=jnp.float32)
    inp["edge_index"] = jax.random.randint(ks[1], (2, E), 0, N, dtype=jnp.int32)
    inp["batch"] = jnp.sort(jax.random.randint(ks[2], (N,), 0, G, dtype=jnp.int32))
    # ACRConv 'simple' combine params per layer: V (self), A (aggregate), R (readout)
    ki = 3
    for l in range(L):
        for nm in ("V", "A", "R"):
            w, b = _linear_params(ks[ki], D, D); ki += 1
            inp[f"{nm}{l}w"] = w
            inp[f"{nm}{l}b"] = b
        inp[f"bn{l}_g"] = jnp.ones((D,), dtype=jnp.float32)
        inp[f"bn{l}_b"] = jnp.zeros((D,), dtype=jnp.float32)
    w, b = _linear_params(ks[ki], D, OUT)
    inp["lin_w"] = w
    inp["lin_b"] = b
    return inp


def reference(x, edge_index, batch,
              V0w, V0b, A0w, A0b, R0w, R0b, bn0_g, bn0_b,
              V1w, V1b, A1w, A1b, R1w, R1b, bn1_g, bn1_b,
              lin_w, lin_b):
    src = edge_index[0]
    dst = edge_index[1]
    layers = [
        (V0w, V0b, A0w, A0b, R0w, R0b, bn0_g, bn0_b),
        (V1w, V1b, A1w, A1b, R1w, R1b, bn1_g, bn1_b),
    ]
    h = x  # padding is a no-op since input_dim == hidden_dim
    for (Vw, Vb, Aw, Ab, Rw, Rb, g, b) in layers:
        # aggregate: sum of neighbor features (scatter-add along edges)
        aggr = jnp.zeros_like(h).at[dst].add(h[src])
        # readout: per-graph sum pooled back to nodes
        pooled = jax.ops.segment_sum(h, batch, num_segments=G)
        readout = pooled[batch]
        # 'simple' combine: V(h) + A(aggr) + R(readout)
        h = (h @ Vw + Vb) + (aggr @ Aw + Ab) + (readout @ Rw + Rb)
        h = jax.nn.relu(h)
        # BatchNorm1d (training mode: batch statistics over nodes)
        mean = jnp.mean(h, axis=0)
        var = jnp.var(h, axis=0)
        h = (h - mean) / jnp.sqrt(var + EPS) * g + b
    return h @ lin_w + lin_b

if __name__ == "__main__":
    import jax
    _d = setup_inputs()
    print(jax.jit(kernel)(*tuple(_d.values())))

</pallas_src>

<mosaic_0001>
#map = affine_map<(d0, d1) -> (0, 0)>
#map1 = affine_map<(d0, d1) -> (0, 0, 0)>
module attributes {stable_mosaic.version = 14 : i64} {
  func.func @_sc_scatter_body(%arg0: i32, %arg1: i32, %arg2: memref<10000x64xf32, #tpu.memory_space<hbm>>, %arg3: memref<10000x64xf32, #tpu.memory_space<hbm>>, %arg4: memref<640x500xi32, #tpu.memory_space<hbm>>, %arg5: memref<640x500xi32, #tpu.memory_space<hbm>>, %arg6: memref<2x10240x64xf32, #tpu.memory_space<hbm>>, %arg7: memref<500xi32, #tpu.memory_space<vmem>>, %arg8: memref<500xi32, #tpu.memory_space<vmem>>, %arg9: memref<500xi32, #tpu.memory_space<vmem>>, %arg10: memref<500xi32, #tpu.memory_space<vmem>>, %arg11: memref<500xi32, #tpu.memory_space<vmem>>, %arg12: memref<500xi32, #tpu.memory_space<vmem>>, %arg13: memref<500xi32, #tpu.memory_space<vmem>>, %arg14: memref<500xi32, #tpu.memory_space<vmem>>, %arg15: memref<500x64xf32, #tpu.memory_space<vmem>>, %arg16: memref<500x64xf32, #tpu.memory_space<vmem>>, %arg17: memref<10240x64xf32, #tpu.memory_space<vmem_shared>>, %arg18: memref<!tpu.dma_semaphore, #tpu.memory_space<semaphore_mem>>, %arg19: memref<!tpu.dma_semaphore, #tpu.memory_space<semaphore_mem>>, %arg20: memref<!tpu.dma_semaphore, #tpu.memory_space<semaphore_mem>>, %arg21: memref<!tpu.dma_semaphore, #tpu.memory_space<semaphore_mem>>, %arg22: memref<!tpu.dma_semaphore, #tpu.memory_space<semaphore_mem>>, %arg23: memref<!tpu.dma_semaphore, #tpu.memory_space<semaphore_mem>>) attributes {dimension_semantics = [#tpu.dimension_semantics<core_parallel>, #tpu.dimension_semantics<subcore_parallel>], iteration_bounds = array<i64: 2, 16>, scalar_prefetch = 0 : i64, scratch_operands = 17 : i64, tpu.core_type = #tpu.core_type<sc_vector_subcore>, window_params = [{transform_indices = #map}, {transform_indices = #map}, {transform_indices = #map}, {transform_indices = #map}, {transform_indices = #map1}]} {
    %mul3A = arith.constant 640 : i32
    %mul3A_0 = arith.muli %arg1, %mul3A : i32
    %broadcast_in_dim3A = arith.constant 0.000000e+00 : f32
    "tpu.trace_start"() <{level = 10 : i32, message = "sc_zero"}> : () -> ()
    %broadcast_in_dim3A_1 = vector.broadcast %broadcast_in_dim3A : f32 to vector<16xf32>
    %scan3A = arith.constant 0 : i32
    %scan3A_2 = arith.constant 0 : i32
    %scan3A_3 = arith.constant 320 : i32
    %scan3A_4 = arith.addi %scan3A_2, %scan3A_3 : i32
    %scan3A_5 = arith.constant 1 : i32
    scf.for %scan3A_16 = %scan3A_2 to %scan3A_4 step %scan3A_5  : i32 {
      %swap3A = arith.index_cast %scan3A_16 : i32 to index
      %swap3A_17 = arith.constant 0 : index
      %swap3A_18 = tpu.vector_load %arg15[%swap3A, %swap3A_17] {strides = array<i32>} : memref<500x64xf32, #tpu.memory_space<vmem>>, vector<1x16xf32>,
      %swap3A_19 = vector.shape_cast %swap3A_18 : vector<1x16xf32> to vector<16xf32>
      %swap3A_20 = vector.shape_cast %broadcast_in_dim3A_1 : vector<16xf32> to vector<1x16xf32>
      tpu.vector_store %arg15[%swap3A, %swap3A_17], %swap3A_20 {strides = array<i32>} : memref<500x64xf32, #tpu.memory_space<vmem>>, vector<1x16xf32>,
      %swap3A_21 = arith.index_cast %scan3A_16 : i32 to index
      %swap3A_22 = arith.constant 16 : index
      %swap3A_23 = tpu.vector_load %arg15[%swap3A_21, %swap3A_22] {strides = array<i32>} : memref<500x64xf32, #tpu.memory_space<vmem>>, vector<1x16xf32>,
      %swap3A_24 = vector.shape_cast %swap3A_23 : vector<1x16xf32> to vector<16xf32>
      %swap3A_25 = vector.shape_cast %broadcast_in_dim3A_1 : vector<16xf32> to vector<1x16xf32>
      tpu.vector_store %arg15[%swap3A_21, %swap3A_22], %swap3A_25 {strides = array<i32>} : memref<500x64xf32, #tpu.memory_space<vmem>>, vector<1x16xf32>,
      %swap3A_26 = arith.index_cast %scan3A_16 : i32 to index
      %swap3A_27 = arith.constant 32 : index
      %swap3A_28 = tpu.vector_load %arg15[%swap3A_26, %swap3A_27] {strides = array<i32>} : memref<500x64xf32, #tpu.memory_space<vmem>>, vector<1x16xf32>,
      %swap3A_29 = vector.shape_cast %swap3A_28 : vector<1x16xf32> to vector<16xf32>
      %swap3A_30 = vector.shape_cast %broadcast_in_dim3A_1 : vector<16xf32> to vector<1x16xf32>
      tpu.vector_store %arg15[%swap3A_26, %swap3A_27], %swap3A_30 {strides = array<i32>} : memref<500x64xf32, #tpu.memory_space<vmem>>, vector<1x16xf32>,
      %swap3A_31 = arith.index_cast %scan3A_16 : i32 to index
      %swap3A_32 = arith.constant 48 : index
      %swap3A_33 = tpu.vector_load %arg15[%swap3A_31, %swap3A_32] {strides = array<i32>} : memref<500x64xf32, #tpu.memory_space<vmem>>, vector<1x16xf32>,
      %swap3A_34 = vector.shape_cast %swap3A_33 : vector<1x16xf32> to vector<16xf32>
      %swap3A_35 = vector.shape_cast %broadcast_in_dim3A_1 : vector<16xf32> to vector<1x16xf32>
      tpu.vector_store %arg15[%swap3A_31, %swap3A_32], %swap3A_35 {strides = array<i32>} : memref<500x64xf32, #tpu.memory_space<vmem>>, vector<1x16xf32>,
    }
    %scan3A_6 = arith.constant 320 : i32
    "tpu.region"() ({
      %run_scoped3A = tpu.sem_alloc : memref<!tpu.dma_semaphore, #tpu.memory_space<semaphore_mem>>
      %dma_start3A = arith.constant 0 : i32
      %dma_start3A_16 = arith.constant 0 : i32
      %dma_start3A_17 = tpu.memref_slice %arg15[%dma_start3A, %dma_start3A_16] : memref<500x64xf32, #tpu.memory_space<vmem>> -> memref<320x64xf32, #tpu.memory_space<vmem>>
      %dma_start3A_18 = arith.constant 0 : i32
      %dma_start3A_19 = tpu.memref_slice %arg17[%mul3A_0, %dma_start3A_18] : memref<10240x64xf32, #tpu.memory_space<vmem_shared>> -> memref<320x64xf32, #tpu.memory_space<vmem_shared>>
      %dma_start3A_20 = arith.constant 0 : i32
      %dma_start3A_21 = tpu.memref_slice %arg17[%mul3A_0, %dma_start3A_20] : memref<10240x64xf32, #tpu.memory_space<vmem_shared>> -> memref<320x64xf32, #tpu.memory_space<vmem_shared>>
      %dma_start3A_22 = arith.constant 0 : i32
      %dma_start3A_23 = arith.constant 0 : i32
      %dma_start3A_24 = tpu.memref_slice %arg15[%dma_start3A_22, %dma_start3A_23] : memref<500x64xf32, #tpu.memory_space<vmem>> -> memref<320x64xf32, #tpu.memory_space<vmem>>
      tpu.enqueue_dma source(%dma_start3A_24 : memref<320x64xf32, #tpu.memory_space<vmem>>) target(%dma_start3A_21 : memref<320x64xf32, #tpu.memory_space<vmem_shared>>) target_semaphore(%run_scoped3A : memref<!tpu.dma_semaphore, #tpu.memory_space<semaphore_mem>>)
      %dma_wait3A = arith.constant 0 : i32
      %dma_wait3A_25 = arith.constant 0 : i32
      %dma_wait3A_26 = tpu.memref_slice %arg15[%dma_wait3A, %dma_wait3A_25] : memref<500x64xf32, #tpu.memory_space<vmem>> -> memref<320x64xf32, #tpu.memory_space<vmem>>
      %dma_wait3A_27 = arith.constant 0 : i32
      %dma_wait3A_28 = tpu.memref_slice %arg17[%mul3A_0, %dma_wait3A_27] : memref<10240x64xf32, #tpu.memory_space<vmem_shared>> -> memref<320x64xf32, #tpu.memory_space<vmem_shared>>
      %dma_wait3A_29 = arith.constant 0 : i32
      %dma_wait3A_30 = tpu.memref_slice %arg17[%mul3A_0, %dma_wait3A_29] : memref<10240x64xf32, #tpu.memory_space<vmem_shared>> -> memref<320x64xf32, #tpu.memory_space<vmem_shared>>
      %dma_wait3A_31 = arith.constant 0 : i32
      %dma_wait3A_32 = arith.constant 0 : i32
      %dma_wait3A_33 = tpu.memref_slice %arg15[%dma_wait3A_31, %dma_wait3A_32] : memref<500x64xf32, #tpu.memory_space<vmem>> -> memref<320x64xf32, #tpu.memory_space<vmem>>
      tpu.wait_dma2 semaphore(%run_scoped3A : memref<!tpu.dma_semaphore, #tpu.memory_space<semaphore_mem>>) src(%dma_wait3A_33 : memref<320x64xf32, #tpu.memory_space<vmem>>) dst(%dma_wait3A_30 : memref<320x64xf32, #tpu.memory_space<vmem_shared>>)
      tpu.yield
    }) : () -> ()
    %add3A = arith.constant 320 : i32
    %add3A_7 = arith.addi %mul3A_0, %add3A : i32
    "tpu.region"() ({
      %run_scoped3A = tpu.sem_alloc : memref<!tpu.dma_semaphore, #tpu.memory_space<semaphore_mem>>
      %dma_start3A = arith.constant 0 : i32
      %dma_start3A_16 = arith.constant 0 : i32
      %dma_start3A_17 = tpu.memref_slice %arg15[%dma_start3A, %dma_start3A_16] : memref<500x64xf32, #tpu.memory_space<vmem>> -> memref<320x64xf32, #tpu.memory_space<vmem>>
      %dma_start3A_18 = arith.constant 0 : i32
      %dma_start3A_19 = tpu.memref_slice %arg17[%add3A_7, %dma_start3A_18] : memref<10240x64xf32, #tpu.memory_space<vmem_shared>> -> memref<320x64xf32, #tpu.memory_space<vmem_shared>>
      %dma_start3A_20 = arith.constant 0 : i32
      %dma_start3A_21 = tpu.memref_slice %arg17[%add3A_7, %dma_start3A_20] : memref<10240x64xf32, #tpu.memory_space<vmem_shared>> -> memref<320x64xf32, #tpu.memory_space<vmem_shared>>
      %dma_start3A_22 = arith.constant 0 : i32
      %dma_start3A_23 = arith.constant 0 : i32
      %dma_start3A_24 = tpu.memref_slice %arg15[%dma_start3A_22, %dma_start3A_23] : memref<500x64xf32, #tpu.memory_space<vmem>> -> memref<320x64xf32, #tpu.memory_space<vmem>>
      tpu.enqueue_dma source(%dma_start3A_24 : memref<320x64xf32, #tpu.memory_space<vmem>>) target(%dma_start3A_21 : memref<320x64xf32, #tpu.memory_space<vmem_shared>>) target_semaphore(%run_scoped3A : memref<!tpu.dma_semaphore, #tpu.memory_space<semaphore_mem>>)
      %dma_wait3A = arith.constant 0 : i32
      %dma_wait3A_25 = arith.constant 0 : i32
      %dma_wait3A_26 = tpu.memref_slice %arg15[%dma_wait3A, %dma_wait3A_25] : memref<500x64xf32, #tpu.memory_space<vmem>> -> memref<320x64xf32, #tpu.memory_space<vmem>>
      %dma_wait3A_27 = arith.constant 0 : i32
      %dma_wait3A_28 = tpu.memref_slice %arg17[%add3A_7, %dma_wait3A_27] : memref<10240x64xf32, #tpu.memory_space<vmem_shared>> -> memref<320x64xf32, #tpu.memory_space<vmem_shared>>
      %dma_wait3A_29 = arith.constant 0 : i32
      %dma_wait3A_30 = tpu.memref_slice %arg17[%add3A_7, %dma_wait3A_29] : memref<10240x64xf32, #tpu.memory_space<vmem_shared>> -> memref<320x64xf32, #tpu.memory_space<vmem_shared>>
      %dma_wait3A_31 = arith.constant 0 : i32
      %dma_wait3A_32 = arith.constant 0 : i32
      %dma_wait3A_33 = tpu.memref_slice %arg15[%dma_wait3A_31, %dma_wait3A_32] : memref<500x64xf32, #tpu.memory_space<vmem>> -> memref<320x64xf32, #tpu.memory_space<vmem>>
      tpu.wait_dma2 semaphore(%run_scoped3A : memref<!tpu.dma_semaphore, #tpu.memory_space<semaphore_mem>>) src(%dma_wait3A_33 : memref<320x64xf32, #tpu.memory_space<vmem>>) dst(%dma_wait3A_30 : memref<320x64xf32, #tpu.memory_space<vmem_shared>>)
      tpu.yield
    }) : () -> ()
    %barrier3A = arith.constant 0 : index
    tpu.barrier barrier_id(%barrier3A)
    %eq3A = arith.constant 0 : i32
    "tpu.trace_stop"() : () -> ()
    %eq3A_8 = arith.cmpi eq, %arg0, %eq3A : i32
    %convert_element_type3A = arith.extui %eq3A_8 : i1 to i32
    %cond3A = arith.constant 0 : i32
    %cond3A_9 = arith.cmpi ne, %convert_element_type3A, %cond3A : i32
    scf.if %cond3A_9 {
      %add3A_16 = arith.constant 0 : i32
      %add3A_17 = arith.addi %arg1, %add3A_16 : i32
      "tpu.region"() ({
        %run_scoped3A = tpu.sem_alloc : memref<!tpu.dma_semaphore, #tpu.memory_space<semaphore_mem>>
        %dma_start3A_144 = arith.constant 0 : i32
        %dma_start3A_145 = tpu.memref_slice %arg4[%add3A_17, %dma_start3A_144] : memref<640x500xi32, #tpu.memory_space<hbm>> -> memref<1x500xi32, #tpu.memory_space<hbm>>
        %dma_start3A_146 = tpu.memref_squeeze %dma_start3A_145 : memref<1x500xi32, #tpu.memory_space<hbm>> -> memref<500xi32, #tpu.memory_space<hbm>>
        %dma_start3A_147 = arith.constant 0 : i32
        %dma_start3A_148 = tpu.memref_slice %arg4[%add3A_17, %dma_start3A_147] : memref<640x500xi32, #tpu.memory_space<hbm>> -> memref<1x500xi32, #tpu.memory_space<hbm>>
        %dma_start3A_149 = tpu.memref_squeeze %dma_start3A_148 : memref<1x500xi32, #tpu.memory_space<hbm>> -> memref<500xi32, #tpu.memory_space<hbm>>
        tpu.enqueue_dma source(%dma_start3A_149 : memref<500xi32, #tpu.memory_space<hbm>>) target(%arg7 : memref<500xi32, #tpu.memory_space<vmem>>) target_semaphore(%run_scoped3A : memref<!tpu.dma_semaphore, #tpu.memory_space<semaphore_mem>>)
        %dma_wait3A_150 = arith.constant 0 : i32
        %dma_wait3A_151 = tpu.memref_slice %arg4[%add3A_17, %dma_wait3A_150] : memref<640x500xi32, #tpu.memory_space<hbm>> -> memref<1x500xi32, #tpu.memory_space<hbm>>
        %dma_wait3A_152 = tpu.memref_squeeze %dma_wait3A_151 : memref<1x500xi32, #tpu.memory_space<hbm>> -> memref<500xi32, #tpu.memory_space<hbm>>
        %dma_wait3A_153 = arith.constant 0 : i32
        %dma_wait3A_154 = tpu.memref_slice %arg4[%add3A_17, %dma_wait3A_153] : memref<640x500xi32, #tpu.memory_space<hbm>> -> memref<1x500xi32, #tpu.memory_space<hbm>>
        %dma_wait3A_155 = tpu.memref_squeeze %dma_wait3A_154 : memref<1x500xi32, #tpu.memory_space<hbm>> -> memref<500xi32, #tpu.memory_space<hbm>>
        tpu.wait_dma2 semaphore(%run_scoped3A : memref<!tpu.dma_semaphore, #tpu.memory_space<semaphore_mem>>) src(%dma_wait3A_155 : memref<500xi32, #tpu.memory_space<hbm>>) dst(%arg7 : memref<500xi32, #tpu.memory_space<vmem>>)
        tpu.yield
      }) : () -> ()
      %add3A_18 = arith.constant 0 : i32
      %add3A_19 = arith.addi %arg1, %add3A_18 : i32
      "tpu.region"() ({
        %run_scoped3A = tpu.sem_alloc : memref<!tpu.dma_semaphore, #tpu.memory_space<semaphore_mem>>
        %dma_start3A_144 = arith.constant 0 : i32
        %dma_start3A_145 = tpu.memref_slice %arg5[%add3A_19, %dma_start3A_144] : memref<640x500xi32, #tpu.memory_space<hbm>> -> memref<1x500xi32, #tpu.memory_space<hbm>>
        %dma_start3A_146 = tpu.memref_squeeze %dma_start3A_145 : memref<1x500xi32, #tpu.memory_space<hbm>> -> memref<500xi32, #tpu.memory_space<hbm>>
        %dma_start3A_147 = arith.constant 0 : i32
        %dma_start3A_148 = tpu.memref_slice %arg5[%add3A_19, %dma_start3A_147] : memref<640x500xi32, #tpu.memory_space<hbm>> -> memref<1x500xi32, #tpu.memory_space<hbm>>
        %dma_start3A_149 = tpu.memref_squeeze %dma_start3A_148 : memref<1x500xi32, #tpu.memory_space<hbm>> -> memref<500xi32, #tpu.memory_space<hbm>>
        tpu.enqueue_dma source(%dma_start3A_149 : memref<500xi32, #tpu.memory_space<hbm>>) target(%arg11 : memref<500xi32, #tpu.memory_space<vmem>>) target_semaphore(%run_scoped3A : memref<!tpu.dma_semaphore, #tpu.memory_space<semaphore_mem>>)
        %dma_wait3A_150 = arith.constant 0 : i32
        %dma_wait3A_151 = tpu.memref_slice %arg5[%add3A_19, %dma_wait3A_150] : memref<640x500xi32, #tpu.memory_space<hbm>> -> memref<1x500xi32, #tpu.memory_space<hbm>>
        %dma_wait3A_152 = tpu.memref_squeeze %dma_wait3A_151 : memref<1x500xi32, #tpu.memory_space<hbm>> -> memref<500xi32, #tpu.memory_space<hbm>>
        %dma_wait3A_153 = arith.constant 0 : i32
        %dma_wait3A_154 = tpu.memref_slice %arg5[%add3A_19, %dma_wait3A_153] : memref<640x500xi32, #tpu.memory_space<hbm>> -> memref<1x500xi32, #tpu.memory_space<hbm>>
        %dma_wait3A_155 = tpu.memref_squeeze %dma_wait3A_154 : memref<1x500xi32, #tpu.memory_space<hbm>> -> memref<500xi32, #tpu.memory_space<hbm>>
        tpu.wait_dma2 semaphore(%run_scoped3A : memref<!tpu.dma_semaphore, #tpu.memory_space<semaphore_mem>>) src(%dma_wait3A_155 : memref<500xi32, #tpu.memory_space<hbm>>) dst(%arg11 : memref<500xi32, #tpu.memory_space<vmem>>)
        tpu.yield
      }) : () -> ()
      %add3A_20 = arith.constant 16 : i32
      %add3A_21 = arith.addi %arg1, %add3A_20 : i32
      %dma_start3A = arith.constant 0 : i32
      %dma_start3A_22 = tpu.memref_slice %arg4[%add3A_21, %dma_start3A] : memref<640x500xi32, #tpu.memory_space<hbm>> -> memref<1x500xi32, #tpu.memory_space<hbm>>
      %dma_start3A_23 = tpu.memref_squeeze %dma_start3A_22 : memref<1x500xi32, #tpu.memory_space<hbm>> -> memref<500xi32, #tpu.memory_space<hbm>>
      %dma_start3A_24 = arith.constant 0 : i32
      %dma_start3A_25 = tpu.memref_slice %arg4[%add3A_21, %dma_start3A_24] : memref<640x500xi32, #tpu.memory_space<hbm>> -> memref<1x500xi32, #tpu.memory_space<hbm>>
      %dma_start3A_26 = tpu.memref_squeeze %dma_start3A_25 : memref<1x500xi32, #tpu.memory_space<hbm>> -> memref<500xi32, #tpu.memory_space<hbm>>
      tpu.enqueue_dma source(%dma_start3A_26 : memref<500xi32, #tpu.memory_space<hbm>>) target(%arg8 : memref<500xi32, #tpu.memory_space<vmem>>) target_semaphore(%arg21 : memref<!tpu.dma_semaphore, #tpu.memory_space<semaphore_mem>>)
      %add3A_27 = arith.constant 16 : i32
      %add3A_28 = arith.addi %arg1, %add3A_27 : i32
      %dma_start3A_29 = arith.constant 0 : i32
      %dma_start3A_30 = tpu.memref_slice %arg5[%add3A_28, %dma_start3A_29] : memref<640x500xi32, #tpu.memory_space<hbm>> -> memref<1x500xi32, #tpu.memory_space<hbm>>
      %dma_start3A_31 = tpu.memref_squeeze %dma_start3A_30 : memref<1x500xi32, #tpu.memory_space<hbm>> -> memref<500xi32, #tpu.memory_space<hbm>>
      %dma_start3A_32 = arith.constant 0 : i32
      %dma_start3A_33 = tpu.memref_slice %arg5[%add3A_28, %dma_start3A_32] : memref<640x500xi32, #tpu.memory_space<hbm>> -> memref<1x500xi32, #tpu.memory_space<hbm>>
      %dma_start3A_34 = tpu.memref_squeeze %dma_start3A_33 : memref<1x500xi32, #tpu.memory_space<hbm>> -> memref<500xi32, #tpu.memory_space<hbm>>
      tpu.enqueue_dma source(%dma_start3A_34 : memref<500xi32, #tpu.memory_space<hbm>>) target(%arg12 : memref<500xi32, #tpu.memory_space<vmem>>) target_semaphore(%arg21 : memref<!tpu.dma_semaphore, #tpu.memory_space<semaphore_mem>>)
      %add3A_35 = arith.constant 32 : i32
      %add3A_36 = arith.addi %arg1, %add3A_35 : i32
      %dma_start3A_37 = arith.constant 0 : i32
      %dma_start3A_38 = tpu.memref_slice %arg4[%add3A_36, %dma_start3A_37] : memref<640x500xi32, #tpu.memory_space<hbm>> -> memref<1x500xi32, #tpu.memory_space<hbm>>
      %dma_start3A_39 = tpu.memref_squeeze %dma_start3A_38 : memref<1x500xi32, #tpu.memory_space<hbm>> -> memref<500xi32, #tpu.memory_space<hbm>>
      %dma_start3A_40 = arith.constant 0 : i32
      %dma_start3A_41 = tpu.memref_slice %arg4[%add3A_36, %dma_start3A_40] : memref<640x500xi32, #tpu.memory_space<hbm>> -> memref<1x500xi32, #tpu.memory_space<hbm>>
      %dma_start3A_42 = tpu.memref_squeeze %dma_start3A_41 : memref<1x500xi32, #tpu.memory_space<hbm>> -> memref<500xi32, #tpu.memory_space<hbm>>
      tpu.enqueue_dma source(%dma_start3A_42 : memref<500xi32, #tpu.memory_space<hbm>>) target(%arg9 : memref<500xi32, #tpu.memory_space<vmem>>) target_semaphore(%arg22 : memref<!tpu.dma_semaphore, #tpu.memory_space<semaphore_mem>>)
      %add3A_43 = arith.constant 32 : i32
      %add3A_44 = arith.addi %arg1, %add3A_43 : i32
      %dma_start3A_45 = arith.constant 0 : i32
      %dma_start3A_46 = tpu.memref_slice %arg5[%add3A_44, %dma_start3A_45] : memref<640x500xi32, #tpu.memory_space<hbm>> -> memref<1x500xi32, #tpu.memory_space<hbm>>
      %dma_start3A_47 = tpu.memref_squeeze %dma_start3A_46 : memref<1x500xi32, #tpu.memory_space<hbm>> -> memref<500xi32, #tpu.memory_space<hbm>>
      %dma_start3A_48 = arith.constant 0 : i32
      %dma_start3A_49 = tpu.memref_slice %arg5[%add3A_44, %dma_start3A_48] : memref<640x500xi32, #tpu.memory_space<hbm>> -> memref<1x500xi32, #tpu.memory_space<hbm>>
      %dma_start3A_50 = tpu.memref_squeeze %dma_start3A_49 : memref<1x500xi32, #tpu.memory_space<hbm>> -> memref<500xi32, #tpu.memory_space<hbm>>
      tpu.enqueue_dma source(%dma_start3A_50 : memref<500xi32, #tpu.memory_space<hbm>>) target(%arg13 : memref<500xi32, #tpu.memory_space<vmem>>) target_semaphore(%arg22 : memref<!tpu.dma_semaphore, #tpu.memory_space<semaphore_mem>>)
      %dma_start3A_51 = arith.constant 0 : i32
      %dma_start3A_52 = arith.constant 0 : i32
      %dma_start3A_53 = tpu.memref_slice %arg2[%dma_start3A_51, %dma_start3A_52] : memref<10000x64xf32, #tpu.memory_space<hbm>> -> memref<10000x64xf32, #tpu.memory_space<hbm>>
      tpu.enqueue_indirect_dma source(%dma_start3A_53 : memref<10000x64xf32, #tpu.memory_space<hbm>>) target(%arg15 : memref<500x64xf32, #tpu.memory_space<vmem>>) offsets(%arg7 : memref<500xi32, #tpu.memory_space<vmem>>) semaphore(%arg18 : memref<!tpu.dma_semaphore, #tpu.memory_space<semaphore_mem>>)
      %add3A_54 = arith.constant 16 : i32
      %add3A_55 = arith.addi %arg1, %add3A_54 : i32
      %dma_wait3A = arith.constant 0 : i32
      %dma_wait3A_56 = tpu.memref_slice %arg4[%add3A_55, %dma_wait3A] : memref<640x500xi32, #tpu.memory_space<hbm>> -> memref<1x500xi32, #tpu.memory_space<hbm>>
      %dma_wait3A_57 = tpu.memref_squeeze %dma_wait3A_56 : memref<1x500xi32, #tpu.memory_space<hbm>> -> memref<500xi32, #tpu.memory_space<hbm>>
      %dma_wait3A_58 = arith.constant 0 : i32
      %dma_wait3A_59 = tpu.memref_slice %arg4[%add3A_55, %dma_wait3A_58] : memref<640x500xi32, #tpu.memory_space<hbm>> -> memref<1x500xi32, #tpu.memory_space<hbm>>
      %dma_wait3A_60 = tpu.memref_squeeze %dma_wait3A_59 : memref<1x500xi32, #tpu.memory_space<hbm>> -> memref<500xi32, #tpu.memory_space<hbm>>
      tpu.wait_dma2 semaphore(%arg21 : memref<!tpu.dma_semaphore, #tpu.memory_space<semaphore_mem>>) src(%dma_wait3A_60 : memref<500xi32, #tpu.memory_space<hbm>>) dst(%arg8 : memref<500xi32, #tpu.memory_space<vmem>>)
      %add3A_61 = arith.constant 16 : i32
      %add3A_62 = arith.addi %arg1, %add3A_61 : i32
      %dma_wait3A_63 = arith.constant 0 : i32
      %dma_wait3A_64 = tpu.memref_slice %arg5[%add3A_62, %dma_wait3A_63] : memref<640x500xi32, #tpu.memory_space<hbm>> -> memref<1x500xi32, #tpu.memory_space<hbm>>
      %dma_wait3A_65 = tpu.memref_squeeze %dma_wait3A_64 : memref<1x500xi32, #tpu.memory_space<hbm>> -> memref<500xi32, #tpu.memory_space<hbm>>
      %dma_wait3A_66 = arith.constant 0 : i32
      %dma_wait3A_67 = tpu.memref_slice %arg5[%add3A_62, %dma_wait3A_66] : memref<640x500xi32, #tpu.memory_space<hbm>> -> memref<1x500xi32, #tpu.memory_space<hbm>>
      %dma_wait3A_68 = tpu.memref_squeeze %dma_wait3A_67 : memref<1x500xi32, #tpu.memory_space<hbm>> -> memref<500xi32, #tpu.memory_space<hbm>>
      tpu.wait_dma2 semaphore(%arg21 : memref<!tpu.dma_semaphore, #tpu.memory_space<semaphore_mem>>) src(%dma_wait3A_68 : memref<500xi32, #tpu.memory_space<hbm>>) dst(%arg12 : memref<500xi32, #tpu.memory_space<vmem>>)
      %dma_start3A_69 = arith.constant 0 : i32
      %dma_start3A_70 = arith.constant 0 : i32
      %dma_start3A_71 = tpu.memref_slice %arg2[%dma_start3A_69, %dma_start3A_70] : memref<10000x64xf32, #tpu.memory_space<hbm>> -> memref<10000x64xf32, #tpu.memory_space<hbm>>
      tpu.enqueue_indirect_dma source(%dma_start3A_71 : memref<10000x64xf32, #tpu.memory_space<hbm>>) target(%arg16 : memref<500x64xf32, #tpu.memory_space<vmem>>) offsets(%arg8 : memref<500xi32, #tpu.memory_space<vmem>>) semaphore(%arg19 : memref<!tpu.dma_semaphore, #tpu.memory_space<semaphore_mem>>)
      %scan3A_72 = arith.constant 0 : i32
      %scan3A_73 = arith.constant 0 : i32
      %scan3A_74 = arith.constant 9 : i32
      %scan3A_75 = arith.addi %scan3A_73, %scan3A_74 : i32
      %scan3A_76 = arith.constant 1 : i32
      scf.for %scan3A_144 = %scan3A_73 to %scan3A_75 step %scan3A_76  : i32 {
        %mul3A_145 = arith.constant 4 : i32
        %mul3A_146 = arith.muli %mul3A_145, %scan3A_144 : i32
        %dma_wait3A_147 = arith.constant 0 : i32
        %dma_wait3A_148 = arith.constant 0 : i32
        %dma_wait3A_149 = tpu.memref_slice %arg2[%dma_wait3A_147, %dma_wait3A_148] : memref<10000x64xf32, #tpu.memory_space<hbm>> -> memref<10000x64xf32, #tpu.memory_space<hbm>>
        tpu.wait_indirect_dma semaphore(%arg18 : memref<!tpu.dma_semaphore, #tpu.memory_space<semaphore_mem>>) src(%dma_wait3A_149 : memref<10000x64xf32, #tpu.memory_space<hbm>>) dst(%arg15 : memref<500x64xf32, #tpu.memory_space<vmem>>)
        "tpu.trace_start"() <{level = 10 : i32, message = "sc_scat"}> : () -> ()
        "tpu.region"() ({
          %run_scoped3A = tpu.sem_alloc : memref<!tpu.dma_semaphore, #tpu.memory_space<semaphore_mem>>
          %dma_start3A_345 = arith.constant 0 : i32
          %dma_start3A_346 = arith.constant 0 : i32
          %dma_start3A_347 = tpu.memref_slice %arg17[%dma_start3A_345, %dma_start3A_346] : memref<10240x64xf32, #tpu.memory_space<vmem_shared>> -> memref<10240x64xf32, #tpu.memory_space<vmem_shared>>
          tpu.enqueue_indirect_dma source(%arg15 : memref<500x64xf32, #tpu.memory_space<vmem>>) target(%dma_start3A_347 : memref<10240x64xf32, #tpu.memory_space<vmem_shared>>) offsets(%arg11 : memref<500xi32, #tpu.memory_space<vmem>>) semaphore(%run_scoped3A : memref<!tpu.dma_semaphore, #tpu.memory_space<semaphore_mem>>) {add = true}
          %dma_wait3A_348 = arith.constant 0 : i32
          %dma_wait3A_349 = arith.constant 0 : i32
          %dma_wait3A_350 = tpu.memref_slice %arg17[%dma_wait3A_348, %dma_wait3A_349] : memref<10240x64xf32, #tpu.memory_space<vmem_shared>> -> memref<10240x64xf32, #tpu.memory_space<vmem_shared>>
          tpu.wait_indirect_dma semaphore(%run_scoped3A : memref<!tpu.dma_semaphore, #tpu.memory_space<semaphore_mem>>) src(%arg15 : memref<500x64xf32, #tpu.memory_space<vmem>>) dst(%dma_wait3A_350 : memref<10240x64xf32, #tpu.memory_space<vmem_shared>>)
          tpu.yield
        }) : () -> ()
        "tpu.trace_stop"() : () -> ()
        %add3A_150 = arith.constant 3 : i32
        %add3A_151 = arith.addi %mul3A_146, %add3A_150 : i32
        %mul3A_152 = arith.constant 16 : i32
        %mul3A_153 = arith.muli %add3A_151, %mul3A_152 : i32
        %add3A_154 = arith.addi %arg1, %mul3A_153 : i32
        %dma_start3A_155 = arith.constant 0 : i32
        %dma_start3A_156 = tpu.memref_slice %arg4[%add3A_154, %dma_start3A_155] : memref<640x500xi32, #tpu.memory_space<hbm>> -> memref<1x500xi32, #tpu.memory_space<hbm>>
        %dma_start3A_157 = tpu.memref_squeeze %dma_start3A_156 : memref<1x500xi32, #tpu.memory_space<hbm>> -> memref<500xi32, #tpu.memory_space<hbm>>
        %dma_start3A_158 = arith.constant 0 : i32
        %dma_start3A_159 = tpu.memref_slice %arg4[%add3A_154, %dma_start3A_158] : memref<640x500xi32, #tpu.memory_space<hbm>> -> memref<1x500xi32, #tpu.memory_space<hbm>>
        %dma_start3A_160 = tpu.memref_squeeze %dma_start3A_159 : memref<1x500xi32, #tpu.memory_space<hbm>> -> memref<500xi32, #tpu.memory_space<hbm>>
        tpu.enqueue_dma source(%dma_start3A_160 : memref<500xi32, #tpu.memory_space<hbm>>) target(%arg10 : memref<500xi32, #tpu.memory_space<vmem>>) target_semaphore(%arg23 : memref<!tpu.dma_semaphore, #tpu.memory_space<semaphore_mem>>)
        %mul3A_161 = arith.constant 16 : i32
        %mul3A_162 = arith.muli %add3A_151, %mul3A_161 : i32
        %add3A_163 = arith.addi %arg1, %mul3A_162 : i32
        %dma_start3A_164 = arith.constant 0 : i32
        %dma_start3A_165 = tpu.memref_slice %arg5[%add3A_163, %dma_start3A_164] : memref<640x500xi32, #tpu.memory_space<hbm>> -> memref<1x500xi32, #tpu.memory_space<hbm>>
        %dma_start3A_166 = tpu.memref_squeeze %dma_start3A_165 : memref<1x500xi32, #tpu.memory_space<hbm>> -> memref<500xi32, #tpu.memory_space<hbm>>
        %dma_start3A_167 = arith.constant 0 : i32
        %dma_start3A_168 = tpu.memref_slice %arg5[%add3A_163, %dma_start3A_167] : memref<640x500xi32, #tpu.memory_space<hbm>> -> memref<1x500xi32, #tpu.memory_space<hbm>>
        %dma_start3A_169 = tpu.memref_squeeze %dma_start3A_168 : memref<1x500xi32, #tpu.memory_space<hbm>> -> memref<500xi32, #tpu.memory_space<hbm>>
        tpu.enqueue_dma source(%dma_start3A_169 : memref<500xi32, #tpu.memory_space<hbm>>) target(%arg14 : memref<500xi32, #tpu.memory_space<vmem>>) target_semaphore(%arg23 : memref<!tpu.dma_semaphore, #tpu.memory_space<semaphore_mem>>)
        %add3A_170 = arith.constant 2 : i32
        %add3A_171 = arith.addi %mul3A_146, %add3A_170 : i32
        %mul3A_172 = arith.constant 16 : i32
        %mul3A_173 = arith.muli %add3A_171, %mul3A_172 : i32
        %add3A_174 = arith.addi %arg1, %mul3A_173 : i32
        %dma_wait3A_175 = arith.constant 0 : i32
        %dma_wait3A_176 = tpu.memref_slice %arg4[%add3A_174, %dma_wait3A_175] : memref<640x500xi32, #tpu.memory_space<hbm>> -> memref<1x500xi32, #tpu.memory_space<hbm>>
        %dma_wait3A_177 = tpu.memref_squeeze %dma_wait3A_176 : memref<1x500xi32, #tpu.memory_space<hbm>> -> memref<500xi32, #tpu.memory_space<hbm>>
        %dma_wait3A_178 = arith.constant 0 : i32
        %dma_wait3A_179 = tpu.memref_slice %arg4[%add3A_174, %dma_wait3A_178] : memref<640x500xi32, #tpu.memory_space<hbm>> -> memref<1x500xi32, #tpu.memory_space<hbm>>
        %dma_wait3A_180 = tpu.memref_squeeze %dma_wait3A_179 : memref<1x500xi32, #tpu.memory_space<hbm>> -> memref<500xi32, #tpu.memory_space<hbm>>
        tpu.wait_dma2 semaphore(%arg22 : memref<!tpu.dma_semaphore, #tpu.memory_space<semaphore_mem>>) src(%dma_wait3A_180 : memref<500xi32, #tpu.memory_space<hbm>>) dst(%arg9 : memref<500xi32, #tpu.memory_space<vmem>>)
        %mul3A_181 = arith.constant 16 : i32
        %mul3A_182 = arith.muli %add3A_171, %mul3A_181 : i32
        %add3A_183 = arith.addi %arg1, %mul3A_182 : i32
        %dma_wait3A_184 = arith.constant 0 : i32
        %dma_wait3A_185 = tpu.memref_slice %arg5[%add3A_183, %dma_wait3A_184] : memref<640x500xi32, #tpu.memory_space<hbm>> -> memref<1x500xi32, #tpu.memory_space<hbm>>
        %dma_wait3A_186 = tpu.memref_squeeze %dma_wait3A_185 : memref<1x500xi32, #tpu.memory_space<hbm>> -> memref<500xi32, #tpu.memory_space<hbm>>
        %dma_wait3A_187 = arith.constant 0 : i32
        %dma_wait3A_188 = tpu.memref_slice %arg5[%add3A_183, %dma_wait3A_187] : memref<640x500xi32, #tpu.memory_space<hbm>> -> memref<1x500xi32, #tpu.memory_space<hbm>>
        %dma_wait3A_189 = tpu.memref_squeeze %dma_wait3A_188 : memref<1x500xi32, #tpu.memory_space<hbm>> -> memref<500xi32, #tpu.memory_space<hbm>>
        tpu.wait_dma2 semaphore(%arg22 : memref<!tpu.dma_semaphore, #tpu.memory_space<semaphore_mem>>) src(%dma_wait3A_189 : memref<500xi32, #tpu.memory_space<hbm>>) dst(%arg13 : memref<500xi32, #tpu.memory_space<vmem>>)
        %add3A_190 = arith.constant 2 : i32
        %add3A_191 = arith.addi %mul3A_146, %add3A_190 : i32
        %dma_start3A_192 = arith.constant 0 : i32
        %dma_start3A_193 = arith.constant 0 : i32
        %dma_start3A_194 = tpu.memref_slice %arg2[%dma_start3A_192, %dma_start3A_193] : memref<10000x64xf32, #tpu.memory_space<hbm>> -> memref<10000x64xf32, #tpu.memory_space<hbm>>
        tpu.enqueue_indirect_dma source(%dma_start3A_194 : memref<10000x64xf32, #tpu.memory_space<hbm>>) target(%arg15 : memref<500x64xf32, #tpu.memory_space<vmem>>) offsets(%arg9 : memref<500xi32, #tpu.memory_space<vmem>>) semaphore(%arg18 : memref<!tpu.dma_semaphore, #tpu.memory_space<semaphore_mem>>)
        %add3A_195 = arith.constant 1 : i32
        %add3A_196 = arith.addi %mul3A_146, %add3A_195 : i32
        %dma_wait3A_197 = arith.constant 0 : i32
        %dma_wait3A_198 = arith.constant 0 : i32
        %dma_wait3A_199 = tpu.memref_slice %arg2[%dma_wait3A_197, %dma_wait3A_198] : memref<10000x64xf32, #tpu.memory_space<hbm>> -> memref<10000x64xf32, #tpu.memory_space<hbm>>
        tpu.wait_indirect_dma semaphore(%arg19 : memref<!tpu.dma_semaphore, #tpu.memory_space<semaphore_mem>>) src(%dma_wait3A_199 : memref<10000x64xf32, #tpu.memory_space<hbm>>) dst(%arg16 : memref<500x64xf32, #tpu.memory_space<vmem>>)
        "tpu.trace_start"() <{level = 10 : i32, message = "sc_scat"}> : () -> ()
        "tpu.region"() ({
          %run_scoped3A = tpu.sem_alloc : memref<!tpu.dma_semaphore, #tpu.memory_space<semaphore_mem>>
          %dma_start3A_345 = arith.constant 0 : i32
          %dma_start3A_346 = arith.constant 0 : i32
          %dma_start3A_347 = tpu.memref_slice %arg17[%dma_start3A_345, %dma_start3A_346] : memref<10240x64xf32, #tpu.memory_space<vmem_shared>> -> memref<10240x64xf32, #tpu.memory_space<vmem_shared>>
          tpu.enqueue_indirect_dma source(%arg16 : memref<500x64xf32, #tpu.memory_space<vmem>>) target(%dma_start3A_347 : memref<10240x64xf32, #tpu.memory_space<vmem_shared>>) offsets(%arg12 : memref<500xi32, #tpu.memory_space<vmem>>) semaphore(%run_scoped3A : memref<!tpu.dma_semaphore, #tpu.memory_space<semaphore_mem>>) {add = true}
          %dma_wait3A_348 = arith.constant 0 : i32
          %dma_wait3A_349 = arith.constant 0 : i32
          %dma_wait3A_350 = tpu.memref_slice %arg17[%dma_wait3A_348, %dma_wait3A_349] : memref<10240x64xf32, #tpu.memory_space<vmem_shared>> -> memref<10240x64xf32, #tpu.memory_space<vmem_shared>>
          tpu.wait_indirect_dma semaphore(%run_scoped3A : memref<!tpu.dma_semaphore, #tpu.memory_space<semaphore_mem>>) src(%arg16 : memref<500x64xf32, #tpu.memory_space<vmem>>) dst(%dma_wait3A_350 : memref<10240x64xf32, #tpu.memory_space<vmem_shared>>)
          tpu.yield
        }) : () -> ()
        "tpu.trace_stop"() : () -> ()
        %add3A_200 = arith.constant 3 : i32
        %add3A_201 = arith.addi %add3A_196, %add3A_200 : i32
        %mul3A_202 = arith.constant 16 : i32
        %mul3A_203 = arith.muli %add3A_201, %mul3A_202 : i32
        %add3A_204 = arith.addi %arg1, %mul3A_203 : i32
        %dma_start3A_205 = arith.constant 0 : i32
        %dma_start3A_206 = tpu.memref_slice %arg4[%add3A_204, %dma_start3A_205] : memref<640x500xi32, #tpu.memory_space<hbm>> -> memref<1x500xi32, #tpu.memory_space<hbm>>
        %dma_start3A_207 = tpu.memref_squeeze %dma_start3A_206 : memref<1x500xi32, #tpu.memory_space<hbm>> -> memref<500xi32, #tpu.memory_space<hbm>>
        %dma_start3A_208 = arith.constant 0 : i32
        %dma_start3A_209 = tpu.memref_slice %arg4[%add3A_204, %dma_start3A_208] : memref<640x500xi32, #tpu.memory_space<hbm>> -> memref<1x500xi32, #tpu.memory_space<hbm>>
        %dma_start3A_210 = tpu.memref_squeeze %dma_start3A_209 : memref<1x500xi32, #tpu.memory_space<hbm>> -> memref<500xi32, #tpu.memory_space<hbm>>
        tpu.enqueue_dma source(%dma_start3A_210 : memref<500xi32, #tpu.memory_space<hbm>>) target(%arg7 : memref<500xi32, #tpu.memory_space<vmem>>) target_semaphore(%arg20 : memref<!tpu.dma_semaphore, #tpu.memory_space<semaphore_mem>>)
        %mul3A_211 = arith.constant 16 : i32
        %mul3A_212 = arith.muli %add3A_201, %mul3A_211 : i32
        %add3A_213 = arith.addi %arg1, %mul3A_212 : i32
        %dma_start3A_214 = arith.constant 0 : i32
        %dma_start3A_215 = tpu.memref_slice %arg5[%add3A_213, %dma_start3A_214] : memref<640x500xi32, #tpu.memory_space<hbm>> -> memref<1x500xi32, #tpu.memory_space<hbm>>
        %dma_start3A_216 = tpu.memref_squeeze %dma_start3A_215 : memref<1x500xi32, #tpu.memory_space<hbm>> -> memref<500xi32, #tpu.memory_space<hbm>>
        %dma_start3A_217 = arith.constant 0 : i32
        %dma_start3A_218 = tpu.memref_slice %arg5[%add3A_213, %dma_start3A_217] : memref<640x500xi32, #tpu.memory_space<hbm>> -> memref<1x500xi32, #tpu.memory_space<hbm>>
        %dma_start3A_219 = tpu.memref_squeeze %dma_start3A_218 : memref<1x500xi32, #tpu.memory_space<hbm>> -> memref<500xi32, #tpu.memory_space<hbm>>
        tpu.enqueue_dma source(%dma_start3A_219 : memref<500xi32, #tpu.memory_space<hbm>>) target(%arg11 : memref<500xi32, #tpu.memory_space<vmem>>) target_semaphore(%arg20 : memref<!tpu.dma_semaphore, #tpu.memory_space<semaphore_mem>>)
        %add3A_220 = arith.constant 2 : i32
        %add3A_221 = arith.addi %add3A_196, %add3A_220 : i32
        %mul3A_222 = arith.constant 16 : i32
        %mul3A_223 = arith.muli %add3A_221, %mul3A_222 : i32
        %add3A_224 = arith.addi %arg1, %mul3A_223 : i32
        %dma_wait3A_225 = arith.constant 0 : i32
        %dma_wait3A_226 = tpu.memref_slice %arg4[%add3A_224, %dma_wait3A_225] : memref<640x500xi32, #tpu.memory_space<hbm>> -> memref<1x500xi32, #tpu.memory_space<hbm>>
        %dma_wait3A_227 = tpu.memref_squeeze %dma_wait3A_226 : memref<1x500xi32, #tpu.memory_space<hbm>> -> memref<500xi32, #tpu.memory_space<hbm>>
        %dma_wait3A_228 = arith.constant 0 : i32
        %dma_wait3A_229 = tpu.memref_slice %arg4[%add3A_224, %dma_wait3A_228] : memref<640x500xi32, #tpu.memory_space<hbm>> -> memref<1x500xi32, #tpu.memory_space<hbm>>
        %dma_wait3A_230 = tpu.memref_squeeze %dma_wait3A_229 : memref<1x500xi32, #tpu.memory_space<hbm>> -> memref<500xi32, #tpu.memory_space<hbm>>
        tpu.wait_dma2 semaphore(%arg23 : memref<!tpu.dma_semaphore, #tpu.memory_space<semaphore_mem>>) src(%dma_wait3A_230 : memref<500xi32, #tpu.memory_space<hbm>>) dst(%arg10 : memref<500xi32, #tpu.memory_space<vmem>>)
        %mul3A_231 = arith.constant 16 : i32
        %mul3A_232 = arith.muli %add3A_221, %mul3A_231 : i32
        %add3A_233 = arith.addi %arg1, %mul3A_232 : i32
        %dma_wait3A_234 = arith.constant 0 : i32
        %dma_wait3A_235 = tpu.memref_slice %arg5[%add3A_233, %dma_wait3A_234] : memref<640x500xi32, #tpu.memory_space<hbm>> -> memref<1x500xi32, #tpu.memory_space<hbm>>
        %dma_wait3A_236 = tpu.memref_squeeze %dma_wait3A_235 : memref<1x500xi32, #tpu.memory_space<hbm>> -> memref<500xi32, #tpu.memory_space<hbm>>
        %dma_wait3A_237 = arith.constant 0 : i32
        %dma_wait3A_238 = tpu.memref_slice %arg5[%add3A_233, %dma_wait3A_237] : memref<640x500xi32, #tpu.memory_space<hbm>> -> memref<1x500xi32, #tpu.memory_space<hbm>>
        %dma_wait3A_239 = tpu.memref_squeeze %dma_wait3A_238 : memref<1x500xi32, #tpu.memory_space<hbm>> -> memref<500xi32, #tpu.memory_space<hbm>>
        tpu.wait_dma2 semaphore(%arg23 : memref<!tpu.dma_semaphore, #tpu.memory_space<semaphore_mem>>) src(%dma_wait3A_239 : memref<500xi32, #tpu.memory_space<hbm>>) dst(%arg14 : memref<500xi32, #tpu.memory_space<vmem>>)
        %add3A_240 = arith.constant 2 : i32
        %add3A_241 = arith.addi %add3A_196, %add3A_240 : i32
        %dma_start3A_242 = arith.constant 0 : i32
        %dma_start3A_243 = arith.constant 0 : i32
        %dma_start3A_244 = tpu.memref_slice %arg2[%dma_start3A_242, %dma_start3A_243] : memref<10000x64xf32, #tpu.memory_space<hbm>> -> memref<10000x64xf32, #tpu.memory_space<hbm>>
        tpu.enqueue_indirect_dma source(%dma_start3A_244 : memref<10000x64xf32, #tpu.memory_space<hbm>>) target(%arg16 : memref<500x64xf32, #tpu.memory_space<vmem>>) offsets(%arg10 : memref<500xi32, #tpu.memory_space<vmem>>) semaphore(%arg19 : memref<!tpu.dma_semaphore, #tpu.memory_space<semaphore_mem>>)
        %add3A_245 = arith.constant 2 : i32
        %add3A_246 = arith.addi %mul3A_146, %add3A_245 : i32
        %dma_wait3A_247 = arith.constant 0 : i32
        %dma_wait3A_248 = arith.constant 0 : i32
        %dma_wait3A_249 = tpu.memref_slice %arg2[%dma_wait3A_247, %dma_wait3A_248] : memref<10000x64xf32, #tpu.memory_space<hbm>> -> memref<10000x64xf32, #tpu.memory_space<hbm>>
        tpu.wait_indirect_dma semaphore(%arg18 : memref<!tpu.dma_semaphore, #tpu.memory_space<semaphore_mem>>) src(%dma_wait3A_249 : memref<10000x64xf32, #tpu.memory_space<hbm>>) dst(%arg15 : memref<500x64xf32, #tpu.memory_space<vmem>>)
        "tpu.trace_start"() <{level = 10 : i32, message = "sc_scat"}> : () -> ()
        "tpu.region"() ({
          %run_scoped3A = tpu.sem_alloc : memref<!tpu.dma_semaphore, #tpu.memory_space<semaphore_mem>>
          %dma_start3A_345 = arith.constant 0 : i32
          %dma_start3A_346 = arith.constant 0 : i32
          %dma_start3A_347 = tpu.memref_slice %arg17[%dma_start3A_345, %dma_start3A_346] : memref<10240x64xf32, #tpu.memory_space<vmem_shared>> -> memref<10240x64xf32, #tpu.memory_space<vmem_shared>>
          tpu.enqueue_indirect_dma source(%arg15 : memref<500x64xf32, #tpu.memory_space<vmem>>) target(%dma_start3A_347 : memref<10240x64xf32, #tpu.memory_space<vmem_shared>>) offsets(%arg13 : memref<500xi32, #tpu.memory_space<vmem>>) semaphore(%run_scoped3A : memref<!tpu.dma_semaphore, #tpu.memory_space<semaphore_mem>>) {add = true}
          %dma_wait3A_348 = arith.constant 0 : i32
          %dma_wait3A_349 = arith.constant 0 : i32
          %dma_wait3A_350 = tpu.memref_slice %arg17[%dma_wait3A_348, %dma_wait3A_349] : memref<10240x64xf32, #tpu.memory_space<vmem_shared>> -> memref<10240x64xf32, #tpu.memory_space<vmem_shared>>
          tpu.wait_indirect_dma semaphore(%run_scoped3A : memref<!tpu.dma_semaphore, #tpu.memory_space<semaphore_mem>>) src(%arg15 : memref<500x64xf32, #tpu.memory_space<vmem>>) dst(%dma_wait3A_350 : memref<10240x64xf32, #tpu.memory_space<vmem_shared>>)
          tpu.yield
        }) : () -> ()
        "tpu.trace_stop"() : () -> ()
        %add3A_250 = arith.constant 3 : i32
        %add3A_251 = arith.addi %add3A_246, %add3A_250 : i32
        %mul3A_252 = arith.constant 16 : i32
        %mul3A_253 = arith.muli %add3A_251, %mul3A_252 : i32
        %add3A_254 = arith.addi %arg1, %mul3A_253 : i32
        %dma_start3A_255 = arith.constant 0 : i32
        %dma_start3A_256 = tpu.memref_slice %arg4[%add3A_254, %dma_start3A_255] : memref<640x500xi32, #tpu.memory_space<hbm>> -> memref<1x500xi32, #tpu.memory_space<hbm>>
        %dma_start3A_257 = tpu.memref_squeeze %dma_start3A_256 : memref<1x500xi32, #tpu.memory_space<hbm>> -> memref<500xi32, #tpu.memory_space<hbm>>
        %dma_start3A_258 = arith.constant 0 : i32
        %dma_start3A_259 = tpu.memref_slice %arg4[%add3A_254, %dma_start3A_258] : memref<640x500xi32, #tpu.memory_space<hbm>> -> memref<1x500xi32, #tpu.memory_space<hbm>>
        %dma_start3A_260 = tpu.memref_squeeze %dma_start3A_259 : memref<1x500xi32, #tpu.memory_space<hbm>> -> memref<500xi32, #tpu.memory_space<hbm>>
        tpu.enqueue_dma source(%dma_start3A_260 : memref<500xi32, #tpu.memory_space<hbm>>) target(%arg8 : memref<500xi32, #tpu.memory_space<vmem>>) target_semaphore(%arg21 : memref<!tpu.dma_semaphore, #tpu.memory_space<semaphore_mem>>)
        %mul3A_261 = arith.constant 16 : i32
        %mul3A_262 = arith.muli %add3A_251, %mul3A_261 : i32
        %add3A_263 = arith.addi %arg1, %mul3A_262 : i32
        %dma_start3A_264 = arith.constant 0 : i32
        %dma_start3A_265 = tpu.memref_slice %arg5[%add3A_263, %dma_start3A_264] : memref<640x500xi32, #tpu.memory_space<hbm>> -> memref<1x500xi32, #tpu.memory_space<hbm>>
        %dma_start3A_266 = tpu.memref_squeeze %dma_start3A_265 : memref<1x500xi32, #tpu.memory_space<hbm>> -> memref<500xi32, #tpu.memory_space<hbm>>
        %dma_start3A_267 = arith.constant 0 : i32
        %dma_start3A_268 = tpu.memref_slice %arg5[%add3A_263, %dma_start3A_267] : memref<640x500xi32, #tpu.memory_space<hbm>> -> memref<1x500xi32, #tpu.memory_space<hbm>>
        %dma_start3A_269 = tpu.memref_squeeze %dma_start3A_268 : memref<1x500xi32, #tpu.memory_space<hbm>> -> memref<500xi32, #tpu.memory_space<hbm>>
        tpu.enqueue_dma source(%dma_start3A_269 : memref<500xi32, #tpu.memory_space<hbm>>) target(%arg12 : memref<500xi32, #tpu.memory_space<vmem>>) target_semaphore(%arg21 : memref<!tpu.dma_semaphore, #tpu.memory_space<semaphore_mem>>)
        %add3A_270 = arith.constant 2 : i32
        %add3A_271 = arith.addi %add3A_246, %add3A_270 : i32
        %mul3A_272 = arith.constant 16 : i32
        %mul3A_273 = arith.muli %add3A_271, %mul3A_272 : i32
        %add3A_274 = arith.addi %arg1, %mul3A_273 : i32
        %dma_wait3A_275 = arith.constant 0 : i32
        %dma_wait3A_276 = tpu.memref_slice %arg4[%add3A_274, %dma_wait3A_275] : memref<640x500xi32, #tpu.memory_space<hbm>> -> memref<1x500xi32, #tpu.memory_space<hbm>>
        %dma_wait3A_277 = tpu.memref_squeeze %dma_wait3A_276 : memref<1x500xi32, #tpu.memory_space<hbm>> -> memref<500xi32, #tpu.memory_space<hbm>>
        %dma_wait3A_278 = arith.constant 0 : i32
        %dma_wait3A_279 = tpu.memref_slice %arg4[%add3A_274, %dma_wait3A_278] : memref<640x500xi32, #tpu.memory_space<hbm>> -> memref<1x500xi32, #tpu.memory_space<hbm>>
        %dma_wait3A_280 = tpu.memref_squeeze %dma_wait3A_279 : memref<1x500xi32, #tpu.memory_space<hbm>> -> memref<500xi32, #tpu.memory_space<hbm>>
        tpu.wait_dma2 semaphore(%arg20 : memref<!tpu.dma_semaphore, #tpu.memory_space<semaphore_mem>>) src(%dma_wait3A_280 : memref<500xi32, #tpu.memory_space<hbm>>) dst(%arg7 : memref<500xi32, #tpu.memory_space<vmem>>)
        %mul3A_281 = arith.constant 16 : i32
        %mul3A_282 = arith.muli %add3A_271, %mul3A_281 : i32
        %add3A_283 = arith.addi %arg1, %mul3A_282 : i32
        %dma_wait3A_284 = arith.constant 0 : i32
        %dma_wait3A_285 = tpu.memref_slice %arg5[%add3A_283, %dma_wait3A_284] : memref<640x500xi32, #tpu.memory_space<hbm>> -> memref<1x500xi32, #tpu.memory_space<hbm>>
        %dma_wait3A_286 = tpu.memref_squeeze %dma_wait3A_285 : memref<1x500xi32, #tpu.memory_space<hbm>> -> memref<500xi32, #tpu.memory_space<hbm>>
        %dma_wait3A_287 = arith.constant 0 : i32
        %dma_wait3A_288 = tpu.memref_slice %arg5[%add3A_283, %dma_wait3A_287] : memref<640x500xi32, #tpu.memory_space<hbm>> -> memref<1x500xi32, #tpu.memory_space<hbm>>
        %dma_wait3A_289 = tpu.memref_squeeze %dma_wait3A_288 : memref<1x500xi32, #tpu.memory_space<hbm>> -> memref<500xi32, #tpu.memory_space<hbm>>
        tpu.wait_dma2 semaphore(%arg20 : memref<!tpu.dma_semaphore, #tpu.memory_space<semaphore_mem>>) src(%dma_wait3A_289 : memref<500xi32, #tpu.memory_space<hbm>>) dst(%arg11 : memref<500xi32, #tpu.memory_space<vmem>>)
        %add3A_290 = arith.constant 2 : i32
        %add3A_291 = arith.addi %add3A_246, %add3A_290 : i32
        %dma_start3A_292 = arith.constant 0 : i32
        %dma_start3A_293 = arith.constant 0 : i32
        %dma_start3A_294 = tpu.memref_slice %arg2[%dma_start3A_292, %dma_start3A_293] : memref<10000x64xf32, #tpu.memory_space<hbm>> -> memref<10000x64xf32, #tpu.memory_space<hbm>>
        tpu.enqueue_indirect_dma source(%dma_start3A_294 : memref<10000x64xf32, #tpu.memory_space<hbm>>) target(%arg15 : memref<500x64xf32, #tpu.memory_space<vmem>>) offsets(%arg7 : memref<500xi32, #tpu.memory_space<vmem>>) semaphore(%arg18 : memref<!tpu.dma_semaphore, #tpu.memory_space<semaphore_mem>>)
        %add3A_295 = arith.constant 3 : i32
        %add3A_296 = arith.addi %mul3A_146, %add3A_295 : i32
        %dma_wait3A_297 = arith.constant 0 : i32
        %dma_wait3A_298 = arith.constant 0 : i32
        %dma_wait3A_299 = tpu.memref_slice %arg2[%dma_wait3A_297, %dma_wait3A_298] : memref<10000x64xf32, #tpu.memory_space<hbm>> -> memref<10000x64xf32, #tpu.memory_space<hbm>>
        tpu.wait_indirect_dma semaphore(%arg19 : memref<!tpu.dma_semaphore, #tpu.memory_space<semaphore_mem>>) src(%dma_wait3A_299 : memref<10000x64xf32, #tpu.memory_space<hbm>>) dst(%arg16 : memref<500x64xf32, #tpu.memory_space<vmem>>)
        "tpu.trace_start"() <{level = 10 : i32, message = "sc_scat"}> : () -> ()
        "tpu.region"() ({
          %run_scoped3A = tpu.sem_alloc : memref<!tpu.dma_semaphore, #tpu.memory_space<semaphore_mem>>
          %dma_start3A_345 = arith.constant 0 : i32
          %dma_start3A_346 = arith.constant 0 : i32
          %dma_start3A_347 = tpu.memref_slice %arg17[%dma_start3A_345, %dma_start3A_346] : memref<10240x64xf32, #tpu.memory_space<vmem_shared>> -> memref<10240x64xf32, #tpu.memory_space<vmem_shared>>
          tpu.enqueue_indirect_dma source(%arg16 : memref<500x64xf32, #tpu.memory_space<vmem>>) target(%dma_start3A_347 : memref<10240x64xf32, #tpu.memory_space<vmem_shared>>) offsets(%arg14 : memref<500xi32, #tpu.memory_space<vmem>>) semaphore(%run_scoped3A : memref<!tpu.dma_semaphore, #tpu.memory_space<semaphore_mem>>) {add = true}
          %dma_wait3A_348 = arith.constant 0 : i32
          %dma_wait3A_349 = arith.constant 0 : i32
          %dma_wait3A_350 = tpu.memref_slice %arg17[%dma_wait3A_348, %dma_wait3A_349] : memref<10240x64xf32, #tpu.memory_space<vmem_shared>> -> memref<10240x64xf32, #tpu.memory_space<vmem_shared>>
          tpu.wait_indirect_dma semaphore(%run_scoped3A : memref<!tpu.dma_semaphore, #tpu.memory_space<semaphore_mem>>) src(%arg16 : memref<500x64xf32, #tpu.memory_space<vmem>>) dst(%dma_wait3A_350 : memref<10240x64xf32, #tpu.memory_space<vmem_shared>>)
          tpu.yield
        }) : () -> ()
        "tpu.trace_stop"() : () -> ()
        %add3A_300 = arith.constant 3 : i32
        %add3A_301 = arith.addi %add3A_296, %add3A_300 : i32
        %mul3A_302 = arith.constant 16 : i32
        %mul3A_303 = arith.muli %add3A_301, %mul3A_302 : i32
        %add3A_304 = arith.addi %arg1, %mul3A_303 : i32
        %dma_start3A_305 = arith.constant 0 : i32
        %dma_start3A_306 = tpu.memref_slice %arg4[%add3A_304, %dma_start3A_305] : memref<640x500xi32, #tpu.memory_space<hbm>> -> memref<1x500xi32, #tpu.memory_space<hbm>>
        %dma_start3A_307 = tpu.memref_squeeze %dma_start3A_306 : memref<1x500xi32, #tpu.memory_space<hbm>> -> memref<500xi32, #tpu.memory_space<hbm>>
        %dma_start3A_308 = arith.constant 0 : i32
        %dma_start3A_309 = tpu.memref_slice %arg4[%add3A_304, %dma_start3A_308] : memref<640x500xi32, #tpu.memory_space<hbm>> -> memref<1x500xi32, #tpu.memory_space<hbm>>
        %dma_start3A_310 = tpu.memref_squeeze %dma_start3A_309 : memref<1x500xi32, #tpu.memory_space<hbm>> -> memref<500xi32, #tpu.memory_space<hbm>>
        tpu.enqueue_dma source(%dma_start3A_310 : memref<500xi32, #tpu.memory_space<hbm>>) target(%arg9 : memref<500xi32, #tpu.memory_space<vmem>>) target_semaphore(%arg22 : memref<!tpu.dma_semaphore, #tpu.memory_space<semaphore_mem>>)
        %mul3A_311 = arith.constant 16 : i32
        %mul3A_312 = arith.muli %add3A_301, %mul3A_311 : i32
        %add3A_313 = arith.addi %arg1, %mul3A_312 : i32
        %dma_start3A_314 = arith.constant 0 : i32
        %dma_start3A_315 = tpu.memref_slice %arg5[%add3A_313, %dma_start3A_314] : memref<640x500xi32, #tpu.memory_space<hbm>> -> memref<1x500xi32, #tpu.memory_space<hbm>>
        %dma_start3A_316 = tpu.memref_squeeze %dma_start3A_315 : memref<1x500xi32, #tpu.memory_space<hbm>> -> memref<500xi32, #tpu.memory_space<hbm>>
        %dma_start3A_317 = arith.constant 0 : i32
        %dma_start3A_318 = tpu.memref_slice %arg5[%add3A_313, %dma_start3A_317] : memref<640x500xi32, #tpu.memory_space<hbm>> -> memref<1x500xi32, #tpu.memory_space<hbm>>
        %dma_start3A_319 = tpu.memref_squeeze %dma_start3A_318 : memref<1x500xi32, #tpu.memory_space<hbm>> -> memref<500xi32, #tpu.memory_space<hbm>>
        tpu.enqueue_dma source(%dma_start3A_319 : memref<500xi32, #tpu.memory_space<hbm>>) target(%arg13 : memref<500xi32, #tpu.memory_space<vmem>>) target_semaphore(%arg22 : memref<!tpu.dma_semaphore, #tpu.memory_space<semaphore_mem>>)
        %add3A_320 = arith.constant 2 : i32
        %add3A_321 = arith.addi %add3A_296, %add3A_320 : i32
        %mul3A_322 = arith.constant 16 : i32
        %mul3A_323 = arith.muli %add3A_321, %mul3A_322 : i32
        %add3A_324 = arith.addi %arg1, %mul3A_323 : i32
        %dma_wait3A_325 = arith.constant 0 : i32
        %dma_wait3A_326 = tpu.memref_slice %arg4[%add3A_324, %dma_wait3A_325] : memref<640x500xi32, #tpu.memory_space<hbm>> -> memref<1x500xi32, #tpu.memory_space<hbm>>
        %dma_wait3A_327 = tpu.memref_squeeze %dma_wait3A_326 : memref<1x500xi32, #tpu.memory_space<hbm>> -> memref<500xi32, #tpu.memory_space<hbm>>
        %dma_wait3A_328 = arith.constant 0 : i32
        %dma_wait3A_329 = tpu.memref_slice %arg4[%add3A_324, %dma_wait3A_328] : memref<640x500xi32, #tpu.memory_space<hbm>> -> memref<1x500xi32, #tpu.memory_space<hbm>>
        %dma_wait3A_330 = tpu.memref_squeeze %dma_wait3A_329 : memref<1x500xi32, #tpu.memory_space<hbm>> -> memref<500xi32, #tpu.memory_space<hbm>>
        tpu.wait_dma2 semaphore(%arg21 : memref<!tpu.dma_semaphore, #tpu.memory_space<semaphore_mem>>) src(%dma_wait3A_330 : memref<500xi32, #tpu.memory_space<hbm>>) dst(%arg8 : memref<500xi32, #tpu.memory_space<vmem>>)
        %mul3A_331 = arith.constant 16 : i32
        %mul3A_332 = arith.muli %add3A_321, %mul3A_331 : i32
        %add3A_333 = arith.addi %arg1, %mul3A_332 : i32
        %dma_wait3A_334 = arith.constant 0 : i32
        %dma_wait3A_335 = tpu.memref_slice %arg5[%add3A_333, %dma_wait3A_334] : memref<640x500xi32, #tpu.memory_space<hbm>> -> memref<1x500xi32, #tpu.memory_space<hbm>>
        %dma_wait3A_336 = tpu.memref_squeeze %dma_wait3A_335 : memref<1x500xi32, #tpu.memory_space<hbm>> -> memref<500xi32, #tpu.memory_space<hbm>>
        %dma_wait3A_337 = arith.constant 0 : i32
        %dma_wait3A_338 = tpu.memref_slice %arg5[%add3A_333, %dma_wait3A_337] : memref<640x500xi32, #tpu.memory_space<hbm>> -> memref<1x500xi32, #tpu.memory_space<hbm>>
        %dma_wait3A_339 = tpu.memref_squeeze %dma_wait3A_338 : memref<1x500xi32, #tpu.memory_space<hbm>> -> memref<500xi32, #tpu.memory_space<hbm>>
        tpu.wait_dma2 semaphore(%arg21 : memref<!tpu.dma_semaphore, #tpu.memory_space<semaphore_mem>>) src(%dma_wait3A_339 : memref<500xi32, #tpu.memory_space<hbm>>) dst(%arg12 : memref<500xi32, #tpu.memory_space<vmem>>)
        %add3A_340 = arith.constant 2 : i32
        %add3A_341 = arith.addi %add3A_296, %add3A_340 : i32
        %dma_start3A_342 = arith.constant 0 : i32
        %dma_start3A_343 = arith.constant 0 : i32
        %dma_start3A_344 = tpu.memref_slice %arg2[%dma_start3A_342, %dma_start3A_343] : memref<10000x64xf32, #tpu.memory_space<hbm>> -> memref<10000x64xf32, #tpu.memory_space<hbm>>
        tpu.enqueue_indirect_dma source(%dma_start3A_344 : memref<10000x64xf32, #tpu.memory_space<hbm>>) target(%arg16 : memref<500x64xf32, #tpu.memory_space<vmem>>) offsets(%arg8 : memref<500xi32, #tpu.memory_space<vmem>>) semaphore(%arg19 : memref<!tpu.dma_semaphore, #tpu.memory_space<semaphore_mem>>)
      }
      %scan3A_77 = arith.constant 9 : i32
      %dma_wait3A_78 = arith.constant 0 : i32
      %dma_wait3A_79 = arith.constant 0 : i32
      %dma_wait3A_80 = tpu.memref_slice %arg2[%dma_wait3A_78, %dma_wait3A_79] : memref<10000x64xf32, #tpu.memory_space<hbm>> -> memref<10000x64xf32, #tpu.memory_space<hbm>>
      tpu.wait_indirect_dma semaphore(%arg18 : memref<!tpu.dma_semaphore, #tpu.memory_space<semaphore_mem>>) src(%dma_wait3A_80 : memref<10000x64xf32, #tpu.memory_space<hbm>>) dst(%arg15 : memref<500x64xf32, #tpu.memory_space<vmem>>)
      "tpu.trace_start"() <{level = 10 : i32, message = "sc_scat"}> : () -> ()
      "tpu.region"() ({
        %run_scoped3A = tpu.sem_alloc : memref<!tpu.dma_semaphore, #tpu.memory_space<semaphore_mem>>
        %dma_start3A_144 = arith.constant 0 : i32
        %dma_start3A_145 = arith.constant 0 : i32
        %dma_start3A_146 = tpu.memref_slice %arg17[%dma_start3A_144, %dma_start3A_145] : memref<10240x64xf32, #tpu.memory_space<vmem_shared>> -> memref<10240x64xf32, #tpu.memory_space<vmem_shared>>
        tpu.enqueue_indirect_dma source(%arg15 : memref<500x64xf32, #tpu.memory_space<vmem>>) target(%dma_start3A_146 : memref<10240x64xf32, #tpu.memory_space<vmem_shared>>) offsets(%arg11 : memref<500xi32, #tpu.memory_space<vmem>>) semaphore(%run_scoped3A : memref<!tpu.dma_semaphore, #tpu.memory_space<semaphore_mem>>) {add = true}
        %dma_wait3A_147 = arith.constant 0 : i32
        %dma_wait3A_148 = arith.constant 0 : i32
        %dma_wait3A_149 = tpu.memref_slice %arg17[%dma_wait3A_147, %dma_wait3A_148] : memref<10240x64xf32, #tpu.memory_space<vmem_shared>> -> memref<10240x64xf32, #tpu.memory_space<vmem_shared>>
        tpu.wait_indirect_dma semaphore(%run_scoped3A : memref<!tpu.dma_semaphore, #tpu.memory_space<semaphore_mem>>) src(%arg15 : memref<500x64xf32, #tpu.memory_space<vmem>>) dst(%dma_wait3A_149 : memref<10240x64xf32, #tpu.memory_space<vmem_shared>>)
        tpu.yield
      }) : () -> ()
      "tpu.trace_stop"() : () -> ()
      %add3A_81 = arith.constant 624 : i32
      %add3A_82 = arith.addi %arg1, %add3A_81 : i32
      %dma_start3A_83 = arith.constant 0 : i32
      %dma_start3A_84 = tpu.memref_slice %arg4[%add3A_82, %dma_start3A_83] : memref<640x500xi32, #tpu.memory_space<hbm>> -> memref<1x500xi32, #tpu.memory_space<hbm>>
      %dma_start3A_85 = tpu.memref_squeeze %dma_start3A_84 : memref<1x500xi32, #tpu.memory_space<hbm>> -> memref<500xi32, #tpu.memory_space<hbm>>
      %dma_start3A_86 = arith.constant 0 : i32
      %dma_start3A_87 = tpu.memref_slice %arg4[%add3A_82, %dma_start3A_86] : memref<640x500xi32, #tpu.memory_space<hbm>> -> memref<1x500xi32, #tpu.memory_space<hbm>>
      %dma_start3A_88 = tpu.memref_squeeze %dma_start3A_87 : memref<1x500xi32, #tpu.memory_space<hbm>> -> memref<500xi32, #tpu.memory_space<hbm>>
      tpu.enqueue_dma source(%dma_start3A_88 : memref<500xi32, #tpu.memory_space<hbm>>) target(%arg10 : memref<500xi32, #tpu.memory_space<vmem>>) target_semaphore(%arg23 : memref<!tpu.dma_semaphore, #tpu.memory_space<semaphore_mem>>)
      %add3A_89 = arith.constant 624 : i32
      %add3A_90 = arith.addi %arg1, %add3A_89 : i32
      %dma_start3A_91 = arith.constant 0 : i32
      %dma_start3A_92 = tpu.memref_slice %arg5[%add3A_90, %dma_start3A_91] : memref<640x500xi32, #tpu.memory_space<hbm>> -> memref<1x500xi32, #tpu.memory_space<hbm>>
      %dma_start3A_93 = tpu.memref_squeeze %dma_start3A_92 : memref<1x500xi32, #tpu.memory_space<hbm>> -> memref<500xi32, #tpu.memory_space<hbm>>
      %dma_start3A_94 = arith.constant 0 : i32
      %dma_start3A_95 = tpu.memref_slice %arg5[%add3A_90, %dma_start3A_94] : memref<640x500xi32, #tpu.memory_space<hbm>> -> memref<1x500xi32, #tpu.memory_space<hbm>>
      %dma_start3A_96 = tpu.memref_squeeze %dma_start3A_95 : memref<1x500xi32, #tpu.memory_space<hbm>> -> memref<500xi32, #tpu.memory_space<hbm>>
      tpu.enqueue_dma source(%dma_start3A_96 : memref<500xi32, #tpu.memory_space<hbm>>) target(%arg14 : memref<500xi32, #tpu.memory_space<vmem>>) target_semaphore(%arg23 : memref<!tpu.dma_semaphore, #tpu.memory_space<semaphore_mem>>)
      %add3A_97 = arith.constant 608 : i32
      %add3A_98 = arith.addi %arg1, %add3A_97 : i32
      %dma_wait3A_99 = arith.constant 0 : i32
      %dma_wait3A_100 = tpu.memref_slice %arg4[%add3A_98, %dma_wait3A_99] : memref<640x500xi32, #tpu.memory_space<hbm>> -> memref<1x500xi32, #tpu.memory_space<hbm>>
      %dma_wait3A_101 = tpu.memref_squeeze %dma_wait3A_100 : memref<1x500xi32, #tpu.memory_space<hbm>> -> memref<500xi32, #tpu.memory_space<hbm>>
      %dma_wait3A_102 = arith.constant 0 : i32
      %dma_wait3A_103 = tpu.memref_slice %arg4[%add3A_98, %dma_wait3A_102] : memref<640x500xi32, #tpu.memory_space<hbm>> -> memref<1x500xi32, #tpu.memory_space<hbm>>
      %dma_wait3A_104 = tpu.memref_squeeze %dma_wait3A_103 : memref<1x500xi32, #tpu.memory_space<hbm>> -> memref<500xi32, #tpu.memory_space<hbm>>
      tpu.wait_dma2 semaphore(%arg22 : memref<!tpu.dma_semaphore, #tpu.memory_space<semaphore_mem>>) src(%dma_wait3A_104 : memref<500xi32, #tpu.memory_space<hbm>>) dst(%arg9 : memref<500xi32, #tpu.memory_space<vmem>>)
      %add3A_105 = arith.constant 608 : i32
      %add3A_106 = arith.addi %arg1, %add3A_105 : i32
      %dma_wait3A_107 = arith.constant 0 : i32
      %dma_wait3A_108 = tpu.memref_slice %arg5[%add3A_106, %dma_wait3A_107] : memref<640x500xi32, #tpu.memory_space<hbm>> -> memref<1x500xi32, #tpu.memory_space<hbm>>
      %dma_wait3A_109 = tpu.memref_squeeze %dma_wait3A_108 : memref<1x500xi32, #tpu.memory_space<hbm>> -> memref<500xi32, #tpu.memory_space<hbm>>
      %dma_wait3A_110 = arith.constant 0 : i32
      %dma_wait3A_111 = tpu.memref_slice %arg5[%add3A_106, %dma_wait3A_110] : memref<640x500xi32, #tpu.memory_space<hbm>> -> memref<1x500xi32, #tpu.memory_space<hbm>>
      %dma_wait3A_112 = tpu.memref_squeeze %dma_wait3A_111 : memref<1x500xi32, #tpu.memory_space<hbm>> -> memref<500xi32, #tpu.memory_space<hbm>>
      tpu.wait_dma2 semaphore(%arg22 : memref<!tpu.dma_semaphore, #tpu.memory_space<semaphore_mem>>) src(%dma_wait3A_112 : memref<500xi32, #tpu.memory_space<hbm>>) dst(%arg13 : memref<500xi32, #tpu.memory_space<vmem>>)
      %dma_start3A_113 = arith.constant 0 : i32
      %dma_start3A_114 = arith.constant 0 : i32
      %dma_start3A_115 = tpu.memref_slice %arg2[%dma_start3A_113, %dma_start3A_114] : memref<10000x64xf32, #tpu.memory_space<hbm>> -> memref<10000x64xf32, #tpu.memory_space<hbm>>
      tpu.enqueue_indirect_dma source(%dma_start3A_115 : memref<10000x64xf32, #tpu.memory_space<hbm>>) target(%arg15 : memref<500x64xf32, #tpu.memory_space<vmem>>) offsets(%arg9 : memref<500xi32, #tpu.memory_space<vmem>>) semaphore(%arg18 : memref<!tpu.dma_semaphore, #tpu.memory_space<semaphore_mem>>)
      %dma_wait3A_116 = arith.constant 0 : i32
      %dma_wait3A_117 = arith.constant 0 : i32
      %dma_wait3A_118 = tpu.memref_slice %arg2[%dma_wait3A_116, %dma_wait3A_117] : memref<10000x64xf32, #tpu.memory_space<hbm>> -> memref<10000x64xf32, #tpu.memory_space<hbm>>
      tpu.wait_indirect_dma semaphore(%arg19 : memref<!tpu.dma_semaphore, #tpu.memory_space<semaphore_mem>>) src(%dma_wait3A_118 : memref<10000x64xf32, #tpu.memory_space<hbm>>) dst(%arg16 : memref<500x64xf32, #tpu.memory_space<vmem>>)
      "tpu.trace_start"() <{level = 10 : i32, message = "sc_scat"}> : () -> ()
      "tpu.region"() ({
        %run_scoped3A = tpu.sem_alloc : memref<!tpu.dma_semaphore, #tpu.memory_space<semaphore_mem>>
        %dma_start3A_144 = arith.constant 0 : i32
        %dma_start3A_145 = arith.constant 0 : i32
        %dma_start3A_146 = tpu.memref_slice %arg17[%dma_start3A_144, %dma_start3A_145] : memref<10240x64xf32, #tpu.memory_space<vmem_shared>> -> memref<10240x64xf32, #tpu.memory_space<vmem_shared>>
        tpu.enqueue_indirect_dma source(%arg16 : memref<500x64xf32, #tpu.memory_space<vmem>>) target(%dma_start3A_146 : memref<10240x64xf32, #tpu.memory_space<vmem_shared>>) offsets(%arg12 : memref<500xi32, #tpu.memory_space<vmem>>) semaphore(%run_scoped3A : memref<!tpu.dma_semaphore, #tpu.memory_space<semaphore_mem>>) {add = true}
        %dma_wait3A_147 = arith.constant 0 : i32
        %dma_wait3A_148 = arith.constant 0 : i32
        %dma_wait3A_149 = tpu.memref_slice %arg17[%dma_wait3A_147, %dma_wait3A_148] : memref<10240x64xf32, #tpu.memory_space<vmem_shared>> -> memref<10240x64xf32, #tpu.memory_space<vmem_shared>>
        tpu.wait_indirect_dma semaphore(%run_scoped3A : memref<!tpu.dma_semaphore, #tpu.memory_space<semaphore_mem>>) src(%arg16 : memref<500x64xf32, #tpu.memory_space<vmem>>) dst(%dma_wait3A_149 : memref<10240x64xf32, #tpu.memory_space<vmem_shared>>)
        tpu.yield
      }) : () -> ()
      "tpu.trace_stop"() : () -> ()
      %add3A_119 = arith.constant 624 : i32
      %add3A_120 = arith.addi %arg1, %add3A_119 : i32
      %dma_wait3A_121 = arith.constant 0 : i32
      %dma_wait3A_122 = tpu.memref_slice %arg4[%add3A_120, %dma_wait3A_121] : memref<640x500xi32, #tpu.memory_space<hbm>> -> memref<1x500xi32, #tpu.memory_space<hbm>>
      %dma_wait3A_123 = tpu.memref_squeeze %dma_wait3A_122 : memref<1x500xi32, #tpu.memory_space<hbm>> -> memref<500xi32, #tpu.memory_space<hbm>>
      %dma_wait3A_124 = arith.constant 0 : i32
      %dma_wait3A_125 = tpu.memref_slice %arg4[%add3A_120, %dma_wait3A_124] : memref<640x500xi32, #tpu.memory_space<hbm>> -> memref<1x500xi32, #tpu.memory_space<hbm>>
      %dma_wait3A_126 = tpu.memref_squeeze %dma_wait3A_125 : memref<1x500xi32, #tpu.memory_space<hbm>> -> memref<500xi32, #tpu.memory_space<hbm>>
      tpu.wait_dma2 semaphore(%arg23 : memref<!tpu.dma_semaphore, #tpu.memory_space<semaphore_mem>>) src(%dma_wait3A_126 : memref<500xi32, #tpu.memory_space<hbm>>) dst(%arg10 : memref<500xi32, #tpu.memory_space<vmem>>)
      %add3A_127 = arith.constant 624 : i32
      %add3A_128 = arith.addi %arg1, %add3A_127 : i32
      %dma_wait3A_129 = arith.constant 0 : i32
      %dma_wait3A_130 = tpu.memref_slice %arg5[%add3A_128, %dma_wait3A_129] : memref<640x500xi32, #tpu.memory_space<hbm>> -> memref<1x500xi32, #tpu.memory_space<hbm>>
      %dma_wait3A_131 = tpu.memref_squeeze %dma_wait3A_130 : memref<1x500xi32, #tpu.memory_space<hbm>> -> memref<500xi32, #tpu.memory_space<hbm>>
      %dma_wait3A_132 = arith.constant 0 : i32
      %dma_wait3A_133 = tpu.memref_slice %arg5[%add3A_128, %dma_wait3A_132] : memref<640x500xi32, #tpu.memory_space<hbm>> -> memref<1x500xi32, #tpu.memory_space<hbm>>
      %dma_wait3A_134 = tpu.memref_squeeze %dma_wait3A_133 : memref<1x500xi32, #tpu.memory_space<hbm>> -> memref<500xi32, #tpu.memory_space<hbm>>
      tpu.wait_dma2 semaphore(%arg23 : memref<!tpu.dma_semaphore, #tpu.memory_space<semaphore_mem>>) src(%dma_wait3A_134 : memref<500xi32, #tpu.memory_space<hbm>>) dst(%arg14 : memref<500xi32, #tpu.memory_space<vmem>>)
      %dma_start3A_135 = arith.constant 0 : i32
      %dma_start3A_136 = arith.constant 0 : i32
      %dma_start3A_137 = tpu.memref_slice %arg2[%dma_start3A_135, %dma_start3A_136] : memref<10000x64xf32, #tpu.memory_space<hbm>> -> memref<10000x64xf32, #tpu.memory_space<hbm>>
      tpu.enqueue_indirect_dma source(%dma_start3A_137 : memref<10000x64xf32, #tpu.memory_space<hbm>>) target(%arg16 : memref<500x64xf32, #tpu.memory_space<vmem>>) offsets(%arg10 : memref<500xi32, #tpu.memory_space<vmem>>) semaphore(%arg19 : memref<!tpu.dma_semaphore, #tpu.memory_space<semaphore_mem>>)
      %dma_wait3A_138 = arith.constant 0 : i32
      %dma_wait3A_139 = arith.constant 0 : i32
      %dma_wait3A_140 = tpu.memref_slice %arg2[%dma_wait3A_138, %dma_wait3A_139] : memref<10000x64xf32, #tpu.memory_space<hbm>> -> memref<10000x64xf32, #tpu.memory_space<hbm>>
      tpu.wait_indirect_dma semaphore(%arg18 : memref<!tpu.dma_semaphore, #tpu.memory_space<semaphore_mem>>) src(%dma_wait3A_140 : memref<10000x64xf32, #tpu.memory_space<hbm>>) dst(%arg15 : memref<500x64xf32, #tpu.memory_space<vmem>>)
      "tpu.trace_start"() <{level = 10 : i32, message = "sc_scat"}> : () -> ()
      "tpu.region"() ({
        %run_scoped3A = tpu.sem_alloc : memref<!tpu.dma_semaphore, #tpu.memory_space<semaphore_mem>>
        %dma_start3A_144 = arith.constant 0 : i32
        %dma_start3A_145 = arith.constant 0 : i32
        %dma_start3A_146 = tpu.memref_slice %arg17[%dma_start3A_144, %dma_start3A_145] : memref<10240x64xf32, #tpu.memory_space<vmem_shared>> -> memref<10240x64xf32, #tpu.memory_space<vmem_shared>>
        tpu.enqueue_indirect_dma source(%arg15 : memref<500x64xf32, #tpu.memory_space<vmem>>) target(%dma_start3A_146 : memref<10240x64xf32, #tpu.memory_space<vmem_shared>>) offsets(%arg13 : memref<500xi32, #tpu.memory_space<vmem>>) semaphore(%run_scoped3A : memref<!tpu.dma_semaphore, #tpu.memory_space<semaphore_mem>>) {add = true}
        %dma_wait3A_147 = arith.constant 0 : i32
        %dma_wait3A_148 = arith.constant 0 : i32
        %dma_wait3A_149 = tpu.memref_slice %arg17[%dma_wait3A_147, %dma_wait3A_148] : memref<10240x64xf32, #tpu.memory_space<vmem_shared>> -> memref<10240x64xf32, #tpu.memory_space<vmem_shared>>
        tpu.wait_indirect_dma semaphore(%run_scoped3A : memref<!tpu.dma_semaphore, #tpu.memory_space<semaphore_mem>>) src(%arg15 : memref<500x64xf32, #tpu.memory_space<vmem>>) dst(%dma_wait3A_149 : memref<10240x64xf32, #tpu.memory_space<vmem_shared>>)
        tpu.yield
      }) : () -> ()
      "tpu.trace_stop"() : () -> ()
      %dma_wait3A_141 = arith.constant 0 : i32
      %dma_wait3A_142 = arith.constant 0 : i32
      %dma_wait3A_143 = tpu.memref_slice %arg2[%dma_wait3A_141, %dma_wait3A_142] : memref<10000x64xf32, #tpu.memory_space<hbm>> -> memref<10000x64xf32, #tpu.memory_space<hbm>>
      tpu.wait_indirect_dma semaphore(%arg19 : memref<!tpu.dma_semaphore, #tpu.memory_space<semaphore_mem>>) src(%dma_wait3A_143 : memref<10000x64xf32, #tpu.memory_space<hbm>>) dst(%arg16 : memref<500x64xf32, #tpu.memory_space<vmem>>)
      "tpu.trace_start"() <{level = 10 : i32, message = "sc_scat"}> : () -> ()
      "tpu.region"() ({
        %run_scoped3A = tpu.sem_alloc : memref<!tpu.dma_semaphore, #tpu.memory_space<semaphore_mem>>
        %dma_start3A_144 = arith.constant 0 : i32
        %dma_start3A_145 = arith.constant 0 : i32
        %dma_start3A_146 = tpu.memref_slice %arg17[%dma_start3A_144, %dma_start3A_145] : memref<10240x64xf32, #tpu.memory_space<vmem_shared>> -> memref<10240x64xf32, #tpu.memory_space<vmem_shared>>
        tpu.enqueue_indirect_dma source(%arg16 : memref<500x64xf32, #tpu.memory_space<vmem>>) target(%dma_start3A_146 : memref<10240x64xf32, #tpu.memory_space<vmem_shared>>) offsets(%arg14 : memref<500xi32, #tpu.memory_space<vmem>>) semaphore(%run_scoped3A : memref<!tpu.dma_semaphore, #tpu.memory_space<semaphore_mem>>) {add = true}
        %dma_wait3A_147 = arith.constant 0 : i32
        %dma_wait3A_148 = arith.constant 0 : i32
        %dma_wait3A_149 = tpu.memref_slice %arg17[%dma_wait3A_147, %dma_wait3A_148] : memref<10240x64xf32, #tpu.memory_space<vmem_shared>> -> memref<10240x64xf32, #tpu.memory_space<vmem_shared>>
        tpu.wait_indirect_dma semaphore(%run_scoped3A : memref<!tpu.dma_semaphore, #tpu.memory_space<semaphore_mem>>) src(%arg16 : memref<500x64xf32, #tpu.memory_space<vmem>>) dst(%dma_wait3A_149 : memref<10240x64xf32, #tpu.memory_space<vmem_shared>>)
        tpu.yield
      }) : () -> ()
      "tpu.trace_stop"() : () -> ()
    } else {
    }
    %eq3A_10 = arith.constant 1 : i32
    %eq3A_11 = arith.cmpi eq, %arg0, %eq3A_10 : i32
    %convert_element_type3A_12 = arith.extui %eq3A_11 : i1 to i32
    %cond3A_13 = arith.constant 0 : i32
    %cond3A_14 = arith.cmpi ne, %convert_element_type3A_12, %cond3A_13 : i32
    scf.if %cond3A_14 {
      %add3A_16 = arith.constant 0 : i32
      %add3A_17 = arith.addi %arg1, %add3A_16 : i32
      "tpu.region"() ({
        %run_scoped3A = tpu.sem_alloc : memref<!tpu.dma_semaphore, #tpu.memory_space<semaphore_mem>>
        %dma_start3A_144 = arith.constant 0 : i32
        %dma_start3A_145 = tpu.memref_slice %arg4[%add3A_17, %dma_start3A_144] : memref<640x500xi32, #tpu.memory_space<hbm>> -> memref<1x500xi32, #tpu.memory_space<hbm>>
        %dma_start3A_146 = tpu.memref_squeeze %dma_start3A_145 : memref<1x500xi32, #tpu.memory_space<hbm>> -> memref<500xi32, #tpu.memory_space<hbm>>
        %dma_start3A_147 = arith.constant 0 : i32
        %dma_start3A_148 = tpu.memref_slice %arg4[%add3A_17, %dma_start3A_147] : memref<640x500xi32, #tpu.memory_space<hbm>> -> memref<1x500xi32, #tpu.memory_space<hbm>>
        %dma_start3A_149 = tpu.memref_squeeze %dma_start3A_148 : memref<1x500xi32, #tpu.memory_space<hbm>> -> memref<500xi32, #tpu.memory_space<hbm>>
        tpu.enqueue_dma source(%dma_start3A_149 : memref<500xi32, #tpu.memory_space<hbm>>) target(%arg7 : memref<500xi32, #tpu.memory_space<vmem>>) target_semaphore(%run_scoped3A : memref<!tpu.dma_semaphore, #tpu.memory_space<semaphore_mem>>)
        %dma_wait3A_150 = arith.constant 0 : i32
        %dma_wait3A_151 = tpu.memref_slice %arg4[%add3A_17, %dma_wait3A_150] : memref<640x500xi32, #tpu.memory_space<hbm>> -> memref<1x500xi32, #tpu.memory_space<hbm>>
        %dma_wait3A_152 = tpu.memref_squeeze %dma_wait3A_151 : memref<1x500xi32, #tpu.memory_space<hbm>> -> memref<500xi32, #tpu.memory_space<hbm>>
        %dma_wait3A_153 = arith.constant 0 : i32
        %dma_wait3A_154 = tpu.memref_slice %arg4[%add3A_17, %dma_wait3A_153] : memref<640x500xi32, #tpu.memory_space<hbm>> -> memref<1x500xi32, #tpu.memory_space<hbm>>
        %dma_wait3A_155 = tpu.memref_squeeze %dma_wait3A_154 : memref<1x500xi32, #tpu.memory_space<hbm>> -> memref<500xi32, #tpu.memory_space<hbm>>
        tpu.wait_dma2 semaphore(%run_scoped3A : memref<!tpu.dma_semaphore, #tpu.memory_space<semaphore_mem>>) src(%dma_wait3A_155 : memref<500xi32, #tpu.memory_space<hbm>>) dst(%arg7 : memref<500xi32, #tpu.memory_space<vmem>>)
        tpu.yield
      }) : () -> ()
      %add3A_18 = arith.constant 0 : i32
      %add3A_19 = arith.addi %arg1, %add3A_18 : i32
      "tpu.region"() ({
        %run_scoped3A = tpu.sem_alloc : memref<!tpu.dma_semaphore, #tpu.memory_space<semaphore_mem>>
        %dma_start3A_144 = arith.constant 0 : i32
        %dma_start3A_145 = tpu.memref_slice %arg5[%add3A_19, %dma_start3A_144] : memref<640x500xi32, #tpu.memory_space<hbm>> -> memref<1x500xi32, #tpu.memory_space<hbm>>
        %dma_start3A_146 = tpu.memref_squeeze %dma_start3A_145 : memref<1x500xi32, #tpu.memory_space<hbm>> -> memref<500xi32, #tpu.memory_space<hbm>>
        %dma_start3A_147 = arith.constant 0 : i32
        %dma_start3A_148 = tpu.memref_slice %arg5[%add3A_19, %dma_start3A_147] : memref<640x500xi32, #tpu.memory_space<hbm>> -> memref<1x500xi32, #tpu.memory_space<hbm>>
        %dma_start3A_149 = tpu.memref_squeeze %dma_start3A_148 : memref<1x500xi32, #tpu.memory_space<hbm>> -> memref<500xi32, #tpu.memory_space<hbm>>
        tpu.enqueue_dma source(%dma_start3A_149 : memref<500xi32, #tpu.memory_space<hbm>>) target(%arg11 : memref<500xi32, #tpu.memory_space<vmem>>) target_semaphore(%run_scoped3A : memref<!tpu.dma_semaphore, #tpu.memory_space<semaphore_mem>>)
        %dma_wait3A_150 = arith.constant 0 : i32
        %dma_wait3A_151 = tpu.memref_slice %arg5[%add3A_19, %dma_wait3A_150] : memref<640x500xi32, #tpu.memory_space<hbm>> -> memref<1x500xi32, #tpu.memory_space<hbm>>
        %dma_wait3A_152 = tpu.memref_squeeze %dma_wait3A_151 : memref<1x500xi32, #tpu.memory_space<hbm>> -> memref<500xi32, #tpu.memory_space<hbm>>
        %dma_wait3A_153 = arith.constant 0 : i32
        %dma_wait3A_154 = tpu.memref_slice %arg5[%add3A_19, %dma_wait3A_153] : memref<640x500xi32, #tpu.memory_space<hbm>> -> memref<1x500xi32, #tpu.memory_space<hbm>>
        %dma_wait3A_155 = tpu.memref_squeeze %dma_wait3A_154 : memref<1x500xi32, #tpu.memory_space<hbm>> -> memref<500xi32, #tpu.memory_space<hbm>>
        tpu.wait_dma2 semaphore(%run_scoped3A : memref<!tpu.dma_semaphore, #tpu.memory_space<semaphore_mem>>) src(%dma_wait3A_155 : memref<500xi32, #tpu.memory_space<hbm>>) dst(%arg11 : memref<500xi32, #tpu.memory_space<vmem>>)
        tpu.yield
      }) : () -> ()
      %add3A_20 = arith.constant 16 : i32
      %add3A_21 = arith.addi %arg1, %add3A_20 : i32
      %dma_start3A = arith.constant 0 : i32
      %dma_start3A_22 = tpu.memref_slice %arg4[%add3A_21, %dma_start3A] : memref<640x500xi32, #tpu.memory_space<hbm>> -> memref<1x500xi32, #tpu.memory_space<hbm>>
      %dma_start3A_23 = tpu.memref_squeeze %dma_start3A_22 : memref<1x500xi32, #tpu.memory_space<hbm>> -> memref<500xi32, #tpu.memory_space<hbm>>
      %dma_start3A_24 = arith.constant 0 : i32
      %dma_start3A_25 = tpu.memref_slice %arg4[%add3A_21, %dma_start3A_24] : memref<640x500xi32, #tpu.memory_space<hbm>> -> memref<1x500xi32, #tpu.memory_space<hbm>>
      %dma_start3A_26 = tpu.memref_squeeze %dma_start3A_25 : memref<1x500xi32, #tpu.memory_space<hbm>> -> memref<500xi32, #tpu.memory_space<hbm>>
      tpu.enqueue_dma source(%dma_start3A_26 : memref<500xi32, #tpu.memory_space<hbm>>) target(%arg8 : memref<500xi32, #tpu.memory_space<vmem>>) target_semaphore(%arg21 : memref<!tpu.dma_semaphore, #tpu.memory_space<semaphore_mem>>)
      %add3A_27 = arith.constant 16 : i32
      %add3A_28 = arith.addi %arg1, %add3A_27 : i32
      %dma_start3A_29 = arith.constant 0 : i32
      %dma_start3A_30 = tpu.memref_slice %arg5[%add3A_28, %dma_start3A_29] : memref<640x500xi32, #tpu.memory_space<hbm>> -> memref<1x500xi32, #tpu.memory_space<hbm>>
      %dma_start3A_31 = tpu.memref_squeeze %dma_start3A_30 : memref<1x500xi32, #tpu.memory_space<hbm>> -> memref<500xi32, #tpu.memory_space<hbm>>
      %dma_start3A_32 = arith.constant 0 : i32
      %dma_start3A_33 = tpu.memref_slice %arg5[%add3A_28, %dma_start3A_32] : memref<640x500xi32, #tpu.memory_space<hbm>> -> memref<1x500xi32, #tpu.memory_space<hbm>>
      %dma_start3A_34 = tpu.memref_squeeze %dma_start3A_33 : memref<1x500xi32, #tpu.memory_space<hbm>> -> memref<500xi32, #tpu.memory_space<hbm>>
      tpu.enqueue_dma source(%dma_start3A_34 : memref<500xi32, #tpu.memory_space<hbm>>) target(%arg12 : memref<500xi32, #tpu.memory_space<vmem>>) target_semaphore(%arg21 : memref<!tpu.dma_semaphore, #tpu.memory_space<semaphore_mem>>)
      %add3A_35 = arith.constant 32 : i32
      %add3A_36 = arith.addi %arg1, %add3A_35 : i32
      %dma_start3A_37 = arith.constant 0 : i32
      %dma_start3A_38 = tpu.memref_slice %arg4[%add3A_36, %dma_start3A_37] : memref<640x500xi32, #tpu.memory_space<hbm>> -> memref<1x500xi32, #tpu.memory_space<hbm>>
      %dma_start3A_39 = tpu.memref_squeeze %dma_start3A_38 : memref<1x500xi32, #tpu.memory_space<hbm>> -> memref<500xi32, #tpu.memory_space<hbm>>
      %dma_start3A_40 = arith.constant 0 : i32
      %dma_start3A_41 = tpu.memref_slice %arg4[%add3A_36, %dma_start3A_40] : memref<640x500xi32, #tpu.memory_space<hbm>> -> memref<1x500xi32, #tpu.memory_space<hbm>>
      %dma_start3A_42 = tpu.memref_squeeze %dma_start3A_41 : memref<1x500xi32, #tpu.memory_space<hbm>> -> memref<500xi32, #tpu.memory_space<hbm>>
      tpu.enqueue_dma source(%dma_start3A_42 : memref<500xi32, #tpu.memory_space<hbm>>) target(%arg9 : memref<500xi32, #tpu.memory_space<vmem>>) target_semaphore(%arg22 : memref<!tpu.dma_semaphore, #tpu.memory_space<semaphore_mem>>)
      %add3A_43 = arith.constant 32 : i32
      %add3A_44 = arith.addi %arg1, %add3A_43 : i32
      %dma_start3A_45 = arith.constant 0 : i32
      %dma_start3A_46 = tpu.memref_slice %arg5[%add3A_44, %dma_start3A_45] : memref<640x500xi32, #tpu.memory_space<hbm>> -> memref<1x500xi32, #tpu.memory_space<hbm>>
      %dma_start3A_47 = tpu.memref_squeeze %dma_start3A_46 : memref<1x500xi32, #tpu.memory_space<hbm>> -> memref<500xi32, #tpu.memory_space<hbm>>
      %dma_start3A_48 = arith.constant 0 : i32
      %dma_start3A_49 = tpu.memref_slice %arg5[%add3A_44, %dma_start3A_48] : memref<640x500xi32, #tpu.memory_space<hbm>> -> memref<1x500xi32, #tpu.memory_space<hbm>>
      %dma_start3A_50 = tpu.memref_squeeze %dma_start3A_49 : memref<1x500xi32, #tpu.memory_space<hbm>> -> memref<500xi32, #tpu.memory_space<hbm>>
      tpu.enqueue_dma source(%dma_start3A_50 : memref<500xi32, #tpu.memory_space<hbm>>) target(%arg13 : memref<500xi32, #tpu.memory_space<vmem>>) target_semaphore(%arg22 : memref<!tpu.dma_semaphore, #tpu.memory_space<semaphore_mem>>)
      %dma_start3A_51 = arith.constant 0 : i32
      %dma_start3A_52 = arith.constant 0 : i32
      %dma_start3A_53 = tpu.memref_slice %arg3[%dma_start3A_51, %dma_start3A_52] : memref<10000x64xf32, #tpu.memory_space<hbm>> -> memref<10000x64xf32, #tpu.memory_space<hbm>>
      tpu.enqueue_indirect_dma source(%dma_start3A_53 : memref<10000x64xf32, #tpu.memory_space<hbm>>) target(%arg15 : memref<500x64xf32, #tpu.memory_space<vmem>>) offsets(%arg7 : memref<500xi32, #tpu.memory_space<vmem>>) semaphore(%arg18 : memref<!tpu.dma_semaphore, #tpu.memory_space<semaphore_mem>>)
      %add3A_54 = arith.constant 16 : i32
      %add3A_55 = arith.addi %arg1, %add3A_54 : i32
      %dma_wait3A = arith.constant 0 : i32
      %dma_wait3A_56 = tpu.memref_slice %arg4[%add3A_55, %dma_wait3A] : memref<640x500xi32, #tpu.memory_space<hbm>> -> memref<1x500xi32, #tpu.memory_space<hbm>>
      %dma_wait3A_57 = tpu.memref_squeeze %dma_wait3A_56 : memref<1x500xi32, #tpu.memory_space<hbm>> -> memref<500xi32, #tpu.memory_space<hbm>>
      %dma_wait3A_58 = arith.constant 0 : i32
      %dma_wait3A_59 = tpu.memref_slice %arg4[%add3A_55, %dma_wait3A_58] : memref<640x500xi32, #tpu.memory_space<hbm>> -> memref<1x500xi32, #tpu.memory_space<hbm>>
      %dma_wait3A_60 = tpu.memref_squeeze %dma_wait3A_59 : memref<1x500xi32, #tpu.memory_space<hbm>> -> memref<500xi32, #tpu.memory_space<hbm>>
      tpu.wait_dma2 semaphore(%arg21 : memref<!tpu.dma_semaphore, #tpu.memory_space<semaphore_mem>>) src(%dma_wait3A_60 : memref<500xi32, #tpu.memory_space<hbm>>) dst(%arg8 : memref<500xi32, #tpu.memory_space<vmem>>)
      %add3A_61 = arith.constant 16 : i32
      %add3A_62 = arith.addi %arg1, %add3A_61 : i32
      %dma_wait3A_63 = arith.constant 0 : i32
      %dma_wait3A_64 = tpu.memref_slice %arg5[%add3A_62, %dma_wait3A_63] : memref<640x500xi32, #tpu.memory_space<hbm>> -> memref<1x500xi32, #tpu.memory_space<hbm>>
      %dma_wait3A_65 = tpu.memref_squeeze %dma_wait3A_64 : memref<1x500xi32, #tpu.memory_space<hbm>> -> memref<500xi32, #tpu.memory_space<hbm>>
      %dma_wait3A_66 = arith.constant 0 : i32
      %dma_wait3A_67 = tpu.memref_slice %arg5[%add3A_62, %dma_wait3A_66] : memref<640x500xi32, #tpu.memory_space<hbm>> -> memref<1x500xi32, #tpu.memory_space<hbm>>
      %dma_wait3A_68 = tpu.memref_squeeze %dma_wait3A_67 : memref<1x500xi32, #tpu.memory_space<hbm>> -> memref<500xi32, #tpu.memory_space<hbm>>
      tpu.wait_dma2 semaphore(%arg21 : memref<!tpu.dma_semaphore, #tpu.memory_space<semaphore_mem>>) src(%dma_wait3A_68 : memref<500xi32, #tpu.memory_space<hbm>>) dst(%arg12 : memref<500xi32, #tpu.memory_space<vmem>>)
      %dma_start3A_69 = arith.constant 0 : i32
      %dma_start3A_70 = arith.constant 0 : i32
      %dma_start3A_71 = tpu.memref_slice %arg3[%dma_start3A_69, %dma_start3A_70] : memref<10000x64xf32, #tpu.memory_space<hbm>> -> memref<10000x64xf32, #tpu.memory_space<hbm>>
      tpu.enqueue_indirect_dma source(%dma_start3A_71 : memref<10000x64xf32, #tpu.memory_space<hbm>>) target(%arg16 : memref<500x64xf32, #tpu.memory_space<vmem>>) offsets(%arg8 : memref<500xi32, #tpu.memory_space<vmem>>) semaphore(%arg19 : memref<!tpu.dma_semaphore, #tpu.memory_space<semaphore_mem>>)
      %scan3A_72 = arith.constant 0 : i32
      %scan3A_73 = arith.constant 0 : i32
      %scan3A_74 = arith.constant 9 : i32
      %scan3A_75 = arith.addi %scan3A_73, %scan3A_74 : i32
      %scan3A_76 = arith.constant 1 : i32
      scf.for %scan3A_144 = %scan3A_73 to %scan3A_75 step %scan3A_76  : i32 {
        %mul3A_145 = arith.constant 4 : i32
        %mul3A_146 = arith.muli %mul3A_145, %scan3A_144 : i32
        %dma_wait3A_147 = arith.constant 0 : i32
        %dma_wait3A_148 = arith.constant 0 : i32
        %dma_wait3A_149 = tpu.memref_slice %arg3[%dma_wait3A_147, %dma_wait3A_148] : memref<10000x64xf32, #tpu.memory_space<hbm>> -> memref<10000x64xf32, #tpu.memory_space<hbm>>
        tpu.wait_indirect_dma semaphore(%arg18 : memref<!tpu.dma_semaphore, #tpu.memory_space<semaphore_mem>>) src(%dma_wait3A_149 : memref<10000x64xf32, #tpu.memory_space<hbm>>) dst(%arg15 : memref<500x64xf32, #tpu.memory_space<vmem>>)
        "tpu.trace_start"() <{level = 10 : i32, message = "sc_scat"}> : () -> ()
        "tpu.region"() ({
          %run_scoped3A = tpu.sem_alloc : memref<!tpu.dma_semaphore, #tpu.memory_space<semaphore_mem>>
          %dma_start3A_345 = arith.constant 0 : i32
          %dma_start3A_346 = arith.constant 0 : i32
          %dma_start3A_347 = tpu.memref_slice %arg17[%dma_start3A_345, %dma_start3A_346] : memref<10240x64xf32, #tpu.memory_space<vmem_shared>> -> memref<10240x64xf32, #tpu.memory_space<vmem_shared>>
          tpu.enqueue_indirect_dma source(%arg15 : memref<500x64xf32, #tpu.memory_space<vmem>>) target(%dma_start3A_347 : memref<10240x64xf32, #tpu.memory_space<vmem_shared>>) offsets(%arg11 : memref<500xi32, #tpu.memory_space<vmem>>) semaphore(%run_scoped3A : memref<!tpu.dma_semaphore, #tpu.memory_space<semaphore_mem>>) {add = true}
          %dma_wait3A_348 = arith.constant 0 : i32
          %dma_wait3A_349 = arith.constant 0 : i32
          %dma_wait3A_350 = tpu.memref_slice %arg17[%dma_wait3A_348, %dma_wait3A_349] : memref<10240x64xf32, #tpu.memory_space<vmem_shared>> -> memref<10240x64xf32, #tpu.memory_space<vmem_shared>>
          tpu.wait_indirect_dma semaphore(%run_scoped3A : memref<!tpu.dma_semaphore, #tpu.memory_space<semaphore_mem>>) src(%arg15 : memref<500x64xf32, #tpu.memory_space<vmem>>) dst(%dma_wait3A_350 : memref<10240x64xf32, #tpu.memory_space<vmem_shared>>)
          tpu.yield
        }) : () -> ()
        "tpu.trace_stop"() : () -> ()
        %add3A_150 = arith.constant 3 : i32
        %add3A_151 = arith.addi %mul3A_146, %add3A_150 : i32
        %mul3A_152 = arith.constant 16 : i32
        %mul3A_153 = arith.muli %add3A_151, %mul3A_152 : i32
        %add3A_154 = arith.addi %arg1, %mul3A_153 : i32
        %dma_start3A_155 = arith.constant 0 : i32
        %dma_start3A_156 = tpu.memref_slice %arg4[%add3A_154, %dma_start3A_155] : memref<640x500xi32, #tpu.memory_space<hbm>> -> memref<1x500xi32, #tpu.memory_space<hbm>>
        %dma_start3A_157 = tpu.memref_squeeze %dma_start3A_156 : memref<1x500xi32, #tpu.memory_space<hbm>> -> memref<500xi32, #tpu.memory_space<hbm>>
        %dma_start3A_158 = arith.constant 0 : i32
        %dma_start3A_159 = tpu.memref_slice %arg4[%add3A_154, %dma_start3A_158] : memref<640x500xi32, #tpu.memory_space<hbm>> -> memref<1x500xi32, #tpu.memory_space<hbm>>
        %dma_start3A_160 = tpu.memref_squeeze %dma_start3A_159 : memref<1x500xi32, #tpu.memory_space<hbm>> -> memref<500xi32, #tpu.memory_space<hbm>>
        tpu.enqueue_dma source(%dma_start3A_160 : memref<500xi32, #tpu.memory_space<hbm>>) target(%arg10 : memref<500xi32, #tpu.memory_space<vmem>>) target_semaphore(%arg23 : memref<!tpu.dma_semaphore, #tpu.memory_space<semaphore_mem>>)
        %mul3A_161 = arith.constant 16 : i32
        %mul3A_162 = arith.muli %add3A_151, %mul3A_161 : i32
        %add3A_163 = arith.addi %arg1, %mul3A_162 : i32
        %dma_start3A_164 = arith.constant 0 : i32
        %dma_start3A_165 = tpu.memref_slice %arg5[%add3A_163, %dma_start3A_164] : memref<640x500xi32, #tpu.memory_space<hbm>> -> memref<1x500xi32, #tpu.memory_space<hbm>>
        %dma_start3A_166 = tpu.memref_squeeze %dma_start3A_165 : memref<1x500xi32, #tpu.memory_space<hbm>> -> memref<500xi32, #tpu.memory_space<hbm>>
        %dma_start3A_167 = arith.constant 0 : i32
        %dma_start3A_168 = tpu.memref_slice %arg5[%add3A_163, %dma_start3A_167] : memref<640x500xi32, #tpu.memory_space<hbm>> -> memref<1x500xi32, #tpu.memory_space<hbm>>
        %dma_start3A_169 = tpu.memref_squeeze %dma_start3A_168 : memref<1x500xi32, #tpu.memory_space<hbm>> -> memref<500xi32, #tpu.memory_space<hbm>>
        tpu.enqueue_dma source(%dma_start3A_169 : memref<500xi32, #tpu.memory_space<hbm>>) target(%arg14 : memref<500xi32, #tpu.memory_space<vmem>>) target_semaphore(%arg23 : memref<!tpu.dma_semaphore, #tpu.memory_space<semaphore_mem>>)
        %add3A_170 = arith.constant 2 : i32
        %add3A_171 = arith.addi %mul3A_146, %add3A_170 : i32
        %mul3A_172 = arith.constant 16 : i32
        %mul3A_173 = arith.muli %add3A_171, %mul3A_172 : i32
        %add3A_174 = arith.addi %arg1, %mul3A_173 : i32
        %dma_wait3A_175 = arith.constant 0 : i32
        %dma_wait3A_176 = tpu.memref_slice %arg4[%add3A_174, %dma_wait3A_175] : memref<640x500xi32, #tpu.memory_space<hbm>> -> memref<1x500xi32, #tpu.memory_space<hbm>>
        %dma_wait3A_177 = tpu.memref_squeeze %dma_wait3A_176 : memref<1x500xi32, #tpu.memory_space<hbm>> -> memref<500xi32, #tpu.memory_space<hbm>>
        %dma_wait3A_178 = arith.constant 0 : i32
        %dma_wait3A_179 = tpu.memref_slice %arg4[%add3A_174, %dma_wait3A_178] : memref<640x500xi32, #tpu.memory_space<hbm>> -> memref<1x500xi32, #tpu.memory_space<hbm>>
        %dma_wait3A_180 = tpu.memref_squeeze %dma_wait3A_179 : memref<1x500xi32, #tpu.memory_space<hbm>> -> memref<500xi32, #tpu.memory_space<hbm>>
        tpu.wait_dma2 semaphore(%arg22 : memref<!tpu.dma_semaphore, #tpu.memory_space<semaphore_mem>>) src(%dma_wait3A_180 : memref<500xi32, #tpu.memory_space<hbm>>) dst(%arg9 : memref<500xi32, #tpu.memory_space<vmem>>)
        %mul3A_181 = arith.constant 16 : i32
        %mul3A_182 = arith.muli %add3A_171, %mul3A_181 : i32
        %add3A_183 = arith.addi %arg1, %mul3A_182 : i32
        %dma_wait3A_184 = arith.constant 0 : i32
        %dma_wait3A_185 = tpu.memref_slice %arg5[%add3A_183, %dma_wait3A_184] : memref<640x500xi32, #tpu.memory_space<hbm>> -> memref<1x500xi32, #tpu.memory_space<hbm>>
        %dma_wait3A_186 = tpu.memref_squeeze %dma_wait3A_185 : memref<1x500xi32, #tpu.memory_space<hbm>> -> memref<500xi32, #tpu.memory_space<hbm>>
        %dma_wait3A_187 = arith.constant 0 : i32
        %dma_wait3A_188 = tpu.memref_slice %arg5[%add3A_183, %dma_wait3A_187] : memref<640x500xi32, #tpu.memory_space<hbm>> -> memref<1x500xi32, #tpu.memory_space<hbm>>
        %dma_wait3A_189 = tpu.memref_squeeze %dma_wait3A_188 : memref<1x500xi32, #tpu.memory_space<hbm>> -> memref<500xi32, #tpu.memory_space<hbm>>
        tpu.wait_dma2 semaphore(%arg22 : memref<!tpu.dma_semaphore, #tpu.memory_space<semaphore_mem>>) src(%dma_wait3A_189 : memref<500xi32, #tpu.memory_space<hbm>>) dst(%arg13 : memref<500xi32, #tpu.memory_space<vmem>>)
        %add3A_190 = arith.constant 2 : i32
        %add3A_191 = arith.addi %mul3A_146, %add3A_190 : i32
        %dma_start3A_192 = arith.constant 0 : i32
        %dma_start3A_193 = arith.constant 0 : i32
        %dma_start3A_194 = tpu.memref_slice %arg3[%dma_start3A_192, %dma_start3A_193] : memref<10000x64xf32, #tpu.memory_space<hbm>> -> memref<10000x64xf32, #tpu.memory_space<hbm>>
        tpu.enqueue_indirect_dma source(%dma_start3A_194 : memref<10000x64xf32, #tpu.memory_space<hbm>>) target(%arg15 : memref<500x64xf32, #tpu.memory_space<vmem>>) offsets(%arg9 : memref<500xi32, #tpu.memory_space<vmem>>) semaphore(%arg18 : memref<!tpu.dma_semaphore, #tpu.memory_space<semaphore_mem>>)
        %add3A_195 = arith.constant 1 : i32
        %add3A_196 = arith.addi %mul3A_146, %add3A_195 : i32
        %dma_wait3A_197 = arith.constant 0 : i32
        %dma_wait3A_198 = arith.constant 0 : i32
        %dma_wait3A_199 = tpu.memref_slice %arg3[%dma_wait3A_197, %dma_wait3A_198] : memref<10000x64xf32, #tpu.memory_space<hbm>> -> memref<10000x64xf32, #tpu.memory_space<hbm>>
        tpu.wait_indirect_dma semaphore(%arg19 : memref<!tpu.dma_semaphore, #tpu.memory_space<semaphore_mem>>) src(%dma_wait3A_199 : memref<10000x64xf32, #tpu.memory_space<hbm>>) dst(%arg16 : memref<500x64xf32, #tpu.memory_space<vmem>>)
        "tpu.trace_start"() <{level = 10 : i32, message = "sc_scat"}> : () -> ()
        "tpu.region"() ({
          %run_scoped3A = tpu.sem_alloc : memref<!tpu.dma_semaphore, #tpu.memory_space<semaphore_mem>>
          %dma_start3A_345 = arith.constant 0 : i32
          %dma_start3A_346 = arith.constant 0 : i32
          %dma_start3A_347 = tpu.memref_slice %arg17[%dma_start3A_345, %dma_start3A_346] : memref<10240x64xf32, #tpu.memory_space<vmem_shared>> -> memref<10240x64xf32, #tpu.memory_space<vmem_shared>>
          tpu.enqueue_indirect_dma source(%arg16 : memref<500x64xf32, #tpu.memory_space<vmem>>) target(%dma_start3A_347 : memref<10240x64xf32, #tpu.memory_space<vmem_shared>>) offsets(%arg12 : memref<500xi32, #tpu.memory_space<vmem>>) semaphore(%run_scoped3A : memref<!tpu.dma_semaphore, #tpu.memory_space<semaphore_mem>>) {add = true}
          %dma_wait3A_348 = arith.constant 0 : i32
          %dma_wait3A_349 = arith.constant 0 : i32
          %dma_wait3A_350 = tpu.memref_slice %arg17[%dma_wait3A_348, %dma_wait3A_349] : memref<10240x64xf32, #tpu.memory_space<vmem_shared>> -> memref<10240x64xf32, #tpu.memory_space<vmem_shared>>
          tpu.wait_indirect_dma semaphore(%run_scoped3A : memref<!tpu.dma_semaphore, #tpu.memory_space<semaphore_mem>>) src(%arg16 : memref<500x64xf32, #tpu.memory_space<vmem>>) dst(%dma_wait3A_350 : memref<10240x64xf32, #tpu.memory_space<vmem_shared>>)
          tpu.yield
        }) : () -> ()
        "tpu.trace_stop"() : () -> ()
        %add3A_200 = arith.constant 3 : i32
        %add3A_201 = arith.addi %add3A_196, %add3A_200 : i32
        %mul3A_202 = arith.constant 16 : i32
        %mul3A_203 = arith.muli %add3A_201, %mul3A_202 : i32
        %add3A_204 = arith.addi %arg1, %mul3A_203 : i32
        %dma_start3A_205 = arith.constant 0 : i32
        %dma_start3A_206 = tpu.memref_slice %arg4[%add3A_204, %dma_start3A_205] : memref<640x500xi32, #tpu.memory_space<hbm>> -> memref<1x500xi32, #tpu.memory_space<hbm>>
        %dma_start3A_207 = tpu.memref_squeeze %dma_start3A_206 : memref<1x500xi32, #tpu.memory_space<hbm>> -> memref<500xi32, #tpu.memory_space<hbm>>
        %dma_start3A_208 = arith.constant 0 : i32
        %dma_start3A_209 = tpu.memref_slice %arg4[%add3A_204, %dma_start3A_208] : memref<640x500xi32, #tpu.memory_space<hbm>> -> memref<1x500xi32, #tpu.memory_space<hbm>>
        %dma_start3A_210 = tpu.memref_squeeze %dma_start3A_209 : memref<1x500xi32, #tpu.memory_space<hbm>> -> memref<500xi32, #tpu.memory_space<hbm>>
        tpu.enqueue_dma source(%dma_start3A_210 : memref<500xi32, #tpu.memory_space<hbm>>) target(%arg7 : memref<500xi32, #tpu.memory_space<vmem>>) target_semaphore(%arg20 : memref<!tpu.dma_semaphore, #tpu.memory_space<semaphore_mem>>)
        %mul3A_211 = arith.constant 16 : i32
        %mul3A_212 = arith.muli %add3A_201, %mul3A_211 : i32
        %add3A_213 = arith.addi %arg1, %mul3A_212 : i32
        %dma_start3A_214 = arith.constant 0 : i32
        %dma_start3A_215 = tpu.memref_slice %arg5[%add3A_213, %dma_start3A_214] : memref<640x500xi32, #tpu.memory_space<hbm>> -> memref<1x500xi32, #tpu.memory_space<hbm>>
        %dma_start3A_216 = tpu.memref_squeeze %dma_start3A_215 : memref<1x500xi32, #tpu.memory_space<hbm>> -> memref<500xi32, #tpu.memory_space<hbm>>
        %dma_start3A_217 = arith.constant 0 : i32
        %dma_start3A_218 = tpu.memref_slice %arg5[%add3A_213, %dma_start3A_217] : memref<640x500xi32, #tpu.memory_space<hbm>> -> memref<1x500xi32, #tpu.memory_space<hbm>>
        %dma_start3A_219 = tpu.memref_squeeze %dma_start3A_218 : memref<1x500xi32, #tpu.memory_space<hbm>> -> memref<500xi32, #tpu.memory_space<hbm>>
        tpu.enqueue_dma source(%dma_start3A_219 : memref<500xi32, #tpu.memory_space<hbm>>) target(%arg11 : memref<500xi32, #tpu.memory_space<vmem>>) target_semaphore(%arg20 : memref<!tpu.dma_semaphore, #tpu.memory_space<semaphore_mem>>)
        %add3A_220 = arith.constant 2 : i32
        %add3A_221 = arith.addi %add3A_196, %add3A_220 : i32
        %mul3A_222 = arith.constant 16 : i32
        %mul3A_223 = arith.muli %add3A_221, %mul3A_222 : i32
        %add3A_224 = arith.addi %arg1, %mul3A_223 : i32
        %dma_wait3A_225 = arith.constant 0 : i32
        %dma_wait3A_226 = tpu.memref_slice %arg4[%add3A_224, %dma_wait3A_225] : memref<640x500xi32, #tpu.memory_space<hbm>> -> memref<1x500xi32, #tpu.memory_space<hbm>>
        %dma_wait3A_227 = tpu.memref_squeeze %dma_wait3A_226 : memref<1x500xi32, #tpu.memory_space<hbm>> -> memref<500xi32, #tpu.memory_space<hbm>>
        %dma_wait3A_228 = arith.constant 0 : i32
        %dma_wait3A_229 = tpu.memref_slice %arg4[%add3A_224, %dma_wait3A_228] : memref<640x500xi32, #tpu.memory_space<hbm>> -> memref<1x500xi32, #tpu.memory_space<hbm>>
        %dma_wait3A_230 = tpu.memref_squeeze %dma_wait3A_229 : memref<1x500xi32, #tpu.memory_space<hbm>> -> memref<500xi32, #tpu.memory_space<hbm>>
        tpu.wait_dma2 semaphore(%arg23 : memref<!tpu.dma_semaphore, #tpu.memory_space<semaphore_mem>>) src(%dma_wait3A_230 : memref<500xi32, #tpu.memory_space<hbm>>) dst(%arg10 : memref<500xi32, #tpu.memory_space<vmem>>)
        %mul3A_231 = arith.constant 16 : i32
        %mul3A_232 = arith.muli %add3A_221, %mul3A_231 : i32
        %add3A_233 = arith.addi %arg1, %mul3A_232 : i32
        %dma_wait3A_234 = arith.constant 0 : i32
        %dma_wait3A_235 = tpu.memref_slice %arg5[%add3A_233, %dma_wait3A_234] : memref<640x500xi32, #tpu.memory_space<hbm>> -> memref<1x500xi32, #tpu.memory_space<hbm>>
        %dma_wait3A_236 = tpu.memref_squeeze %dma_wait3A_235 : memref<1x500xi32, #tpu.memory_space<hbm>> -> memref<500xi32, #tpu.memory_space<hbm>>
        %dma_wait3A_237 = arith.constant 0 : i32
        %dma_wait3A_238 = tpu.memref_slice %arg5[%add3A_233, %dma_wait3A_237] : memref<640x500xi32, #tpu.memory_space<hbm>> -> memref<1x500xi32, #tpu.memory_space<hbm>>
        %dma_wait3A_239 = tpu.memref_squeeze %dma_wait3A_238 : memref<1x500xi32, #tpu.memory_space<hbm>> -> memref<500xi32, #tpu.memory_space<hbm>>
        tpu.wait_dma2 semaphore(%arg23 : memref<!tpu.dma_semaphore, #tpu.memory_space<semaphore_mem>>) src(%dma_wait3A_239 : memref<500xi32, #tpu.memory_space<hbm>>) dst(%arg14 : memref<500xi32, #tpu.memory_space<vmem>>)
        %add3A_240 = arith.constant 2 : i32
        %add3A_241 = arith.addi %add3A_196, %add3A_240 : i32
        %dma_start3A_242 = arith.constant 0 : i32
        %dma_start3A_243 = arith.constant 0 : i32
        %dma_start3A_244 = tpu.memref_slice %arg3[%dma_start3A_242, %dma_start3A_243] : memref<10000x64xf32, #tpu.memory_space<hbm>> -> memref<10000x64xf32, #tpu.memory_space<hbm>>
        tpu.enqueue_indirect_dma source(%dma_start3A_244 : memref<10000x64xf32, #tpu.memory_space<hbm>>) target(%arg16 : memref<500x64xf32, #tpu.memory_space<vmem>>) offsets(%arg10 : memref<500xi32, #tpu.memory_space<vmem>>) semaphore(%arg19 : memref<!tpu.dma_semaphore, #tpu.memory_space<semaphore_mem>>)
        %add3A_245 = arith.constant 2 : i32
        %add3A_246 = arith.addi %mul3A_146, %add3A_245 : i32
        %dma_wait3A_247 = arith.constant 0 : i32
        %dma_wait3A_248 = arith.constant 0 : i32
        %dma_wait3A_249 = tpu.memref_slice %arg3[%dma_wait3A_247, %dma_wait3A_248] : memref<10000x64xf32, #tpu.memory_space<hbm>> -> memref<10000x64xf32, #tpu.memory_space<hbm>>
        tpu.wait_indirect_dma semaphore(%arg18 : memref<!tpu.dma_semaphore, #tpu.memory_space<semaphore_mem>>) src(%dma_wait3A_249 : memref<10000x64xf32, #tpu.memory_space<hbm>>) dst(%arg15 : memref<500x64xf32, #tpu.memory_space<vmem>>)
        "tpu.trace_start"() <{level = 10 : i32, message = "sc_scat"}> : () -> ()
        "tpu.region"() ({
          %run_scoped3A = tpu.sem_alloc : memref<!tpu.dma_semaphore, #tpu.memory_space<semaphore_mem>>
          %dma_start3A_345 = arith.constant 0 : i32
          %dma_start3A_346 = arith.constant 0 : i32
          %dma_start3A_347 = tpu.memref_slice %arg17[%dma_start3A_345, %dma_start3A_346] : memref<10240x64xf32, #tpu.memory_space<vmem_shared>> -> memref<10240x64xf32, #tpu.memory_space<vmem_shared>>
          tpu.enqueue_indirect_dma source(%arg15 : memref<500x64xf32, #tpu.memory_space<vmem>>) target(%dma_start3A_347 : memref<10240x64xf32, #tpu.memory_space<vmem_shared>>) offsets(%arg13 : memref<500xi32, #tpu.memory_space<vmem>>) semaphore(%run_scoped3A : memref<!tpu.dma_semaphore, #tpu.memory_space<semaphore_mem>>) {add = true}
          %dma_wait3A_348 = arith.constant 0 : i32
          %dma_wait3A_349 = arith.constant 0 : i32
          %dma_wait3A_350 = tpu.memref_slice %arg17[%dma_wait3A_348, %dma_wait3A_349] : memref<10240x64xf32, #tpu.memory_space<vmem_shared>> -> memref<10240x64xf32, #tpu.memory_space<vmem_shared>>
          tpu.wait_indirect_dma semaphore(%run_scoped3A : memref<!tpu.dma_semaphore, #tpu.memory_space<semaphore_mem>>) src(%arg15 : memref<500x64xf32, #tpu.memory_space<vmem>>) dst(%dma_wait3A_350 : memref<10240x64xf32, #tpu.memory_space<vmem_shared>>)
          tpu.yield
        }) : () -> ()
        "tpu.trace_stop"() : () -> ()
        %add3A_250 = arith.constant 3 : i32
        %add3A_251 = arith.addi %add3A_246, %add3A_250 : i32
        %mul3A_252 = arith.constant 16 : i32
        %mul3A_253 = arith.muli %add3A_251, %mul3A_252 : i32
        %add3A_254 = arith.addi %arg1, %mul3A_253 : i32
        %dma_start3A_255 = arith.constant 0 : i32
        %dma_start3A_256 = tpu.memref_slice %arg4[%add3A_254, %dma_start3A_255] : memref<640x500xi32, #tpu.memory_space<hbm>> -> memref<1x500xi32, #tpu.memory_space<hbm>>
        %dma_start3A_257 = tpu.memref_squeeze %dma_start3A_256 : memref<1x500xi32, #tpu.memory_space<hbm>> -> memref<500xi32, #tpu.memory_space<hbm>>
        %dma_start3A_258 = arith.constant 0 : i32
        %dma_start3A_259 = tpu.memref_slice %arg4[%add3A_254, %dma_start3A_258] : memref<640x500xi32, #tpu.memory_space<hbm>> -> memref<1x500xi32, #tpu.memory_space<hbm>>
        %dma_start3A_260 = tpu.memref_squeeze %dma_start3A_259 : memref<1x500xi32, #tpu.memory_space<hbm>> -> memref<500xi32, #tpu.memory_space<hbm>>
        tpu.enqueue_dma source(%dma_start3A_260 : memref<500xi32, #tpu.memory_space<hbm>>) target(%arg8 : memref<500xi32, #tpu.memory_space<vmem>>) target_semaphore(%arg21 : memref<!tpu.dma_semaphore, #tpu.memory_space<semaphore_mem>>)
        %mul3A_261 = arith.constant 16 : i32
        %mul3A_262 = arith.muli %add3A_251, %mul3A_261 : i32
        %add3A_263 = arith.addi %arg1, %mul3A_262 : i32
        %dma_start3A_264 = arith.constant 0 : i32
        %dma_start3A_265 = tpu.memref_slice %arg5[%add3A_263, %dma_start3A_264] : memref<640x500xi32, #tpu.memory_space<hbm>> -> memref<1x500xi32, #tpu.memory_space<hbm>>
        %dma_start3A_266 = tpu.memref_squeeze %dma_start3A_265 : memref<1x500xi32, #tpu.memory_space<hbm>> -> memref<500xi32, #tpu.memory_space<hbm>>
        %dma_start3A_267 = arith.constant 0 : i32
        %dma_start3A_268 = tpu.memref_slice %arg5[%add3A_263, %dma_start3A_267] : memref<640x500xi32, #tpu.memory_space<hbm>> -> memref<1x500xi32, #tpu.memory_space<hbm>>
        %dma_start3A_269 = tpu.memref_squeeze %dma_start3A_268 : memref<1x500xi32, #tpu.memory_space<hbm>> -> memref<500xi32, #tpu.memory_space<hbm>>
        tpu.enqueue_dma source(%dma_start3A_269 : memref<500xi32, #tpu.memory_space<hbm>>) target(%arg12 : memref<500xi32, #tpu.memory_space<vmem>>) target_semaphore(%arg21 : memref<!tpu.dma_semaphore, #tpu.memory_space<semaphore_mem>>)
        %add3A_270 = arith.constant 2 : i32
        %add3A_271 = arith.addi %add3A_246, %add3A_270 : i32
        %mul3A_272 = arith.constant 16 : i32
        %mul3A_273 = arith.muli %add3A_271, %mul3A_272 : i32
        %add3A_274 = arith.addi %arg1, %mul3A_273 : i32
        %dma_wait3A_275 = arith.constant 0 : i32
        %dma_wait3A_276 = tpu.memref_slice %arg4[%add3A_274, %dma_wait3A_275] : memref<640x500xi32, #tpu.memory_space<hbm>> -> memref<1x500xi32, #tpu.memory_space<hbm>>
        %dma_wait3A_277 = tpu.memref_squeeze %dma_wait3A_276 : memref<1x500xi32, #tpu.memory_space<hbm>> -> memref<500xi32, #tpu.memory_space<hbm>>
        %dma_wait3A_278 = arith.constant 0 : i32
        %dma_wait3A_279 = tpu.memref_slice %arg4[%add3A_274, %dma_wait3A_278] : memref<640x500xi32, #tpu.memory_space<hbm>> -> memref<1x500xi32, #tpu.memory_space<hbm>>
        %dma_wait3A_280 = tpu.memref_squeeze %dma_wait3A_279 : memref<1x500xi32, #tpu.memory_space<hbm>> -> memref<500xi32, #tpu.memory_space<hbm>>
        tpu.wait_dma2 semaphore(%arg20 : memref<!tpu.dma_semaphore, #tpu.memory_space<semaphore_mem>>) src(%dma_wait3A_280 : memref<500xi32, #tpu.memory_space<hbm>>) dst(%arg7 : memref<500xi32, #tpu.memory_space<vmem>>)
        %mul3A_281 = arith.constant 16 : i32
        %mul3A_282 = arith.muli %add3A_271, %mul3A_281 : i32
        %add3A_283 = arith.addi %arg1, %mul3A_282 : i32
        %dma_wait3A_284 = arith.constant 0 : i32
        %dma_wait3A_285 = tpu.memref_slice %arg5[%add3A_283, %dma_wait3A_284] : memref<640x500xi32, #tpu.memory_space<hbm>> -> memref<1x500xi32, #tpu.memory_space<hbm>>
        %dma_wait3A_286 = tpu.memref_squeeze %dma_wait3A_285 : memref<1x500xi32, #tpu.memory_space<hbm>> -> memref<500xi32, #tpu.memory_space<hbm>>
        %dma_wait3A_287 = arith.constant 0 : i32
        %dma_wait3A_288 = tpu.memref_slice %arg5[%add3A_283, %dma_wait3A_287] : memref<640x500xi32, #tpu.memory_space<hbm>> -> memref<1x500xi32, #tpu.memory_space<hbm>>
        %dma_wait3A_289 = tpu.memref_squeeze %dma_wait3A_288 : memref<1x500xi32, #tpu.memory_space<hbm>> -> memref<500xi32, #tpu.memory_space<hbm>>
        tpu.wait_dma2 semaphore(%arg20 : memref<!tpu.dma_semaphore, #tpu.memory_space<semaphore_mem>>) src(%dma_wait3A_289 : memref<500xi32, #tpu.memory_space<hbm>>) dst(%arg11 : memref<500xi32, #tpu.memory_space<vmem>>)
        %add3A_290 = arith.constant 2 : i32
        %add3A_291 = arith.addi %add3A_246, %add3A_290 : i32
        %dma_start3A_292 = arith.constant 0 : i32
        %dma_start3A_293 = arith.constant 0 : i32
        %dma_start3A_294 = tpu.memref_slice %arg3[%dma_start3A_292, %dma_start3A_293] : memref<10000x64xf32, #tpu.memory_space<hbm>> -> memref<10000x64xf32, #tpu.memory_space<hbm>>
        tpu.enqueue_indirect_dma source(%dma_start3A_294 : memref<10000x64xf32, #tpu.memory_space<hbm>>) target(%arg15 : memref<500x64xf32, #tpu.memory_space<vmem>>) offsets(%arg7 : memref<500xi32, #tpu.memory_space<vmem>>) semaphore(%arg18 : memref<!tpu.dma_semaphore, #tpu.memory_space<semaphore_mem>>)
        %add3A_295 = arith.constant 3 : i32
        %add3A_296 = arith.addi %mul3A_146, %add3A_295 : i32
        %dma_wait3A_297 = arith.constant 0 : i32
        %dma_wait3A_298 = arith.constant 0 : i32
        %dma_wait3A_299 = tpu.memref_slice %arg3[%dma_wait3A_297, %dma_wait3A_298] : memref<10000x64xf32, #tpu.memory_space<hbm>> -> memref<10000x64xf32, #tpu.memory_space<hbm>>
        tpu.wait_indirect_dma semaphore(%arg19 : memref<!tpu.dma_semaphore, #tpu.memory_space<semaphore_mem>>) src(%dma_wait3A_299 : memref<10000x64xf32, #tpu.memory_space<hbm>>) dst(%arg16 : memref<500x64xf32, #tpu.memory_space<vmem>>)
        "tpu.trace_start"() <{level = 10 : i32, message = "sc_scat"}> : () -> ()
        "tpu.region"() ({
          %run_scoped3A = tpu.sem_alloc : memref<!tpu.dma_semaphore, #tpu.memory_space<semaphore_mem>>
          %dma_start3A_345 = arith.constant 0 : i32
          %dma_start3A_346 = arith.constant 0 : i32
          %dma_start3A_347 = tpu.memref_slice %arg17[%dma_start3A_345, %dma_start3A_346] : memref<10240x64xf32, #tpu.memory_space<vmem_shared>> -> memref<10240x64xf32, #tpu.memory_space<vmem_shared>>
          tpu.enqueue_indirect_dma source(%arg16 : memref<500x64xf32, #tpu.memory_space<vmem>>) target(%dma_start3A_347 : memref<10240x64xf32, #tpu.memory_space<vmem_shared>>) offsets(%arg14 : memref<500xi32, #tpu.memory_space<vmem>>) semaphore(%run_scoped3A : memref<!tpu.dma_semaphore, #tpu.memory_space<semaphore_mem>>) {add = true}
          %dma_wait3A_348 = arith.constant 0 : i32
          %dma_wait3A_349 = arith.constant 0 : i32
          %dma_wait3A_350 = tpu.memref_slice %arg17[%dma_wait3A_348, %dma_wait3A_349] : memref<10240x64xf32, #tpu.memory_space<vmem_shared>> -> memref<10240x64xf32, #tpu.memory_space<vmem_shared>>
          tpu.wait_indirect_dma semaphore(%run_scoped3A : memref<!tpu.dma_semaphore, #tpu.memory_space<semaphore_mem>>) src(%arg16 : memref<500x64xf32, #tpu.memory_space<vmem>>) dst(%dma_wait3A_350 : memref<10240x64xf32, #tpu.memory_space<vmem_shared>>)
          tpu.yield
        }) : () -> ()
        "tpu.trace_stop"() : () -> ()
        %add3A_300 = arith.constant 3 : i32
        %add3A_301 = arith.addi %add3A_296, %add3A_300 : i32
        %mul3A_302 = arith.constant 16 : i32
        %mul3A_303 = arith.muli %add3A_301, %mul3A_302 : i32
        %add3A_304 = arith.addi %arg1, %mul3A_303 : i32
        %dma_start3A_305 = arith.constant 0 : i32
        %dma_start3A_306 = tpu.memref_slice %arg4[%add3A_304, %dma_start3A_305] : memref<640x500xi32, #tpu.memory_space<hbm>> -> memref<1x500xi32, #tpu.memory_space<hbm>>
        %dma_start3A_307 = tpu.memref_squeeze %dma_start3A_306 : memref<1x500xi32, #tpu.memory_space<hbm>> -> memref<500xi32, #tpu.memory_space<hbm>>
        %dma_start3A_308 = arith.constant 0 : i32
        %dma_start3A_309 = tpu.memref_slice %arg4[%add3A_304, %dma_start3A_308] : memref<640x500xi32, #tpu.memory_space<hbm>> -> memref<1x500xi32, #tpu.memory_space<hbm>>
        %dma_start3A_310 = tpu.memref_squeeze %dma_start3A_309 : memref<1x500xi32, #tpu.memory_space<hbm>> -> memref<500xi32, #tpu.memory_space<hbm>>
        tpu.enqueue_dma source(%dma_start3A_310 : memref<500xi32, #tpu.memory_space<hbm>>) target(%arg9 : memref<500xi32, #tpu.memory_space<vmem>>) target_semaphore(%arg22 : memref<!tpu.dma_semaphore, #tpu.memory_space<semaphore_mem>>)
        %mul3A_311 = arith.constant 16 : i32
        %mul3A_312 = arith.muli %add3A_301, %mul3A_311 : i32
        %add3A_313 = arith.addi %arg1, %mul3A_312 : i32
        %dma_start3A_314 = arith.constant 0 : i32
        %dma_start3A_315 = tpu.memref_slice %arg5[%add3A_313, %dma_start3A_314] : memref<640x500xi32, #tpu.memory_space<hbm>> -> memref<1x500xi32, #tpu.memory_space<hbm>>
        %dma_start3A_316 = tpu.memref_squeeze %dma_start3A_315 : memref<1x500xi32, #tpu.memory_space<hbm>> -> memref<500xi32, #tpu.memory_space<hbm>>
        %dma_start3A_317 = arith.constant 0 : i32
        %dma_start3A_318 = tpu.memref_slice %arg5[%add3A_313, %dma_start3A_317] : memref<640x500xi32, #tpu.memory_space<hbm>> -> memref<1x500xi32, #tpu.memory_space<hbm>>
        %dma_start3A_319 = tpu.memref_squeeze %dma_start3A_318 : memref<1x500xi32, #tpu.memory_space<hbm>> -> memref<500xi32, #tpu.memory_space<hbm>>
        tpu.enqueue_dma source(%dma_start3A_319 : memref<500xi32, #tpu.memory_space<hbm>>) target(%arg13 : memref<500xi32, #tpu.memory_space<vmem>>) target_semaphore(%arg22 : memref<!tpu.dma_semaphore, #tpu.memory_space<semaphore_mem>>)
        %add3A_320 = arith.constant 2 : i32
        %add3A_321 = arith.addi %add3A_296, %add3A_320 : i32
        %mul3A_322 = arith.constant 16 : i32
        %mul3A_323 = arith.muli %add3A_321, %mul3A_322 : i32
        %add3A_324 = arith.addi %arg1, %mul3A_323 : i32
        %dma_wait3A_325 = arith.constant 0 : i32
        %dma_wait3A_326 = tpu.memref_slice %arg4[%add3A_324, %dma_wait3A_325] : memref<640x500xi32, #tpu.memory_space<hbm>> -> memref<1x500xi32, #tpu.memory_space<hbm>>
        %dma_wait3A_327 = tpu.memref_squeeze %dma_wait3A_326 : memref<1x500xi32, #tpu.memory_space<hbm>> -> memref<500xi32, #tpu.memory_space<hbm>>
        %dma_wait3A_328 = arith.constant 0 : i32
        %dma_wait3A_329 = tpu.memref_slice %arg4[%add3A_324, %dma_wait3A_328] : memref<640x500xi32, #tpu.memory_space<hbm>> -> memref<1x500xi32, #tpu.memory_space<hbm>>
        %dma_wait3A_330 = tpu.memref_squeeze %dma_wait3A_329 : memref<1x500xi32, #tpu.memory_space<hbm>> -> memref<500xi32, #tpu.memory_space<hbm>>
        tpu.wait_dma2 semaphore(%arg21 : memref<!tpu.dma_semaphore, #tpu.memory_space<semaphore_mem>>) src(%dma_wait3A_330 : memref<500xi32, #tpu.memory_space<hbm>>) dst(%arg8 : memref<500xi32, #tpu.memory_space<vmem>>)
        %mul3A_331 = arith.constant 16 : i32
        %mul3A_332 = arith.muli %add3A_321, %mul3A_331 : i32
        %add3A_333 = arith.addi %arg1, %mul3A_332 : i32
        %dma_wait3A_334 = arith.constant 0 : i32
        %dma_wait3A_335 = tpu.memref_slice %arg5[%add3A_333, %dma_wait3A_334] : memref<640x500xi32, #tpu.memory_space<hbm>> -> memref<1x500xi32, #tpu.memory_space<hbm>>
        %dma_wait3A_336 = tpu.memref_squeeze %dma_wait3A_335 : memref<1x500xi32, #tpu.memory_space<hbm>> -> memref<500xi32, #tpu.memory_space<hbm>>
        %dma_wait3A_337 = arith.constant 0 : i32
        %dma_wait3A_338 = tpu.memref_slice %arg5[%add3A_333, %dma_wait3A_337] : memref<640x500xi32, #tpu.memory_space<hbm>> -> memref<1x500xi32, #tpu.memory_space<hbm>>
        %dma_wait3A_339 = tpu.memref_squeeze %dma_wait3A_338 : memref<1x500xi32, #tpu.memory_space<hbm>> -> memref<500xi32, #tpu.memory_space<hbm>>
        tpu.wait_dma2 semaphore(%arg21 : memref<!tpu.dma_semaphore, #tpu.memory_space<semaphore_mem>>) src(%dma_wait3A_339 : memref<500xi32, #tpu.memory_space<hbm>>) dst(%arg12 : memref<500xi32, #tpu.memory_space<vmem>>)
        %add3A_340 = arith.constant 2 : i32
        %add3A_341 = arith.addi %add3A_296, %add3A_340 : i32
        %dma_start3A_342 = arith.constant 0 : i32
        %dma_start3A_343 = arith.constant 0 : i32
        %dma_start3A_344 = tpu.memref_slice %arg3[%dma_start3A_342, %dma_start3A_343] : memref<10000x64xf32, #tpu.memory_space<hbm>> -> memref<10000x64xf32, #tpu.memory_space<hbm>>
        tpu.enqueue_indirect_dma source(%dma_start3A_344 : memref<10000x64xf32, #tpu.memory_space<hbm>>) target(%arg16 : memref<500x64xf32, #tpu.memory_space<vmem>>) offsets(%arg8 : memref<500xi32, #tpu.memory_space<vmem>>) semaphore(%arg19 : memref<!tpu.dma_semaphore, #tpu.memory_space<semaphore_mem>>)
      }
      %scan3A_77 = arith.constant 9 : i32
      %dma_wait3A_78 = arith.constant 0 : i32
      %dma_wait3A_79 = arith.constant 0 : i32
      %dma_wait3A_80 = tpu.memref_slice %arg3[%dma_wait3A_78, %dma_wait3A_79] : memref<10000x64xf32, #tpu.memory_space<hbm>> -> memref<10000x64xf32, #tpu.memory_space<hbm>>
      tpu.wait_indirect_dma semaphore(%arg18 : memref<!tpu.dma_semaphore, #tpu.memory_space<semaphore_mem>>) src(%dma_wait3A_80 : memref<10000x64xf32, #tpu.memory_space<hbm>>) dst(%arg15 : memref<500x64xf32, #tpu.memory_space<vmem>>)
      "tpu.trace_start"() <{level = 10 : i32, message = "sc_scat"}> : () -> ()
      "tpu.region"() ({
        %run_scoped3A = tpu.sem_alloc : memref<!tpu.dma_semaphore, #tpu.memory_space<semaphore_mem>>
        %dma_start3A_144 = arith.constant 0 : i32
        %dma_start3A_145 = arith.constant 0 : i32
        %dma_start3A_146 = tpu.memref_slice %arg17[%dma_start3A_144, %dma_start3A_145] : memref<10240x64xf32, #tpu.memory_space<vmem_shared>> -> memref<10240x64xf32, #tpu.memory_space<vmem_shared>>
        tpu.enqueue_indirect_dma source(%arg15 : memref<500x64xf32, #tpu.memory_space<vmem>>) target(%dma_start3A_146 : memref<10240x64xf32, #tpu.memory_space<vmem_shared>>) offsets(%arg11 : memref<500xi32, #tpu.memory_space<vmem>>) semaphore(%run_scoped3A : memref<!tpu.dma_semaphore, #tpu.memory_space<semaphore_mem>>) {add = true}
        %dma_wait3A_147 = arith.constant 0 : i32
        %dma_wait3A_148 = arith.constant 0 : i32
        %dma_wait3A_149 = tpu.memref_slice %arg17[%dma_wait3A_147, %dma_wait3A_148] : memref<10240x64xf32, #tpu.memory_space<vmem_shared>> -> memref<10240x64xf32, #tpu.memory_space<vmem_shared>>
        tpu.wait_indirect_dma semaphore(%run_scoped3A : memref<!tpu.dma_semaphore, #tpu.memory_space<semaphore_mem>>) src(%arg15 : memref<500x64xf32, #tpu.memory_space<vmem>>) dst(%dma_wait3A_149 : memref<10240x64xf32, #tpu.memory_space<vmem_shared>>)
        tpu.yield
      }) : () -> ()
      "tpu.trace_stop"() : () -> ()
      %add3A_81 = arith.constant 624 : i32
      %add3A_82 = arith.addi %arg1, %add3A_81 : i32
      %dma_start3A_83 = arith.constant 0 : i32
      %dma_start3A_84 = tpu.memref_slice %arg4[%add3A_82, %dma_start3A_83] : memref<640x500xi32, #tpu.memory_space<hbm>> -> memref<1x500xi32, #tpu.memory_space<hbm>>
      %dma_start3A_85 = tpu.memref_squeeze %dma_start3A_84 : memref<1x500xi32, #tpu.memory_space<hbm>> -> memref<500xi32, #tpu.memory_space<hbm>>
      %dma_start3A_86 = arith.constant 0 : i32
      %dma_start3A_87 = tpu.memref_slice %arg4[%add3A_82, %dma_start3A_86] : memref<640x500xi32, #tpu.memory_space<hbm>> -> memref<1x500xi32, #tpu.memory_space<hbm>>
      %dma_start3A_88 = tpu.memref_squeeze %dma_start3A_87 : memref<1x500xi32, #tpu.memory_space<hbm>> -> memref<500xi32, #tpu.memory_space<hbm>>
      tpu.enqueue_dma source(%dma_start3A_88 : memref<500xi32, #tpu.memory_space<hbm>>) target(%arg10 : memref<500xi32, #tpu.memory_space<vmem>>) target_semaphore(%arg23 : memref<!tpu.dma_semaphore, #tpu.memory_space<semaphore_mem>>)
      %add3A_89 = arith.constant 624 : i32
      %add3A_90 = arith.addi %arg1, %add3A_89 : i32
      %dma_start3A_91 = arith.constant 0 : i32
      %dma_start3A_92 = tpu.memref_slice %arg5[%add3A_90, %dma_start3A_91] : memref<640x500xi32, #tpu.memory_space<hbm>> -> memref<1x500xi32, #tpu.memory_space<hbm>>
      %dma_start3A_93 = tpu.memref_squeeze %dma_start3A_92 : memref<1x500xi32, #tpu.memory_space<hbm>> -> memref<500xi32, #tpu.memory_space<hbm>>
      %dma_start3A_94 = arith.constant 0 : i32
      %dma_start3A_95 = tpu.memref_slice %arg5[%add3A_90, %dma_start3A_94] : memref<640x500xi32, #tpu.memory_space<hbm>> -> memref<1x500xi32, #tpu.memory_space<hbm>>
      %dma_start3A_96 = tpu.memref_squeeze %dma_start3A_95 : memref<1x500xi32, #tpu.memory_space<hbm>> -> memref<500xi32, #tpu.memory_space<hbm>>
      tpu.enqueue_dma source(%dma_start3A_96 : memref<500xi32, #tpu.memory_space<hbm>>) target(%arg14 : memref<500xi32, #tpu.memory_space<vmem>>) target_semaphore(%arg23 : memref<!tpu.dma_semaphore, #tpu.memory_space<semaphore_mem>>)
      %add3A_97 = arith.constant 608 : i32
      %add3A_98 = arith.addi %arg1, %add3A_97 : i32
      %dma_wait3A_99 = arith.constant 0 : i32
      %dma_wait3A_100 = tpu.memref_slice %arg4[%add3A_98, %dma_wait3A_99] : memref<640x500xi32, #tpu.memory_space<hbm>> -> memref<1x500xi32, #tpu.memory_space<hbm>>
      %dma_wait3A_101 = tpu.memref_squeeze %dma_wait3A_100 : memref<1x500xi32, #tpu.memory_space<hbm>> -> memref<500xi32, #tpu.memory_space<hbm>>
      %dma_wait3A_102 = arith.constant 0 : i32
      %dma_wait3A_103 = tpu.memref_slice %arg4[%add3A_98, %dma_wait3A_102] : memref<640x500xi32, #tpu.memory_space<hbm>> -> memref<1x500xi32, #tpu.memory_space<hbm>>
      %dma_wait3A_104 = tpu.memref_squeeze %dma_wait3A_103 : memref<1x500xi32, #tpu.memory_space<hbm>> -> memref<500xi32, #tpu.memory_space<hbm>>
      tpu.wait_dma2 semaphore(%arg22 : memref<!tpu.dma_semaphore, #tpu.memory_space<semaphore_mem>>) src(%dma_wait3A_104 : memref<500xi32, #tpu.memory_space<hbm>>) dst(%arg9 : memref<500xi32, #tpu.memory_space<vmem>>)
      %add3A_105 = arith.constant 608 : i32
      %add3A_106 = arith.addi %arg1, %add3A_105 : i32
      %dma_wait3A_107 = arith.constant 0 : i32
      %dma_wait3A_108 = tpu.memref_slice %arg5[%add3A_106, %dma_wait3A_107] : memref<640x500xi32, #tpu.memory_space<hbm>> -> memref<1x500xi32, #tpu.memory_space<hbm>>
      %dma_wait3A_109 = tpu.memref_squeeze %dma_wait3A_108 : memref<1x500xi32, #tpu.memory_space<hbm>> -> memref<500xi32, #tpu.memory_space<hbm>>
      %dma_wait3A_110 = arith.constant 0 : i32
      %dma_wait3A_111 = tpu.memref_slice %arg5[%add3A_106, %dma_wait3A_110] : memref<640x500xi32, #tpu.memory_space<hbm>> -> memref<1x500xi32, #tpu.memory_space<hbm>>
      %dma_wait3A_112 = tpu.memref_squeeze %dma_wait3A_111 : memref<1x500xi32, #tpu.memory_space<hbm>> -> memref<500xi32, #tpu.memory_space<hbm>>
      tpu.wait_dma2 semaphore(%arg22 : memref<!tpu.dma_semaphore, #tpu.memory_space<semaphore_mem>>) src(%dma_wait3A_112 : memref<500xi32, #tpu.memory_space<hbm>>) dst(%arg13 : memref<500xi32, #tpu.memory_space<vmem>>)
      %dma_start3A_113 = arith.constant 0 : i32
      %dma_start3A_114 = arith.constant 0 : i32
      %dma_start3A_115 = tpu.memref_slice %arg3[%dma_start3A_113, %dma_start3A_114] : memref<10000x64xf32, #tpu.memory_space<hbm>> -> memref<10000x64xf32, #tpu.memory_space<hbm>>
      tpu.enqueue_indirect_dma source(%dma_start3A_115 : memref<10000x64xf32, #tpu.memory_space<hbm>>) target(%arg15 : memref<500x64xf32, #tpu.memory_space<vmem>>) offsets(%arg9 : memref<500xi32, #tpu.memory_space<vmem>>) semaphore(%arg18 : memref<!tpu.dma_semaphore, #tpu.memory_space<semaphore_mem>>)
      %dma_wait3A_116 = arith.constant 0 : i32
      %dma_wait3A_117 = arith.constant 0 : i32
      %dma_wait3A_118 = tpu.memref_slice %arg3[%dma_wait3A_116, %dma_wait3A_117] : memref<10000x64xf32, #tpu.memory_space<hbm>> -> memref<10000x64xf32, #tpu.memory_space<hbm>>
      tpu.wait_indirect_dma semaphore(%arg19 : memref<!tpu.dma_semaphore, #tpu.memory_space<semaphore_mem>>) src(%dma_wait3A_118 : memref<10000x64xf32, #tpu.memory_space<hbm>>) dst(%arg16 : memref<500x64xf32, #tpu.memory_space<vmem>>)
      "tpu.trace_start"() <{level = 10 : i32, message = "sc_scat"}> : () -> ()
      "tpu.region"() ({
        %run_scoped3A = tpu.sem_alloc : memref<!tpu.dma_semaphore, #tpu.memory_space<semaphore_mem>>
        %dma_start3A_144 = arith.constant 0 : i32
        %dma_start3A_145 = arith.constant 0 : i32
        %dma_start3A_146 = tpu.memref_slice %arg17[%dma_start3A_144, %dma_start3A_145] : memref<10240x64xf32, #tpu.memory_space<vmem_shared>> -> memref<10240x64xf32, #tpu.memory_space<vmem_shared>>
        tpu.enqueue_indirect_dma source(%arg16 : memref<500x64xf32, #tpu.memory_space<vmem>>) target(%dma_start3A_146 : memref<10240x64xf32, #tpu.memory_space<vmem_shared>>) offsets(%arg12 : memref<500xi32, #tpu.memory_space<vmem>>) semaphore(%run_scoped3A : memref<!tpu.dma_semaphore, #tpu.memory_space<semaphore_mem>>) {add = true}
        %dma_wait3A_147 = arith.constant 0 : i32
        %dma_wait3A_148 = arith.constant 0 : i32
        %dma_wait3A_149 = tpu.memref_slice %arg17[%dma_wait3A_147, %dma_wait3A_148] : memref<10240x64xf32, #tpu.memory_space<vmem_shared>> -> memref<10240x64xf32, #tpu.memory_space<vmem_shared>>
        tpu.wait_indirect_dma semaphore(%run_scoped3A : memref<!tpu.dma_semaphore, #tpu.memory_space<semaphore_mem>>) src(%arg16 : memref<500x64xf32, #tpu.memory_space<vmem>>) dst(%dma_wait3A_149 : memref<10240x64xf32, #tpu.memory_space<vmem_shared>>)
        tpu.yield
      }) : () -> ()
      "tpu.trace_stop"() : () -> ()
      %add3A_119 = arith.constant 624 : i32
      %add3A_120 = arith.addi %arg1, %add3A_119 : i32
      %dma_wait3A_121 = arith.constant 0 : i32
      %dma_wait3A_122 = tpu.memref_slice %arg4[%add3A_120, %dma_wait3A_121] : memref<640x500xi32, #tpu.memory_space<hbm>> -> memref<1x500xi32, #tpu.memory_space<hbm>>
      %dma_wait3A_123 = tpu.memref_squeeze %dma_wait3A_122 : memref<1x500xi32, #tpu.memory_space<hbm>> -> memref<500xi32, #tpu.memory_space<hbm>>
      %dma_wait3A_124 = arith.constant 0 : i32
      %dma_wait3A_125 = tpu.memref_slice %arg4[%add3A_120, %dma_wait3A_124] : memref<640x500xi32, #tpu.memory_space<hbm>> -> memref<1x500xi32, #tpu.memory_space<hbm>>
      %dma_wait3A_126 = tpu.memref_squeeze %dma_wait3A_125 : memref<1x500xi32, #tpu.memory_space<hbm>> -> memref<500xi32, #tpu.memory_space<hbm>>
      tpu.wait_dma2 semaphore(%arg23 : memref<!tpu.dma_semaphore, #tpu.memory_space<semaphore_mem>>) src(%dma_wait3A_126 : memref<500xi32, #tpu.memory_space<hbm>>) dst(%arg10 : memref<500xi32, #tpu.memory_space<vmem>>)
      %add3A_127 = arith.constant 624 : i32
      %add3A_128 = arith.addi %arg1, %add3A_127 : i32
      %dma_wait3A_129 = arith.constant 0 : i32
      %dma_wait3A_130 = tpu.memref_slice %arg5[%add3A_128, %dma_wait3A_129] : memref<640x500xi32, #tpu.memory_space<hbm>> -> memref<1x500xi32, #tpu.memory_space<hbm>>
      %dma_wait3A_131 = tpu.memref_squeeze %dma_wait3A_130 : memref<1x500xi32, #tpu.memory_space<hbm>> -> memref<500xi32, #tpu.memory_space<hbm>>
      %dma_wait3A_132 = arith.constant 0 : i32
      %dma_wait3A_133 = tpu.memref_slice %arg5[%add3A_128, %dma_wait3A_132] : memref<640x500xi32, #tpu.memory_space<hbm>> -> memref<1x500xi32, #tpu.memory_space<hbm>>
      %dma_wait3A_134 = tpu.memref_squeeze %dma_wait3A_133 : memref<1x500xi32, #tpu.memory_space<hbm>> -> memref<500xi32, #tpu.memory_space<hbm>>
      tpu.wait_dma2 semaphore(%arg23 : memref<!tpu.dma_semaphore, #tpu.memory_space<semaphore_mem>>) src(%dma_wait3A_134 : memref<500xi32, #tpu.memory_space<hbm>>) dst(%arg14 : memref<500xi32, #tpu.memory_space<vmem>>)
      %dma_start3A_135 = arith.constant 0 : i32
      %dma_start3A_136 = arith.constant 0 : i32
      %dma_start3A_137 = tpu.memref_slice %arg3[%dma_start3A_135, %dma_start3A_136] : memref<10000x64xf32, #tpu.memory_space<hbm>> -> memref<10000x64xf32, #tpu.memory_space<hbm>>
      tpu.enqueue_indirect_dma source(%dma_start3A_137 : memref<10000x64xf32, #tpu.memory_space<hbm>>) target(%arg16 : memref<500x64xf32, #tpu.memory_space<vmem>>) offsets(%arg10 : memref<500xi32, #tpu.memory_space<vmem>>) semaphore(%arg19 : memref<!tpu.dma_semaphore, #tpu.memory_space<semaphore_mem>>)
      %dma_wait3A_138 = arith.constant 0 : i32
      %dma_wait3A_139 = arith.constant 0 : i32
      %dma_wait3A_140 = tpu.memref_slice %arg3[%dma_wait3A_138, %dma_wait3A_139] : memref<10000x64xf32, #tpu.memory_space<hbm>> -> memref<10000x64xf32, #tpu.memory_space<hbm>>
      tpu.wait_indirect_dma semaphore(%arg18 : memref<!tpu.dma_semaphore, #tpu.memory_space<semaphore_mem>>) src(%dma_wait3A_140 : memref<10000x64xf32, #tpu.memory_space<hbm>>) dst(%arg15 : memref<500x64xf32, #tpu.memory_space<vmem>>)
      "tpu.trace_start"() <{level = 10 : i32, message = "sc_scat"}> : () -> ()
      "tpu.region"() ({
        %run_scoped3A = tpu.sem_alloc : memref<!tpu.dma_semaphore, #tpu.memory_space<semaphore_mem>>
        %dma_start3A_144 = arith.constant 0 : i32
        %dma_start3A_145 = arith.constant 0 : i32
        %dma_start3A_146 = tpu.memref_slice %arg17[%dma_start3A_144, %dma_start3A_145] : memref<10240x64xf32, #tpu.memory_space<vmem_shared>> -> memref<10240x64xf32, #tpu.memory_space<vmem_shared>>
        tpu.enqueue_indirect_dma source(%arg15 : memref<500x64xf32, #tpu.memory_space<vmem>>) target(%dma_start3A_146 : memref<10240x64xf32, #tpu.memory_space<vmem_shared>>) offsets(%arg13 : memref<500xi32, #tpu.memory_space<vmem>>) semaphore(%run_scoped3A : memref<!tpu.dma_semaphore, #tpu.memory_space<semaphore_mem>>) {add = true}
        %dma_wait3A_147 = arith.constant 0 : i32
        %dma_wait3A_148 = arith.constant 0 : i32
        %dma_wait3A_149 = tpu.memref_slice %arg17[%dma_wait3A_147, %dma_wait3A_148] : memref<10240x64xf32, #tpu.memory_space<vmem_shared>> -> memref<10240x64xf32, #tpu.memory_space<vmem_shared>>
        tpu.wait_indirect_dma semaphore(%run_scoped3A : memref<!tpu.dma_semaphore, #tpu.memory_space<semaphore_mem>>) src(%arg15 : memref<500x64xf32, #tpu.memory_space<vmem>>) dst(%dma_wait3A_149 : memref<10240x64xf32, #tpu.memory_space<vmem_shared>>)
        tpu.yield
      }) : () -> ()
      "tpu.trace_stop"() : () -> ()
      %dma_wait3A_141 = arith.constant 0 : i32
      %dma_wait3A_142 = arith.constant 0 : i32
      %dma_wait3A_143 = tpu.memref_slice %arg3[%dma_wait3A_141, %dma_wait3A_142] : memref<10000x64xf32, #tpu.memory_space<hbm>> -> memref<10000x64xf32, #tpu.memory_space<hbm>>
      tpu.wait_indirect_dma semaphore(%arg19 : memref<!tpu.dma_semaphore, #tpu.memory_space<semaphore_mem>>) src(%dma_wait3A_143 : memref<10000x64xf32, #tpu.memory_space<hbm>>) dst(%arg16 : memref<500x64xf32, #tpu.memory_space<vmem>>)
      "tpu.trace_start"() <{level = 10 : i32, message = "sc_scat"}> : () -> ()
      "tpu.region"() ({
        %run_scoped3A = tpu.sem_alloc : memref<!tpu.dma_semaphore, #tpu.memory_space<semaphore_mem>>
        %dma_start3A_144 = arith.constant 0 : i32
        %dma_start3A_145 = arith.constant 0 : i32
        %dma_start3A_146 = tpu.memref_slice %arg17[%dma_start3A_144, %dma_start3A_145] : memref<10240x64xf32, #tpu.memory_space<vmem_shared>> -> memref<10240x64xf32, #tpu.memory_space<vmem_shared>>
        tpu.enqueue_indirect_dma source(%arg16 : memref<500x64xf32, #tpu.memory_space<vmem>>) target(%dma_start3A_146 : memref<10240x64xf32, #tpu.memory_space<vmem_shared>>) offsets(%arg14 : memref<500xi32, #tpu.memory_space<vmem>>) semaphore(%run_scoped3A : memref<!tpu.dma_semaphore, #tpu.memory_space<semaphore_mem>>) {add = true}
        %dma_wait3A_147 = arith.constant 0 : i32
        %dma_wait3A_148 = arith.constant 0 : i32
        %dma_wait3A_149 = tpu.memref_slice %arg17[%dma_wait3A_147, %dma_wait3A_148] : memref<10240x64xf32, #tpu.memory_space<vmem_shared>> -> memref<10240x64xf32, #tpu.memory_space<vmem_shared>>
        tpu.wait_indirect_dma semaphore(%run_scoped3A : memref<!tpu.dma_semaphore, #tpu.memory_space<semaphore_mem>>) src(%arg16 : memref<500x64xf32, #tpu.memory_space<vmem>>) dst(%dma_wait3A_149 : memref<10240x64xf32, #tpu.memory_space<vmem_shared>>)
        tpu.yield
      }) : () -> ()
      "tpu.trace_stop"() : () -> ()
    } else {
    }
    %barrier3A_15 = arith.constant 0 : index
    tpu.barrier barrier_id(%barrier3A_15)
    "tpu.trace_start"() <{level = 10 : i32, message = "sc_out"}> : () -> ()
    "tpu.region"() ({
      %run_scoped3A = tpu.sem_alloc : memref<!tpu.dma_semaphore, #tpu.memory_space<semaphore_mem>>
      %dma_start3A = arith.constant 0 : i32
      %dma_start3A_16 = tpu.memref_slice %arg6[%arg0, %mul3A_0, %dma_start3A] : memref<2x10240x64xf32, #tpu.memory_space<hbm>> -> memref<1x640x64xf32, #tpu.memory_space<hbm>>
      %dma_start3A_17 = tpu.memref_squeeze %dma_start3A_16 : memref<1x640x64xf32, #tpu.memory_space<hbm>> -> memref<640x64xf32, #tpu.memory_space<hbm>>
      %dma_start3A_18 = arith.constant 0 : i32
      %dma_start3A_19 = tpu.memref_slice %arg17[%mul3A_0, %dma_start3A_18] : memref<10240x64xf32, #tpu.memory_space<vmem_shared>> -> memref<640x64xf32, #tpu.memory_space<vmem_shared>>
      tpu.enqueue_dma source(%dma_start3A_19 : memref<640x64xf32, #tpu.memory_space<vmem_shared>>) target(%dma_start3A_17 : memref<640x64xf32, #tpu.memory_space<hbm>>) target_semaphore(%run_scoped3A : memref<!tpu.dma_semaphore, #tpu.memory_space<semaphore_mem>>)
      %dma_wait3A = arith.constant 0 : i32
      %dma_wait3A_20 = tpu.memref_slice %arg6[%arg0, %mul3A_0, %dma_wait3A] : memref<2x10240x64xf32, #tpu.memory_space<hbm>> -> memref<1x640x64xf32, #tpu.memory_space<hbm>>
      %dma_wait3A_21 = tpu.memref_squeeze %dma_wait3A_20 : memref<1x640x64xf32, #tpu.memory_space<hbm>> -> memref<640x64xf32, #tpu.memory_space<hbm>>
      %dma_wait3A_22 = arith.constant 0 : i32
      %dma_wait3A_23 = tpu.memref_slice %arg17[%mul3A_0, %dma_wait3A_22] : memref<10240x64xf32, #tpu.memory_space<vmem_shared>> -> memref<640x64xf32, #tpu.memory_space<vmem_shared>>
      tpu.wait_dma2 semaphore(%run_scoped3A : memref<!tpu.dma_semaphore, #tpu.memory_space<semaphore_mem>>) src(%dma_wait3A_23 : memref<640x64xf32, #tpu.memory_space<vmem_shared>>) dst(%dma_wait3A_21 : memref<640x64xf32, #tpu.memory_space<hbm>>)
      tpu.yield
    }) : () -> ()
    "tpu.trace_stop"() : () -> ()
    return
  }
}

#map = affine_map<(d0, d1) -> (0, 0)>
#map1 = affine_map<(d0, d1) -> (0, 0, 0)>
module attributes {stable_mosaic.version = 14 : i64} {
  func.func @_sc_scatter_body(%arg0: i32, %arg1: i32, %arg2: memref<10000x64xf32, #tpu.memory_space<hbm>>, %arg3: memref<10000x64xf32, #tpu.memory_space<hbm>>, %arg4: memref<640x500xi32, #tpu.memory_space<hbm>>, %arg5: memref<640x500xi32, #tpu.memory_space<hbm>>, %arg6: memref<2x10240x64xf32, #tpu.memory_space<hbm>>, %arg7: memref<500xi32, #tpu.memory_space<vmem>>, %arg8: memref<500xi32, #tpu.memory_space<vmem>>, %arg9: memref<500xi32, #tpu.memory_space<vmem>>, %arg10: memref<500xi32, #tpu.memory_space<vmem>>, %arg11: memref<500xi32, #tpu.memory_space<vmem>>, %arg12: memref<500xi32, #tpu.memory_space<vmem>>, %arg13: memref<500xi32, #tpu.memory_space<vmem>>, %arg14: memref<500xi32, #tpu.memory_space<vmem>>, %arg15: memref<500x64xf32, #tpu.memory_space<vmem>>, %arg16: memref<500x64xf32, #tpu.memory_space<vmem>>, %arg17: memref<10240x64xf32, #tpu.memory_space<vmem_shared>>, %arg18: memref<!tpu.dma_semaphore, #tpu.memory_space<semaphore_mem>>, %arg19: memref<!tpu.dma_semaphore, #tpu.memory_space<semaphore_mem>>, %arg20: memref<!tpu.dma_semaphore, #tpu.memory_space<semaphore_mem>>, %arg21: memref<!tpu.dma_semaphore, #tpu.memory_space<semaphore_mem>>, %arg22: memref<!tpu.dma_semaphore, #tpu.memory_space<semaphore_mem>>, %arg23: memref<!tpu.dma_semaphore, #tpu.memory_space<semaphore_mem>>) attributes {dimension_semantics = [#tpu.dimension_semantics<core_parallel>, #tpu.dimension_semantics<subcore_parallel>], iteration_bounds = array<i64: 2, 16>, scalar_prefetch = 0 : i64, scratch_operands = 17 : i64, tpu.core_type = #tpu.core_type<sc_vector_subcore>, window_params = [{transform_indices = #map}, {transform_indices = #map}, {transform_indices = #map}, {transform_indices = #map}, {transform_indices = #map1}]} {
    %mul3A = arith.constant 640 : i32
    %mul3A_0 = arith.muli %arg1, %mul3A : i32
    %broadcast_in_dim3A = arith.constant 0.000000e+00 : f32
    "tpu.trace_start"() <{level = 10 : i32, message = "sc_zero"}> : () -> ()
    %broadcast_in_dim3A_1 = vector.broadcast %broadcast_in_dim3A : f32 to vector<16xf32>
    %scan3A = arith.constant 0 : i32
    %scan3A_2 = arith.constant 0 : i32
    %scan3A_3 = arith.constant 320 : i32
    %scan3A_4 = arith.addi %scan3A_2, %scan3A_3 : i32
    %scan3A_5 = arith.constant 1 : i32
    scf.for %scan3A_16 = %scan3A_2 to %scan3A_4 step %scan3A_5  : i32 {
      %swap3A = arith.index_cast %scan3A_16 : i32 to index
      %swap3A_17 = arith.constant 0 : index
      %swap3A_18 = tpu.vector_load %arg15[%swap3A, %swap3A_17] {strides = array<i32>} : memref<500x64xf32, #tpu.memory_space<vmem>>, vector<1x16xf32>,
      %swap3A_19 = vector.shape_cast %swap3A_18 : vector<1x16xf32> to vector<16xf32>
      %swap3A_20 = vector.shape_cast %broadcast_in_dim3A_1 : vector<16xf32> to vector<1x16xf32>
      tpu.vector_store %arg15[%swap3A, %swap3A_17], %swap3A_20 {strides = array<i32>} : memref<500x64xf32, #tpu.memory_space<vmem>>, vector<1x16xf32>,
      %swap3A_21 = arith.index_cast %scan3A_16 : i32 to index
      %swap3A_22 = arith.constant 16 : index
      %swap3A_23 = tpu.vector_load %arg15[%swap3A_21, %swap3A_22] {strides = array<i32>} : memref<500x64xf32, #tpu.memory_space<vmem>>, vector<1x16xf32>,
      %swap3A_24 = vector.shape_cast %swap3A_23 : vector<1x16xf32> to vector<16xf32>
      %swap3A_25 = vector.shape_cast %broadcast_in_dim3A_1 : vector<16xf32> to vector<1x16xf32>
      tpu.vector_store %arg15[%swap3A_21, %swap3A_22], %swap3A_25 {strides = array<i32>} : memref<500x64xf32, #tpu.memory_space<vmem>>, vector<1x16xf32>,
      %swap3A_26 = arith.index_cast %scan3A_16 : i32 to index
      %swap3A_27 = arith.constant 32 : index
      %swap3A_28 = tpu.vector_load %arg15[%swap3A_26, %swap3A_27] {strides = array<i32>} : memref<500x64xf32, #tpu.memory_space<vmem>>, vector<1x16xf32>,
      %swap3A_29 = vector.shape_cast %swap3A_28 : vector<1x16xf32> to vector<16xf32>
      %swap3A_30 = vector.shape_cast %broadcast_in_dim3A_1 : vector<16xf32> to vector<1x16xf32>
      tpu.vector_store %arg15[%swap3A_26, %swap3A_27], %swap3A_30 {strides = array<i32>} : memref<500x64xf32, #tpu.memory_space<vmem>>, vector<1x16xf32>,
      %swap3A_31 = arith.index_cast %scan3A_16 : i32 to index
      %swap3A_32 = arith.constant 48 : index
      %swap3A_33 = tpu.vector_load %arg15[%swap3A_31, %swap3A_32] {strides = array<i32>} : memref<500x64xf32, #tpu.memory_space<vmem>>, vector<1x16xf32>,
      %swap3A_34 = vector.shape_cast %swap3A_33 : vector<1x16xf32> to vector<16xf32>
      %swap3A_35 = vector.shape_cast %broadcast_in_dim3A_1 : vector<16xf32> to vector<1x16xf32>
      tpu.vector_store %arg15[%swap3A_31, %swap3A_32], %swap3A_35 {strides = array<i32>} : memref<500x64xf32, #tpu.memory_space<vmem>>, vector<1x16xf32>,
    }
    %scan3A_6 = arith.constant 320 : i32
    "tpu.region"() ({
      %run_scoped3A = tpu.sem_alloc : memref<!tpu.dma_semaphore, #tpu.memory_space<semaphore_mem>>
      %dma_start3A = arith.constant 0 : i32
      %dma_start3A_16 = arith.constant 0 : i32
      %dma_start3A_17 = tpu.memref_slice %arg15[%dma_start3A, %dma_start3A_16] : memref<500x64xf32, #tpu.memory_space<vmem>> -> memref<320x64xf32, #tpu.memory_space<vmem>>
      %dma_start3A_18 = arith.constant 0 : i32
      %dma_start3A_19 = tpu.memref_slice %arg17[%mul3A_0, %dma_start3A_18] : memref<10240x64xf32, #tpu.memory_space<vmem_shared>> -> memref<320x64xf32, #tpu.memory_space<vmem_shared>>
      %dma_start3A_20 = arith.constant 0 : i32
      %dma_start3A_21 = tpu.memref_slice %arg17[%mul3A_0, %dma_start3A_20] : memref<10240x64xf32, #tpu.memory_space<vmem_shared>> -> memref<320x64xf32, #tpu.memory_space<vmem_shared>>
      %dma_start3A_22 = arith.constant 0 : i32
      %dma_start3A_23 = arith.constant 0 : i32
      %dma_start3A_24 = tpu.memref_slice %arg15[%dma_start3A_22, %dma_start3A_23] : memref<500x64xf32, #tpu.memory_space<vmem>> -> memref<320x64xf32, #tpu.memory_space<vmem>>
      tpu.enqueue_dma source(%dma_start3A_24 : memref<320x64xf32, #tpu.memory_space<vmem>>) target(%dma_start3A_21 : memref<320x64xf32, #tpu.memory_space<vmem_shared>>) target_semaphore(%run_scoped3A : memref<!tpu.dma_semaphore, #tpu.memory_space<semaphore_mem>>)
      %dma_wait3A = arith.constant 0 : i32
      %dma_wait3A_25 = arith.constant 0 : i32
      %dma_wait3A_26 = tpu.memref_slice %arg15[%dma_wait3A, %dma_wait3A_25] : memref<500x64xf32, #tpu.memory_space<vmem>> -> memref<320x64xf32, #tpu.memory_space<vmem>>
      %dma_wait3A_27 = arith.constant 0 : i32
      %dma_wait3A_28 = tpu.memref_slice %arg17[%mul3A_0, %dma_wait3A_27] : memref<10240x64xf32, #tpu.memory_space<vmem_shared>> -> memref<320x64xf32, #tpu.memory_space<vmem_shared>>
      %dma_wait3A_29 = arith.constant 0 : i32
      %dma_wait3A_30 = tpu.memref_slice %arg17[%mul3A_0, %dma_wait3A_29] : memref<10240x64xf32, #tpu.memory_space<vmem_shared>> -> memref<320x64xf32, #tpu.memory_space<vmem_shared>>
      %dma_wait3A_31 = arith.constant 0 : i32
      %dma_wait3A_32 = arith.constant 0 : i32
      %dma_wait3A_33 = tpu.memref_slice %arg15[%dma_wait3A_31, %dma_wait3A_32] : memref<500x64xf32, #tpu.memory_space<vmem>> -> memref<320x64xf32, #tpu.memory_space<vmem>>
      tpu.wait_dma2 semaphore(%run_scoped3A : memref<!tpu.dma_semaphore, #tpu.memory_space<semaphore_mem>>) src(%dma_wait3A_33 : memref<320x64xf32, #tpu.memory_space<vmem>>) dst(%dma_wait3A_30 : memref<320x64xf32, #tpu.memory_space<vmem_shared>>)
      tpu.yield
    }) : () -> ()
    %add3A = arith.constant 320 : i32
    %add3A_7 = arith.addi %mul3A_0, %add3A : i32
    "tpu.region"() ({
      %run_scoped3A = tpu.sem_alloc : memref<!tpu.dma_semaphore, #tpu.memory_space<semaphore_mem>>
      %dma_start3A = arith.constant 0 : i32
      %dma_start3A_16 = arith.constant 0 : i32
      %dma_start3A_17 = tpu.memref_slice %arg15[%dma_start3A, %dma_start3A_16] : memref<500x64xf32, #tpu.memory_space<vmem>> -> memref<320x64xf32, #tpu.memory_space<vmem>>
      %dma_start3A_18 = arith.constant 0 : i32
      %dma_start3A_19 = tpu.memref_slice %arg17[%add3A_7, %dma_start3A_18] : memref<10240x64xf32, #tpu.memory_space<vmem_shared>> -> memref<320x64xf32, #tpu.memory_space<vmem_shared>>
      %dma_start3A_20 = arith.constant 0 : i32
      %dma_start3A_21 = tpu.memref_slice %arg17[%add3A_7, %dma_start3A_20] : memref<10240x64xf32, #tpu.memory_space<vmem_shared>> -> memref<320x64xf32, #tpu.memory_space<vmem_shared>>
      %dma_start3A_22 = arith.constant 0 : i32
      %dma_start3A_23 = arith.constant 0 : i32
      %dma_start3A_24 = tpu.memref_slice %arg15[%dma_start3A_22, %dma_start3A_23] : memref<500x64xf32, #tpu.memory_space<vmem>> -> memref<320x64xf32, #tpu.memory_space<vmem>>
      tpu.enqueue_dma source(%dma_start3A_24 : memref<320x64xf32, #tpu.memory_space<vmem>>) target(%dma_start3A_21 : memref<320x64xf32, #tpu.memory_space<vmem_shared>>) target_semaphore(%run_scoped3A : memref<!tpu.dma_semaphore, #tpu.memory_space<semaphore_mem>>)
      %dma_wait3A = arith.constant 0 : i32
      %dma_wait3A_25 = arith.constant 0 : i32
      %dma_wait3A_26 = tpu.memref_slice %arg15[%dma_wait3A, %dma_wait3A_25] : memref<500x64xf32, #tpu.memory_space<vmem>> -> memref<320x64xf32, #tpu.memory_space<vmem>>
      %dma_wait3A_27 = arith.constant 0 : i32
      %dma_wait3A_28 = tpu.memref_slice %arg17[%add3A_7, %dma_wait3A_27] : memref<10240x64xf32, #tpu.memory_space<vmem_shared>> -> memref<320x64xf32, #tpu.memory_space<vmem_shared>>
      %dma_wait3A_29 = arith.constant 0 : i32
      %dma_wait3A_30 = tpu.memref_slice %arg17[%add3A_7, %dma_wait3A_29] : memref<10240x64xf32, #tpu.memory_space<vmem_shared>> -> memref<320x64xf32, #tpu.memory_space<vmem_shared>>
      %dma_wait3A_31 = arith.constant 0 : i32
      %dma_wait3A_32 = arith.constant 0 : i32
      %dma_wait3A_33 = tpu.memref_slice %arg15[%dma_wait3A_31, %dma_wait3A_32] : memref<500x64xf32, #tpu.memory_space<vmem>> -> memref<320x64xf32, #tpu.memory_space<vmem>>
      tpu.wait_dma2 semaphore(%run_scoped3A : memref<!tpu.dma_semaphore, #tpu.memory_space<semaphore_mem>>) src(%dma_wait3A_33 : memref<320x64xf32, #tpu.memory_space<vmem>>) dst(%dma_wait3A_30 : memref<320x64xf32, #tpu.memory_space<vmem_shared>>)
      tpu.yield
    }) : () -> ()
    %barrier3A = arith.constant 0 : index
    tpu.barrier barrier_id(%barrier3A)
    %eq3A = arith.constant 0 : i32
    "tpu.trace_stop"() : () -> ()
    %eq3A_8 = arith.cmpi eq, %arg0, %eq3A : i32
    %convert_element_type3A = arith.extui %eq3A_8 : i1 to i32
    %cond3A = arith.constant 0 : i32
    %cond3A_9 = arith.cmpi ne, %convert_element_type3A, %cond3A : i32
    scf.if %cond3A_9 {
      %add3A_16 = arith.constant 0 : i32
      %add3A_17 = arith.addi %arg1, %add3A_16 : i32
      "tpu.region"() ({
        %run_scoped3A = tpu.sem_alloc : memref<!tpu.dma_semaphore, #tpu.memory_space<semaphore_mem>>
        %dma_start3A_144 = arith.constant 0 : i32
        %dma_start3A_145 = tpu.memref_slice %arg4[%add3A_17, %dma_start3A_144] : memref<640x500xi32, #tpu.memory_space<hbm>> -> memref<1x500xi32, #tpu.memory_space<hbm>>
        %dma_start3A_146 = tpu.memref_squeeze %dma_start3A_145 : memref<1x500xi32, #tpu.memory_space<hbm>> -> memref<500xi32, #tpu.memory_space<hbm>>
        %dma_start3A_147 = arith.constant 0 : i32
        %dma_start3A_148 = tpu.memref_slice %arg4[%add3A_17, %dma_start3A_147] : memref<640x500xi32, #tpu.memory_space<hbm>> -> memref<1x500xi32, #tpu.memory_space<hbm>>
        %dma_start3A_149 = tpu.memref_squeeze %dma_start3A_148 : memref<1x500xi32, #tpu.memory_space<hbm>> -> memref<500xi32, #tpu.memory_space<hbm>>
        tpu.enqueue_dma source(%dma_start3A_149 : memref<500xi32, #tpu.memory_space<hbm>>) target(%arg7 : memref<500xi32, #tpu.memory_space<vmem>>) target_semaphore(%run_scoped3A : memref<!tpu.dma_semaphore, #tpu.memory_space<semaphore_mem>>)
        %dma_wait3A_150 = arith.constant 0 : i32
        %dma_wait3A_151 = tpu.memref_slice %arg4[%add3A_17, %dma_wait3A_150] : memref<640x500xi32, #tpu.memory_space<hbm>> -> memref<1x500xi32, #tpu.memory_space<hbm>>
        %dma_wait3A_152 = tpu.memref_squeeze %dma_wait3A_151 : memref<1x500xi32, #tpu.memory_space<hbm>> -> memref<500xi32, #tpu.memory_space<hbm>>
        %dma_wait3A_153 = arith.constant 0 : i32
        %dma_wait3A_154 = tpu.memref_slice %arg4[%add3A_17, %dma_wait3A_153] : memref<640x500xi32, #tpu.memory_space<hbm>> -> memref<1x500xi32, #tpu.memory_space<hbm>>
        %dma_wait3A_155 = tpu.memref_squeeze %dma_wait3A_154 : memref<1x500xi32, #tpu.memory_space<hbm>> -> memref<500xi32, #tpu.memory_space<hbm>>
        tpu.wait_dma2 semaphore(%run_scoped3A : memref<!tpu.dma_semaphore, #tpu.memory_space<semaphore_mem>>) src(%dma_wait3A_155 : memref<500xi32, #tpu.memory_space<hbm>>) dst(%arg7 : memref<500xi32, #tpu.memory_space<vmem>>)
        tpu.yield
      }) : () -> ()
      %add3A_18 = arith.constant 0 : i32
      %add3A_19 = arith.addi %arg1, %add3A_18 : i32
      "tpu.region"() ({
        %run_scoped3A = tpu.sem_alloc : memref<!tpu.dma_semaphore, #tpu.memory_space<semaphore_mem>>
        %dma_start3A_144 = arith.constant 0 : i32
        %dma_start3A_145 = tpu.memref_slice %arg5[%add3A_19, %dma_start3A_144] : memref<640x500xi32, #tpu.memory_space<hbm>> -> memref<1x500xi32, #tpu.memory_space<hbm>>
        %dma_start3A_146 = tpu.memref_squeeze %dma_start3A_145 : memref<1x500xi32, #tpu.memory_space<hbm>> -> memref<500xi32, #tpu.memory_space<hbm>>
        %dma_start3A_147 = arith.constant 0 : i32
        %dma_start3A_148 = tpu.memref_slice %arg5[%add3A_19, %dma_start3A_147] : memref<640x500xi32, #tpu.memory_space<hbm>> -> memref<1x500xi32, #tpu.memory_space<hbm>>
        %dma_start3A_149 = tpu.memref_squeeze %dma_start3A_148 : memref<1x500xi32, #tpu.memory_space<hbm>> -> memref<500xi32, #tpu.memory_space<hbm>>
        tpu.enqueue_dma source(%dma_start3A_149 : memref<500xi32, #tpu.memory_space<hbm>>) target(%arg11 : memref<500xi32, #tpu.memory_space<vmem>>) target_semaphore(%run_scoped3A : memref<!tpu.dma_semaphore, #tpu.memory_space<semaphore_mem>>)
        %dma_wait3A_150 = arith.constant 0 : i32
        %dma_wait3A_151 = tpu.memref_slice %arg5[%add3A_19, %dma_wait3A_150] : memref<640x500xi32, #tpu.memory_space<hbm>> -> memref<1x500xi32, #tpu.memory_space<hbm>>
        %dma_wait3A_152 = tpu.memref_squeeze %dma_wait3A_151 : memref<1x500xi32, #tpu.memory_space<hbm>> -> memref<500xi32, #tpu.memory_space<hbm>>
        %dma_wait3A_153 = arith.constant 0 : i32
        %dma_wait3A_154 = tpu.memref_slice %arg5[%add3A_19, %dma_wait3A_153] : memref<640x500xi32, #tpu.memory_space<hbm>> -> memref<1x500xi32, #tpu.memory_space<hbm>>
        %dma_wait3A_155 = tpu.memref_squeeze %dma_wait3A_154 : memref<1x500xi32, #tpu.memory_space<hbm>> -> memref<500xi32, #tpu.memory_space<hbm>>
        tpu.wait_dma2 semaphore(%run_scoped3A : memref<!tpu.dma_semaphore, #tpu.memory_space<semaphore_mem>>) src(%dma_wait3A_155 : memref<500xi32, #tpu.memory_space<hbm>>) dst(%arg11 : memref<500xi32, #tpu.memory_space<vmem>>)
        tpu.yield
      }) : () -> ()
      %add3A_20 = arith.constant 16 : i32
      %add3A_21 = arith.addi %arg1, %add3A_20 : i32
      %dma_start3A = arith.constant 0 : i32
      %dma_start3A_22 = tpu.memref_slice %arg4[%add3A_21, %dma_start3A] : memref<640x500xi32, #tpu.memory_space<hbm>> -> memref<1x500xi32, #tpu.memory_space<hbm>>
      %dma_start3A_23 = tpu.memref_squeeze %dma_start3A_22 : memref<1x500xi32, #tpu.memory_space<hbm>> -> memref<500xi32, #tpu.memory_space<hbm>>
      %dma_start3A_24 = arith.constant 0 : i32
      %dma_start3A_25 = tpu.memref_slice %arg4[%add3A_21, %dma_start3A_24] : memref<640x500xi32, #tpu.memory_space<hbm>> -> memref<1x500xi32, #tpu.memory_space<hbm>>
      %dma_start3A_26 = tpu.memref_squeeze %dma_start3A_25 : memref<1x500xi32, #tpu.memory_space<hbm>> -> memref<500xi32, #tpu.memory_space<hbm>>
      tpu.enqueue_dma source(%dma_start3A_26 : memref<500xi32, #tpu.memory_space<hbm>>) target(%arg8 : memref<500xi32, #tpu.memory_space<vmem>>) target_semaphore(%arg21 : memref<!tpu.dma_semaphore, #tpu.memory_space<semaphore_mem>>)
      %add3A_27 = arith.constant 16 : i32
      %add3A_28 = arith.addi %arg1, %add3A_27 : i32
      %dma_start3A_29 = arith.constant 0 : i32
      %dma_start3A_30 = tpu.memref_slice %arg5[%add3A_28, %dma_start3A_29] : memref<640x500xi32, #tpu.memory_space<hbm>> -> memref<1x500xi32, #tpu.memory_space<hbm>>
      %dma_start3A_31 = tpu.memref_squeeze %dma_start3A_30 : memref<1x500xi32, #tpu.memory_space<hbm>> -> memref<500xi32, #tpu.memory_space<hbm>>
      %dma_start3A_32 = arith.constant 0 : i32
      %dma_start3A_33 = tpu.memref_slice %arg5[%add3A_28, %dma_start3A_32] : memref<640x500xi32, #tpu.memory_space<hbm>> -> memref<1x500xi32, #tpu.memory_space<hbm>>
      %dma_start3A_34 = tpu.memref_squeeze %dma_start3A_33 : memref<1x500xi32, #tpu.memory_space<hbm>> -> memref<500xi32, #tpu.memory_space<hbm>>
      tpu.enqueue_dma source(%dma_start3A_34 : memref<500xi32, #tpu.memory_space<hbm>>) target(%arg12 : memref<500xi32, #tpu.memory_space<vmem>>) target_semaphore(%arg21 : memref<!tpu.dma_semaphore, #tpu.memory_space<semaphore_mem>>)
      %add3A_35 = arith.constant 32 : i32
      %add3A_36 = arith.addi %arg1, %add3A_35 : i32
      %dma_start3A_37 = arith.constant 0 : i32
      %dma_start3A_38 = tpu.memref_slice %arg4[%add3A_36, %dma_start3A_37] : memref<640x500xi32, #tpu.memory_space<hbm>> -> memref<1x500xi32, #tpu.memory_space<hbm>>
      %dma_start3A_39 = tpu.memref_squeeze %dma_start3A_38 : memref<1x500xi32, #tpu.memory_space<hbm>> -> memref<500xi32, #tpu.memory_space<hbm>>
      %dma_start3A_40 = arith.constant 0 : i32
      %dma_start3A_41 = tpu.memref_slice %arg4[%add3A_36, %dma_start3A_40] : memref<640x500xi32, #tpu.memory_space<hbm>> -> memref<1x500xi32, #tpu.memory_space<hbm>>
      %dma_start3A_42 = tpu.memref_squeeze %dma_start3A_41 : memref<1x500xi32, #tpu.memory_space<hbm>> -> memref<500xi32, #tpu.memory_space<hbm>>
      tpu.enqueue_dma source(%dma_start3A_42 : memref<500xi32, #tpu.memory_space<hbm>>) target(%arg9 : memref<500xi32, #tpu.memory_space<vmem>>) target_semaphore(%arg22 : memref<!tpu.dma_semaphore, #tpu.memory_space<semaphore_mem>>)
      %add3A_43 = arith.constant 32 : i32
      %add3A_44 = arith.addi %arg1, %add3A_43 : i32
      %dma_start3A_45 = arith.constant 0 : i32
      %dma_start3A_46 = tpu.memref_slice %arg5[%add3A_44, %dma_start3A_45] : memref<640x500xi32, #tpu.memory_space<hbm>> -> memref<1x500xi32, #tpu.memory_space<hbm>>
      %dma_start3A_47 = tpu.memref_squeeze %dma_start3A_46 : memref<1x500xi32, #tpu.memory_space<hbm>> -> memref<500xi32, #tpu.memory_space<hbm>>
      %dma_start3A_48 = arith.constant 0 : i32
      %dma_start3A_49 = tpu.memref_slice %arg5[%add3A_44, %dma_start3A_48] : memref<640x500xi32, #tpu.memory_space<hbm>> -> memref<1x500xi32, #tpu.memory_space<hbm>>
      %dma_start3A_50 = tpu.memref_squeeze %dma_start3A_49 : memref<1x500xi32, #tpu.memory_space<hbm>> -> memref<500xi32, #tpu.memory_space<hbm>>
      tpu.enqueue_dma source(%dma_start3A_50 : memref<500xi32, #tpu.memory_space<hbm>>) target(%arg13 : memref<500xi32, #tpu.memory_space<vmem>>) target_semaphore(%arg22 : memref<!tpu.dma_semaphore, #tpu.memory_space<semaphore_mem>>)
      %dma_start3A_51 = arith.constant 0 : i32
      %dma_start3A_52 = arith.constant 0 : i32
      %dma_start3A_53 = tpu.memref_slice %arg2[%dma_start3A_51, %dma_start3A_52] : memref<10000x64xf32, #tpu.memory_space<hbm>> -> memref<10000x64xf32, #tpu.memory_space<hbm>>
      tpu.enqueue_indirect_dma source(%dma_start3A_53 : memref<10000x64xf32, #tpu.memory_space<hbm>>) target(%arg15 : memref<500x64xf32, #tpu.memory_space<vmem>>) offsets(%arg7 : memref<500xi32, #tpu.memory_space<vmem>>) semaphore(%arg18 : memref<!tpu.dma_semaphore, #tpu.memory_space<semaphore_mem>>)
      %add3A_54 = arith.constant 16 : i32
      %add3A_55 = arith.addi %arg1, %add3A_54 : i32
      %dma_wait3A = arith.constant 0 : i32
      %dma_wait3A_56 = tpu.memref_slice %arg4[%add3A_55, %dma_wait3A] : memref<640x500xi32, #tpu.memory_space<hbm>> -> memref<1x500xi32, #tpu.memory_space<hbm>>
      %dma_wait3A_57 = tpu.memref_squeeze %dma_wait3A_56 : memref<1x500xi32, #tpu.memory_space<hbm>> -> memref<500xi32, #tpu.memory_space<hbm>>
      %dma_wait3A_58 = arith.constant 0 : i32
      %dma_wait3A_59 = tpu.memref_slice %arg4[%add3A_55, %dma_wait3A_58] : memref<640x500xi32, #tpu.memory_space<hbm>> -> memref<1x500xi32, #tpu.memory_space<hbm>>
      %dma_wait3A_60 = tpu.memref_squeeze %dma_wait3A_59 : memref<1x500xi32, #tpu.memory_space<hbm>> -> memref<500xi32, #tpu.memory_space<hbm>>
      tpu.wait_dma2 semaphore(%arg21 : memref<!tpu.dma_semaphore, #tpu.memory_space<semaphore_mem>>) src(%dma_wait3A_60 : memref<500xi32, #tpu.memory_space<hbm>>) dst(%arg8 : memref<500xi32, #tpu.memory_space<vmem>>)
      %add3A_61 = arith.constant 16 : i32
      %add3A_62 = arith.addi %arg1, %add3A_61 : i32
      %dma_wait3A_63 = arith.constant 0 : i32
      %dma_wait3A_64 = tpu.memref_slice %arg5[%add3A_62, %dma_wait3A_63] : memref<640x500xi32, #tpu.memory_space<hbm>> -> memref<1x500xi32, #tpu.memory_space<hbm>>
      %dma_wait3A_65 = tpu.memref_squeeze %dma_wait3A_64 : memref<1x500xi32, #tpu.memory_space<hbm>> -> memref<500xi32, #tpu.memory_space<hbm>>
      %dma_wait3A_66 = arith.constant 0 : i32
      %dma_wait3A_67 = tpu.memref_slice %arg5[%add3A_62, %dma_wait3A_66] : memref<640x500xi32, #tpu.memory_space<hbm>> -> memref<1x500xi32, #tpu.memory_space<hbm>>
      %dma_wait3A_68 = tpu.memref_squeeze %dma_wait3A_67 : memref<1x500xi32, #tpu.memory_space<hbm>> -> memref<500xi32, #tpu.memory_space<hbm>>
      tpu.wait_dma2 semaphore(%arg21 : memref<!tpu.dma_semaphore, #tpu.memory_space<semaphore_mem>>) src(%dma_wait3A_68 : memref<500xi32, #tpu.memory_space<hbm>>) dst(%arg12 : memref<500xi32, #tpu.memory_space<vmem>>)
      %dma_start3A_69 = arith.constant 0 : i32
      %dma_start3A_70 = arith.constant 0 : i32
      %dma_start3A_71 = tpu.memref_slice %arg2[%dma_start3A_69, %dma_start3A_70] : memref<10000x64xf32, #tpu.memory_space<hbm>> -> memref<10000x64xf32, #tpu.memory_space<hbm>>
      tpu.enqueue_indirect_dma source(%dma_start3A_71 : memref<10000x64xf32, #tpu.memory_space<hbm>>) target(%arg16 : memref<500x64xf32, #tpu.memory_space<vmem>>) offsets(%arg8 : memref<500xi32, #tpu.memory_space<vmem>>) semaphore(%arg19 : memref<!tpu.dma_semaphore, #tpu.memory_space<semaphore_mem>>)
      %scan3A_72 = arith.constant 0 : i32
      %scan3A_73 = arith.constant 0 : i32
      %scan3A_74 = arith.constant 9 : i32
      %scan3A_75 = arith.addi %scan3A_73, %scan3A_74 : i32
      %scan3A_76 = arith.constant 1 : i32
      scf.for %scan3A_144 = %scan3A_73 to %scan3A_75 step %scan3A_76  : i32 {
        %mul3A_145 = arith.constant 4 : i32
        %mul3A_146 = arith.muli %mul3A_145, %scan3A_144 : i32
        %dma_wait3A_147 = arith.constant 0 : i32
        %dma_wait3A_148 = arith.constant 0 : i32
        %dma_wait3A_149 = tpu.memref_slice %arg2[%dma_wait3A_147, %dma_wait3A_148] : memref<10000x64xf32, #tpu.memory_space<hbm>> -> memref<10000x64xf32, #tpu.memory_space<hbm>>
        tpu.wait_indirect_dma semaphore(%arg18 : memref<!tpu.dma_semaphore, #tpu.memory_space<semaphore_mem>>) src(%dma_wait3A_149 : memref<10000x64xf32, #tpu.memory_space<hbm>>) dst(%arg15 : memref<500x64xf32, #tpu.memory_space<vmem>>)
        "tpu.trace_start"() <{level = 10 : i32, message = "sc_scat"}> : () -> ()
        "tpu.region"() ({
          %run_scoped3A = tpu.sem_alloc : memref<!tpu.dma_semaphore, #tpu.memory_space<semaphore_mem>>
          %dma_start3A_345 = arith.constant 0 : i32
          %dma_start3A_346 = arith.constant 0 : i32
          %dma_start3A_347 = tpu.memref_slice %arg17[%dma_start3A_345, %dma_start3A_346] : memref<10240x64xf32, #tpu.memory_space<vmem_shared>> -> memref<10240x64xf32, #tpu.memory_space<vmem_shared>>
          tpu.enqueue_indirect_dma source(%arg15 : memref<500x64xf32, #tpu.memory_space<vmem>>) target(%dma_start3A_347 : memref<10240x64xf32, #tpu.memory_space<vmem_shared>>) offsets(%arg11 : memref<500xi32, #tpu.memory_space<vmem>>) semaphore(%run_scoped3A : memref<!tpu.dma_semaphore, #tpu.memory_space<semaphore_mem>>) {add = true}
          %dma_wait3A_348 = arith.constant 0 : i32
          %dma_wait3A_349 = arith.constant 0 : i32
          %dma_wait3A_350 = tpu.memref_slice %arg17[%dma_wait3A_348, %dma_wait3A_349] : memref<10240x64xf32, #tpu.memory_space<vmem_shared>> -> memref<10240x64xf32, #tpu.memory_space<vmem_shared>>
          tpu.wait_indirect_dma semaphore(%run_scoped3A : memref<!tpu.dma_semaphore, #tpu.memory_space<semaphore_mem>>) src(%arg15 : memref<500x64xf32, #tpu.memory_space<vmem>>) dst(%dma_wait3A_350 : memref<10240x64xf32, #tpu.memory_space<vmem_shared>>)
          tpu.yield
        }) : () -> ()
        "tpu.trace_stop"() : () -> ()
        %add3A_150 = arith.constant 3 : i32
        %add3A_151 = arith.addi %mul3A_146, %add3A_150 : i32
        %mul3A_152 = arith.constant 16 : i32
        %mul3A_153 = arith.muli %add3A_151, %mul3A_152 : i32
        %add3A_154 = arith.addi %arg1, %mul3A_153 : i32
        %dma_start3A_155 = arith.constant 0 : i32
        %dma_start3A_156 = tpu.memref_slice %arg4[%add3A_154, %dma_start3A_155] : memref<640x500xi32, #tpu.memory_space<hbm>> -> memref<1x500xi32, #tpu.memory_space<hbm>>
        %dma_start3A_157 = tpu.memref_squeeze %dma_start3A_156 : memref<1x500xi32, #tpu.memory_space<hbm>> -> memref<500xi32, #tpu.memory_space<hbm>>
        %dma_start3A_158 = arith.constant 0 : i32
        %dma_start3A_159 = tpu.memref_slice %arg4[%add3A_154, %dma_start3A_158] : memref<640x500xi32, #tpu.memory_space<hbm>> -> memref<1x500xi32, #tpu.memory_space<hbm>>
        %dma_start3A_160 = tpu.memref_squeeze %dma_start3A_159 : memref<1x500xi32, #tpu.memory_space<hbm>> -> memref<500xi32, #tpu.memory_space<hbm>>
        tpu.enqueue_dma source(%dma_start3A_160 : memref<500xi32, #tpu.memory_space<hbm>>) target(%arg10 : memref<500xi32, #tpu.memory_space<vmem>>) target_semaphore(%arg23 : memref<!tpu.dma_semaphore, #tpu.memory_space<semaphore_mem>>)
        %mul3A_161 = arith.constant 16 : i32
        %mul3A_162 = arith.muli %add3A_151, %mul3A_161 : i32
        %add3A_163 = arith.addi %arg1, %mul3A_162 : i32
        %dma_start3A_164 = arith.constant 0 : i32
        %dma_start3A_165 = tpu.memref_slice %arg5[%add3A_163, %dma_start3A_164] : memref<640x500xi32, #tpu.memory_space<hbm>> -> memref<1x500xi32, #tpu.memory_space<hbm>>
        %dma_start3A_166 = tpu.memref_squeeze %dma_start3A_165 : memref<1x500xi32, #tpu.memory_space<hbm>> -> memref<500xi32, #tpu.memory_space<hbm>>
        %dma_start3A_167 = arith.constant 0 : i32
        %dma_start3A_168 = tpu.memref_slice %arg5[%add3A_163, %dma_start3A_167] : memref<640x500xi32, #tpu.memory_space<hbm>> -> memref<1x500xi32, #tpu.memory_space<hbm>>
        %dma_start3A_169 = tpu.memref_squeeze %dma_start3A_168 : memref<1x500xi32, #tpu.memory_space<hbm>> -> memref<500xi32, #tpu.memory_space<hbm>>
        tpu.enqueue_dma source(%dma_start3A_169 : memref<500xi32, #tpu.memory_space<hbm>>) target(%arg14 : memref<500xi32, #tpu.memory_space<vmem>>) target_semaphore(%arg23 : memref<!tpu.dma_semaphore, #tpu.memory_space<semaphore_mem>>)
        %add3A_170 = arith.constant 2 : i32
        %add3A_171 = arith.addi %mul3A_146, %add3A_170 : i32
        %mul3A_172 = arith.constant 16 : i32
        %mul3A_173 = arith.muli %add3A_171, %mul3A_172 : i32
        %add3A_174 = arith.addi %arg1, %mul3A_173 : i32
        %dma_wait3A_175 = arith.constant 0 : i32
        %dma_wait3A_176 = tpu.memref_slice %arg4[%add3A_174, %dma_wait3A_175] : memref<640x500xi32, #tpu.memory_space<hbm>> -> memref<1x500xi32, #tpu.memory_space<hbm>>
        %dma_wait3A_177 = tpu.memref_squeeze %dma_wait3A_176 : memref<1x500xi32, #tpu.memory_space<hbm>> -> memref<500xi32, #tpu.memory_space<hbm>>
        %dma_wait3A_178 = arith.constant 0 : i32
        %dma_wait3A_179 = tpu.memref_slice %arg4[%add3A_174, %dma_wait3A_178] : memref<640x500xi32, #tpu.memory_space<hbm>> -> memref<1x500xi32, #tpu.memory_space<hbm>>
        %dma_wait3A_180 = tpu.memref_squeeze %dma_wait3A_179 : memref<1x500xi32, #tpu.memory_space<hbm>> -> memref<500xi32, #tpu.memory_space<hbm>>
        tpu.wait_dma2 semaphore(%arg22 : memref<!tpu.dma_semaphore, #tpu.memory_space<semaphore_mem>>) src(%dma_wait3A_180 : memref<500xi32, #tpu.memory_space<hbm>>) dst(%arg9 : memref<500xi32, #tpu.memory_space<vmem>>)
        %mul3A_181 = arith.constant 16 : i32
        %mul3A_182 = arith.muli %add3A_171, %mul3A_181 : i32
        %add3A_183 = arith.addi %arg1, %mul3A_182 : i32
        %dma_wait3A_184 = arith.constant 0 : i32
        %dma_wait3A_185 = tpu.memref_slice %arg5[%add3A_183, %dma_wait3A_184] : memref<640x500xi32, #tpu.memory_space<hbm>> -> memref<1x500xi32, #tpu.memory_space<hbm>>
        %dma_wait3A_186 = tpu.memref_squeeze %dma_wait3A_185 : memref<1x500xi32, #tpu.memory_space<hbm>> -> memref<500xi32, #tpu.memory_space<hbm>>
        %dma_wait3A_187 = arith.constant 0 : i32
        %dma_wait3A_188 = tpu.memref_slice %arg5[%add3A_183, %dma_wait3A_187] : memref<640x500xi32, #tpu.memory_space<hbm>> -> memref<1x500xi32, #tpu.memory_space<hbm>>
        %dma_wait3A_189 = tpu.memref_squeeze %dma_wait3A_188 : memref<1x500xi32, #tpu.memory_space<hbm>> -> memref<500xi32, #tpu.memory_space<hbm>>
        tpu.wait_dma2 semaphore(%arg22 : memref<!tpu.dma_semaphore, #tpu.memory_space<semaphore_mem>>) src(%dma_wait3A_189 : memref<500xi32, #tpu.memory_space<hbm>>) dst(%arg13 : memref<500xi32, #tpu.memory_space<vmem>>)
        %add3A_190 = arith.constant 2 : i32
        %add3A_191 = arith.addi %mul3A_146, %add3A_190 : i32
        %dma_start3A_192 = arith.constant 0 : i32
        %dma_start3A_193 = arith.constant 0 : i32
        %dma_start3A_194 = tpu.memref_slice %arg2[%dma_start3A_192, %dma_start3A_193] : memref<10000x64xf32, #tpu.memory_space<hbm>> -> memref<10000x64xf32, #tpu.memory_space<hbm>>
        tpu.enqueue_indirect_dma source(%dma_start3A_194 : memref<10000x64xf32, #tpu.memory_space<hbm>>) target(%arg15 : memref<500x64xf32, #tpu.memory_space<vmem>>) offsets(%arg9 : memref<500xi32, #tpu.memory_space<vmem>>) semaphore(%arg18 : memref<!tpu.dma_semaphore, #tpu.memory_space<semaphore_mem>>)
        %add3A_195 = arith.constant 1 : i32
        %add3A_196 = arith.addi %mul3A_146, %add3A_195 : i32
        %dma_wait3A_197 = arith.constant 0 : i32
        %dma_wait3A_198 = arith.constant 0 : i32
        %dma_wait3A_199 = tpu.memref_slice %arg2[%dma_wait3A_197, %dma_wait3A_198] : memref<10000x64xf32, #tpu.memory_space<hbm>> -> memref<10000x64xf32, #tpu.memory_space<hbm>>
        tpu.wait_indirect_dma semaphore(%arg19 : memref<!tpu.dma_semaphore, #tpu.memory_space<semaphore_mem>>) src(%dma_wait3A_199 : memref<10000x64xf32, #tpu.memory_space<hbm>>) dst(%arg16 : memref<500x64xf32, #tpu.memory_space<vmem>>)
        "tpu.trace_start"() <{level = 10 : i32, message = "sc_scat"}> : () -> ()
        "tpu.region"() ({
          %run_scoped3A = tpu.sem_alloc : memref<!tpu.dma_semaphore, #tpu.memory_space<semaphore_mem>>
          %dma_start3A_345 = arith.constant 0 : i32
          %dma_start3A_346 = arith.constant 0 : i32
          %dma_start3A_347 = tpu.memref_slice %arg17[%dma_start3A_345, %dma_start3A_346] : memref<10240x64xf32, #tpu.memory_space<vmem_shared>> -> memref<10240x64xf32, #tpu.memory_space<vmem_shared>>
          tpu.enqueue_indirect_dma source(%arg16 : memref<500x64xf32, #tpu.memory_space<vmem>>) target(%dma_start3A_347 : memref<10240x64xf32, #tpu.memory_space<vmem_shared>>) offsets(%arg12 : memref<500xi32, #tpu.memory_space<vmem>>) semaphore(%run_scoped3A : memref<!tpu.dma_semaphore, #tpu.memory_space<semaphore_mem>>) {add = true}
          %dma_wait3A_348 = arith.constant 0 : i32
          %dma_wait3A_349 = arith.constant 0 : i32
          %dma_wait3A_350 = tpu.memref_slice %arg17[%dma_wait3A_348, %dma_wait3A_349] : memref<10240x64xf32, #tpu.memory_space<vmem_shared>> -> memref<10240x64xf32, #tpu.memory_space<vmem_shared>>
          tpu.wait_indirect_dma semaphore(%run_scoped3A : memref<!tpu.dma_semaphore, #tpu.memory_space<semaphore_mem>>) src(%arg16 : memref<500x64xf32, #tpu.memory_space<vmem>>) dst(%dma_wait3A_350 : memref<10240x64xf32, #tpu.memory_space<vmem_shared>>)
          tpu.yield
        }) : () -> ()
        "tpu.trace_stop"() : () -> ()
        %add3A_200 = arith.constant 3 : i32
        %add3A_201 = arith.addi %add3A_196, %add3A_200 : i32
        %mul3A_202 = arith.constant 16 : i32
        %mul3A_203 = arith.muli %add3A_201, %mul3A_202 : i32
        %add3A_204 = arith.addi %arg1, %mul3A_203 : i32
        %dma_start3A_205 = arith.constant 0 : i32
        %dma_start3A_206 = tpu.memref_slice %arg4[%add3A_204, %dma_start3A_205] : memref<640x500xi32, #tpu.memory_space<hbm>> -> memref<1x500xi32, #tpu.memory_space<hbm>>
        %dma_start3A_207 = tpu.memref_squeeze %dma_start3A_206 : memref<1x500xi32, #tpu.memory_space<hbm>> -> memref<500xi32, #tpu.memory_space<hbm>>
        %dma_start3A_208 = arith.constant 0 : i32
        %dma_start3A_209 = tpu.memref_slice %arg4[%add3A_204, %dma_start3A_208] : memref<640x500xi32, #tpu.memory_space<hbm>> -> memref<1x500xi32, #tpu.memory_space<hbm>>
        %dma_start3A_210 = tpu.memref_squeeze %dma_start3A_209 : memref<1x500xi32, #tpu.memory_space<hbm>> -> memref<500xi32, #tpu.memory_space<hbm>>
        tpu.enqueue_dma source(%dma_start3A_210 : memref<500xi32, #tpu.memory_space<hbm>>) target(%arg7 : memref<500xi32, #tpu.memory_space<vmem>>) target_semaphore(%arg20 : memref<!tpu.dma_semaphore, #tpu.memory_space<semaphore_mem>>)
        %mul3A_211 = arith.constant 16 : i32
        %mul3A_212 = arith.muli %add3A_201, %mul3A_211 : i32
        %add3A_213 = arith.addi %arg1, %mul3A_212 : i32
        %dma_start3A_214 = arith.constant 0 : i32
        %dma_start3A_215 = tpu.memref_slice %arg5[%add3A_213, %dma_start3A_214] : memref<640x500xi32, #tpu.memory_space<hbm>> -> memref<1x500xi32, #tpu.memory_space<hbm>>
        %dma_start3A_216 = tpu.memref_squeeze %dma_start3A_215 : memref<1x500xi32, #tpu.memory_space<hbm>> -> memref<500xi32, #tpu.memory_space<hbm>>
        %dma_start3A_217 = arith.constant 0 : i32
        %dma_start3A_218 = tpu.memref_slice %arg5[%add3A_213, %dma_start3A_217] : memref<640x500xi32, #tpu.memory_space<hbm>> -> memref<1x500xi32, #tpu.memory_space<hbm>>
        %dma_start3A_219 = tpu.memref_squeeze %dma_start3A_218 : memref<1x500xi32, #tpu.memory_space<hbm>> -> memref<500xi32, #tpu.memory_space<hbm>>
        tpu.enqueue_dma source(%dma_start3A_219 : memref<500xi32, #tpu.memory_space<hbm>>) target(%arg11 : memref<500xi32, #tpu.memory_space<vmem>>) target_semaphore(%arg20 : memref<!tpu.dma_semaphore, #tpu.memory_space<semaphore_mem>>)
        %add3A_220 = arith.constant 2 : i32
        %add3A_221 = arith.addi %add3A_196, %add3A_220 : i32
        %mul3A_222 = arith.constant 16 : i32
        %mul3A_223 = arith.muli %add3A_221, %mul3A_222 : i32
        %add3A_224 = arith.addi %arg1, %mul3A_223 : i32
        %dma_wait3A_225 = arith.constant 0 : i32
        %dma_wait3A_226 = tpu.memref_slice %arg4[%add3A_224, %dma_wait3A_225] : memref<640x500xi32, #tpu.memory_space<hbm>> -> memref<1x500xi32, #tpu.memory_space<hbm>>
        %dma_wait3A_227 = tpu.memref_squeeze %dma_wait3A_226 : memref<1x500xi32, #tpu.memory_space<hbm>> -> memref<500xi32, #tpu.memory_space<hbm>>
        %dma_wait3A_228 = arith.constant 0 : i32
        %dma_wait3A_229 = tpu.memref_slice %arg4[%add3A_224, %dma_wait3A_228] : memref<640x500xi32, #tpu.memory_space<hbm>> -> memref<1x500xi32, #tpu.memory_space<hbm>>
        %dma_wait3A_230 = tpu.memref_squeeze %dma_wait3A_229 : memref<1x500xi32, #tpu.memory_space<hbm>> -> memref<500xi32, #tpu.memory_space<hbm>>
        tpu.wait_dma2 semaphore(%arg23 : memref<!tpu.dma_semaphore, #tpu.memory_space<semaphore_mem>>) src(%dma_wait3A_230 : memref<500xi32, #tpu.memory_space<hbm>>) dst(%arg10 : memref<500xi32, #tpu.memory_space<vmem>>)
        %mul3A_231 = arith.constant 16 : i32
        %mul3A_232 = arith.muli %add3A_221, %mul3A_231 : i32
        %add3A_233 = arith.addi %arg1, %mul3A_232 : i32
        %dma_wait3A_234 = arith.constant 0 : i32
        %dma_wait3A_235 = tpu.memref_slice %arg5[%add3A_233, %dma_wait3A_234] : memref<640x500xi32, #tpu.memory_space<hbm>> -> memref<1x500xi32, #tpu.memory_space<hbm>>
        %dma_wait3A_236 = tpu.memref_squeeze %dma_wait3A_235 : memref<1x500xi32, #tpu.memory_space<hbm>> -> memref<500xi32, #tpu.memory_space<hbm>>
        %dma_wait3A_237 = arith.constant 0 : i32
        %dma_wait3A_238 = tpu.memref_slice %arg5[%add3A_233, %dma_wait3A_237] : memref<640x500xi32, #tpu.memory_space<hbm>> -> memref<1x500xi32, #tpu.memory_space<hbm>>
        %dma_wait3A_239 = tpu.memref_squeeze %dma_wait3A_238 : memref<1x500xi32, #tpu.memory_space<hbm>> -> memref<500xi32, #tpu.memory_space<hbm>>
        tpu.wait_dma2 semaphore(%arg23 : memref<!tpu.dma_semaphore, #tpu.memory_space<semaphore_mem>>) src(%dma_wait3A_239 : memref<500xi32, #tpu.memory_space<hbm>>) dst(%arg14 : memref<500xi32, #tpu.memory_space<vmem>>)
        %add3A_240 = arith.constant 2 : i32
        %add3A_241 = arith.addi %add3A_196, %add3A_240 : i32
        %dma_start3A_242 = arith.constant 0 : i32
        %dma_start3A_243 = arith.constant 0 : i32
        %dma_start3A_244 = tpu.memref_slice %arg2[%dma_start3A_242, %dma_start3A_243] : memref<10000x64xf32, #tpu.memory_space<hbm>> -> memref<10000x64xf32, #tpu.memory_space<hbm>>
        tpu.enqueue_indirect_dma source(%dma_start3A_244 : memref<10000x64xf32, #tpu.memory_space<hbm>>) target(%arg16 : memref<500x64xf32, #tpu.memory_space<vmem>>) offsets(%arg10 : memref<500xi32, #tpu.memory_space<vmem>>) semaphore(%arg19 : memref<!tpu.dma_semaphore, #tpu.memory_space<semaphore_mem>>)
        %add3A_245 = arith.constant 2 : i32
        %add3A_246 = arith.addi %mul3A_146, %add3A_245 : i32
        %dma_wait3A_247 = arith.constant 0 : i32
        %dma_wait3A_248 = arith.constant 0 : i32
        %dma_wait3A_249 = tpu.memref_slice %arg2[%dma_wait3A_247, %dma_wait3A_248] : memref<10000x64xf32, #tpu.memory_space<hbm>> -> memref<10000x64xf32, #tpu.memory_space<hbm>>
        tpu.wait_indirect_dma semaphore(%arg18 : memref<!tpu.dma_semaphore, #tpu.memory_space<semaphore_mem>>) src(%dma_wait3A_249 : memref<10000x64xf32, #tpu.memory_space<hbm>>) dst(%arg15 : memref<500x64xf32, #tpu.memory_space<vmem>>)
        "tpu.trace_start"() <{level = 10 : i32, message = "sc_scat"}> : () -> ()
        "tpu.region"() ({
          %run_scoped3A = tpu.sem_alloc : memref<!tpu.dma_semaphore, #tpu.memory_space<semaphore_mem>>
          %dma_start3A_345 = arith.constant 0 : i32
          %dma_start3A_346 = arith.constant 0 : i32
          %dma_start3A_347 = tpu.memref_slice %arg17[%dma_start3A_345, %dma_start3A_346] : memref<10240x64xf32, #tpu.memory_space<vmem_shared>> -> memref<10240x64xf32, #tpu.memory_space<vmem_shared>>
          tpu.enqueue_indirect_dma source(%arg15 : memref<500x64xf32, #tpu.memory_space<vmem>>) target(%dma_start3A_347 : memref<10240x64xf32, #tpu.memory_space<vmem_shared>>) offsets(%arg13 : memref<500xi32, #tpu.memory_space<vmem>>) semaphore(%run_scoped3A : memref<!tpu.dma_semaphore, #tpu.memory_space<semaphore_mem>>) {add = true}
          %dma_wait3A_348 = arith.constant 0 : i32
          %dma_wait3A_349 = arith.constant 0 : i32
          %dma_wait3A_350 = tpu.memref_slice %arg17[%dma_wait3A_348, %dma_wait3A_349] : memref<10240x64xf32, #tpu.memory_space<vmem_shared>> -> memref<10240x64xf32, #tpu.memory_space<vmem_shared>>
          tpu.wait_indirect_dma semaphore(%run_scoped3A : memref<!tpu.dma_semaphore, #tpu.memory_space<semaphore_mem>>) src(%arg15 : memref<500x64xf32, #tpu.memory_space<vmem>>) dst(%dma_wait3A_350 : memref<10240x64xf32, #tpu.memory_space<vmem_shared>>)
          tpu.yield
        }) : () -> ()
        "tpu.trace_stop"() : () -> ()
        %add3A_250 = arith.constant 3 : i32
        %add3A_251 = arith.addi %add3A_246, %add3A_250 : i32
        %mul3A_252 = arith.constant 16 : i32
        %mul3A_253 = arith.muli %add3A_251, %mul3A_252 : i32
        %add3A_254 = arith.addi %arg1, %mul3A_253 : i32
        %dma_start3A_255 = arith.constant 0 : i32
        %dma_start3A_256 = tpu.memref_slice %arg4[%add3A_254, %dma_start3A_255] : memref<640x500xi32, #tpu.memory_space<hbm>> -> memref<1x500xi32, #tpu.memory_space<hbm>>
        %dma_start3A_257 = tpu.memref_squeeze %dma_start3A_256 : memref<1x500xi32, #tpu.memory_space<hbm>> -> memref<500xi32, #tpu.memory_space<hbm>>
        %dma_start3A_258 = arith.constant 0 : i32
        %dma_start3A_259 = tpu.memref_slice %arg4[%add3A_254, %dma_start3A_258] : memref<640x500xi32, #tpu.memory_space<hbm>> -> memref<1x500xi32, #tpu.memory_space<hbm>>
        %dma_start3A_260 = tpu.memref_squeeze %dma_start3A_259 : memref<1x500xi32, #tpu.memory_space<hbm>> -> memref<500xi32, #tpu.memory_space<hbm>>
        tpu.enqueue_dma source(%dma_start3A_260 : memref<500xi32, #tpu.memory_space<hbm>>) target(%arg8 : memref<500xi32, #tpu.memory_space<vmem>>) target_semaphore(%arg21 : memref<!tpu.dma_semaphore, #tpu.memory_space<semaphore_mem>>)
        %mul3A_261 = arith.constant 16 : i32
        %mul3A_262 = arith.muli %add3A_251, %mul3A_261 : i32
        %add3A_263 = arith.addi %arg1, %mul3A_262 : i32
        %dma_start3A_264 = arith.constant 0 : i32
        %dma_start3A_265 = tpu.memref_slice %arg5[%add3A_263, %dma_start3A_264] : memref<640x500xi32, #tpu.memory_space<hbm>> -> memref<1x500xi32, #tpu.memory_space<hbm>>
        %dma_start3A_266 = tpu.memref_squeeze %dma_start3A_265 : memref<1x500xi32, #tpu.memory_space<hbm>> -> memref<500xi32, #tpu.memory_space<hbm>>
        %dma_start3A_267 = arith.constant 0 : i32
        %dma_start3A_268 = tpu.memref_slice %arg5[%add3A_263, %dma_start3A_267] : memref<640x500xi32, #tpu.memory_space<hbm>> -> memref<1x500xi32, #tpu.memory_space<hbm>>
        %dma_start3A_269 = tpu.memref_squeeze %dma_start3A_268 : memref<1x500xi32, #tpu.memory_space<hbm>> -> memref<500xi32, #tpu.memory_space<hbm>>
        tpu.enqueue_dma source(%dma_start3A_269 : memref<500xi32, #tpu.memory_space<hbm>>) target(%arg12 : memref<500xi32, #tpu.memory_space<vmem>>) target_semaphore(%arg21 : memref<!tpu.dma_semaphore, #tpu.memory_space<semaphore_mem>>)
        %add3A_270 = arith.constant 2 : i32
        %add3A_271 = arith.addi %add3A_246, %add3A_270 : i32
        %mul3A_272 = arith.constant 16 : i32
        %mul3A_273 = arith.muli %add3A_271, %mul3A_272 : i32
        %add3A_274 = arith.addi %arg1, %mul3A_273 : i32
        %dma_wait3A_275 = arith.constant 0 : i32
        %dma_wait3A_276 = tpu.memref_slice %arg4[%add3A_274, %dma_wait3A_275] : memref<640x500xi32, #tpu.memory_space<hbm>> -> memref<1x500xi32, #tpu.memory_space<hbm>>
        %dma_wait3A_277 = tpu.memref_squeeze %dma_wait3A_276 : memref<1x500xi32, #tpu.memory_space<hbm>> -> memref<500xi32, #tpu.memory_space<hbm>>
        %dma_wait3A_278 = arith.constant 0 : i32
        %dma_wait3A_279 = tpu.memref_slice %arg4[%add3A_274, %dma_wait3A_278] : memref<640x500xi32, #tpu.memory_space<hbm>> -> memref<1x500xi32, #tpu.memory_space<hbm>>
        %dma_wait3A_280 = tpu.memref_squeeze %dma_wait3A_279 : memref<1x500xi32, #tpu.memory_space<hbm>> -> memref<500xi32, #tpu.memory_space<hbm>>
        tpu.wait_dma2 semaphore(%arg20 : memref<!tpu.dma_semaphore, #tpu.memory_space<semaphore_mem>>) src(%dma_wait3A_280 : memref<500xi32, #tpu.memory_space<hbm>>) dst(%arg7 : memref<500xi32, #tpu.memory_space<vmem>>)
        %mul3A_281 = arith.constant 16 : i32
        %mul3A_282 = arith.muli %add3A_271, %mul3A_281 : i32
        %add3A_283 = arith.addi %arg1, %mul3A_282 : i32
        %dma_wait3A_284 = arith.constant 0 : i32
        %dma_wait3A_285 = tpu.memref_slice %arg5[%add3A_283, %dma_wait3A_284] : memref<640x500xi32, #tpu.memory_space<hbm>> -> memref<1x500xi32, #tpu.memory_space<hbm>>
        %dma_wait3A_286 = tpu.memref_squeeze %dma_wait3A_285 : memref<1x500xi32, #tpu.memory_space<hbm>> -> memref<500xi32, #tpu.memory_space<hbm>>
        %dma_wait3A_287 = arith.constant 0 : i32
        %dma_wait3A_288 = tpu.memref_slice %arg5[%add3A_283, %dma_wait3A_287] : memref<640x500xi32, #tpu.memory_space<hbm>> -> memref<1x500xi32, #tpu.memory_space<hbm>>
        %dma_wait3A_289 = tpu.memref_squeeze %dma_wait3A_288 : memref<1x500xi32, #tpu.memory_space<hbm>> -> memref<500xi32, #tpu.memory_space<hbm>>
        tpu.wait_dma2 semaphore(%arg20 : memref<!tpu.dma_semaphore, #tpu.memory_space<semaphore_mem>>) src(%dma_wait3A_289 : memref<500xi32, #tpu.memory_space<hbm>>) dst(%arg11 : memref<500xi32, #tpu.memory_space<vmem>>)
        %add3A_290 = arith.constant 2 : i32
        %add3A_291 = arith.addi %add3A_246, %add3A_290 : i32
        %dma_start3A_292 = arith.constant 0 : i32
        %dma_start3A_293 = arith.constant 0 : i32
        %dma_start3A_294 = tpu.memref_slice %arg2[%dma_start3A_292, %dma_start3A_293] : memref<10000x64xf32, #tpu.memory_space<hbm>> -> memref<10000x64xf32, #tpu.memory_space<hbm>>
        tpu.enqueue_indirect_dma source(%dma_start3A_294 : memref<10000x64xf32, #tpu.memory_space<hbm>>) target(%arg15 : memref<500x64xf32, #tpu.memory_space<vmem>>) offsets(%arg7 : memref<500xi32, #tpu.memory_space<vmem>>) semaphore(%arg18 : memref<!tpu.dma_semaphore, #tpu.memory_space<semaphore_mem>>)
        %add3A_295 = arith.constant 3 : i32
        %add3A_296 = arith.addi %mul3A_146, %add3A_295 : i32
        %dma_wait3A_297 = arith.constant 0 : i32
        %dma_wait3A_298 = arith.constant 0 : i32
        %dma_wait3A_299 = tpu.memref_slice %arg2[%dma_wait3A_297, %dma_wait3A_298] : memref<10000x64xf32, #tpu.memory_space<hbm>> -> memref<10000x64xf32, #tpu.memory_space<hbm>>
        tpu.wait_indirect_dma semaphore(%arg19 : memref<!tpu.dma_semaphore, #tpu.memory_space<semaphore_mem>>) src(%dma_wait3A_299 : memref<10000x64xf32, #tpu.memory_space<hbm>>) dst(%arg16 : memref<500x64xf32, #tpu.memory_space<vmem>>)
        "tpu.trace_start"() <{level = 10 : i32, message = "sc_scat"}> : () -> ()
        "tpu.region"() ({
          %run_scoped3A = tpu.sem_alloc : memref<!tpu.dma_semaphore, #tpu.memory_space<semaphore_mem>>
          %dma_start3A_345 = arith.constant 0 : i32
          %dma_start3A_346 = arith.constant 0 : i32
          %dma_start3A_347 = tpu.memref_slice %arg17[%dma_start3A_345, %dma_start3A_346] : memref<10240x64xf32, #tpu.memory_space<vmem_shared>> -> memref<10240x64xf32, #tpu.memory_space<vmem_shared>>
          tpu.enqueue_indirect_dma source(%arg16 : memref<500x64xf32, #tpu.memory_space<vmem>>) target(%dma_start3A_347 : memref<10240x64xf32, #tpu.memory_space<vmem_shared>>) offsets(%arg14 : memref<500xi32, #tpu.memory_space<vmem>>) semaphore(%run_scoped3A : memref<!tpu.dma_semaphore, #tpu.memory_space<semaphore_mem>>) {add = true}
          %dma_wait3A_348 = arith.constant 0 : i32
          %dma_wait3A_349 = arith.constant 0 : i32
          %dma_wait3A_350 = tpu.memref_slice %arg17[%dma_wait3A_348, %dma_wait3A_349] : memref<10240x64xf32, #tpu.memory_space<vmem_shared>> -> memref<10240x64xf32, #tpu.memory_space<vmem_shared>>
          tpu.wait_indirect_dma semaphore(%run_scoped3A : memref<!tpu.dma_semaphore, #tpu.memory_space<semaphore_mem>>) src(%arg16 : memref<500x64xf32, #tpu.memory_space<vmem>>) dst(%dma_wait3A_350 : memref<10240x64xf32, #tpu.memory_space<vmem_shared>>)
          tpu.yield
        }) : () -> ()
        "tpu.trace_stop"() : () -> ()
        %add3A_300 = arith.constant 3 : i32
        %add3A_301 = arith.addi %add3A_296, %add3A_300 : i32
        %mul3A_302 = arith.constant 16 : i32
        %mul3A_303 = arith.muli %add3A_301, %mul3A_302 : i32
        %add3A_304 = arith.addi %arg1, %mul3A_303 : i32
        %dma_start3A_305 = arith.constant 0 : i32
        %dma_start3A_306 = tpu.memref_slice %arg4[%add3A_304, %dma_start3A_305] : memref<640x500xi32, #tpu.memory_space<hbm>> -> memref<1x500xi32, #tpu.memory_space<hbm>>
        %dma_start3A_307 = tpu.memref_squeeze %dma_start3A_306 : memref<1x500xi32, #tpu.memory_space<hbm>> -> memref<500xi32, #tpu.memory_space<hbm>>
        %dma_start3A_308 = arith.constant 0 : i32
        %dma_start3A_309 = tpu.memref_slice %arg4[%add3A_304, %dma_start3A_308] : memref<640x500xi32, #tpu.memory_space<hbm>> -> memref<1x500xi32, #tpu.memory_space<hbm>>
        %dma_start3A_310 = tpu.memref_squeeze %dma_start3A_309 : memref<1x500xi32, #tpu.memory_space<hbm>> -> memref<500xi32, #tpu.memory_space<hbm>>
        tpu.enqueue_dma source(%dma_start3A_310 : memref<500xi32, #tpu.memory_space<hbm>>) target(%arg9 : memref<500xi32, #tpu.memory_space<vmem>>) target_semaphore(%arg22 : memref<!tpu.dma_semaphore, #tpu.memory_space<semaphore_mem>>)
        %mul3A_311 = arith.constant 16 : i32
        %mul3A_312 = arith.muli %add3A_301, %mul3A_311 : i32
        %add3A_313 = arith.addi %arg1, %mul3A_312 : i32
        %dma_start3A_314 = arith.constant 0 : i32
        %dma_start3A_315 = tpu.memref_slice %arg5[%add3A_313, %dma_start3A_314] : memref<640x500xi32, #tpu.memory_space<hbm>> -> memref<1x500xi32, #tpu.memory_space<hbm>>
        %dma_start3A_316 = tpu.memref_squeeze %dma_start3A_315 : memref<1x500xi32, #tpu.memory_space<hbm>> -> memref<500xi32, #tpu.memory_space<hbm>>
        %dma_start3A_317 = arith.constant 0 : i32
        %dma_start3A_318 = tpu.memref_slice %arg5[%add3A_313, %dma_start3A_317] : memref<640x500xi32, #tpu.memory_space<hbm>> -> memref<1x500xi32, #tpu.memory_space<hbm>>
        %dma_start3A_319 = tpu.memref_squeeze %dma_start3A_318 : memref<1x500xi32, #tpu.memory_space<hbm>> -> memref<500xi32, #tpu.memory_space<hbm>>
        tpu.enqueue_dma source(%dma_start3A_319 : memref<500xi32, #tpu.memory_space<hbm>>) target(%arg13 : memref<500xi32, #tpu.memory_space<vmem>>) target_semaphore(%arg22 : memref<!tpu.dma_semaphore, #tpu.memory_space<semaphore_mem>>)
        %add3A_320 = arith.constant 2 : i32
        %add3A_321 = arith.addi %add3A_296, %add3A_320 : i32
        %mul3A_322 = arith.constant 16 : i32
        %mul3A_323 = arith.muli %add3A_321, %mul3A_322 : i32
        %add3A_324 = arith.addi %arg1, %mul3A_323 : i32
        %dma_wait3A_325 = arith.constant 0 : i32
        %dma_wait3A_326 = tpu.memref_slice %arg4[%add3A_324, %dma_wait3A_325] : memref<640x500xi32, #tpu.memory_space<hbm>> -> memref<1x500xi32, #tpu.memory_space<hbm>>
        %dma_wait3A_327 = tpu.memref_squeeze %dma_wait3A_326 : memref<1x500xi32, #tpu.memory_space<hbm>> -> memref<500xi32, #tpu.memory_space<hbm>>
        %dma_wait3A_328 = arith.constant 0 : i32
        %dma_wait3A_329 = tpu.memref_slice %arg4[%add3A_324, %dma_wait3A_328] : memref<640x500xi32, #tpu.memory_space<hbm>> -> memref<1x500xi32, #tpu.memory_space<hbm>>
        %dma_wait3A_330 = tpu.memref_squeeze %dma_wait3A_329 : memref<1x500xi32, #tpu.memory_space<hbm>> -> memref<500xi32, #tpu.memory_space<hbm>>
        tpu.wait_dma2 semaphore(%arg21 : memref<!tpu.dma_semaphore, #tpu.memory_space<semaphore_mem>>) src(%dma_wait3A_330 : memref<500xi32, #tpu.memory_space<hbm>>) dst(%arg8 : memref<500xi32, #tpu.memory_space<vmem>>)
        %mul3A_331 = arith.constant 16 : i32
        %mul3A_332 = arith.muli %add3A_321, %mul3A_331 : i32
        %add3A_333 = arith.addi %arg1, %mul3A_332 : i32
        %dma_wait3A_334 = arith.constant 0 : i32
        %dma_wait3A_335 = tpu.memref_slice %arg5[%add3A_333, %dma_wait3A_334] : memref<640x500xi32, #tpu.memory_space<hbm>> -> memref<1x500xi32, #tpu.memory_space<hbm>>
        %dma_wait3A_336 = tpu.memref_squeeze %dma_wait3A_335 : memref<1x500xi32, #tpu.memory_space<hbm>> -> memref<500xi32, #tpu.memory_space<hbm>>
        %dma_wait3A_337 = arith.constant 0 : i32
        %dma_wait3A_338 = tpu.memref_slice %arg5[%add3A_333, %dma_wait3A_337] : memref<640x500xi32, #tpu.memory_space<hbm>> -> memref<1x500xi32, #tpu.memory_space<hbm>>
        %dma_wait3A_339 = tpu.memref_squeeze %dma_wait3A_338 : memref<1x500xi32, #tpu.memory_space<hbm>> -> memref<500xi32, #tpu.memory_space<hbm>>
        tpu.wait_dma2 semaphore(%arg21 : memref<!tpu.dma_semaphore, #tpu.memory_space<semaphore_mem>>) src(%dma_wait3A_339 : memref<500xi32, #tpu.memory_space<hbm>>) dst(%arg12 : memref<500xi32, #tpu.memory_space<vmem>>)
        %add3A_340 = arith.constant 2 : i32
        %add3A_341 = arith.addi %add3A_296, %add3A_340 : i32
        %dma_start3A_342 = arith.constant 0 : i32
        %dma_start3A_343 = arith.constant 0 : i32
        %dma_start3A_344 = tpu.memref_slice %arg2[%dma_start3A_342, %dma_start3A_343] : memref<10000x64xf32, #tpu.memory_space<hbm>> -> memref<10000x64xf32, #tpu.memory_space<hbm>>
        tpu.enqueue_indirect_dma source(%dma_start3A_344 : memref<10000x64xf32, #tpu.memory_space<hbm>>) target(%arg16 : memref<500x64xf32, #tpu.memory_space<vmem>>) offsets(%arg8 : memref<500xi32, #tpu.memory_space<vmem>>) semaphore(%arg19 : memref<!tpu.dma_semaphore, #tpu.memory_space<semaphore_mem>>)
      }
      %scan3A_77 = arith.constant 9 : i32
      %dma_wait3A_78 = arith.constant 0 : i32
      %dma_wait3A_79 = arith.constant 0 : i32
      %dma_wait3A_80 = tpu.memref_slice %arg2[%dma_wait3A_78, %dma_wait3A_79] : memref<10000x64xf32, #tpu.memory_space<hbm>> -> memref<10000x64xf32, #tpu.memory_space<hbm>>
      tpu.wait_indirect_dma semaphore(%arg18 : memref<!tpu.dma_semaphore, #tpu.memory_space<semaphore_mem>>) src(%dma_wait3A_80 : memref<10000x64xf32, #tpu.memory_space<hbm>>) dst(%arg15 : memref<500x64xf32, #tpu.memory_space<vmem>>)
      "tpu.trace_start"() <{level = 10 : i32, message = "sc_scat"}> : () -> ()
      "tpu.region"() ({
        %run_scoped3A = tpu.sem_alloc : memref<!tpu.dma_semaphore, #tpu.memory_space<semaphore_mem>>
        %dma_start3A_144 = arith.constant 0 : i32
        %dma_start3A_145 = arith.constant 0 : i32
        %dma_start3A_146 = tpu.memref_slice %arg17[%dma_start3A_144, %dma_start3A_145] : memref<10240x64xf32, #tpu.memory_space<vmem_shared>> -> memref<10240x64xf32, #tpu.memory_space<vmem_shared>>
        tpu.enqueue_indirect_dma source(%arg15 : memref<500x64xf32, #tpu.memory_space<vmem>>) target(%dma_start3A_146 : memref<10240x64xf32, #tpu.memory_space<vmem_shared>>) offsets(%arg11 : memref<500xi32, #tpu.memory_space<vmem>>) semaphore(%run_scoped3A : memref<!tpu.dma_semaphore, #tpu.memory_space<semaphore_mem>>) {add = true}
        %dma_wait3A_147 = arith.constant 0 : i32
        %dma_wait3A_148 = arith.constant 0 : i32
        %dma_wait3A_149 = tpu.memref_slice %arg17[%dma_wait3A_147, %dma_wait3A_148] : memref<10240x64xf32, #tpu.memory_space<vmem_shared>> -> memref<10240x64xf32, #tpu.memory_space<vmem_shared>>
        tpu.wait_indirect_dma semaphore(%run_scoped3A : memref<!tpu.dma_semaphore, #tpu.memory_space<semaphore_mem>>) src(%arg15 : memref<500x64xf32, #tpu.memory_space<vmem>>) dst(%dma_wait3A_149 : memref<10240x64xf32, #tpu.memory_space<vmem_shared>>)
        tpu.yield
      }) : () -> ()
      "tpu.trace_stop"() : () -> ()
      %add3A_81 = arith.constant 624 : i32
      %add3A_82 = arith.addi %arg1, %add3A_81 : i32
      %dma_start3A_83 = arith.constant 0 : i32
      %dma_start3A_84 = tpu.memref_slice %arg4[%add3A_82, %dma_start3A_83] : memref<640x500xi32, #tpu.memory_space<hbm>> -> memref<1x500xi32, #tpu.memory_space<hbm>>
      %dma_start3A_85 = tpu.memref_squeeze %dma_start3A_84 : memref<1x500xi32, #tpu.memory_space<hbm>> -> memref<500xi32, #tpu.memory_space<hbm>>
      %dma_start3A_86 = arith.constant 0 : i32
      %dma_start3A_87 = tpu.memref_slice %arg4[%add3A_82, %dma_start3A_86] : memref<640x500xi32, #tpu.memory_space<hbm>> -> memref<1x500xi32, #tpu.memory_space<hbm>>
      %dma_start3A_88 = tpu.memref_squeeze %dma_start3A_87 : memref<1x500xi32, #tpu.memory_space<hbm>> -> memref<500xi32, #tpu.memory_space<hbm>>
      tpu.enqueue_dma source(%dma_start3A_88 : memref<500xi32, #tpu.memory_space<hbm>>) target(%arg10 : memref<500xi32, #tpu.memory_space<vmem>>) target_semaphore(%arg23 : memref<!tpu.dma_semaphore, #tpu.memory_space<semaphore_mem>>)
      %add3A_89 = arith.constant 624 : i32
      %add3A_90 = arith.addi %arg1, %add3A_89 : i32
      %dma_start3A_91 = arith.constant 0 : i32
      %dma_start3A_92 = tpu.memref_slice %arg5[%add3A_90, %dma_start3A_91] : memref<640x500xi32, #tpu.memory_space<hbm>> -> memref<1x500xi32, #tpu.memory_space<hbm>>
      %dma_start3A_93 = tpu.memref_squeeze %dma_start3A_92 : memref<1x500xi32, #tpu.memory_space<hbm>> -> memref<500xi32, #tpu.memory_space<hbm>>
      %dma_start3A_94 = arith.constant 0 : i32
      %dma_start3A_95 = tpu.memref_slice %arg5[%add3A_90, %dma_start3A_94] : memref<640x500xi32, #tpu.memory_space<hbm>> -> memref<1x500xi32, #tpu.memory_space<hbm>>
      %dma_start3A_96 = tpu.memref_squeeze %dma_start3A_95 : memref<1x500xi32, #tpu.memory_space<hbm>> -> memref<500xi32, #tpu.memory_space<hbm>>
      tpu.enqueue_dma source(%dma_start3A_96 : memref<500xi32, #tpu.memory_space<hbm>>) target(%arg14 : memref<500xi32, #tpu.memory_space<vmem>>) target_semaphore(%arg23 : memref<!tpu.dma_semaphore, #tpu.memory_space<semaphore_mem>>)
      %add3A_97 = arith.constant 608 : i32
      %add3A_98 = arith.addi %arg1, %add3A_97 : i32
      %dma_wait3A_99 = arith.constant 0 : i32
      %dma_wait3A_100 = tpu.memref_slice %arg4[%add3A_98, %dma_wait3A_99] : memref<640x500xi32, #tpu.memory_space<hbm>> -> memref<1x500xi32, #tpu.memory_space<hbm>>
      %dma_wait3A_101 = tpu.memref_squeeze %dma_wait3A_100 : memref<1x500xi32, #tpu.memory_space<hbm>> -> memref<500xi32, #tpu.memory_space<hbm>>
      %dma_wait3A_102 = arith.constant 0 : i32
      %dma_wait3A_103 = tpu.memref_slice %arg4[%add3A_98, %dma_wait3A_102] : memref<640x500xi32, #tpu.memory_space<hbm>> -> memref<1x500xi32, #tpu.memory_space<hbm>>
      %dma_wait3A_104 = tpu.memref_squeeze %dma_wait3A_103 : memref<1x500xi32, #tpu.memory_space<hbm>> -> memref<500xi32, #tpu.memory_space<hbm>>
      tpu.wait_dma2 semaphore(%arg22 : memref<!tpu.dma_semaphore, #tpu.memory_space<semaphore_mem>>) src(%dma_wait3A_104 : memref<500xi32, #tpu.memory_space<hbm>>) dst(%arg9 : memref<500xi32, #tpu.memory_space<vmem>>)
      %add3A_105 = arith.constant 608 : i32
      %add3A_106 = arith.addi %arg1, %add3A_105 : i32
      %dma_wait3A_107 = arith.constant 0 : i32
      %dma_wait3A_108 = tpu.memref_slice %arg5[%add3A_106, %dma_wait3A_107] : memref<640x500xi32, #tpu.memory_space<hbm>> -> memref<1x500xi32, #tpu.memory_space<hbm>>
      %dma_wait3A_109 = tpu.memref_squeeze %dma_wait3A_108 : memref<1x500xi32, #tpu.memory_space<hbm>> -> memref<500xi32, #tpu.memory_space<hbm>>
      %dma_wait3A_110 = arith.constant 0 : i32
      %dma_wait3A_111 = tpu.memref_slice %arg5[%add3A_106, %dma_wait3A_110] : memref<640x500xi32, #tpu.memory_space<hbm>> -> memref<1x500xi32, #tpu.memory_space<hbm>>
      %dma_wait3A_112 = tpu.memref_squeeze %dma_wait3A_111 : memref<1x500xi32, #tpu.memory_space<hbm>> -> memref<500xi32, #tpu.memory_space<hbm>>
      tpu.wait_dma2 semaphore(%arg22 : memref<!tpu.dma_semaphore, #tpu.memory_space<semaphore_mem>>) src(%dma_wait3A_112 : memref<500xi32, #tpu.memory_space<hbm>>) dst(%arg13 : memref<500xi32, #tpu.memory_space<vmem>>)
      %dma_start3A_113 = arith.constant 0 : i32
      %dma_start3A_114 = arith.constant 0 : i32
      %dma_start3A_115 = tpu.memref_slice %arg2[%dma_start3A_113, %dma_start3A_114] : memref<10000x64xf32, #tpu.memory_space<hbm>> -> memref<10000x64xf32, #tpu.memory_space<hbm>>
      tpu.enqueue_indirect_dma source(%dma_start3A_115 : memref<10000x64xf32, #tpu.memory_space<hbm>>) target(%arg15 : memref<500x64xf32, #tpu.memory_space<vmem>>) offsets(%arg9 : memref<500xi32, #tpu.memory_space<vmem>>) semaphore(%arg18 : memref<!tpu.dma_semaphore, #tpu.memory_space<semaphore_mem>>)
      %dma_wait3A_116 = arith.constant 0 : i32
      %dma_wait3A_117 = arith.constant 0 : i32
      %dma_wait3A_118 = tpu.memref_slice %arg2[%dma_wait3A_116, %dma_wait3A_117] : memref<10000x64xf32, #tpu.memory_space<hbm>> -> memref<10000x64xf32, #tpu.memory_space<hbm>>
      tpu.wait_indirect_dma semaphore(%arg19 : memref<!tpu.dma_semaphore, #tpu.memory_space<semaphore_mem>>) src(%dma_wait3A_118 : memref<10000x64xf32, #tpu.memory_space<hbm>>) dst(%arg16 : memref<500x64xf32, #tpu.memory_space<vmem>>)
      "tpu.trace_start"() <{level = 10 : i32, message = "sc_scat"}> : () -> ()
      "tpu.region"() ({
        %run_scoped3A = tpu.sem_alloc : memref<!tpu.dma_semaphore, #tpu.memory_space<semaphore_mem>>
        %dma_start3A_144 = arith.constant 0 : i32
        %dma_start3A_145 = arith.constant 0 : i32
        %dma_start3A_146 = tpu.memref_slice %arg17[%dma_start3A_144, %dma_start3A_145] : memref<10240x64xf32, #tpu.memory_space<vmem_shared>> -> memref<10240x64xf32, #tpu.memory_space<vmem_shared>>
        tpu.enqueue_indirect_dma source(%arg16 : memref<500x64xf32, #tpu.memory_space<vmem>>) target(%dma_start3A_146 : memref<10240x64xf32, #tpu.memory_space<vmem_shared>>) offsets(%arg12 : memref<500xi32, #tpu.memory_space<vmem>>) semaphore(%run_scoped3A : memref<!tpu.dma_semaphore, #tpu.memory_space<semaphore_mem>>) {add = true}
        %dma_wait3A_147 = arith.constant 0 : i32
        %dma_wait3A_148 = arith.constant 0 : i32
        %dma_wait3A_149 = tpu.memref_slice %arg17[%dma_wait3A_147, %dma_wait3A_148] : memref<10240x64xf32, #tpu.memory_space<vmem_shared>> -> memref<10240x64xf32, #tpu.memory_space<vmem_shared>>
        tpu.wait_indirect_dma semaphore(%run_scoped3A : memref<!tpu.dma_semaphore, #tpu.memory_space<semaphore_mem>>) src(%arg16 : memref<500x64xf32, #tpu.memory_space<vmem>>) dst(%dma_wait3A_149 : memref<10240x64xf32, #tpu.memory_space<vmem_shared>>)
        tpu.yield
      }) : () -> ()
      "tpu.trace_stop"() : () -> ()
      %add3A_119 = arith.constant 624 : i32
      %add3A_120 = arith.addi %arg1, %add3A_119 : i32
      %dma_wait3A_121 = arith.constant 0 : i32
      %dma_wait3A_122 = tpu.memref_slice %arg4[%add3A_120, %dma_wait3A_121] : memref<640x500xi32, #tpu.memory_space<hbm>> -> memref<1x500xi32, #tpu.memory_space<hbm>>
      %dma_wait3A_123 = tpu.memref_squeeze %dma_wait3A_122 : memref<1x500xi32, #tpu.memory_space<hbm>> -> memref<500xi32, #tpu.memory_space<hbm>>
      %dma_wait3A_124 = arith.constant 0 : i32
      %dma_wait3A_125 = tpu.memref_slice %arg4[%add3A_120, %dma_wait3A_124] : memref<640x500xi32, #tpu.memory_space<hbm>> -> memref<1x500xi32, #tpu.memory_space<hbm>>
      %dma_wait3A_126 = tpu.memref_squeeze %dma_wait3A_125 : memref<1x500xi32, #tpu.memory_space<hbm>> -> memref<500xi32, #tpu.memory_space<hbm>>
      tpu.wait_dma2 semaphore(%arg23 : memref<!tpu.dma_semaphore, #tpu.memory_space<semaphore_mem>>) src(%dma_wait3A_126 : memref<500xi32, #tpu.memory_space<hbm>>) dst(%arg10 : memref<500xi32, #tpu.memory_space<vmem>>)
      %add3A_127 = arith.constant 624 : i32
      %add3A_128 = arith.addi %arg1, %add3A_127 : i32
      %dma_wait3A_129 = arith.constant 0 : i32
      %dma_wait3A_130 = tpu.memref_slice %arg5[%add3A_128, %dma_wait3A_129] : memref<640x500xi32, #tpu.memory_space<hbm>> -> memref<1x500xi32, #tpu.memory_space<hbm>>
      %dma_wait3A_131 = tpu.memref_squeeze %dma_wait3A_130 : memref<1x500xi32, #tpu.memory_space<hbm>> -> memref<500xi32, #tpu.memory_space<hbm>>
      %dma_wait3A_132 = arith.constant 0 : i32
      %dma_wait3A_133 = tpu.memref_slice %arg5[%add3A_128, %dma_wait3A_132] : memref<640x500xi32, #tpu.memory_space<hbm>> -> memref<1x500xi32, #tpu.memory_space<hbm>>
      %dma_wait3A_134 = tpu.memref_squeeze %dma_wait3A_133 : memref<1x500xi32, #tpu.memory_space<hbm>> -> memref<500xi32, #tpu.memory_space<hbm>>
      tpu.wait_dma2 semaphore(%arg23 : memref<!tpu.dma_semaphore, #tpu.memory_space<semaphore_mem>>) src(%dma_wait3A_134 : memref<500xi32, #tpu.memory_space<hbm>>) dst(%arg14 : memref<500xi32, #tpu.memory_space<vmem>>)
      %dma_start3A_135 = arith.constant 0 : i32
      %dma_start3A_136 = arith.constant 0 : i32
      %dma_start3A_137 = tpu.memref_slice %arg2[%dma_start3A_135, %dma_start3A_136] : memref<10000x64xf32, #tpu.memory_space<hbm>> -> memref<10000x64xf32, #tpu.memory_space<hbm>>
      tpu.enqueue_indirect_dma source(%dma_start3A_137 : memref<10000x64xf32, #tpu.memory_space<hbm>>) target(%arg16 : memref<500x64xf32, #tpu.memory_space<vmem>>) offsets(%arg10 : memref<500xi32, #tpu.memory_space<vmem>>) semaphore(%arg19 : memref<!tpu.dma_semaphore, #tpu.memory_space<semaphore_mem>>)
      %dma_wait3A_138 = arith.constant 0 : i32
      %dma_wait3A_139 = arith.constant 0 : i32
      %dma_wait3A_140 = tpu.memref_slice %arg2[%dma_wait3A_138, %dma_wait3A_139] : memref<10000x64xf32, #tpu.memory_space<hbm>> -> memref<10000x64xf32, #tpu.memory_space<hbm>>
      tpu.wait_indirect_dma semaphore(%arg18 : memref<!tpu.dma_semaphore, #tpu.memory_space<semaphore_mem>>) src(%dma_wait3A_140 : memref<10000x64xf32, #tpu.memory_space<hbm>>) dst(%arg15 : memref<500x64xf32, #tpu.memory_space<vmem>>)
      "tpu.trace_start"() <{level = 10 : i32, message = "sc_scat"}> : () -> ()
      "tpu.region"() ({
        %run_scoped3A = tpu.sem_alloc : memref<!tpu.dma_semaphore, #tpu.memory_space<semaphore_mem>>
        %dma_start3A_144 = arith.constant 0 : i32
        %dma_start3A_145 = arith.constant 0 : i32
        %dma_start3A_146 = tpu.memref_slice %arg17[%dma_start3A_144, %dma_start3A_145] : memref<10240x64xf32, #tpu.memory_space<vmem_shared>> -> memref<10240x64xf32, #tpu.memory_space<vmem_shared>>
        tpu.enqueue_indirect_dma source(%arg15 : memref<500x64xf32, #tpu.memory_space<vmem>>) target(%dma_start3A_146 : memref<10240x64xf32, #tpu.memory_space<vmem_shared>>) offsets(%arg13 : memref<500xi32, #tpu.memory_space<vmem>>) semaphore(%run_scoped3A : memref<!tpu.dma_semaphore, #tpu.memory_space<semaphore_mem>>) {add = true}
        %dma_wait3A_147 = arith.constant 0 : i32
        %dma_wait3A_148 = arith.constant 0 : i32
        %dma_wait3A_149 = tpu.memref_slice %arg17[%dma_wait3A_147, %dma_wait3A_148] : memref<10240x64xf32, #tpu.memory_space<vmem_shared>> -> memref<10240x64xf32, #tpu.memory_space<vmem_shared>>
        tpu.wait_indirect_dma semaphore(%run_scoped3A : memref<!tpu.dma_semaphore, #tpu.memory_space<semaphore_mem>>) src(%arg15 : memref<500x64xf32, #tpu.memory_space<vmem>>) dst(%dma_wait3A_149 : memref<10240x64xf32, #tpu.memory_space<vmem_shared>>)
        tpu.yield
      }) : () -> ()
      "tpu.trace_stop"() : () -> ()
      %dma_wait3A_141 = arith.constant 0 : i32
      %dma_wait3A_142 = arith.constant 0 : i32
      %dma_wait3A_143 = tpu.memref_slice %arg2[%dma_wait3A_141, %dma_wait3A_142] : memref<10000x64xf32, #tpu.memory_space<hbm>> -> memref<10000x64xf32, #tpu.memory_space<hbm>>
      tpu.wait_indirect_dma semaphore(%arg19 : memref<!tpu.dma_semaphore, #tpu.memory_space<semaphore_mem>>) src(%dma_wait3A_143 : memref<10000x64xf32, #tpu.memory_space<hbm>>) dst(%arg16 : memref<500x64xf32, #tpu.memory_space<vmem>>)
      "tpu.trace_start"() <{level = 10 : i32, message = "sc_scat"}> : () -> ()
      "tpu.region"() ({
        %run_scoped3A = tpu.sem_alloc : memref<!tpu.dma_semaphore, #tpu.memory_space<semaphore_mem>>
        %dma_start3A_144 = arith.constant 0 : i32
        %dma_start3A_145 = arith.constant 0 : i32
        %dma_start3A_146 = tpu.memref_slice %arg17[%dma_start3A_144, %dma_start3A_145] : memref<10240x64xf32, #tpu.memory_space<vmem_shared>> -> memref<10240x64xf32, #tpu.memory_space<vmem_shared>>
        tpu.enqueue_indirect_dma source(%arg16 : memref<500x64xf32, #tpu.memory_space<vmem>>) target(%dma_start3A_146 : memref<10240x64xf32, #tpu.memory_space<vmem_shared>>) offsets(%arg14 : memref<500xi32, #tpu.memory_space<vmem>>) semaphore(%run_scoped3A : memref<!tpu.dma_semaphore, #tpu.memory_space<semaphore_mem>>) {add = true}
        %dma_wait3A_147 = arith.constant 0 : i32
        %dma_wait3A_148 = arith.constant 0 : i32
        %dma_wait3A_149 = tpu.memref_slice %arg17[%dma_wait3A_147, %dma_wait3A_148] : memref<10240x64xf32, #tpu.memory_space<vmem_shared>> -> memref<10240x64xf32, #tpu.memory_space<vmem_shared>>
        tpu.wait_indirect_dma semaphore(%run_scoped3A : memref<!tpu.dma_semaphore, #tpu.memory_space<semaphore_mem>>) src(%arg16 : memref<500x64xf32, #tpu.memory_space<vmem>>) dst(%dma_wait3A_149 : memref<10240x64xf32, #tpu.memory_space<vmem_shared>>)
        tpu.yield
      }) : () -> ()
      "tpu.trace_stop"() : () -> ()
    } else {
    }
    %eq3A_10 = arith.constant 1 : i32
    %eq3A_11 = arith.cmpi eq, %arg0, %eq3A_10 : i32
    %convert_element_type3A_12 = arith.extui %eq3A_11 : i1 to i32
    %cond3A_13 = arith.constant 0 : i32
    %cond3A_14 = arith.cmpi ne, %convert_element_type3A_12, %cond3A_13 : i32
    scf.if %cond3A_14 {
      %add3A_16 = arith.constant 0 : i32
      %add3A_17 = arith.addi %arg1, %add3A_16 : i32
      "tpu.region"() ({
        %run_scoped3A = tpu.sem_alloc : memref<!tpu.dma_semaphore, #tpu.memory_space<semaphore_mem>>
        %dma_start3A_144 = arith.constant 0 : i32
        %dma_start3A_145 = tpu.memref_slice %arg4[%add3A_17, %dma_start3A_144] : memref<640x500xi32, #tpu.memory_space<hbm>> -> memref<1x500xi32, #tpu.memory_space<hbm>>
        %dma_start3A_146 = tpu.memref_squeeze %dma_start3A_145 : memref<1x500xi32, #tpu.memory_space<hbm>> -> memref<500xi32, #tpu.memory_space<hbm>>
        %dma_start3A_147 = arith.constant 0 : i32
        %dma_start3A_148 = tpu.memref_slice %arg4[%add3A_17, %dma_start3A_147] : memref<640x500xi32, #tpu.memory_space<hbm>> -> memref<1x500xi32, #tpu.memory_space<hbm>>
        %dma_start3A_149 = tpu.memref_squeeze %dma_start3A_148 : memref<1x500xi32, #tpu.memory_space<hbm>> -> memref<500xi32, #tpu.memory_space<hbm>>
        tpu.enqueue_dma source(%dma_start3A_149 : memref<500xi32, #tpu.memory_space<hbm>>) target(%arg7 : memref<500xi32, #tpu.memory_space<vmem>>) target_semaphore(%run_scoped3A : memref<!tpu.dma_semaphore, #tpu.memory_space<semaphore_mem>>)
        %dma_wait3A_150 = arith.constant 0 : i32
        %dma_wait3A_151 = tpu.memref_slice %arg4[%add3A_17, %dma_wait3A_150] : memref<640x500xi32, #tpu.memory_space<hbm>> -> memref<1x500xi32, #tpu.memory_space<hbm>>
        %dma_wait3A_152 = tpu.memref_squeeze %dma_wait3A_151 : memref<1x500xi32, #tpu.memory_space<hbm>> -> memref<500xi32, #tpu.memory_space<hbm>>
        %dma_wait3A_153 = arith.constant 0 : i32
        %dma_wait3A_154 = tpu.memref_slice %arg4[%add3A_17, %dma_wait3A_153] : memref<640x500xi32, #tpu.memory_space<hbm>> -> memref<1x500xi32, #tpu.memory_space<hbm>>
        %dma_wait3A_155 = tpu.memref_squeeze %dma_wait3A_154 : memref<1x500xi32, #tpu.memory_space<hbm>> -> memref<500xi32, #tpu.memory_space<hbm>>
        tpu.wait_dma2 semaphore(%run_scoped3A : memref<!tpu.dma_semaphore, #tpu.memory_space<semaphore_mem>>) src(%dma_wait3A_155 : memref<500xi32, #tpu.memory_space<hbm>>) dst(%arg7 : memref<500xi32, #tpu.memory_space<vmem>>)
        tpu.yield
      }) : () -> ()
      %add3A_18 = arith.constant 0 : i32
      %add3A_19 = arith.addi %arg1, %add3A_18 : i32
      "tpu.region"() ({
        %run_scoped3A = tpu.sem_alloc : memref<!tpu.dma_semaphore, #tpu.memory_space<semaphore_mem>>
        %dma_start3A_144 = arith.constant 0 : i32
        %dma_start3A_145 = tpu.memref_slice %arg5[%add3A_19, %dma_start3A_144] : memref<640x500xi32, #tpu.memory_space<hbm>> -> memref<1x500xi32, #tpu.memory_space<hbm>>
        %dma_start3A_146 = tpu.memref_squeeze %dma_start3A_145 : memref<1x500xi32, #tpu.memory_space<hbm>> -> memref<500xi32, #tpu.memory_space<hbm>>
        %dma_start3A_147 = arith.constant 0 : i32
        %dma_start3A_148 = tpu.memref_slice %arg5[%add3A_19, %dma_start3A_147] : memref<640x500xi32, #tpu.memory_space<hbm>> -> memref<1x500xi32, #tpu.memory_space<hbm>>
        %dma_start3A_149 = tpu.memref_squeeze %dma_start3A_148 : memref<1x500xi32, #tpu.memory_space<hbm>> -> memref<500xi32, #tpu.memory_space<hbm>>
        tpu.enqueue_dma source(%dma_start3A_149 : memref<500xi32, #tpu.memory_space<hbm>>) target(%arg11 : memref<500xi32, #tpu.memory_space<vmem>>) target_semaphore(%run_scoped3A : memref<!tpu.dma_semaphore, #tpu.memory_space<semaphore_mem>>)
        %dma_wait3A_150 = arith.constant 0 : i32
        %dma_wait3A_151 = tpu.memref_slice %arg5[%add3A_19, %dma_wait3A_150] : memref<640x500xi32, #tpu.memory_space<hbm>> -> memref<1x500xi32, #tpu.memory_space<hbm>>
        %dma_wait3A_152 = tpu.memref_squeeze %dma_wait3A_151 : memref<1x500xi32, #tpu.memory_space<hbm>> -> memref<500xi32, #tpu.memory_space<hbm>>
        %dma_wait3A_153 = arith.constant 0 : i32
        %dma_wait3A_154 = tpu.memref_slice %arg5[%add3A_19, %dma_wait3A_153] : memref<640x500xi32, #tpu.memory_space<hbm>> -> memref<1x500xi32, #tpu.memory_space<hbm>>
        %dma_wait3A_155 = tpu.memref_squeeze %dma_wait3A_154 : memref<1x500xi32, #tpu.memory_space<hbm>> -> memref<500xi32, #tpu.memory_space<hbm>>
        tpu.wait_dma2 semaphore(%run_scoped3A : memref<!tpu.dma_semaphore, #tpu.memory_space<semaphore_mem>>) src(%dma_wait3A_155 : memref<500xi32, #tpu.memory_space<hbm>>) dst(%arg11 : memref<500xi32, #tpu.memory_space<vmem>>)
        tpu.yield
      }) : () -> ()
      %add3A_20 = arith.constant 16 : i32
      %add3A_21 = arith.addi %arg1, %add3A_20 : i32
      %dma_start3A = arith.constant 0 : i32
      %dma_start3A_22 = tpu.memref_slice %arg4[%add3A_21, %dma_start3A] : memref<640x500xi32, #tpu.memory_space<hbm>> -> memref<1x500xi32, #tpu.memory_space<hbm>>
      %dma_start3A_23 = tpu.memref_squeeze %dma_start3A_22 : memref<1x500xi32, #tpu.memory_space<hbm>> -> memref<500xi32, #tpu.memory_space<hbm>>
      %dma_start3A_24 = arith.constant 0 : i32
      %dma_start3A_25 = tpu.memref_slice %arg4[%add3A_21, %dma_start3A_24] : memref<640x500xi32, #tpu.memory_space<hbm>> -> memref<1x500xi32, #tpu.memory_space<hbm>>
      %dma_start3A_26 = tpu.memref_squeeze %dma_start3A_25 : memref<1x500xi32, #tpu.memory_space<hbm>> -> memref<500xi32, #tpu.memory_space<hbm>>
      tpu.enqueue_dma source(%dma_start3A_26 : memref<500xi32, #tpu.memory_space<hbm>>) target(%arg8 : memref<500xi32, #tpu.memory_space<vmem>>) target_semaphore(%arg21 : memref<!tpu.dma_semaphore, #tpu.memory_space<semaphore_mem>>)
      %add3A_27 = arith.constant 16 : i32
      %add3A_28 = arith.addi %arg1, %add3A_27 : i32
      %dma_start3A_29 = arith.constant 0 : i32
      %dma_start3A_30 = tpu.memref_slice %arg5[%add3A_28, %dma_start3A_29] : memref<640x500xi32, #tpu.memory_space<hbm>> -> memref<1x500xi32, #tpu.memory_space<hbm>>
      %dma_start3A_31 = tpu.memref_squeeze %dma_start3A_30 : memref<1x500xi32, #tpu.memory_space<hbm>> -> memref<500xi32, #tpu.memory_space<hbm>>
      %dma_start3A_32 = arith.constant 0 : i32
      %dma_start3A_33 = tpu.memref_slice %arg5[%add3A_28, %dma_start3A_32] : memref<640x500xi32, #tpu.memory_space<hbm>> -> memref<1x500xi32, #tpu.memory_space<hbm>>
      %dma_start3A_34 = tpu.memref_squeeze %dma_start3A_33 : memref<1x500xi32, #tpu.memory_space<hbm>> -> memref<500xi32, #tpu.memory_space<hbm>>
      tpu.enqueue_dma source(%dma_start3A_34 : memref<500xi32, #tpu.memory_space<hbm>>) target(%arg12 : memref<500xi32, #tpu.memory_space<vmem>>) target_semaphore(%arg21 : memref<!tpu.dma_semaphore, #tpu.memory_space<semaphore_mem>>)
      %add3A_35 = arith.constant 32 : i32
      %add3A_36 = arith.addi %arg1, %add3A_35 : i32
      %dma_start3A_37 = arith.constant 0 : i32
      %dma_start3A_38 = tpu.memref_slice %arg4[%add3A_36, %dma_start3A_37] : memref<640x500xi32, #tpu.memory_space<hbm>> -> memref<1x500xi32, #tpu.memory_space<hbm>>
      %dma_start3A_39 = tpu.memref_squeeze %dma_start3A_38 : memref<1x500xi32, #tpu.memory_space<hbm>> -> memref<500xi32, #tpu.memory_space<hbm>>
      %dma_start3A_40 = arith.constant 0 : i32
      %dma_start3A_41 = tpu.memref_slice %arg4[%add3A_36, %dma_start3A_40] : memref<640x500xi32, #tpu.memory_space<hbm>> -> memref<1x500xi32, #tpu.memory_space<hbm>>
      %dma_start3A_42 = tpu.memref_squeeze %dma_start3A_41 : memref<1x500xi32, #tpu.memory_space<hbm>> -> memref<500xi32, #tpu.memory_space<hbm>>
      tpu.enqueue_dma source(%dma_start3A_42 : memref<500xi32, #tpu.memory_space<hbm>>) target(%arg9 : memref<500xi32, #tpu.memory_space<vmem>>) target_semaphore(%arg22 : memref<!tpu.dma_semaphore, #tpu.memory_space<semaphore_mem>>)
      %add3A_43 = arith.constant 32 : i32
      %add3A_44 = arith.addi %arg1, %add3A_43 : i32
      %dma_start3A_45 = arith.constant 0 : i32
      %dma_start3A_46 = tpu.memref_slice %arg5[%add3A_44, %dma_start3A_45] : memref<640x500xi32, #tpu.memory_space<hbm>> -> memref<1x500xi32, #tpu.memory_space<hbm>>
      %dma_start3A_47 = tpu.memref_squeeze %dma_start3A_46 : memref<1x500xi32, #tpu.memory_space<hbm>> -> memref<500xi32, #tpu.memory_space<hbm>>
      %dma_start3A_48 = arith.constant 0 : i32
      %dma_start3A_49 = tpu.memref_slice %arg5[%add3A_44, %dma_start3A_48] : memref<640x500xi32, #tpu.memory_space<hbm>> -> memref<1x500xi32, #tpu.memory_space<hbm>>
      %dma_start3A_50 = tpu.memref_squeeze %dma_start3A_49 : memref<1x500xi32, #tpu.memory_space<hbm>> -> memref<500xi32, #tpu.memory_space<hbm>>
      tpu.enqueue_dma source(%dma_start3A_50 : memref<500xi32, #tpu.memory_space<hbm>>) target(%arg13 : memref<500xi32, #tpu.memory_space<vmem>>) target_semaphore(%arg22 : memref<!tpu.dma_semaphore, #tpu.memory_space<semaphore_mem>>)
      %dma_start3A_51 = arith.constant 0 : i32
      %dma_start3A_52 = arith.constant 0 : i32
      %dma_start3A_53 = tpu.memref_slice %arg3[%dma_start3A_51, %dma_start3A_52] : memref<10000x64xf32, #tpu.memory_space<hbm>> -> memref<10000x64xf32, #tpu.memory_space<hbm>>
      tpu.enqueue_indirect_dma source(%dma_start3A_53 : memref<10000x64xf32, #tpu.memory_space<hbm>>) target(%arg15 : memref<500x64xf32, #tpu.memory_space<vmem>>) offsets(%arg7 : memref<500xi32, #tpu.memory_space<vmem>>) semaphore(%arg18 : memref<!tpu.dma_semaphore, #tpu.memory_space<semaphore_mem>>)
      %add3A_54 = arith.constant 16 : i32
      %add3A_55 = arith.addi %arg1, %add3A_54 : i32
      %dma_wait3A = arith.constant 0 : i32
      %dma_wait3A_56 = tpu.memref_slice %arg4[%add3A_55, %dma_wait3A] : memref<640x500xi32, #tpu.memory_space<hbm>> -> memref<1x500xi32, #tpu.memory_space<hbm>>
      %dma_wait3A_57 = tpu.memref_squeeze %dma_wait3A_56 : memref<1x500xi32, #tpu.memory_space<hbm>> -> memref<500xi32, #tpu.memory_space<hbm>>
      %dma_wait3A_58 = arith.constant 0 : i32
      %dma_wait3A_59 = tpu.memref_slice %arg4[%add3A_55, %dma_wait3A_58] : memref<640x500xi32, #tpu.memory_space<hbm>> -> memref<1x500xi32, #tpu.memory_space<hbm>>
      %dma_wait3A_60 = tpu.memref_squeeze %dma_wait3A_59 : memref<1x500xi32, #tpu.memory_space<hbm>> -> memref<500xi32, #tpu.memory_space<hbm>>
      tpu.wait_dma2 semaphore(%arg21 : memref<!tpu.dma_semaphore, #tpu.memory_space<semaphore_mem>>) src(%dma_wait3A_60 : memref<500xi32, #tpu.memory_space<hbm>>) dst(%arg8 : memref<500xi32, #tpu.memory_space<vmem>>)
      %add3A_61 = arith.constant 16 : i32
      %add3A_62 = arith.addi %arg1, %add3A_61 : i32
      %dma_wait3A_63 = arith.constant 0 : i32
      %dma_wait3A_64 = tpu.memref_slice %arg5[%add3A_62, %dma_wait3A_63] : memref<640x500xi32, #tpu.memory_space<hbm>> -> memref<1x500xi32, #tpu.memory_space<hbm>>
      %dma_wait3A_65 = tpu.memref_squeeze %dma_wait3A_64 : memref<1x500xi32, #tpu.memory_space<hbm>> -> memref<500xi32, #tpu.memory_space<hbm>>
      %dma_wait3A_66 = arith.constant 0 : i32
      %dma_wait3A_67 = tpu.memref_slice %arg5[%add3A_62, %dma_wait3A_66] : memref<640x500xi32, #tpu.memory_space<hbm>> -> memref<1x500xi32, #tpu.memory_space<hbm>>
      %dma_wait3A_68 = tpu.memref_squeeze %dma_wait3A_67 : memref<1x500xi32, #tpu.memory_space<hbm>> -> memref<500xi32, #tpu.memory_space<hbm>>
      tpu.wait_dma2 semaphore(%arg21 : memref<!tpu.dma_semaphore, #tpu.memory_space<semaphore_mem>>) src(%dma_wait3A_68 : memref<500xi32, #tpu.memory_space<hbm>>) dst(%arg12 : memref<500xi32, #tpu.memory_space<vmem>>)
      %dma_start3A_69 = arith.constant 0 : i32
      %dma_start3A_70 = arith.constant 0 : i32
      %dma_start3A_71 = tpu.memref_slice %arg3[%dma_start3A_69, %dma_start3A_70] : memref<10000x64xf32, #tpu.memory_space<hbm>> -> memref<10000x64xf32, #tpu.memory_space<hbm>>
      tpu.enqueue_indirect_dma source(%dma_start3A_71 : memref<10000x64xf32, #tpu.memory_space<hbm>>) target(%arg16 : memref<500x64xf32, #tpu.memory_space<vmem>>) offsets(%arg8 : memref<500xi32, #tpu.memory_space<vmem>>) semaphore(%arg19 : memref<!tpu.dma_semaphore, #tpu.memory_space<semaphore_mem>>)
      %scan3A_72 = arith.constant 0 : i32
      %scan3A_73 = arith.constant 0 : i32
      %scan3A_74 = arith.constant 9 : i32
      %scan3A_75 = arith.addi %scan3A_73, %scan3A_74 : i32
      %scan3A_76 = arith.constant 1 : i32
      scf.for %scan3A_144 = %scan3A_73 to %scan3A_75 step %scan3A_76  : i32 {
        %mul3A_145 = arith.constant 4 : i32
        %mul3A_146 = arith.muli %mul3A_145, %scan3A_144 : i32
        %dma_wait3A_147 = arith.constant 0 : i32
        %dma_wait3A_148 = arith.constant 0 : i32
        %dma_wait3A_149 = tpu.memref_slice %arg3[%dma_wait3A_147, %dma_wait3A_148] : memref<10000x64xf32, #tpu.memory_space<hbm>> -> memref<10000x64xf32, #tpu.memory_space<hbm>>
        tpu.wait_indirect_dma semaphore(%arg18 : memref<!tpu.dma_semaphore, #tpu.memory_space<semaphore_mem>>) src(%dma_wait3A_149 : memref<10000x64xf32, #tpu.memory_space<hbm>>) dst(%arg15 : memref<500x64xf32, #tpu.memory_space<vmem>>)
        "tpu.trace_start"() <{level = 10 : i32, message = "sc_scat"}> : () -> ()
        "tpu.region"() ({
          %run_scoped3A = tpu.sem_alloc : memref<!tpu.dma_semaphore, #tpu.memory_space<semaphore_mem>>
          %dma_start3A_345 = arith.constant 0 : i32
          %dma_start3A_346 = arith.constant 0 : i32
          %dma_start3A_347 = tpu.memref_slice %arg17[%dma_start3A_345, %dma_start3A_346] : memref<10240x64xf32, #tpu.memory_space<vmem_shared>> -> memref<10240x64xf32, #tpu.memory_space<vmem_shared>>
          tpu.enqueue_indirect_dma source(%arg15 : memref<500x64xf32, #tpu.memory_space<vmem>>) target(%dma_start3A_347 : memref<10240x64xf32, #tpu.memory_space<vmem_shared>>) offsets(%arg11 : memref<500xi32, #tpu.memory_space<vmem>>) semaphore(%run_scoped3A : memref<!tpu.dma_semaphore, #tpu.memory_space<semaphore_mem>>) {add = true}
          %dma_wait3A_348 = arith.constant 0 : i32
          %dma_wait3A_349 = arith.constant 0 : i32
          %dma_wait3A_350 = tpu.memref_slice %arg17[%dma_wait3A_348, %dma_wait3A_349] : memref<10240x64xf32, #tpu.memory_space<vmem_shared>> -> memref<10240x64xf32, #tpu.memory_space<vmem_shared>>
          tpu.wait_indirect_dma semaphore(%run_scoped3A : memref<!tpu.dma_semaphore, #tpu.memory_space<semaphore_mem>>) src(%arg15 : memref<500x64xf32, #tpu.memory_space<vmem>>) dst(%dma_wait3A_350 : memref<10240x64xf32, #tpu.memory_space<vmem_shared>>)
          tpu.yield
        }) : () -> ()
        "tpu.trace_stop"() : () -> ()
        %add3A_150 = arith.constant 3 : i32
        %add3A_151 = arith.addi %mul3A_146, %add3A_150 : i32
        %mul3A_152 = arith.constant 16 : i32
        %mul3A_153 = arith.muli %add3A_151, %mul3A_152 : i32
        %add3A_154 = arith.addi %arg1, %mul3A_153 : i32
        %dma_start3A_155 = arith.constant 0 : i32
        %dma_start3A_156 = tpu.memref_slice %arg4[%add3A_154, %dma_start3A_155] : memref<640x500xi32, #tpu.memory_space<hbm>> -> memref<1x500xi32, #tpu.memory_space<hbm>>
        %dma_start3A_157 = tpu.memref_squeeze %dma_start3A_156 : memref<1x500xi32, #tpu.memory_space<hbm>> -> memref<500xi32, #tpu.memory_space<hbm>>
        %dma_start3A_158 = arith.constant 0 : i32
        %dma_start3A_159 = tpu.memref_slice %arg4[%add3A_154, %dma_start3A_158] : memref<640x500xi32, #tpu.memory_space<hbm>> -> memref<1x500xi32, #tpu.memory_space<hbm>>
        %dma_start3A_160 = tpu.memref_squeeze %dma_start3A_159 : memref<1x500xi32, #tpu.memory_space<hbm>> -> memref<500xi32, #tpu.memory_space<hbm>>
        tpu.enqueue_dma source(%dma_start3A_160 : memref<500xi32, #tpu.memory_space<hbm>>) target(%arg10 : memref<500xi32, #tpu.memory_space<vmem>>) target_semaphore(%arg23 : memref<!tpu.dma_semaphore, #tpu.memory_space<semaphore_mem>>)
        %mul3A_161 = arith.constant 16 : i32
        %mul3A_162 = arith.muli %add3A_151, %mul3A_161 : i32
        %add3A_163 = arith.addi %arg1, %mul3A_162 : i32
        %dma_start3A_164 = arith.constant 0 : i32
        %dma_start3A_165 = tpu.memref_slice %arg5[%add3A_163, %dma_start3A_164] : memref<640x500xi32, #tpu.memory_space<hbm>> -> memref<1x500xi32, #tpu.memory_space<hbm>>
        %dma_start3A_166 = tpu.memref_squeeze %dma_start3A_165 : memref<1x500xi32, #tpu.memory_space<hbm>> -> memref<500xi32, #tpu.memory_space<hbm>>
        %dma_start3A_167 = arith.constant 0 : i32
        %dma_start3A_168 = tpu.memref_slice %arg5[%add3A_163, %dma_start3A_167] : memref<640x500xi32, #tpu.memory_space<hbm>> -> memref<1x500xi32, #tpu.memory_space<hbm>>
        %dma_start3A_169 = tpu.memref_squeeze %dma_start3A_168 : memref<1x500xi32, #tpu.memory_space<hbm>> -> memref<500xi32, #tpu.memory_space<hbm>>
        tpu.enqueue_dma source(%dma_start3A_169 : memref<500xi32, #tpu.memory_space<hbm>>) target(%arg14 : memref<500xi32, #tpu.memory_space<vmem>>) target_semaphore(%arg23 : memref<!tpu.dma_semaphore, #tpu.memory_space<semaphore_mem>>)
        %add3A_170 = arith.constant 2 : i32
        %add3A_171 = arith.addi %mul3A_146, %add3A_170 : i32
        %mul3A_172 = arith.constant 16 : i32
        %mul3A_173 = arith.muli %add3A_171, %mul3A_172 : i32
        %add3A_174 = arith.addi %arg1, %mul3A_173 : i32
        %dma_wait3A_175 = arith.constant 0 : i32
        %dma_wait3A_176 = tpu.memref_slice %arg4[%add3A_174, %dma_wait3A_175] : memref<640x500xi32, #tpu.memory_space<hbm>> -> memref<1x500xi32, #tpu.memory_space<hbm>>
        %dma_wait3A_177 = tpu.memref_squeeze %dma_wait3A_176 : memref<1x500xi32, #tpu.memory_space<hbm>> -> memref<500xi32, #tpu.memory_space<hbm>>
        %dma_wait3A_178 = arith.constant 0 : i32
        %dma_wait3A_179 = tpu.memref_slice %arg4[%add3A_174, %dma_wait3A_178] : memref<640x500xi32, #tpu.memory_space<hbm>> -> memref<1x500xi32, #tpu.memory_space<hbm>>
        %dma_wait3A_180 = tpu.memref_squeeze %dma_wait3A_179 : memref<1x500xi32, #tpu.memory_space<hbm>> -> memref<500xi32, #tpu.memory_space<hbm>>
        tpu.wait_dma2 semaphore(%arg22 : memref<!tpu.dma_semaphore, #tpu.memory_space<semaphore_mem>>) src(%dma_wait3A_180 : memref<500xi32, #tpu.memory_space<hbm>>) dst(%arg9 : memref<500xi32, #tpu.memory_space<vmem>>)
        %mul3A_181 = arith.constant 16 : i32
        %mul3A_182 = arith.muli %add3A_171, %mul3A_181 : i32
        %add3A_183 = arith.addi %arg1, %mul3A_182 : i32
        %dma_wait3A_184 = arith.constant 0 : i32
        %dma_wait3A_185 = tpu.memref_slice %arg5[%add3A_183, %dma_wait3A_184] : memref<640x500xi32, #tpu.memory_space<hbm>> -> memref<1x500xi32, #tpu.memory_space<hbm>>
        %dma_wait3A_186 = tpu.memref_squeeze %dma_wait3A_185 : memref<1x500xi32, #tpu.memory_space<hbm>> -> memref<500xi32, #tpu.memory_space<hbm>>
        %dma_wait3A_187 = arith.constant 0 : i32
        %dma_wait3A_188 = tpu.memref_slice %arg5[%add3A_183, %dma_wait3A_187] : memref<640x500xi32, #tpu.memory_space<hbm>> -> memref<1x500xi32, #tpu.memory_space<hbm>>
        %dma_wait3A_189 = tpu.memref_squeeze %dma_wait3A_188 : memref<1x500xi32, #tpu.memory_space<hbm>> -> memref<500xi32, #tpu.memory_space<hbm>>
        tpu.wait_dma2 semaphore(%arg22 : memref<!tpu.dma_semaphore, #tpu.memory_space<semaphore_mem>>) src(%dma_wait3A_189 : memref<500xi32, #tpu.memory_space<hbm>>) dst(%arg13 : memref<500xi32, #tpu.memory_space<vmem>>)
        %add3A_190 = arith.constant 2 : i32
        %add3A_191 = arith.addi %mul3A_146, %add3A_190 : i32
        %dma_start3A_192 = arith.constant 0 : i32
        %dma_start3A_193 = arith.constant 0 : i32
        %dma_start3A_194 = tpu.memref_slice %arg3[%dma_start3A_192, %dma_start3A_193] : memref<10000x64xf32, #tpu.memory_space<hbm>> -> memref<10000x64xf32, #tpu.memory_space<hbm>>
        tpu.enqueue_indirect_dma source(%dma_start3A_194 : memref<10000x64xf32, #tpu.memory_space<hbm>>) target(%arg15 : memref<500x64xf32, #tpu.memory_space<vmem>>) offsets(%arg9 : memref<500xi32, #tpu.memory_space<vmem>>) semaphore(%arg18 : memref<!tpu.dma_semaphore, #tpu.memory_space<semaphore_mem>>)
        %add3A_195 = arith.constant 1 : i32
        %add3A_196 = arith.addi %mul3A_146, %add3A_195 : i32
        %dma_wait3A_197 = arith.constant 0 : i32
        %dma_wait3A_198 = arith.constant 0 : i32
        %dma_wait3A_199 = tpu.memref_slice %arg3[%dma_wait3A_197, %dma_wait3A_198] : memref<10000x64xf32, #tpu.memory_space<hbm>> -> memref<10000x64xf32, #tpu.memory_space<hbm>>
        tpu.wait_indirect_dma semaphore(%arg19 : memref<!tpu.dma_semaphore, #tpu.memory_space<semaphore_mem>>) src(%dma_wait3A_199 : memref<10000x64xf32, #tpu.memory_space<hbm>>) dst(%arg16 : memref<500x64xf32, #tpu.memory_space<vmem>>)
        "tpu.trace_start"() <{level = 10 : i32, message = "sc_scat"}> : () -> ()
        "tpu.region"() ({
          %run_scoped3A = tpu.sem_alloc : memref<!tpu.dma_semaphore, #tpu.memory_space<semaphore_mem>>
          %dma_start3A_345 = arith.constant 0 : i32
          %dma_start3A_346 = arith.constant 0 : i32
          %dma_start3A_347 = tpu.memref_slice %arg17[%dma_start3A_345, %dma_start3A_346] : memref<10240x64xf32, #tpu.memory_space<vmem_shared>> -> memref<10240x64xf32, #tpu.memory_space<vmem_shared>>
          tpu.enqueue_indirect_dma source(%arg16 : memref<500x64xf32, #tpu.memory_space<vmem>>) target(%dma_start3A_347 : memref<10240x64xf32, #tpu.memory_space<vmem_shared>>) offsets(%arg12 : memref<500xi32, #tpu.memory_space<vmem>>) semaphore(%run_scoped3A : memref<!tpu.dma_semaphore, #tpu.memory_space<semaphore_mem>>) {add = true}
          %dma_wait3A_348 = arith.constant 0 : i32
          %dma_wait3A_349 = arith.constant 0 : i32
          %dma_wait3A_350 = tpu.memref_slice %arg17[%dma_wait3A_348, %dma_wait3A_349] : memref<10240x64xf32, #tpu.memory_space<vmem_shared>> -> memref<10240x64xf32, #tpu.memory_space<vmem_shared>>
          tpu.wait_indirect_dma semaphore(%run_scoped3A : memref<!tpu.dma_semaphore, #tpu.memory_space<semaphore_mem>>) src(%arg16 : memref<500x64xf32, #tpu.memory_space<vmem>>) dst(%dma_wait3A_350 : memref<10240x64xf32, #tpu.memory_space<vmem_shared>>)
          tpu.yield
        }) : () -> ()
        "tpu.trace_stop"() : () -> ()
        %add3A_200 = arith.constant 3 : i32
        %add3A_201 = arith.addi %add3A_196, %add3A_200 : i32
        %mul3A_202 = arith.constant 16 : i32
        %mul3A_203 = arith.muli %add3A_201, %mul3A_202 : i32
        %add3A_204 = arith.addi %arg1, %mul3A_203 : i32
        %dma_start3A_205 = arith.constant 0 : i32
        %dma_start3A_206 = tpu.memref_slice %arg4[%add3A_204, %dma_start3A_205] : memref<640x500xi32, #tpu.memory_space<hbm>> -> memref<1x500xi32, #tpu.memory_space<hbm>>
        %dma_start3A_207 = tpu.memref_squeeze %dma_start3A_206 : memref<1x500xi32, #tpu.memory_space<hbm>> -> memref<500xi32, #tpu.memory_space<hbm>>
        %dma_start3A_208 = arith.constant 0 : i32
        %dma_start3A_209 = tpu.memref_slice %arg4[%add3A_204, %dma_start3A_208] : memref<640x500xi32, #tpu.memory_space<hbm>> -> memref<1x500xi32, #tpu.memory_space<hbm>>
        %dma_start3A_210 = tpu.memref_squeeze %dma_start3A_209 : memref<1x500xi32, #tpu.memory_space<hbm>> -> memref<500xi32, #tpu.memory_space<hbm>>
        tpu.enqueue_dma source(%dma_start3A_210 : memref<500xi32, #tpu.memory_space<hbm>>) target(%arg7 : memref<500xi32, #tpu.memory_space<vmem>>) target_semaphore(%arg20 : memref<!tpu.dma_semaphore, #tpu.memory_space<semaphore_mem>>)
        %mul3A_211 = arith.constant 16 : i32
        %mul3A_212 = arith.muli %add3A_201, %mul3A_211 : i32
        %add3A_213 = arith.addi %arg1, %mul3A_212 : i32
        %dma_start3A_214 = arith.constant 0 : i32
        %dma_start3A_215 = tpu.memref_slice %arg5[%add3A_213, %dma_start3A_214] : memref<640x500xi32, #tpu.memory_space<hbm>> -> memref<1x500xi32, #tpu.memory_space<hbm>>
        %dma_start3A_216 = tpu.memref_squeeze %dma_start3A_215 : memref<1x500xi32, #tpu.memory_space<hbm>> -> memref<500xi32, #tpu.memory_space<hbm>>
        %dma_start3A_217 = arith.constant 0 : i32
        %dma_start3A_218 = tpu.memref_slice %arg5[%add3A_213, %dma_start3A_217] : memref<640x500xi32, #tpu.memory_space<hbm>> -> memref<1x500xi32, #tpu.memory_space<hbm>>
        %dma_start3A_219 = tpu.memref_squeeze %dma_start3A_218 : memref<1x500xi32, #tpu.memory_space<hbm>> -> memref<500xi32, #tpu.memory_space<hbm>>
        tpu.enqueue_dma source(%dma_start3A_219 : memref<500xi32, #tpu.memory_space<hbm>>) target(%arg11 : memref<500xi32, #tpu.memory_space<vmem>>) target_semaphore(%arg20 : memref<!tpu.dma_semaphore, #tpu.memory_space<semaphore_mem>>)
        %add3A_220 = arith.constant 2 : i32
        %add3A_221 = arith.addi %add3A_196, %add3A_220 : i32
        %mul3A_222 = arith.constant 16 : i32
        %mul3A_223 = arith.muli %add3A_221, %mul3A_222 : i32
        %add3A_224 = arith.addi %arg1, %mul3A_223 : i32
        %dma_wait3A_225 = arith.constant 0 : i32
        %dma_wait3A_226 = tpu.memref_slice %arg4[%add3A_224, %dma_wait3A_225] : memref<640x500xi32, #tpu.memory_space<hbm>> -> memref<1x500xi32, #tpu.memory_space<hbm>>
        %dma_wait3A_227 = tpu.memref_squeeze %dma_wait3A_226 : memref<1x500xi32, #tpu.memory_space<hbm>> -> memref<500xi32, #tpu.memory_space<hbm>>
        %dma_wait3A_228 = arith.constant 0 : i32
        %dma_wait3A_229 = tpu.memref_slice %arg4[%add3A_224, %dma_wait3A_228] : memref<640x500xi32, #tpu.memory_space<hbm>> -> memref<1x500xi32, #tpu.memory_space<hbm>>
        %dma_wait3A_230 = tpu.memref_squeeze %dma_wait3A_229 : memref<1x500xi32, #tpu.memory_space<hbm>> -> memref<500xi32, #tpu.memory_space<hbm>>
        tpu.wait_dma2 semaphore(%arg23 : memref<!tpu.dma_semaphore, #tpu.memory_space<semaphore_mem>>) src(%dma_wait3A_230 : memref<500xi32, #tpu.memory_space<hbm>>) dst(%arg10 : memref<500xi32, #tpu.memory_space<vmem>>)
        %mul3A_231 = arith.constant 16 : i32
        %mul3A_232 = arith.muli %add3A_221, %mul3A_231 : i32
        %add3A_233 = arith.addi %arg1, %mul3A_232 : i32
        %dma_wait3A_234 = arith.constant 0 : i32
        %dma_wait3A_235 = tpu.memref_slice %arg5[%add3A_233, %dma_wait3A_234] : memref<640x500xi32, #tpu.memory_space<hbm>> -> memref<1x500xi32, #tpu.memory_space<hbm>>
        %dma_wait3A_236 = tpu.memref_squeeze %dma_wait3A_235 : memref<1x500xi32, #tpu.memory_space<hbm>> -> memref<500xi32, #tpu.memory_space<hbm>>
        %dma_wait3A_237 = arith.constant 0 : i32
        %dma_wait3A_238 = tpu.memref_slice %arg5[%add3A_233, %dma_wait3A_237] : memref<640x500xi32, #tpu.memory_space<hbm>> -> memref<1x500xi32, #tpu.memory_space<hbm>>
        %dma_wait3A_239 = tpu.memref_squeeze %dma_wait3A_238 : memref<1x500xi32, #tpu.memory_space<hbm>> -> memref<500xi32, #tpu.memory_space<hbm>>
        tpu.wait_dma2 semaphore(%arg23 : memref<!tpu.dma_semaphore, #tpu.memory_space<semaphore_mem>>) src(%dma_wait3A_239 : memref<500xi32, #tpu.memory_space<hbm>>) dst(%arg14 : memref<500xi32, #tpu.memory_space<vmem>>)
        %add3A_240 = arith.constant 2 : i32
        %add3A_241 = arith.addi %add3A_196, %add3A_240 : i32
        %dma_start3A_242 = arith.constant 0 : i32
        %dma_start3A_243 = arith.constant 0 : i32
        %dma_start3A_244 = tpu.memref_slice %arg3[%dma_start3A_242, %dma_start3A_243] : memref<10000x64xf32, #tpu.memory_space<hbm>> -> memref<10000x64xf32, #tpu.memory_space<hbm>>
        tpu.enqueue_indirect_dma source(%dma_start3A_244 : memref<10000x64xf32, #tpu.memory_space<hbm>>) target(%arg16 : memref<500x64xf32, #tpu.memory_space<vmem>>) offsets(%arg10 : memref<500xi32, #tpu.memory_space<vmem>>) semaphore(%arg19 : memref<!tpu.dma_semaphore, #tpu.memory_space<semaphore_mem>>)
        %add3A_245 = arith.constant 2 : i32
        %add3A_246 = arith.addi %mul3A_146, %add3A_245 : i32
        %dma_wait3A_247 = arith.constant 0 : i32
        %dma_wait3A_248 = arith.constant 0 : i32
        %dma_wait3A_249 = tpu.memref_slice %arg3[%dma_wait3A_247, %dma_wait3A_248] : memref<10000x64xf32, #tpu.memory_space<hbm>> -> memref<10000x64xf32, #tpu.memory_space<hbm>>
        tpu.wait_indirect_dma semaphore(%arg18 : memref<!tpu.dma_semaphore, #tpu.memory_space<semaphore_mem>>) src(%dma_wait3A_249 : memref<10000x64xf32, #tpu.memory_space<hbm>>) dst(%arg15 : memref<500x64xf32, #tpu.memory_space<vmem>>)
        "tpu.trace_start"() <{level = 10 : i32, message = "sc_scat"}> : () -> ()
        "tpu.region"() ({
          %run_scoped3A = tpu.sem_alloc : memref<!tpu.dma_semaphore, #tpu.memory_space<semaphore_mem>>
          %dma_start3A_345 = arith.constant 0 : i32
          %dma_start3A_346 = arith.constant 0 : i32
          %dma_start3A_347 = tpu.memref_slice %arg17[%dma_start3A_345, %dma_start3A_346] : memref<10240x64xf32, #tpu.memory_space<vmem_shared>> -> memref<10240x64xf32, #tpu.memory_space<vmem_shared>>
          tpu.enqueue_indirect_dma source(%arg15 : memref<500x64xf32, #tpu.memory_space<vmem>>) target(%dma_start3A_347 : memref<10240x64xf32, #tpu.memory_space<vmem_shared>>) offsets(%arg13 : memref<500xi32, #tpu.memory_space<vmem>>) semaphore(%run_scoped3A : memref<!tpu.dma_semaphore, #tpu.memory_space<semaphore_mem>>) {add = true}
          %dma_wait3A_348 = arith.constant 0 : i32
          %dma_wait3A_349 = arith.constant 0 : i32
          %dma_wait3A_350 = tpu.memref_slice %arg17[%dma_wait3A_348, %dma_wait3A_349] : memref<10240x64xf32, #tpu.memory_space<vmem_shared>> -> memref<10240x64xf32, #tpu.memory_space<vmem_shared>>
          tpu.wait_indirect_dma semaphore(%run_scoped3A : memref<!tpu.dma_semaphore, #tpu.memory_space<semaphore_mem>>) src(%arg15 : memref<500x64xf32, #tpu.memory_space<vmem>>) dst(%dma_wait3A_350 : memref<10240x64xf32, #tpu.memory_space<vmem_shared>>)
          tpu.yield
        }) : () -> ()
        "tpu.trace_stop"() : () -> ()
        %add3A_250 = arith.constant 3 : i32
        %add3A_251 = arith.addi %add3A_246, %add3A_250 : i32
        %mul3A_252 = arith.constant 16 : i32
        %mul3A_253 = arith.muli %add3A_251, %mul3A_252 : i32
        %add3A_254 = arith.addi %arg1, %mul3A_253 : i32
        %dma_start3A_255 = arith.constant 0 : i32
        %dma_start3A_256 = tpu.memref_slice %arg4[%add3A_254, %dma_start3A_255] : memref<640x500xi32, #tpu.memory_space<hbm>> -> memref<1x500xi32, #tpu.memory_space<hbm>>
        %dma_start3A_257 = tpu.memref_squeeze %dma_start3A_256 : memref<1x500xi32, #tpu.memory_space<hbm>> -> memref<500xi32, #tpu.memory_space<hbm>>
        %dma_start3A_258 = arith.constant 0 : i32
        %dma_start3A_259 = tpu.memref_slice %arg4[%add3A_254, %dma_start3A_258] : memref<640x500xi32, #tpu.memory_space<hbm>> -> memref<1x500xi32, #tpu.memory_space<hbm>>
        %dma_start3A_260 = tpu.memref_squeeze %dma_start3A_259 : memref<1x500xi32, #tpu.memory_space<hbm>> -> memref<500xi32, #tpu.memory_space<hbm>>
        tpu.enqueue_dma source(%dma_start3A_260 : memref<500xi32, #tpu.memory_space<hbm>>) target(%arg8 : memref<500xi32, #tpu.memory_space<vmem>>) target_semaphore(%arg21 : memref<!tpu.dma_semaphore, #tpu.memory_space<semaphore_mem>>)
        %mul3A_261 = arith.constant 16 : i32
        %mul3A_262 = arith.muli %add3A_251, %mul3A_261 : i32
        %add3A_263 = arith.addi %arg1, %mul3A_262 : i32
        %dma_start3A_264 = arith.constant 0 : i32
        %dma_start3A_265 = tpu.memref_slice %arg5[%add3A_263, %dma_start3A_264] : memref<640x500xi32, #tpu.memory_space<hbm>> -> memref<1x500xi32, #tpu.memory_space<hbm>>
        %dma_start3A_266 = tpu.memref_squeeze %dma_start3A_265 : memref<1x500xi32, #tpu.memory_space<hbm>> -> memref<500xi32, #tpu.memory_space<hbm>>
        %dma_start3A_267 = arith.constant 0 : i32
        %dma_start3A_268 = tpu.memref_slice %arg5[%add3A_263, %dma_start3A_267] : memref<640x500xi32, #tpu.memory_space<hbm>> -> memref<1x500xi32, #tpu.memory_space<hbm>>
        %dma_start3A_269 = tpu.memref_squeeze %dma_start3A_268 : memref<1x500xi32, #tpu.memory_space<hbm>> -> memref<500xi32, #tpu.memory_space<hbm>>
        tpu.enqueue_dma source(%dma_start3A_269 : memref<500xi32, #tpu.memory_space<hbm>>) target(%arg12 : memref<500xi32, #tpu.memory_space<vmem>>) target_semaphore(%arg21 : memref<!tpu.dma_semaphore, #tpu.memory_space<semaphore_mem>>)
        %add3A_270 = arith.constant 2 : i32
        %add3A_271 = arith.addi %add3A_246, %add3A_270 : i32
        %mul3A_272 = arith.constant 16 : i32
        %mul3A_273 = arith.muli %add3A_271, %mul3A_272 : i32
        %add3A_274 = arith.addi %arg1, %mul3A_273 : i32
        %dma_wait3A_275 = arith.constant 0 : i32
        %dma_wait3A_276 = tpu.memref_slice %arg4[%add3A_274, %dma_wait3A_275] : memref<640x500xi32, #tpu.memory_space<hbm>> -> memref<1x500xi32, #tpu.memory_space<hbm>>
        %dma_wait3A_277 = tpu.memref_squeeze %dma_wait3A_276 : memref<1x500xi32, #tpu.memory_space<hbm>> -> memref<500xi32, #tpu.memory_space<hbm>>
        %dma_wait3A_278 = arith.constant 0 : i32
        %dma_wait3A_279 = tpu.memref_slice %arg4[%add3A_274, %dma_wait3A_278] : memref<640x500xi32, #tpu.memory_space<hbm>> -> memref<1x500xi32, #tpu.memory_space<hbm>>
        %dma_wait3A_280 = tpu.memref_squeeze %dma_wait3A_279 : memref<1x500xi32, #tpu.memory_space<hbm>> -> memref<500xi32, #tpu.memory_space<hbm>>
        tpu.wait_dma2 semaphore(%arg20 : memref<!tpu.dma_semaphore, #tpu.memory_space<semaphore_mem>>) src(%dma_wait3A_280 : memref<500xi32, #tpu.memory_space<hbm>>) dst(%arg7 : memref<500xi32, #tpu.memory_space<vmem>>)
        %mul3A_281 = arith.constant 16 : i32
        %mul3A_282 = arith.muli %add3A_271, %mul3A_281 : i32
        %add3A_283 = arith.addi %arg1, %mul3A_282 : i32
        %dma_wait3A_284 = arith.constant 0 : i32
        %dma_wait3A_285 = tpu.memref_slice %arg5[%add3A_283, %dma_wait3A_284] : memref<640x500xi32, #tpu.memory_space<hbm>> -> memref<1x500xi32, #tpu.memory_space<hbm>>
        %dma_wait3A_286 = tpu.memref_squeeze %dma_wait3A_285 : memref<1x500xi32, #tpu.memory_space<hbm>> -> memref<500xi32, #tpu.memory_space<hbm>>
        %dma_wait3A_287 = arith.constant 0 : i32
        %dma_wait3A_288 = tpu.memref_slice %arg5[%add3A_283, %dma_wait3A_287] : memref<640x500xi32, #tpu.memory_space<hbm>> -> memref<1x500xi32, #tpu.memory_space<hbm>>
        %dma_wait3A_289 = tpu.memref_squeeze %dma_wait3A_288 : memref<1x500xi32, #tpu.memory_space<hbm>> -> memref<500xi32, #tpu.memory_space<hbm>>
        tpu.wait_dma2 semaphore(%arg20 : memref<!tpu.dma_semaphore, #tpu.memory_space<semaphore_mem>>) src(%dma_wait3A_289 : memref<500xi32, #tpu.memory_space<hbm>>) dst(%arg11 : memref<500xi32, #tpu.memory_space<vmem>>)
        %add3A_290 = arith.constant 2 : i32
        %add3A_291 = arith.addi %add3A_246, %add3A_290 : i32
        %dma_start3A_292 = arith.constant 0 : i32
        %dma_start3A_293 = arith.constant 0 : i32
        %dma_start3A_294 = tpu.memref_slice %arg3[%dma_start3A_292, %dma_start3A_293] : memref<10000x64xf32, #tpu.memory_space<hbm>> -> memref<10000x64xf32, #tpu.memory_space<hbm>>
        tpu.enqueue_indirect_dma source(%dma_start3A_294 : memref<10000x64xf32, #tpu.memory_space<hbm>>) target(%arg15 : memref<500x64xf32, #tpu.memory_space<vmem>>) offsets(%arg7 : memref<500xi32, #tpu.memory_space<vmem>>) semaphore(%arg18 : memref<!tpu.dma_semaphore, #tpu.memory_space<semaphore_mem>>)
        %add3A_295 = arith.constant 3 : i32
        %add3A_296 = arith.addi %mul3A_146, %add3A_295 : i32
        %dma_wait3A_297 = arith.constant 0 : i32
        %dma_wait3A_298 = arith.constant 0 : i32
        %dma_wait3A_299 = tpu.memref_slice %arg3[%dma_wait3A_297, %dma_wait3A_298] : memref<10000x64xf32, #tpu.memory_space<hbm>> -> memref<10000x64xf32, #tpu.memory_space<hbm>>
        tpu.wait_indirect_dma semaphore(%arg19 : memref<!tpu.dma_semaphore, #tpu.memory_space<semaphore_mem>>) src(%dma_wait3A_299 : memref<10000x64xf32, #tpu.memory_space<hbm>>) dst(%arg16 : memref<500x64xf32, #tpu.memory_space<vmem>>)
        "tpu.trace_start"() <{level = 10 : i32, message = "sc_scat"}> : () -> ()
        "tpu.region"() ({
          %run_scoped3A = tpu.sem_alloc : memref<!tpu.dma_semaphore, #tpu.memory_space<semaphore_mem>>
          %dma_start3A_345 = arith.constant 0 : i32
          %dma_start3A_346 = arith.constant 0 : i32
          %dma_start3A_347 = tpu.memref_slice %arg17[%dma_start3A_345, %dma_start3A_346] : memref<10240x64xf32, #tpu.memory_space<vmem_shared>> -> memref<10240x64xf32, #tpu.memory_space<vmem_shared>>
          tpu.enqueue_indirect_dma source(%arg16 : memref<500x64xf32, #tpu.memory_space<vmem>>) target(%dma_start3A_347 : memref<10240x64xf32, #tpu.memory_space<vmem_shared>>) offsets(%arg14 : memref<500xi32, #tpu.memory_space<vmem>>) semaphore(%run_scoped3A : memref<!tpu.dma_semaphore, #tpu.memory_space<semaphore_mem>>) {add = true}
          %dma_wait3A_348 = arith.constant 0 : i32
          %dma_wait3A_349 = arith.constant 0 : i32
          %dma_wait3A_350 = tpu.memref_slice %arg17[%dma_wait3A_348, %dma_wait3A_349] : memref<10240x64xf32, #tpu.memory_space<vmem_shared>> -> memref<10240x64xf32, #tpu.memory_space<vmem_shared>>
          tpu.wait_indirect_dma semaphore(%run_scoped3A : memref<!tpu.dma_semaphore, #tpu.memory_space<semaphore_mem>>) src(%arg16 : memref<500x64xf32, #tpu.memory_space<vmem>>) dst(%dma_wait3A_350 : memref<10240x64xf32, #tpu.memory_space<vmem_shared>>)
          tpu.yield
        }) : () -> ()
        "tpu.trace_stop"() : () -> ()
        %add3A_300 = arith.constant 3 : i32
        %add3A_301 = arith.addi %add3A_296, %add3A_300 : i32
        %mul3A_302 = arith.constant 16 : i32
        %mul3A_303 = arith.muli %add3A_301, %mul3A_302 : i32
        %add3A_304 = arith.addi %arg1, %mul3A_303 : i32
        %dma_start3A_305 = arith.constant 0 : i32
        %dma_start3A_306 = tpu.memref_slice %arg4[%add3A_304, %dma_start3A_305] : memref<640x500xi32, #tpu.memory_space<hbm>> -> memref<1x500xi32, #tpu.memory_space<hbm>>
        %dma_start3A_307 = tpu.memref_squeeze %dma_start3A_306 : memref<1x500xi32, #tpu.memory_space<hbm>> -> memref<500xi32, #tpu.memory_space<hbm>>
        %dma_start3A_308 = arith.constant 0 : i32
        %dma_start3A_309 = tpu.memref_slice %arg4[%add3A_304, %dma_start3A_308] : memref<640x500xi32, #tpu.memory_space<hbm>> -> memref<1x500xi32, #tpu.memory_space<hbm>>
        %dma_start3A_310 = tpu.memref_squeeze %dma_start3A_309 : memref<1x500xi32, #tpu.memory_space<hbm>> -> memref<500xi32, #tpu.memory_space<hbm>>
        tpu.enqueue_dma source(%dma_start3A_310 : memref<500xi32, #tpu.memory_space<hbm>>) target(%arg9 : memref<500xi32, #tpu.memory_space<vmem>>) target_semaphore(%arg22 : memref<!tpu.dma_semaphore, #tpu.memory_space<semaphore_mem>>)
        %mul3A_311 = arith.constant 16 : i32
        %mul3A_312 = arith.muli %add3A_301, %mul3A_311 : i32
        %add3A_313 = arith.addi %arg1, %mul3A_312 : i32
        %dma_start3A_314 = arith.constant 0 : i32
        %dma_start3A_315 = tpu.memref_slice %arg5[%add3A_313, %dma_start3A_314] : memref<640x500xi32, #tpu.memory_space<hbm>> -> memref<1x500xi32, #tpu.memory_space<hbm>>
        %dma_start3A_316 = tpu.memref_squeeze %dma_start3A_315 : memref<1x500xi32, #tpu.memory_space<hbm>> -> memref<500xi32, #tpu.memory_space<hbm>>
        %dma_start3A_317 = arith.constant 0 : i32
        %dma_start3A_318 = tpu.memref_slice %arg5[%add3A_313, %dma_start3A_317] : memref<640x500xi32, #tpu.memory_space<hbm>> -> memref<1x500xi32, #tpu.memory_space<hbm>>
        %dma_start3A_319 = tpu.memref_squeeze %dma_start3A_318 : memref<1x500xi32, #tpu.memory_space<hbm>> -> memref<500xi32, #tpu.memory_space<hbm>>
        tpu.enqueue_dma source(%dma_start3A_319 : memref<500xi32, #tpu.memory_space<hbm>>) target(%arg13 : memref<500xi32, #tpu.memory_space<vmem>>) target_semaphore(%arg22 : memref<!tpu.dma_semaphore, #tpu.memory_space<semaphore_mem>>)
        %add3A_320 = arith.constant 2 : i32
        %add3A_321 = arith.addi %add3A_296, %add3A_320 : i32
        %mul3A_322 = arith.constant 16 : i32
        %mul3A_323 = arith.muli %add3A_321, %mul3A_322 : i32
        %add3A_324 = arith.addi %arg1, %mul3A_323 : i32
        %dma_wait3A_325 = arith.constant 0 : i32
        %dma_wait3A_326 = tpu.memref_slice %arg4[%add3A_324, %dma_wait3A_325] : memref<640x500xi32, #tpu.memory_space<hbm>> -> memref<1x500xi32, #tpu.memory_space<hbm>>
        %dma_wait3A_327 = tpu.memref_squeeze %dma_wait3A_326 : memref<1x500xi32, #tpu.memory_space<hbm>> -> memref<500xi32, #tpu.memory_space<hbm>>
        %dma_wait3A_328 = arith.constant 0 : i32
        %dma_wait3A_329 = tpu.memref_slice %arg4[%add3A_324, %dma_wait3A_328] : memref<640x500xi32, #tpu.memory_space<hbm>> -> memref<1x500xi32, #tpu.memory_space<hbm>>
        %dma_wait3A_330 = tpu.memref_squeeze %dma_wait3A_329 : memref<1x500xi32, #tpu.memory_space<hbm>> -> memref<500xi32, #tpu.memory_space<hbm>>
        tpu.wait_dma2 semaphore(%arg21 : memref<!tpu.dma_semaphore, #tpu.memory_space<semaphore_mem>>) src(%dma_wait3A_330 : memref<500xi32, #tpu.memory_space<hbm>>) dst(%arg8 : memref<500xi32, #tpu.memory_space<vmem>>)
        %mul3A_331 = arith.constant 16 : i32
        %mul3A_332 = arith.muli %add3A_321, %mul3A_331 : i32
        %add3A_333 = arith.addi %arg1, %mul3A_332 : i32
        %dma_wait3A_334 = arith.constant 0 : i32
        %dma_wait3A_335 = tpu.memref_slice %arg5[%add3A_333, %dma_wait3A_334] : memref<640x500xi32, #tpu.memory_space<hbm>> -> memref<1x500xi32, #tpu.memory_space<hbm>>
        %dma_wait3A_336 = tpu.memref_squeeze %dma_wait3A_335 : memref<1x500xi32, #tpu.memory_space<hbm>> -> memref<500xi32, #tpu.memory_space<hbm>>
        %dma_wait3A_337 = arith.constant 0 : i32
        %dma_wait3A_338 = tpu.memref_slice %arg5[%add3A_333, %dma_wait3A_337] : memref<640x500xi32, #tpu.memory_space<hbm>> -> memref<1x500xi32, #tpu.memory_space<hbm>>
        %dma_wait3A_339 = tpu.memref_squeeze %dma_wait3A_338 : memref<1x500xi32, #tpu.memory_space<hbm>> -> memref<500xi32, #tpu.memory_space<hbm>>
        tpu.wait_dma2 semaphore(%arg21 : memref<!tpu.dma_semaphore, #tpu.memory_space<semaphore_mem>>) src(%dma_wait3A_339 : memref<500xi32, #tpu.memory_space<hbm>>) dst(%arg12 : memref<500xi32, #tpu.memory_space<vmem>>)
        %add3A_340 = arith.constant 2 : i32
        %add3A_341 = arith.addi %add3A_296, %add3A_340 : i32
        %dma_start3A_342 = arith.constant 0 : i32
        %dma_start3A_343 = arith.constant 0 : i32
        %dma_start3A_344 = tpu.memref_slice %arg3[%dma_start3A_342, %dma_start3A_343] : memref<10000x64xf32, #tpu.memory_space<hbm>> -> memref<10000x64xf32, #tpu.memory_space<hbm>>
        tpu.enqueue_indirect_dma source(%dma_start3A_344 : memref<10000x64xf32, #tpu.memory_space<hbm>>) target(%arg16 : memref<500x64xf32, #tpu.memory_space<vmem>>) offsets(%arg8 : memref<500xi32, #tpu.memory_space<vmem>>) semaphore(%arg19 : memref<!tpu.dma_semaphore, #tpu.memory_space<semaphore_mem>>)
      }
      %scan3A_77 = arith.constant 9 : i32
      %dma_wait3A_78 = arith.constant 0 : i32
      %dma_wait3A_79 = arith.constant 0 : i32
      %dma_wait3A_80 = tpu.memref_slice %arg3[%dma_wait3A_78, %dma_wait3A_79] : memref<10000x64xf32, #tpu.memory_space<hbm>> -> memref<10000x64xf32, #tpu.memory_space<hbm>>
      tpu.wait_indirect_dma semaphore(%arg18 : memref<!tpu.dma_semaphore, #tpu.memory_space<semaphore_mem>>) src(%dma_wait3A_80 : memref<10000x64xf32, #tpu.memory_space<hbm>>) dst(%arg15 : memref<500x64xf32, #tpu.memory_space<vmem>>)
      "tpu.trace_start"() <{level = 10 : i32, message = "sc_scat"}> : () -> ()
      "tpu.region"() ({
        %run_scoped3A = tpu.sem_alloc : memref<!tpu.dma_semaphore, #tpu.memory_space<semaphore_mem>>
        %dma_start3A_144 = arith.constant 0 : i32
        %dma_start3A_145 = arith.constant 0 : i32
        %dma_start3A_146 = tpu.memref_slice %arg17[%dma_start3A_144, %dma_start3A_145] : memref<10240x64xf32, #tpu.memory_space<vmem_shared>> -> memref<10240x64xf32, #tpu.memory_space<vmem_shared>>
        tpu.enqueue_indirect_dma source(%arg15 : memref<500x64xf32, #tpu.memory_space<vmem>>) target(%dma_start3A_146 : memref<10240x64xf32, #tpu.memory_space<vmem_shared>>) offsets(%arg11 : memref<500xi32, #tpu.memory_space<vmem>>) semaphore(%run_scoped3A : memref<!tpu.dma_semaphore, #tpu.memory_space<semaphore_mem>>) {add = true}
        %dma_wait3A_147 = arith.constant 0 : i32
        %dma_wait3A_148 = arith.constant 0 : i32
        %dma_wait3A_149 = tpu.memref_slice %arg17[%dma_wait3A_147, %dma_wait3A_148] : memref<10240x64xf32, #tpu.memory_space<vmem_shared>> -> memref<10240x64xf32, #tpu.memory_space<vmem_shared>>
        tpu.wait_indirect_dma semaphore(%run_scoped3A : memref<!tpu.dma_semaphore, #tpu.memory_space<semaphore_mem>>) src(%arg15 : memref<500x64xf32, #tpu.memory_space<vmem>>) dst(%dma_wait3A_149 : memref<10240x64xf32, #tpu.memory_space<vmem_shared>>)
        tpu.yield
      }) : () -> ()
      "tpu.trace_stop"() : () -> ()
      %add3A_81 = arith.constant 624 : i32
      %add3A_82 = arith.addi %arg1, %add3A_81 : i32
      %dma_start3A_83 = arith.constant 0 : i32
      %dma_start3A_84 = tpu.memref_slice %arg4[%add3A_82, %dma_start3A_83] : memref<640x500xi32, #tpu.memory_space<hbm>> -> memref<1x500xi32, #tpu.memory_space<hbm>>
      %dma_start3A_85 = tpu.memref_squeeze %dma_start3A_84 : memref<1x500xi32, #tpu.memory_space<hbm>> -> memref<500xi32, #tpu.memory_space<hbm>>
      %dma_start3A_86 = arith.constant 0 : i32
      %dma_start3A_87 = tpu.memref_slice %arg4[%add3A_82, %dma_start3A_86] : memref<640x500xi32, #tpu.memory_space<hbm>> -> memref<1x500xi32, #tpu.memory_space<hbm>>
      %dma_start3A_88 = tpu.memref_squeeze %dma_start3A_87 : memref<1x500xi32, #tpu.memory_space<hbm>> -> memref<500xi32, #tpu.memory_space<hbm>>
      tpu.enqueue_dma source(%dma_start3A_88 : memref<500xi32, #tpu.memory_space<hbm>>) target(%arg10 : memref<500xi32, #tpu.memory_space<vmem>>) target_semaphore(%arg23 : memref<!tpu.dma_semaphore, #tpu.memory_space<semaphore_mem>>)
      %add3A_89 = arith.constant 624 : i32
      %add3A_90 = arith.addi %arg1, %add3A_89 : i32
      %dma_start3A_91 = arith.constant 0 : i32
      %dma_start3A_92 = tpu.memref_slice %arg5[%add3A_90, %dma_start3A_91] : memref<640x500xi32, #tpu.memory_space<hbm>> -> memref<1x500xi32, #tpu.memory_space<hbm>>
      %dma_start3A_93 = tpu.memref_squeeze %dma_start3A_92 : memref<1x500xi32, #tpu.memory_space<hbm>> -> memref<500xi32, #tpu.memory_space<hbm>>
      %dma_start3A_94 = arith.constant 0 : i32
      %dma_start3A_95 = tpu.memref_slice %arg5[%add3A_90, %dma_start3A_94] : memref<640x500xi32, #tpu.memory_space<hbm>> -> memref<1x500xi32, #tpu.memory_space<hbm>>
      %dma_start3A_96 = tpu.memref_squeeze %dma_start3A_95 : memref<1x500xi32, #tpu.memory_space<hbm>> -> memref<500xi32, #tpu.memory_space<hbm>>
      tpu.enqueue_dma source(%dma_start3A_96 : memref<500xi32, #tpu.memory_space<hbm>>) target(%arg14 : memref<500xi32, #tpu.memory_space<vmem>>) target_semaphore(%arg23 : memref<!tpu.dma_semaphore, #tpu.memory_space<semaphore_mem>>)
      %add3A_97 = arith.constant 608 : i32
      %add3A_98 = arith.addi %arg1, %add3A_97 : i32
      %dma_wait3A_99 = arith.constant 0 : i32
      %dma_wait3A_100 = tpu.memref_slice %arg4[%add3A_98, %dma_wait3A_99] : memref<640x500xi32, #tpu.memory_space<hbm>> -> memref<1x500xi32, #tpu.memory_space<hbm>>
      %dma_wait3A_101 = tpu.memref_squeeze %dma_wait3A_100 : memref<1x500xi32, #tpu.memory_space<hbm>> -> memref<500xi32, #tpu.memory_space<hbm>>
      %dma_wait3A_102 = arith.constant 0 : i32
      %dma_wait3A_103 = tpu.memref_slice %arg4[%add3A_98, %dma_wait3A_102] : memref<640x500xi32, #tpu.memory_space<hbm>> -> memref<1x500xi32, #tpu.memory_space<hbm>>
      %dma_wait3A_104 = tpu.memref_squeeze %dma_wait3A_103 : memref<1x500xi32, #tpu.memory_space<hbm>> -> memref<500xi32, #tpu.memory_space<hbm>>
      tpu.wait_dma2 semaphore(%arg22 : memref<!tpu.dma_semaphore, #tpu.memory_space<semaphore_mem>>) src(%dma_wait3A_104 : memref<500xi32, #tpu.memory_space<hbm>>) dst(%arg9 : memref<500xi32, #tpu.memory_space<vmem>>)
      %add3A_105 = arith.constant 608 : i32
      %add3A_106 = arith.addi %arg1, %add3A_105 : i32
      %dma_wait3A_107 = arith.constant 0 : i32
      %dma_wait3A_108 = tpu.memref_slice %arg5[%add3A_106, %dma_wait3A_107] : memref<640x500xi32, #tpu.memory_space<hbm>> -> memref<1x500xi32, #tpu.memory_space<hbm>>
      %dma_wait3A_109 = tpu.memref_squeeze %dma_wait3A_108 : memref<1x500xi32, #tpu.memory_space<hbm>> -> memref<500xi32, #tpu.memory_space<hbm>>
      %dma_wait3A_110 = arith.constant 0 : i32
      %dma_wait3A_111 = tpu.memref_slice %arg5[%add3A_106, %dma_wait3A_110] : memref<640x500xi32, #tpu.memory_space<hbm>> -> memref<1x500xi32, #tpu.memory_space<hbm>>
      %dma_wait3A_112 = tpu.memref_squeeze %dma_wait3A_111 : memref<1x500xi32, #tpu.memory_space<hbm>> -> memref<500xi32, #tpu.memory_space<hbm>>
      tpu.wait_dma2 semaphore(%arg22 : memref<!tpu.dma_semaphore, #tpu.memory_space<semaphore_mem>>) src(%dma_wait3A_112 : memref<500xi32, #tpu.memory_space<hbm>>) dst(%arg13 : memref<500xi32, #tpu.memory_space<vmem>>)
      %dma_start3A_113 = arith.constant 0 : i32
      %dma_start3A_114 = arith.constant 0 : i32
      %dma_start3A_115 = tpu.memref_slice %arg3[%dma_start3A_113, %dma_start3A_114] : memref<10000x64xf32, #tpu.memory_space<hbm>> -> memref<10000x64xf32, #tpu.memory_space<hbm>>
      tpu.enqueue_indirect_dma source(%dma_start3A_115 : memref<10000x64xf32, #tpu.memory_space<hbm>>) target(%arg15 : memref<500x64xf32, #tpu.memory_space<vmem>>) offsets(%arg9 : memref<500xi32, #tpu.memory_space<vmem>>) semaphore(%arg18 : memref<!tpu.dma_semaphore, #tpu.memory_space<semaphore_mem>>)
      %dma_wait3A_116 = arith.constant 0 : i32
      %dma_wait3A_117 = arith.constant 0 : i32
      %dma_wait3A_118 = tpu.memref_slice %arg3[%dma_wait3A_116, %dma_wait3A_117] : memref<10000x64xf32, #tpu.memory_space<hbm>> -> memref<10000x64xf32, #tpu.memory_space<hbm>>
      tpu.wait_indirect_dma semaphore(%arg19 : memref<!tpu.dma_semaphore, #tpu.memory_space<semaphore_mem>>) src(%dma_wait3A_118 : memref<10000x64xf32, #tpu.memory_space<hbm>>) dst(%arg16 : memref<500x64xf32, #tpu.memory_space<vmem>>)
      "tpu.trace_start"() <{level = 10 : i32, message = "sc_scat"}> : () -> ()
      "tpu.region"() ({
        %run_scoped3A = tpu.sem_alloc : memref<!tpu.dma_semaphore, #tpu.memory_space<semaphore_mem>>
        %dma_start3A_144 = arith.constant 0 : i32
        %dma_start3A_145 = arith.constant 0 : i32
        %dma_start3A_146 = tpu.memref_slice %arg17[%dma_start3A_144, %dma_start3A_145] : memref<10240x64xf32, #tpu.memory_space<vmem_shared>> -> memref<10240x64xf32, #tpu.memory_space<vmem_shared>>
        tpu.enqueue_indirect_dma source(%arg16 : memref<500x64xf32, #tpu.memory_space<vmem>>) target(%dma_start3A_146 : memref<10240x64xf32, #tpu.memory_space<vmem_shared>>) offsets(%arg12 : memref<500xi32, #tpu.memory_space<vmem>>) semaphore(%run_scoped3A : memref<!tpu.dma_semaphore, #tpu.memory_space<semaphore_mem>>) {add = true}
        %dma_wait3A_147 = arith.constant 0 : i32
        %dma_wait3A_148 = arith.constant 0 : i32
        %dma_wait3A_149 = tpu.memref_slice %arg17[%dma_wait3A_147, %dma_wait3A_148] : memref<10240x64xf32, #tpu.memory_space<vmem_shared>> -> memref<10240x64xf32, #tpu.memory_space<vmem_shared>>
        tpu.wait_indirect_dma semaphore(%run_scoped3A : memref<!tpu.dma_semaphore, #tpu.memory_space<semaphore_mem>>) src(%arg16 : memref<500x64xf32, #tpu.memory_space<vmem>>) dst(%dma_wait3A_149 : memref<10240x64xf32, #tpu.memory_space<vmem_shared>>)
        tpu.yield
      }) : () -> ()
      "tpu.trace_stop"() : () -> ()
      %add3A_119 = arith.constant 624 : i32
      %add3A_120 = arith.addi %arg1, %add3A_119 : i32
      %dma_wait3A_121 = arith.constant 0 : i32
      %dma_wait3A_122 = tpu.memref_slice %arg4[%add3A_120, %dma_wait3A_121] : memref<640x500xi32, #tpu.memory_space<hbm>> -> memref<1x500xi32, #tpu.memory_space<hbm>>
      %dma_wait3A_123 = tpu.memref_squeeze %dma_wait3A_122 : memref<1x500xi32, #tpu.memory_space<hbm>> -> memref<500xi32, #tpu.memory_space<hbm>>
      %dma_wait3A_124 = arith.constant 0 : i32
      %dma_wait3A_125 = tpu.memref_slice %arg4[%add3A_120, %dma_wait3A_124] : memref<640x500xi32, #tpu.memory_space<hbm>> -> memref<1x500xi32, #tpu.memory_space<hbm>>
      %dma_wait3A_126 = tpu.memref_squeeze %dma_wait3A_125 : memref<1x500xi32, #tpu.memory_space<hbm>> -> memref<500xi32, #tpu.memory_space<hbm>>
      tpu.wait_dma2 semaphore(%arg23 : memref<!tpu.dma_semaphore, #tpu.memory_space<semaphore_mem>>) src(%dma_wait3A_126 : memref<500xi32, #tpu.memory_space<hbm>>) dst(%arg10 : memref<500xi32, #tpu.memory_space<vmem>>)
      %add3A_127 = arith.constant 624 : i32
      %add3A_128 = arith.addi %arg1, %add3A_127 : i32
      %dma_wait3A_129 = arith.constant 0 : i32
      %dma_wait3A_130 = tpu.memref_slice %arg5[%add3A_128, %dma_wait3A_129] : memref<640x500xi32, #tpu.memory_space<hbm>> -> memref<1x500xi32, #tpu.memory_space<hbm>>
      %dma_wait3A_131 = tpu.memref_squeeze %dma_wait3A_130 : memref<1x500xi32, #tpu.memory_space<hbm>> -> memref<500xi32, #tpu.memory_space<hbm>>
      %dma_wait3A_132 = arith.constant 0 : i32
      %dma_wait3A_133 = tpu.memref_slice %arg5[%add3A_128, %dma_wait3A_132] : memref<640x500xi32, #tpu.memory_space<hbm>> -> memref<1x500xi32, #tpu.memory_space<hbm>>
      %dma_wait3A_134 = tpu.memref_squeeze %dma_wait3A_133 : memref<1x500xi32, #tpu.memory_space<hbm>> -> memref<500xi32, #tpu.memory_space<hbm>>
      tpu.wait_dma2 semaphore(%arg23 : memref<!tpu.dma_semaphore, #tpu.memory_space<semaphore_mem>>) src(%dma_wait3A_134 : memref<500xi32, #tpu.memory_space<hbm>>) dst(%arg14 : memref<500xi32, #tpu.memory_space<vmem>>)
      %dma_start3A_135 = arith.constant 0 : i32
      %dma_start3A_136 = arith.constant 0 : i32
      %dma_start3A_137 = tpu.memref_slice %arg3[%dma_start3A_135, %dma_start3A_136] : memref<10000x64xf32, #tpu.memory_space<hbm>> -> memref<10000x64xf32, #tpu.memory_space<hbm>>
      tpu.enqueue_indirect_dma source(%dma_start3A_137 : memref<10000x64xf32, #tpu.memory_space<hbm>>) target(%arg16 : memref<500x64xf32, #tpu.memory_space<vmem>>) offsets(%arg10 : memref<500xi32, #tpu.memory_space<vmem>>) semaphore(%arg19 : memref<!tpu.dma_semaphore, #tpu.memory_space<semaphore_mem>>)
      %dma_wait3A_138 = arith.constant 0 : i32
      %dma_wait3A_139 = arith.constant 0 : i32
      %dma_wait3A_140 = tpu.memref_slice %arg3[%dma_wait3A_138, %dma_wait3A_139] : memref<10000x64xf32, #tpu.memory_space<hbm>> -> memref<10000x64xf32, #tpu.memory_space<hbm>>
      tpu.wait_indirect_dma semaphore(%arg18 : memref<!tpu.dma_semaphore, #tpu.memory_space<semaphore_mem>>) src(%dma_wait3A_140 : memref<10000x64xf32, #tpu.memory_space<hbm>>) dst(%arg15 : memref<500x64xf32, #tpu.memory_space<vmem>>)
      "tpu.trace_start"() <{level = 10 : i32, message = "sc_scat"}> : () -> ()
      "tpu.region"() ({
        %run_scoped3A = tpu.sem_alloc : memref<!tpu.dma_semaphore, #tpu.memory_space<semaphore_mem>>
        %dma_start3A_144 = arith.constant 0 : i32
        %dma_start3A_145 = arith.constant 0 : i32
        %dma_start3A_146 = tpu.memref_slice %arg17[%dma_start3A_144, %dma_start3A_145] : memref<10240x64xf32, #tpu.memory_space<vmem_shared>> -> memref<10240x64xf32, #tpu.memory_space<vmem_shared>>
        tpu.enqueue_indirect_dma source(%arg15 : memref<500x64xf32, #tpu.memory_space<vmem>>) target(%dma_start3A_146 : memref<10240x64xf32, #tpu.memory_space<vmem_shared>>) offsets(%arg13 : memref<500xi32, #tpu.memory_space<vmem>>) semaphore(%run_scoped3A : memref<!tpu.dma_semaphore, #tpu.memory_space<semaphore_mem>>) {add = true}
        %dma_wait3A_147 = arith.constant 0 : i32
        %dma_wait3A_148 = arith.constant 0 : i32
        %dma_wait3A_149 = tpu.memref_slice %arg17[%dma_wait3A_147, %dma_wait3A_148] : memref<10240x64xf32, #tpu.memory_space<vmem_shared>> -> memref<10240x64xf32, #tpu.memory_space<vmem_shared>>
        tpu.wait_indirect_dma semaphore(%run_scoped3A : memref<!tpu.dma_semaphore, #tpu.memory_space<semaphore_mem>>) src(%arg15 : memref<500x64xf32, #tpu.memory_space<vmem>>) dst(%dma_wait3A_149 : memref<10240x64xf32, #tpu.memory_space<vmem_shared>>)
        tpu.yield
      }) : () -> ()
      "tpu.trace_stop"() : () -> ()
      %dma_wait3A_141 = arith.constant 0 : i32
      %dma_wait3A_142 = arith.constant 0 : i32
      %dma_wait3A_143 = tpu.memref_slice %arg3[%dma_wait3A_141, %dma_wait3A_142] : memref<10000x64xf32, #tpu.memory_space<hbm>> -> memref<10000x64xf32, #tpu.memory_space<hbm>>
      tpu.wait_indirect_dma semaphore(%arg19 : memref<!tpu.dma_semaphore, #tpu.memory_space<semaphore_mem>>) src(%dma_wait3A_143 : memref<10000x64xf32, #tpu.memory_space<hbm>>) dst(%arg16 : memref<500x64xf32, #tpu.memory_space<vmem>>)
      "tpu.trace_start"() <{level = 10 : i32, message = "sc_scat"}> : () -> ()
      "tpu.region"() ({
        %run_scoped3A = tpu.sem_alloc : memref<!tpu.dma_semaphore, #tpu.memory_space<semaphore_mem>>
        %dma_start3A_144 = arith.constant 0 : i32
        %dma_start3A_145 = arith.constant 0 : i32
        %dma_start3A_146 = tpu.memref_slice %arg17[%dma_start3A_144, %dma_start3A_145] : memref<10240x64xf32, #tpu.memory_space<vmem_shared>> -> memref<10240x64xf32, #tpu.memory_space<vmem_shared>>
        tpu.enqueue_indirect_dma source(%arg16 : memref<500x64xf32, #tpu.memory_space<vmem>>) target(%dma_start3A_146 : memref<10240x64xf32, #tpu.memory_space<vmem_shared>>) offsets(%arg14 : memref<500xi32, #tpu.memory_space<vmem>>) semaphore(%run_scoped3A : memref<!tpu.dma_semaphore, #tpu.memory_space<semaphore_mem>>) {add = true}
        %dma_wait3A_147 = arith.constant 0 : i32
        %dma_wait3A_148 = arith.constant 0 : i32
        %dma_wait3A_149 = tpu.memref_slice %arg17[%dma_wait3A_147, %dma_wait3A_148] : memref<10240x64xf32, #tpu.memory_space<vmem_shared>> -> memref<10240x64xf32, #tpu.memory_space<vmem_shared>>
        tpu.wait_indirect_dma semaphore(%run_scoped3A : memref<!tpu.dma_semaphore, #tpu.memory_space<semaphore_mem>>) src(%arg16 : memref<500x64xf32, #tpu.memory_space<vmem>>) dst(%dma_wait3A_149 : memref<10240x64xf32, #tpu.memory_space<vmem_shared>>)
        tpu.yield
      }) : () -> ()
      "tpu.trace_stop"() : () -> ()
    } else {
    }
    %barrier3A_15 = arith.constant 0 : index
    tpu.barrier barrier_id(%barrier3A_15)
    "tpu.trace_start"() <{level = 10 : i32, message = "sc_out"}> : () -> ()
    "tpu.region"() ({
      %run_scoped3A = tpu.sem_alloc : memref<!tpu.dma_semaphore, #tpu.memory_space<semaphore_mem>>
      %dma_start3A = arith.constant 0 : i32
      %dma_start3A_16 = tpu.memref_slice %arg6[%arg0, %mul3A_0, %dma_start3A] : memref<2x10240x64xf32, #tpu.memory_space<hbm>> -> memref<1x640x64xf32, #tpu.memory_space<hbm>>
      %dma_start3A_17 = tpu.memref_squeeze %dma_start3A_16 : memref<1x640x64xf32, #tpu.memory_space<hbm>> -> memref<640x64xf32, #tpu.memory_space<hbm>>
      %dma_start3A_18 = arith.constant 0 : i32
      %dma_start3A_19 = tpu.memref_slice %arg17[%mul3A_0, %dma_start3A_18] : memref<10240x64xf32, #tpu.memory_space<vmem_shared>> -> memref<640x64xf32, #tpu.memory_space<vmem_shared>>
      tpu.enqueue_dma source(%dma_start3A_19 : memref<640x64xf32, #tpu.memory_space<vmem_shared>>) target(%dma_start3A_17 : memref<640x64xf32, #tpu.memory_space<hbm>>) target_semaphore(%run_scoped3A : memref<!tpu.dma_semaphore, #tpu.memory_space<semaphore_mem>>)
      %dma_wait3A = arith.constant 0 : i32
      %dma_wait3A_20 = tpu.memref_slice %arg6[%arg0, %mul3A_0, %dma_wait3A] : memref<2x10240x64xf32, #tpu.memory_space<hbm>> -> memref<1x640x64xf32, #tpu.memory_space<hbm>>
      %dma_wait3A_21 = tpu.memref_squeeze %dma_wait3A_20 : memref<1x640x64xf32, #tpu.memory_space<hbm>> -> memref<640x64xf32, #tpu.memory_space<hbm>>
      %dma_wait3A_22 = arith.constant 0 : i32
      %dma_wait3A_23 = tpu.memref_slice %arg17[%mul3A_0, %dma_wait3A_22] : memref<10240x64xf32, #tpu.memory_space<vmem_shared>> -> memref<640x64xf32, #tpu.memory_space<vmem_shared>>
      tpu.wait_dma2 semaphore(%run_scoped3A : memref<!tpu.dma_semaphore, #tpu.memory_space<semaphore_mem>>) src(%dma_wait3A_23 : memref<640x64xf32, #tpu.memory_space<vmem_shared>>) dst(%dma_wait3A_21 : memref<640x64xf32, #tpu.memory_space<hbm>>)
      tpu.yield
    }) : () -> ()
    "tpu.trace_stop"() : () -> ()
    return
  }
}

module attributes {stable_mosaic.version = 14 : i64} {
  func.func @_tc_layer_body(%arg0: memref<10000x64xf32, #tpu.memory_space<vmem>>, %arg1: memref<10000x64xf32, #tpu.memory_space<vmem>>, %arg2: memref<2x10240x64xf32, #tpu.memory_space<vmem>>, %arg3: memref<10000x1xi32, #tpu.memory_space<vmem>>, %arg4: memref<128x128xf32, #tpu.memory_space<vmem>>, %arg5: memref<1x128xf32, #tpu.memory_space<vmem>>, %arg6: memref<128x128xf32, #tpu.memory_space<vmem>>, %arg7: memref<1x128xf32, #tpu.memory_space<vmem>>, %arg8: memref<128x128xf32, #tpu.memory_space<vmem>>, %arg9: memref<1x128xf32, #tpu.memory_space<vmem>>, %arg10: memref<1x128xf32, #tpu.memory_space<vmem>>, %arg11: memref<1x128xf32, #tpu.memory_space<vmem>>, %arg12: memref<128x128xf32, #tpu.memory_space<vmem>>, %arg13: memref<1x128xf32, #tpu.memory_space<vmem>>, %arg14: memref<10000x64xf32, #tpu.memory_space<vmem>>, %arg15: memref<10000x64xf32, #tpu.memory_space<vmem>>) attributes {dimension_semantics = [], scalar_prefetch = 0 : i64, scratch_operands = 0 : i64, tpu.core_type = #tpu.core_type<tc>} {
    %get3A = arith.constant 0 : index
    %get3A_0 = arith.constant 0 : index
    %get3A_1 = vector.load %arg0[%get3A, %get3A_0] : memref<10000x64xf32, #tpu.memory_space<vmem>>, vector<10000x64xf32>
    %get3A_2 = arith.constant 0 : index
    %get3A_3 = arith.constant 0 : index
    %get3A_4 = vector.load %arg1[%get3A_2, %get3A_3] : memref<10000x64xf32, #tpu.memory_space<vmem>>, vector<10000x64xf32>
    %concatenate3A = tpu.concatenate %get3A_1, %get3A_4 in 1 : vector<10000x64xf32>, vector<10000x64xf32> -> vector<10000x128xf32>
    %get3A_5 = arith.constant 0 : index
    %get3A_6 = arith.constant 0 : index
    %get3A_7 = arith.constant 0 : index
    %get3A_8 = vector.load %arg2[%get3A_5, %get3A_6, %get3A_7] : memref<2x10240x64xf32, #tpu.memory_space<vmem>>, vector<1x10000x64xf32>
    %get3A_9 = vector.shape_cast %get3A_8 : vector<1x10000x64xf32> to vector<10000x64xf32>
    %get3A_10 = arith.constant 1 : index
    %get3A_11 = arith.constant 0 : index
    %get3A_12 = arith.constant 0 : index
    %get3A_13 = vector.load %arg2[%get3A_10, %get3A_11, %get3A_12] : memref<2x10240x64xf32, #tpu.memory_space<vmem>>, vector<1x10000x64xf32>
    %get3A_14 = vector.shape_cast %get3A_13 : vector<1x10000x64xf32> to vector<10000x64xf32>
    %concatenate3A_15 = tpu.concatenate %get3A_9, %get3A_14 in 1 : vector<10000x64xf32>, vector<10000x64xf32> -> vector<10000x128xf32>
    %get3A_16 = arith.constant 0 : index
    %get3A_17 = arith.constant 0 : index
    %get3A_18 = vector.load %arg3[%get3A_16, %get3A_17] : memref<10000x1xi32, #tpu.memory_space<vmem>>, vector<10000x1xi32>
    %iota3A = tpu.iota {dimensions = array<i32: 1>} : vector<10000x64xi32>
    %eq3A = vector.broadcast %get3A_18 : vector<10000x1xi32> to vector<10000x64xi32>
    %eq3A_19 = arith.cmpi eq, %eq3A, %iota3A : vector<10000x64xi32>
    %convert_element_type3A = arith.extui %eq3A_19 : vector<10000x64xi1> to vector<10000x64xi32>
    %convert_element_type3A_20 = arith.sitofp %convert_element_type3A : vector<10000x64xi32> to vector<10000x64xf32>
    %dot_general3A = arith.constant dense<0.000000e+00> : vector<64x128xf32>
    %dot_general3A_21 = tpu.matmul %convert_element_type3A_20, %concatenate3A, %dot_general3A {dimension_numbers = #tpu.dot_dimension_numbers<[0], [0], [1], [1], [0, 1, 1, 1], [], []>, transpose_lhs_hint = false} : vector<10000x64xf32>, vector<10000x128xf32>, vector<64x128xf32> -> vector<64x128xf32>
    %get3A_22 = arith.constant 0 : index
    %get3A_23 = arith.constant 0 : index
    %get3A_24 = vector.load %arg8[%get3A_22, %get3A_23] : memref<128x128xf32, #tpu.memory_space<vmem>>, vector<128x128xf32>
    %dot_general3A_25 = arith.constant dense<0.000000e+00> : vector<64x128xf32>
    %dot_general3A_26 = tpu.matmul %dot_general3A_21, %get3A_24, %dot_general3A_25 {dimension_numbers = #tpu.dot_dimension_numbers<[1], [0], [0], [1], [0, 0, 1, 1], [], []>, transpose_lhs_hint = false} : vector<64x128xf32>, vector<128x128xf32>, vector<64x128xf32> -> vector<64x128xf32>
    %get3A_27 = arith.constant 0 : index
    %get3A_28 = arith.constant 0 : index
    %get3A_29 = vector.load %arg4[%get3A_27, %get3A_28] : memref<128x128xf32, #tpu.memory_space<vmem>>, vector<128x128xf32>
    %dot_general3A_30 = arith.constant dense<0.000000e+00> : vector<10000x128xf32>
    %dot_general3A_31 = tpu.matmul %concatenate3A, %get3A_29, %dot_general3A_30 {dimension_numbers = #tpu.dot_dimension_numbers<[1], [0], [0], [1], [0, 0, 1, 1], [], []>, transpose_lhs_hint = false} : vector<10000x128xf32>, vector<128x128xf32>, vector<10000x128xf32> -> vector<10000x128xf32>
    %get3A_32 = arith.constant 0 : index
    %get3A_33 = arith.constant 0 : index
    %get3A_34 = vector.load %arg6[%get3A_32, %get3A_33] : memref<128x128xf32, #tpu.memory_space<vmem>>, vector<128x128xf32>
    %dot_general3A_35 = arith.constant dense<0.000000e+00> : vector<10000x128xf32>
    %dot_general3A_36 = tpu.matmul %concatenate3A_15, %get3A_34, %dot_general3A_35 {dimension_numbers = #tpu.dot_dimension_numbers<[1], [0], [0], [1], [0, 0, 1, 1], [], []>, transpose_lhs_hint = false} : vector<10000x128xf32>, vector<128x128xf32>, vector<10000x128xf32> -> vector<10000x128xf32>
    %add3A = arith.addf %dot_general3A_31, %dot_general3A_36 : vector<10000x128xf32>
    %dot_general3A_37 = arith.constant dense<0.000000e+00> : vector<10000x128xf32>
    %dot_general3A_38 = tpu.matmul %convert_element_type3A_20, %dot_general3A_26, %dot_general3A_37 {dimension_numbers = #tpu.dot_dimension_numbers<[1], [0], [0], [1], [0, 0, 1, 1], [], []>, transpose_lhs_hint = false} : vector<10000x64xf32>, vector<64x128xf32>, vector<10000x128xf32> -> vector<10000x128xf32>
    %add3A_39 = arith.addf %add3A, %dot_general3A_38 : vector<10000x128xf32>
    %get3A_40 = arith.constant 0 : index
    %get3A_41 = arith.constant 0 : index
    %get3A_42 = vector.load %arg5[%get3A_40, %get3A_41] : memref<1x128xf32, #tpu.memory_space<vmem>>, vector<1x128xf32>
    %add3A_43 = vector.broadcast %get3A_42 : vector<1x128xf32> to vector<10000x128xf32>
    %add3A_44 = arith.addf %add3A_39, %add3A_43 : vector<10000x128xf32>
    %get3A_45 = arith.constant 0 : index
    %get3A_46 = arith.constant 0 : index
    %get3A_47 = vector.load %arg7[%get3A_45, %get3A_46] : memref<1x128xf32, #tpu.memory_space<vmem>>, vector<1x128xf32>
    %add3A_48 = vector.broadcast %get3A_47 : vector<1x128xf32> to vector<10000x128xf32>
    %add3A_49 = arith.addf %add3A_44, %add3A_48 : vector<10000x128xf32>
    %get3A_50 = arith.constant 0 : index
    %get3A_51 = arith.constant 0 : index
    %get3A_52 = vector.load %arg9[%get3A_50, %get3A_51] : memref<1x128xf32, #tpu.memory_space<vmem>>, vector<1x128xf32>
    %add3A_53 = vector.broadcast %get3A_52 : vector<1x128xf32> to vector<10000x128xf32>
    %add3A_54 = arith.addf %add3A_49, %add3A_53 : vector<10000x128xf32>
    %max3A = arith.constant 0.000000e+00 : f32
    %max3A_55 = vector.broadcast %max3A : f32 to vector<10000x128xf32>
    %max3A_56 = arith.maximumf %add3A_54, %max3A_55 : vector<10000x128xf32>
    %reduce_sum3A = arith.constant dense<0.000000e+00> : vector<128xf32>
    %reduce_sum3A_57 = vector.multi_reduction <add>, %max3A_56, %reduce_sum3A [0] : vector<10000x128xf32> to vector<128xf32>
    %broadcast_in_dim3A = vector.shape_cast %reduce_sum3A_57 : vector<128xf32> to vector<1x128xf32>
    %div3A = arith.constant 1.000000e+04 : f32
    %div3A_58 = vector.broadcast %div3A : f32 to vector<1x128xf32>
    %div3A_59 = arith.divf %broadcast_in_dim3A, %div3A_58 : vector<1x128xf32>
    %sub3A = vector.broadcast %div3A_59 : vector<1x128xf32> to vector<10000x128xf32>
    %sub3A_60 = arith.subf %max3A_56, %sub3A : vector<10000x128xf32>
    %sub3A_61 = vector.broadcast %div3A_59 : vector<1x128xf32> to vector<10000x128xf32>
    %sub3A_62 = arith.subf %max3A_56, %sub3A_61 : vector<10000x128xf32>
    %mul3A = arith.mulf %sub3A_60, %sub3A_62 : vector<10000x128xf32>
    %reduce_sum3A_63 = arith.constant dense<0.000000e+00> : vector<128xf32>
    %reduce_sum3A_64 = vector.multi_reduction <add>, %mul3A, %reduce_sum3A_63 [0] : vector<10000x128xf32> to vector<128xf32>
    %broadcast_in_dim3A_65 = vector.shape_cast %reduce_sum3A_64 : vector<128xf32> to vector<1x128xf32>
    %div3A_66 = arith.constant 1.000000e+04 : f32
    %div3A_67 = vector.broadcast %div3A_66 : f32 to vector<1x128xf32>
    %div3A_68 = arith.divf %broadcast_in_dim3A_65, %div3A_67 : vector<1x128xf32>
    %sub3A_69 = vector.broadcast %div3A_59 : vector<1x128xf32> to vector<10000x128xf32>
    %sub3A_70 = arith.subf %max3A_56, %sub3A_69 : vector<10000x128xf32>
    %add3A_71 = arith.constant 9.99999974E-6 : f32
    %add3A_72 = vector.broadcast %add3A_71 : f32 to vector<1x128xf32>
    %add3A_73 = arith.addf %div3A_68, %add3A_72 : vector<1x128xf32>
    %rsqrt3A = math.rsqrt %add3A_73 : vector<1x128xf32>
    %mul3A_74 = vector.broadcast %rsqrt3A : vector<1x128xf32> to vector<10000x128xf32>
    %mul3A_75 = arith.mulf %sub3A_70, %mul3A_74 : vector<10000x128xf32>
    %get3A_76 = arith.constant 0 : index
    %get3A_77 = arith.constant 0 : index
    %get3A_78 = vector.load %arg10[%get3A_76, %get3A_77] : memref<1x128xf32, #tpu.memory_space<vmem>>, vector<1x128xf32>
    %mul3A_79 = vector.broadcast %get3A_78 : vector<1x128xf32> to vector<10000x128xf32>
    %mul3A_80 = arith.mulf %mul3A_75, %mul3A_79 : vector<10000x128xf32>
    %get3A_81 = arith.constant 0 : index
    %get3A_82 = arith.constant 0 : index
    %get3A_83 = vector.load %arg11[%get3A_81, %get3A_82] : memref<1x128xf32, #tpu.memory_space<vmem>>, vector<1x128xf32>
    %add3A_84 = vector.broadcast %get3A_83 : vector<1x128xf32> to vector<10000x128xf32>
    %add3A_85 = arith.addf %mul3A_80, %add3A_84 : vector<10000x128xf32>
    %slice3A = vector.extract_strided_slice %add3A_85 {offsets = [0, 0], sizes = [10000, 64], strides = [1, 1]} : vector<10000x128xf32> to vector<10000x64xf32>
    %swap3A = arith.constant 0 : index
    %swap3A_86 = arith.constant 0 : index
    %swap3A_87 = vector.load %arg14[%swap3A, %swap3A_86] : memref<10000x64xf32, #tpu.memory_space<vmem>>, vector<10000x64xf32>
    tpu.vector_store %arg14[%swap3A, %swap3A_86], %slice3A {strides = array<i32>} : memref<10000x64xf32, #tpu.memory_space<vmem>>, vector<10000x64xf32>,
    %slice3A_88 = vector.extract_strided_slice %add3A_85 {offsets = [0, 64], sizes = [10000, 64], strides = [1, 1]} : vector<10000x128xf32> to vector<10000x64xf32>
    %swap3A_89 = arith.constant 0 : index
    %swap3A_90 = arith.constant 0 : index
    %swap3A_91 = vector.load %arg15[%swap3A_89, %swap3A_90] : memref<10000x64xf32, #tpu.memory_space<vmem>>, vector<10000x64xf32>
    tpu.vector_store %arg15[%swap3A_89, %swap3A_90], %slice3A_88 {strides = array<i32>} : memref<10000x64xf32, #tpu.memory_space<vmem>>, vector<10000x64xf32>,
    return
  }
}

module attributes {stable_mosaic.version = 14 : i64} {
  func.func @_tc_layer_body(%arg0: memref<10000x64xf32, #tpu.memory_space<vmem>>, %arg1: memref<10000x64xf32, #tpu.memory_space<vmem>>, %arg2: memref<2x10240x64xf32, #tpu.memory_space<vmem>>, %arg3: memref<10000x1xi32, #tpu.memory_space<vmem>>, %arg4: memref<128x128xf32, #tpu.memory_space<vmem>>, %arg5: memref<1x128xf32, #tpu.memory_space<vmem>>, %arg6: memref<128x128xf32, #tpu.memory_space<vmem>>, %arg7: memref<1x128xf32, #tpu.memory_space<vmem>>, %arg8: memref<128x128xf32, #tpu.memory_space<vmem>>, %arg9: memref<1x128xf32, #tpu.memory_space<vmem>>, %arg10: memref<1x128xf32, #tpu.memory_space<vmem>>, %arg11: memref<1x128xf32, #tpu.memory_space<vmem>>, %arg12: memref<128x128xf32, #tpu.memory_space<vmem>>, %arg13: memref<1x128xf32, #tpu.memory_space<vmem>>, %arg14: memref<10000x128xf32, #tpu.memory_space<vmem>>) attributes {dimension_semantics = [], scalar_prefetch = 0 : i64, scratch_operands = 0 : i64, tpu.core_type = #tpu.core_type<tc>} {
    %get3A = arith.constant 0 : index
    %get3A_0 = arith.constant 0 : index
    %get3A_1 = vector.load %arg0[%get3A, %get3A_0] : memref<10000x64xf32, #tpu.memory_space<vmem>>, vector<10000x64xf32>
    %get3A_2 = arith.constant 0 : index
    %get3A_3 = arith.constant 0 : index
    %get3A_4 = vector.load %arg1[%get3A_2, %get3A_3] : memref<10000x64xf32, #tpu.memory_space<vmem>>, vector<10000x64xf32>
    %concatenate3A = tpu.concatenate %get3A_1, %get3A_4 in 1 : vector<10000x64xf32>, vector<10000x64xf32> -> vector<10000x128xf32>
    %get3A_5 = arith.constant 0 : index
    %get3A_6 = arith.constant 0 : index
    %get3A_7 = arith.constant 0 : index
    %get3A_8 = vector.load %arg2[%get3A_5, %get3A_6, %get3A_7] : memref<2x10240x64xf32, #tpu.memory_space<vmem>>, vector<1x10000x64xf32>
    %get3A_9 = vector.shape_cast %get3A_8 : vector<1x10000x64xf32> to vector<10000x64xf32>
    %get3A_10 = arith.constant 1 : index
    %get3A_11 = arith.constant 0 : index
    %get3A_12 = arith.constant 0 : index
    %get3A_13 = vector.load %arg2[%get3A_10, %get3A_11, %get3A_12] : memref<2x10240x64xf32, #tpu.memory_space<vmem>>, vector<1x10000x64xf32>
    %get3A_14 = vector.shape_cast %get3A_13 : vector<1x10000x64xf32> to vector<10000x64xf32>
    %concatenate3A_15 = tpu.concatenate %get3A_9, %get3A_14 in 1 : vector<10000x64xf32>, vector<10000x64xf32> -> vector<10000x128xf32>
    %get3A_16 = arith.constant 0 : index
    %get3A_17 = arith.constant 0 : index
    %get3A_18 = vector.load %arg3[%get3A_16, %get3A_17] : memref<10000x1xi32, #tpu.memory_space<vmem>>, vector<10000x1xi32>
    %iota3A = tpu.iota {dimensions = array<i32: 1>} : vector<10000x64xi32>
    %eq3A = vector.broadcast %get3A_18 : vector<10000x1xi32> to vector<10000x64xi32>
    %eq3A_19 = arith.cmpi eq, %eq3A, %iota3A : vector<10000x64xi32>
    %convert_element_type3A = arith.extui %eq3A_19 : vector<10000x64xi1> to vector<10000x64xi32>
    %convert_element_type3A_20 = arith.sitofp %convert_element_type3A : vector<10000x64xi32> to vector<10000x64xf32>
    %dot_general3A = arith.constant dense<0.000000e+00> : vector<64x128xf32>
    %dot_general3A_21 = tpu.matmul %convert_element_type3A_20, %concatenate3A, %dot_general3A {dimension_numbers = #tpu.dot_dimension_numbers<[0], [0], [1], [1], [0, 1, 1, 1], [], []>, transpose_lhs_hint = false} : vector<10000x64xf32>, vector<10000x128xf32>, vector<64x128xf32> -> vector<64x128xf32>
    %get3A_22 = arith.constant 0 : index
    %get3A_23 = arith.constant 0 : index
    %get3A_24 = vector.load %arg8[%get3A_22, %get3A_23] : memref<128x128xf32, #tpu.memory_space<vmem>>, vector<128x128xf32>
    %dot_general3A_25 = arith.constant dense<0.000000e+00> : vector<64x128xf32>
    %dot_general3A_26 = tpu.matmul %dot_general3A_21, %get3A_24, %dot_general3A_25 {dimension_numbers = #tpu.dot_dimension_numbers<[1], [0], [0], [1], [0, 0, 1, 1], [], []>, transpose_lhs_hint = false} : vector<64x128xf32>, vector<128x128xf32>, vector<64x128xf32> -> vector<64x128xf32>
    %get3A_27 = arith.constant 0 : index
    %get3A_28 = arith.constant 0 : index
    %get3A_29 = vector.load %arg4[%get3A_27, %get3A_28] : memref<128x128xf32, #tpu.memory_space<vmem>>, vector<128x128xf32>
    %dot_general3A_30 = arith.constant dense<0.000000e+00> : vector<10000x128xf32>
    %dot_general3A_31 = tpu.matmul %concatenate3A, %get3A_29, %dot_general3A_30 {dimension_numbers = #tpu.dot_dimension_numbers<[1], [0], [0], [1], [0, 0, 1, 1], [], []>, transpose_lhs_hint = false} : vector<10000x128xf32>, vector<128x128xf32>, vector<10000x128xf32> -> vector<10000x128xf32>
    %get3A_32 = arith.constant 0 : index
    %get3A_33 = arith.constant 0 : index
    %get3A_34 = vector.load %arg6[%get3A_32, %get3A_33] : memref<128x128xf32, #tpu.memory_space<vmem>>, vector<128x128xf32>
    %dot_general3A_35 = arith.constant dense<0.000000e+00> : vector<10000x128xf32>
    %dot_general3A_36 = tpu.matmul %concatenate3A_15, %get3A_34, %dot_general3A_35 {dimension_numbers = #tpu.dot_dimension_numbers<[1], [0], [0], [1], [0, 0, 1, 1], [], []>, transpose_lhs_hint = false} : vector<10000x128xf32>, vector<128x128xf32>, vector<10000x128xf32> -> vector<10000x128xf32>
    %add3A = arith.addf %dot_general3A_31, %dot_general3A_36 : vector<10000x128xf32>
    %dot_general3A_37 = arith.constant dense<0.000000e+00> : vector<10000x128xf32>
    %dot_general3A_38 = tpu.matmul %convert_element_type3A_20, %dot_general3A_26, %dot_general3A_37 {dimension_numbers = #tpu.dot_dimension_numbers<[1], [0], [0], [1], [0, 0, 1, 1], [], []>, transpose_lhs_hint = false} : vector<10000x64xf32>, vector<64x128xf32>, vector<10000x128xf32> -> vector<10000x128xf32>
    %add3A_39 = arith.addf %add3A, %dot_general3A_38 : vector<10000x128xf32>
    %get3A_40 = arith.constant 0 : index
    %get3A_41 = arith.constant 0 : index
    %get3A_42 = vector.load %arg5[%get3A_40, %get3A_41] : memref<1x128xf32, #tpu.memory_space<vmem>>, vector<1x128xf32>
    %add3A_43 = vector.broadcast %get3A_42 : vector<1x128xf32> to vector<10000x128xf32>
    %add3A_44 = arith.addf %add3A_39, %add3A_43 : vector<10000x128xf32>
    %get3A_45 = arith.constant 0 : index
    %get3A_46 = arith.constant 0 : index
    %get3A_47 = vector.load %arg7[%get3A_45, %get3A_46] : memref<1x128xf32, #tpu.memory_space<vmem>>, vector<1x128xf32>
    %add3A_48 = vector.broadcast %get3A_47 : vector<1x128xf32> to vector<10000x128xf32>
    %add3A_49 = arith.addf %add3A_44, %add3A_48 : vector<10000x128xf32>
    %get3A_50 = arith.constant 0 : index
    %get3A_51 = arith.constant 0 : index
    %get3A_52 = vector.load %arg9[%get3A_50, %get3A_51] : memref<1x128xf32, #tpu.memory_space<vmem>>, vector<1x128xf32>
    %add3A_53 = vector.broadcast %get3A_52 : vector<1x128xf32> to vector<10000x128xf32>
    %add3A_54 = arith.addf %add3A_49, %add3A_53 : vector<10000x128xf32>
    %max3A = arith.constant 0.000000e+00 : f32
    %max3A_55 = vector.broadcast %max3A : f32 to vector<10000x128xf32>
    %max3A_56 = arith.maximumf %add3A_54, %max3A_55 : vector<10000x128xf32>
    %reduce_sum3A = arith.constant dense<0.000000e+00> : vector<128xf32>
    %reduce_sum3A_57 = vector.multi_reduction <add>, %max3A_56, %reduce_sum3A [0] : vector<10000x128xf32> to vector<128xf32>
    %broadcast_in_dim3A = vector.shape_cast %reduce_sum3A_57 : vector<128xf32> to vector<1x128xf32>
    %div3A = arith.constant 1.000000e+04 : f32
    %div3A_58 = vector.broadcast %div3A : f32 to vector<1x128xf32>
    %div3A_59 = arith.divf %broadcast_in_dim3A, %div3A_58 : vector<1x128xf32>
    %sub3A = vector.broadcast %div3A_59 : vector<1x128xf32> to vector<10000x128xf32>
    %sub3A_60 = arith.subf %max3A_56, %sub3A : vector<10000x128xf32>
    %sub3A_61 = vector.broadcast %div3A_59 : vector<1x128xf32> to vector<10000x128xf32>
    %sub3A_62 = arith.subf %max3A_56, %sub3A_61 : vector<10000x128xf32>
    %mul3A = arith.mulf %sub3A_60, %sub3A_62 : vector<10000x128xf32>
    %reduce_sum3A_63 = arith.constant dense<0.000000e+00> : vector<128xf32>
    %reduce_sum3A_64 = vector.multi_reduction <add>, %mul3A, %reduce_sum3A_63 [0] : vector<10000x128xf32> to vector<128xf32>
    %broadcast_in_dim3A_65 = vector.shape_cast %reduce_sum3A_64 : vector<128xf32> to vector<1x128xf32>
    %div3A_66 = arith.constant 1.000000e+04 : f32
    %div3A_67 = vector.broadcast %div3A_66 : f32 to vector<1x128xf32>
    %div3A_68 = arith.divf %broadcast_in_dim3A_65, %div3A_67 : vector<1x128xf32>
    %sub3A_69 = vector.broadcast %div3A_59 : vector<1x128xf32> to vector<10000x128xf32>
    %sub3A_70 = arith.subf %max3A_56, %sub3A_69 : vector<10000x128xf32>
    %add3A_71 = arith.constant 9.99999974E-6 : f32
    %add3A_72 = vector.broadcast %add3A_71 : f32 to vector<1x128xf32>
    %add3A_73 = arith.addf %div3A_68, %add3A_72 : vector<1x128xf32>
    %rsqrt3A = math.rsqrt %add3A_73 : vector<1x128xf32>
    %mul3A_74 = vector.broadcast %rsqrt3A : vector<1x128xf32> to vector<10000x128xf32>
    %mul3A_75 = arith.mulf %sub3A_70, %mul3A_74 : vector<10000x128xf32>
    %get3A_76 = arith.constant 0 : index
    %get3A_77 = arith.constant 0 : index
    %get3A_78 = vector.load %arg10[%get3A_76, %get3A_77] : memref<1x128xf32, #tpu.memory_space<vmem>>, vector<1x128xf32>
    %mul3A_79 = vector.broadcast %get3A_78 : vector<1x128xf32> to vector<10000x128xf32>
    %mul3A_80 = arith.mulf %mul3A_75, %mul3A_79 : vector<10000x128xf32>
    %get3A_81 = arith.constant 0 : index
    %get3A_82 = arith.constant 0 : index
    %get3A_83 = vector.load %arg11[%get3A_81, %get3A_82] : memref<1x128xf32, #tpu.memory_space<vmem>>, vector<1x128xf32>
    %add3A_84 = vector.broadcast %get3A_83 : vector<1x128xf32> to vector<10000x128xf32>
    %add3A_85 = arith.addf %mul3A_80, %add3A_84 : vector<10000x128xf32>
    %get3A_86 = arith.constant 0 : index
    %get3A_87 = arith.constant 0 : index
    %get3A_88 = vector.load %arg12[%get3A_86, %get3A_87] : memref<128x128xf32, #tpu.memory_space<vmem>>, vector<128x128xf32>
    %dot_general3A_89 = arith.constant dense<0.000000e+00> : vector<10000x128xf32>
    %dot_general3A_90 = tpu.matmul %add3A_85, %get3A_88, %dot_general3A_89 {dimension_numbers = #tpu.dot_dimension_numbers<[1], [0], [0], [1], [0, 0, 1, 1], [], []>, transpose_lhs_hint = false} : vector<10000x128xf32>, vector<128x128xf32>, vector<10000x128xf32> -> vector<10000x128xf32>
    %get3A_91 = arith.constant 0 : index
    %get3A_92 = arith.constant 0 : index
    %get3A_93 = vector.load %arg13[%get3A_91, %get3A_92] : memref<1x128xf32, #tpu.memory_space<vmem>>, vector<1x128xf32>
    %add3A_94 = vector.broadcast %get3A_93 : vector<1x128xf32> to vector<10000x128xf32>
    %add3A_95 = arith.addf %dot_general3A_90, %add3A_94 : vector<10000x128xf32>
    %swap3A = arith.constant 0 : index
    %swap3A_96 = arith.constant 0 : index
    %swap3A_97 = vector.load %arg14[%swap3A, %swap3A_96] : memref<10000x128xf32, #tpu.memory_space<vmem>>, vector<10000x128xf32>
    tpu.vector_store %arg14[%swap3A, %swap3A_96], %add3A_95 {strides = array<i32>} : memref<10000x128xf32, #tpu.memory_space<vmem>>, vector<10000x128xf32>,
    return
  }
}

</mosaic_0001>

<sc_bundles>
// kernel: kernel.6.cloned.1.call-start
scs
__scs_entry_jumppad:
0x0: {  	(pc) =	sbr.rel $0x88, $3  }
0x1: {  	(tag) =	ssettag $0x0;
	lr =	simm.s32 $0x1  }
0x2: {  	[smem:$0x3F8C] =	sst lr;
	_ =	strace $0xD0000000  }
0x3: {  	_ = 	snop  }
0x4: {  	_ = 	snop  }
0x5: {  	_ = 	snop  }
0x6: {  	_ = 	snop  }
0x7: {  	_ = 	snop  }
__scs_overlays_trampoline_lowered:
0x8: {  	[smem:$0x3F9B] =	sst s0  }
0x9: {  	[smem:$0x3F9C] =	sst s1  }
0xa: {  	[smem:$0x3F9D] =	sst s2  }
0xb: {  	[smem:$0x3F9E] =	sst s3  }
0xc: {  	[smem:$0x3F9F] =	sst s4  }
0xd: {  	[smem:$0x3FA0] =	sst s5  }
0xe: {  	[smem:$0x3FA1] =	sst s6  }
0xf: {  	[smem:$0x3FA2] =	sst s7  }
0x10: {  	[smem:$0x3FA3] =	sst s8  }
0x11: {  	[smem:$0x3FA4] =	sst s9;
	s0 =	simm.s32 @!p0 $0x0  }
0x12: {  	s1 =	sld [smem:$0x3F8A];
	s0 =	simm.s32 @p0 $0x1  }
0x13: {  	[smem:$0x3FA5] =	sst s0;
	s0 =	simm.s32 @!p1 $0x0  }
0x14: {  	s2 =	sld [smem:$0x3F89];
	s0 =	simm.s32 @p1 $0x1  }
0x15: {  	[smem:$0x3FA6] =	sst s0;
	s0 =	simm.s32 @!p2 $0x0  }
0x16: {  	s3 =	sld [smem:$0x3FDB];
	s0 =	simm.s32 @p2 $0x1  }
0x17: {  	s4 =	simm.s32 $0x1BF5;
	[smem:$0x3FA8] =	sst s0  }
0x18: {  	s0 =	sld [smem:$0x3F8B];
	_ =	swait.ge [sflag:s4], $0x0  }
0x19: {  	s7 =	sld [smem:$0x3F8C]  }
0x1a: {  	s8 =	sadd.s32 $0xFFFFE003, lr  }
0x1b: {  	s9 =	sadd.s32 $0xFFFFFEF7, lr;
	s5 =	simm.s32 $0xFFFFFFFF;
	p2 =	slt.u32 s8, $0xFFFFF086  }
0x1c: {  	p1 =	slt.u32 s9, $0xF7A;
	s5 =	simm.s32 @!p2 $0x0  }
0x1d: {  	s5 =	simm.s32 @p1 $0x1;
	p0 =	seq.s32 s7, s2  }
0x1e: {  	s7 =	smul.u32 @!p0 $0xF7A, s2;
	p2 =	seq.s32 @!p0 s5, $0x0  }
0x1f: {  	s9 =	smul.u32 $0xF7A, s1;
	s8 =	simm.s32 @!p0 $0x1BF5;
	p2 =	por !p2, p0  }
0x20: {  	[sflag:s8] =	ssyncset.s32 @!p0 $0xFFFFF086;
	s6 =	sadd.s32 @!p0 s3, s7;
	s7 =	simm.s32 @!p0 $0x108  }
0x21: {  	s3 =	sadd.s32 s3, s9;
	s6 =	sadd.s32 @!p0 $0x88, s6;
	s7 =	simm.s32 @p2 $0x1082  }
0x22: {  	[simem:s7], [sflag:s8] =	dma.local @!p0 [hbm:s6], $0xF7A  }
0x23: {  	s9 =	sor.u32 $0xD0000000, s2;
	s6 =	simm.s32 $0x108;
	_ =	swait.ge @!p0 [sflag:s8], $0x0  }
0x24: {  	s3 =	sadd.s32 $0x88, s3;
	s6 =	simm.s32 @!p1 $0x1082;
	[sflag:s4] =	ssyncset.s32 $0xFFFFF086  }
0x25: {  	[simem:s6], [sflag:s4] =	dma.local [hbm:s3], $0xF7A  }
0x26: {  	[smem:$0x3F8C] =	sst s1;
	(tag) =	ssettag s2;
	_ =	strace s9  }
0x27: {  	s1 =	sld [smem:$0x3F9C]  }
0x28: {  	s2 =	sld [smem:$0x3F9D]  }
0x29: {  	s4 =	sld [smem:$0x3F9F]  }
0x2a: {  	p0 =	seq.s32 s5, $0x0;
	s5 =	sld [smem:$0x3FA0]  }
0x2b: {  	s6 =	sld [smem:$0x3FA1]  }
0x2c: {  	s7 =	sld [smem:$0x3FA2]  }
0x2d: {  	s3 =	simm.s32 $0x108;
	s8 =	sld [smem:$0x3FA3]  }
0x2e: {  	s3 =	simm.s32 @!p0 $0x1082;
	s9 =	sld [smem:$0x3FA4]  }
0x2f: {  	lr =	sadd.s32 s0, s3;
	s0 =	sld [smem:$0x3F9B]  }
0x30: {  	s3 =	sld [smem:$0x3F9E]  }
0x31: {  	[smem:$0x3FA7] =	sst s10  }
0x32: {  	s10 =	sld [smem:$0x3FA5];
	_ =	sdelay $0x3  }
0x33: {  	p0 =	seq.s32 s10, $0x1;
	s10 =	sld [smem:$0x3FA7];
	_ =	sdelay $0x3  }
0x34: {  	[smem:$0x3FA7] =	sst s10  }
0x35: {  	s10 =	sld [smem:$0x3FA6];
	_ =	sdelay $0x3  }
0x36: {  	p1 =	seq.s32 s10, $0x1;
	s10 =	sld [smem:$0x3FA7];
	_ =	sdelay $0x3  }
0x37: {  	[smem:$0x3FA7] =	sst s10  }
0x38: {  	s10 =	sld [smem:$0x3FA8]  }
0x39: {  	_ = 	snop;
	(pc) =	sbr.ind lr, $3  }
0x3a: {  	_ = 	snop  }
0x3b: {  	_ = 	snop  }
0x3c: {  	p2 =	seq.s32 s10, $0x1;
	s10 =	sld [smem:$0x3FA7]  }
0x3d: {  	_ =	shalt  }
0x3e: {  	_ =	shalt  }
0x3f: {  	_ =	shalt  }
0x40: {  	_ =	shalt  }
0x41: {  	_ =	shalt  }
0x42: {  	_ =	shalt  }
0x43: {  	_ =	shalt  }
0x44: {  	_ =	shalt  }
0x45: {  	_ =	shalt  }
0x46: {  	_ =	shalt  }
0x47: {  	_ =	shalt  }
0x48: {  	_ =	shalt  }
0x49: {  	_ =	shalt  }
0x4a: {  	_ =	shalt  }
0x4b: {  	_ =	shalt  }
0x4c: {  	_ =	shalt  }
0x4d: {  	_ =	shalt  }
0x4e: {  	_ =	shalt  }
0x4f: {  	_ =	shalt  }
0x50: {  	_ =	shalt  }
0x51: {  	_ =	shalt  }
0x52: {  	_ =	shalt  }
0x53: {  	_ =	shalt  }
0x54: {  	_ =	shalt  }
0x55: {  	_ =	shalt  }
0x56: {  	_ =	shalt  }
0x57: {  	_ =	shalt  }
0x58: {  	_ =	shalt  }
0x59: {  	_ =	shalt  }
0x5a: {  	_ =	shalt  }
0x5b: {  	_ =	shalt  }
0x5c: {  	_ =	shalt  }
0x5d: {  	_ =	shalt  }
0x5e: {  	_ =	shalt  }
0x5f: {  	_ =	shalt  }
0x60: {  	_ =	shalt  }
0x61: {  	_ =	shalt  }
0x62: {  	_ =	shalt  }
0x63: {  	_ =	shalt  }
0x64: {  	_ =	shalt  }
0x65: {  	_ =	shalt  }
0x66: {  	_ =	shalt  }
0x67: {  	_ =	shalt  }
0x68: {  	_ =	shalt  }
0x69: {  	_ =	shalt  }
0x6a: {  	_ =	shalt  }
0x6b: {  	_ =	shalt  }
0x6c: {  	_ =	shalt  }
0x6d: {  	_ =	shalt  }
0x6e: {  	_ =	shalt  }
0x6f: {  	_ =	shalt  }
0x70: {  	_ =	shalt  }
0x71: {  	_ =	shalt  }
0x72: {  	_ =	shalt  }
0x73: {  	_ =	shalt  }
0x74: {  	_ =	shalt  }
0x75: {  	_ =	shalt  }
0x76: {  	_ =	shalt  }
0x77: {  	_ =	shalt  }
0x78: {  	_ =	shalt  }
0x79: {  	_ =	shalt  }
0x7a: {  	_ =	shalt  }
0x7b: {  	_ =	shalt  }
0x7c: {  	_ =	shalt  }
0x7d: {  	_ =	shalt  }
0x7e: {  	_ =	shalt  }
0x7f: {  	_ =	shalt  }
0x80: {  	_ =	shalt  }
0x81: {  	_ =	shalt  }
0x82: {  	_ =	shalt  }
0x83: {  	_ =	shalt  }
0x84: {  	_ =	shalt  }
0x85: {  	_ =	shalt  }
0x86: {  	_ =	shalt  }
0x87: {  	_ =	shalt  }
.Lfunc_end0:
.L_simem_size_0:
called_computation_lowered:
.L_overlay_start_0:
0x88: {  	s2 =	sld [smem:$0x3FD9]  }
0x89: {  	s3 =	sld [smem:$0x3FFE];
	_ =	sdelay $0x1  }
0x8a: {  	s1 =	srdreg.scid  }
0x8b: {  	s0 =	sand.u32 $0x1, s1  }
0x8c: {  	s16 =	sshll.u32 s0, $0xA;
	s2 =	sadd.s32 s3, s2  }
0x8d: {  	s2 =	sadd.s32 s2, s16  }
0x8e: {  	[smem:$0x3FB3] =	sst s2  }
0x8f: {  	_ = 	snop  }
0x90: {  	(tm) =	ssettm $0x1  }
0x91: {  	s17 =	sld [smem:$0x3FFB];
	_ =	sdelay $0x3  }
0x92: {  	_ =	strace s17  }
0x93: {  	s2 =	sld [smem:$0x3FFC];
	_ =	sdelay $0x3  }
0x94: {  	_ =	strace s2  }
0x95: {  	s2 =	sld [smem:$0x3FFD];
	_ =	sdelay $0x3  }
0x96: {  	_ =	strace s2  }
0x97: {  	_ =	strace $0x8FFFFFFF  }
0x98: {  	s18 =	sld [smem:$0x3FDB];
	_ =	sdelay $0x1  }
0x99: {  	s19 =	simm.s32 $_scs_section_size  }
0x9a: {  	s4 =	simm.s32 $_size__tile_overlayer_lowered;
	s5 =	simm.s32 $_tile_overlayer_lowered  }
0x9b: {  	s22 =	simm.s32 $0x1BFF;
	s21 =	sshll.u32 s5, $0x1;
	s2 =	sadd.s32 s19, s18  }
0x9c: {  	s6 =	simm.s32 $0x0;
	s20 =	sshll.u32 s4, $0x1;
	s4 =	sadd.s32 s21, s2  }
0x9d: {  	[timem:s6], [sflag:s22] =	dma.local [hbm:s4], s20  }
0x9e: {  	_ =	swait.ge [sflag:s22], s20  }
0x9f: {  	s3 =	ssub.s32 $0x0, s20;
	[sflag:s22] =	ssyncset.done $0x0  }
0xa0: {  	[sflag:s22] =	ssyncadd.s32 s3;
	_ =	sdelay $0x1  }
0xa1: {  	s23 =	simm.s32 $0x1B8B  }
0xa2: {  	_ =	swait.ge [sflag:s23], $0x1  }
0xa3: {  	[sflag:s23] =	ssyncset.done $0x0  }
0xa4: {  	s25 =	simm.s32 $0x1B8E;
	s24 =	sld [smem:$0x3FFE];
	[sflag:s23] =	ssyncadd.s32 $0xFFFFFFFF  }
0xa5: {  	s26 =	simm.s32 $execute0_lowered;
	[smem:$0x3FD2] =	sst s25  }
0xa6: {  	s4 =	sshll.u32 s26, $0x1;
	_ =	strace $0x80000046;
	[dreg:$0x1] =	wrdreg $0xFFFFFFFF  }
0xa7: {  	s28 =	simm.s32 $_size_execute0_lowered;
	s2 =	sadd.s32 s2, s4;
	[dreg:$0x0] =	wrdreg $0x0  }
0xa8: {  	s4 =	sshll.u32 s28, $0x1;
	[dreg:$0x2] =	wrdreg s2  }
0xa9: {  	[dreg:$0x3] =	wrdreg s4  }
0xaa: {  	[dreg:$0x4] =	wrdreg $0xC0  }
0xab: {  	_ =	task [dreg:s6], $0x5FFFF  }
0xac: {  	[dreg:$0x1] =	wrdreg $0xFFFFFFFF  }
0xad: {  	[dreg:$0x0] =	wrdreg $0x60  }
0xae: {  	[dreg:$0x2] =	wrdreg s24  }
0xaf: {  	[dreg:$0x3] =	wrdreg $0x109C00  }
0xb0: {  	[dreg:$0x4] =	wrdreg $0x9  }
0xb1: {  	_ =	task.clear_ibuf [dreg:s6], $0x5FFFF;
	_ =	strace $0x90000046  }
0xb2: {  	s29 =	simm.s32 $0x9;
	_ =	strace $0x8000005A  }
0xb3: {  	_ =	swait.ge [sflag:s29], $0x1  }
0xb4: {  	[sflag:s29] =	ssyncadd.s32 $0xFFFFFFFF  }
0xb5: {  	_ =	strace $0x9000005A  }
0xb6: {  	_ =	sfence  }
0xb7: {  	s30 =	sld [smem:$0x0];
	_ =	sdelay $0x2  }
0xb8: {  	s31 =	sshll.u32 s1, $0xD;
	s1 =	sshrl.u32 s1, $0x2  }
0xb9: {  	s3 =	sand.u32 $0x4000, s31;
	s1 =	sadd.s32 s1, s30  }
0xba: {  	s0 =	sor.u32 s3, s0;
	s1 =	sshll.u32 s1, $0x11  }
0xbb: {  	s0 =	sor.u32 s1, s0  }
0xbc: {  	s0 =	sadd.s32 $0x8F2B, s0  }
0xbd: {  	[sflag:s0] =	ssyncadd.remote.s32 $0x1  }
0xbe: {  	_ =	sfence.sel $0xFFFF  }
0xbf: {  	[dreg:$0x0] =	wrdreg $0xFFFFFFFF;
	(pc) =	sbr.abs _section_cstart, $3  }
0xc0: {  	[dreg:$0x1] =	wrdreg $0xFFFFFFFF  }
0xc1: {  	_ =	task.clear_ibuf [dreg:s6], $0x2FFFF;
	_ =	strace $0x9FFFFFFF  }
0xc2: {  	(tm) =	ssettm $0x7FFFFFFF  }
0xc3: {  	_ =	shalt  }
tec
execute0_lowered:
.L_overlay_start_1:
0x0: {  	(tag) =	ssettag $0x1  }
0x1: {  	s0 =	rddreg [dreg:$0x0]  }
0x2: {  	s2 =	rddreg [dreg:$0x1]  }
0x3: {  	s1 =	srdreg.scid;
	s13 =	stileid.u32;
	s3 =	simm.s32 $0x0  }
0x4: {  	s28 =	simm.s32 $0x8CC0;
	s29 =	simm.s32 $0x1;
	s6 =	smul.u32 $0xA000, s13  }
0x5: {  	s30 =	simm.s32 $0x5E8;
	s31 =	simm.s32 $0xDC8;
	s9 =	smul.u32 $0x28000, s13  }
0x6: {  	s1 =	sand.u32 $0x1, s1;
	[smem:$0x7FF] =	sst s3;
	s12 =	smul.u32 $0x1F8, s13  }
0x7: {  	s4 =	sadd.s32 $0x2B000, s0;
	s5 =	sadd.s32 $0x17600, s0;
	s20 =	smul.u32 $0x3F, s13  }
0x8: {  	s10 =	sadd.s32 $0xD800, s0;
	s11 =	sadd.s32 $0x3A00, s0;
	s7 =	smul.u32 $0xA0000, s1  }
0x9: {  	_ =	strace $0x80000047;
	s8 =	ssub.s32 $0x2, s1;
	p0 =	seq.s32 s1, $0x1  }
0xa: {  	s18 =	sshrl.u32 s8, $0x1;
	s19 =	sshrl.u32 s9, $0x2;
	s12 =	sshrl.u32 s12, $0x3  }
0xb: {  	s9 =	sadd.s32 s11, s20;
	s7 =	sadd.s32 s6, s7;
	s6 =	sadd.s32 s6, s2  }
0xc: {  	s21 =	sadd.s32 $0x3F0, s12;
	s23 =	sadd.s32 $0x7E0, s12;
	s12 =	sadd.s32 $0x9990, s12  }
0xd: {  	s7 =	sshrl.u32 s7, $0x3;
	s22 =	sadd.s32 s10, s21;
	s1 =	sadd.s32 s11, s21  }
0xe: {  	s24 =	sadd.s32 s10, s23;
	s25 =	sadd.s32 s10, s12;
	[dreg:$0x4] =	wrdreg s22  }
0xf: {  	s26 =	sadd.s32 s11, s12;
	s21 =	simm.s32 $0x1F8;
	[dreg:$0x5] =	wrdreg s1  }
0x10: {  	s0 =	sadd.s32 s7, s0;
	s7 =	ssub.s32 s8, s18;
	[dreg:$0x6] =	wrdreg s24  }
0x11: {  	s8 =	sadd.s32 s19, s2;
	s1 =	sadd.s32 s11, s23;
	[dreg:$0x8] =	wrdreg s25  }
0x12: {  	[dreg:$0x9] =	wrdreg s26;
	s18 =	simm.s32 $0xFC0;
	s19 =	simm.s32 $0x7  }
0x13: {  	s22 =	simm.s32 $0x9D8;
	s23 =	simm.s32 $0x3F0;
	s24 =	simm.s32 $0xBD0  }
.Ltmp0:
0x14: {  	s25 =	simm.s32 $0x1F4;
	s26 =	simm.s32 $0x4;
	(pc) =	sbr.rel .LBB2_1-.Ltmp0, $4  }
0x15: {  	s11 =	simm.s32 $0x0;
	s8 =	sadd.s32 $0x5000, s8;
	[dreg:$0x7] =	wrdreg s1  }
0x16: {  	s16 =	sadd.s32 $0x3EA00, s0;
	s17 =	smax.u32 s7, $0x1;
	s0 =	simm.s32 $0x5  }
0x17: {  	s1 =	simm.s32 $0x2;
	s7 =	simm.s32 $0x6;
	[dreg:$0x3] =	wrdreg s8  }
0x18: {  	v0 =	vimm.f32 $0.0e+00;
	s8 =	sadd.s32 s10, s20;
	s20 =	simm.s32 $0x7E0;
	s10 =	simm.s32 $0x3  }
.LBB2_6:
0x19: {  	[tilespmem:s28], [sflag:$0x2] =	stream.indirect.gather [hbm4b:s4+s25], $0x40, s21, s25, $0xb8;
	[tilespmem:$0x1A9C0] =	vst v63  }
0x1a: {  	_ =	swait.ge [sflag:s29], $0x7D00  }
0x1b: {  	[sflag:s29] =	ssyncset.done $0x0  }
0x1c: {  	[sflag:s29] =	ssyncadd.s32 $0xFFFF8300  }
0x1d: {  	_ =	strace $0x8000004D  }
0x1e: {  	[spmem:s2] =	stream.indirect.scatter.add.f32 [tilespmem:s18], [sflag:$0x7], $0x40, s20, s25, $0x2000b8;
	[tilespmem:$0x1A9C0] =	vst v63  }
0x1f: {  	_ =	swait.ge [sflag:s19], $0x7D00  }
0x20: {  	[sflag:s19] =	ssyncset.done $0x0  }
0x21: {  	[sflag:s19] =	ssyncadd.s32 $0xFFFF8300  }
0x22: {  	_ =	strace $0x9000004D  }
0x23: {  	s12 =	rddreg [dreg:$0x8]  }
0x24: {  	[tilespmem:s30], [sflag:$0x6] =	stream.linear.gather [hbm4b:s12+s3], $0x1F8, $0x38;
	[tilespmem:$0x1A9C0] =	vst v63  }
0x25: {  	s15 =	rddreg [dreg:$0x9]  }
0x26: {  	[tilespmem:s31], [sflag:$0x6] =	stream.linear.gather [hbm4b:s15+s3], $0x1F8, $0x38;
	[tilespmem:$0x1A9C0] =	vst v63  }
0x27: {  	_ =	swait.ge [sflag:s0], $0x1F8  }
0x28: {  	[sflag:s0] =	ssyncset.done $0x0  }
0x29: {  	[sflag:s0] =	ssyncadd.s32 $0xFFFFFE08  }
0x2a: {  	_ =	swait.ge [sflag:s0], $0x1F8  }
0x2b: {  	[sflag:s0] =	ssyncset.done $0x0  }
0x2c: {  	[sflag:s0] =	ssyncadd.s32 $0xFFFFFE08  }
0x2d: {  	[tilespmem:s18], [sflag:$0x1] =	stream.indirect.gather [hbm4b:s4+s25], $0x40, s23, s25, $0xb8;
	[tilespmem:$0x1A9C0] =	vst v63  }
0x2e: {  	_ =	swait.ge [sflag:s1], $0x7D00  }
0x2f: {  	[sflag:s1] =	ssyncset.done $0x0  }
0x30: {  	[sflag:s1] =	ssyncadd.s32 $0xFFFF8300  }
0x31: {  	_ =	strace $0x8000004E  }
0x32: {  	[spmem:s2] =	stream.indirect.scatter.add.f32 [tilespmem:s28], [sflag:$0x7], $0x40, s22, s25, $0x2000b8;
	[tilespmem:$0x1A9C0] =	vst v63  }
0x33: {  	_ =	swait.ge [sflag:s19], $0x7D00  }
0x34: {  	[sflag:s19] =	ssyncset.done $0x0  }
0x35: {  	[sflag:s19] =	ssyncadd.s32 $0xFFFF8300  }
0x36: {  	_ =	strace $0x9000004E  }
0x37: {  	_ =	swait.ge [sflag:s7], $0x1F8  }
0x38: {  	[sflag:s7] =	ssyncset.done $0x0  }
0x39: {  	[sflag:s7] =	ssyncadd.s32 $0xFFFFFE08  }
0x3a: {  	_ =	swait.ge [sflag:s7], $0x1F8  }
0x3b: {  	[sflag:s7] =	ssyncset.done $0x0  }
0x3c: {  	[sflag:s7] =	ssyncadd.s32 $0xFFFFFE08  }
0x3d: {  	[tilespmem:s28], [sflag:$0x2] =	stream.indirect.gather [hbm4b:s4+s25], $0x40, s30, s25, $0xb8;
	[tilespmem:$0x1A9C0] =	vst v63  }
0x3e: {  	_ =	swait.ge [sflag:s29], $0x7D00  }
0x3f: {  	[sflag:s29] =	ssyncset.done $0x0  }
0x40: {  	[sflag:s29] =	ssyncadd.s32 $0xFFFF8300  }
0x41: {  	_ =	strace $0x8000004F  }
0x42: {  	[spmem:s2] =	stream.indirect.scatter.add.f32 [tilespmem:s18], [sflag:$0x7], $0x40, s24, s25, $0x2000b8;
	[tilespmem:$0x1A9C0] =	vst v63  }
0x43: {  	_ =	swait.ge [sflag:s19], $0x7D00  }
0x44: {  	[sflag:s19] =	ssyncset.done $0x0  }
0x45: {  	[sflag:s19] =	ssyncadd.s32 $0xFFFF8300  }
0x46: {  	_ =	strace $0x9000004F  }
0x47: {  	_ =	swait.ge [sflag:s1], $0x7D00  }
0x48: {  	[sflag:s1] =	ssyncset.done $0x0  }
0x49: {  	[sflag:s1] =	ssyncadd.s32 $0xFFFF8300  }
0x4a: {  	_ =	strace $0x80000050  }
0x4b: {  	[spmem:s2] =	stream.indirect.scatter.add.f32 [tilespmem:s28], [sflag:$0x7], $0x40, s31, s25, $0x2000b8;
	[tilespmem:$0x1A9C0] =	vst v63  }
0x4c: {  	_ =	swait.ge [sflag:s19], $0x7D00  }
0x4d: {  	[sflag:s19] =	ssyncset.done $0x0  }
0x4e: {  	[sflag:s19] =	ssyncadd.s32 $0xFFFF8300  }
0x4f: {  	_ =	strace $0x90000050  }
.LBB2_10:
0x50: {  	[bflag:$0x0] =	sbarrier.arrive $0xFFFF;
	s12 =	stileid.u32  }
0x51: {  	s13 =	sshrl.u32 s6, $0x3;
	s11 =	sadd.s32 $0x1, s11;
	s12 =	sshll.u32 s12, $0x6  }
0x52: {  	_ =	strace $0x80000059;
	p1 =	sne.s32 s11, s17;
	s12 =	sor.u32 $0x1C07, s12  }
0x53: {  	[hbm:s16], [sflag:s12] =	dma.local [spmem:s13], $0x1400  }
.Ltmp1:
0x54: {  	_ = 	snop;
	(pc) =	sbr.rel @!p1 .LBB2_11-.Ltmp1, $4  }
0x55: {  	_ =	swait.ge [sflag:s19], $0x1400  }
0x56: {  	[sflag:s19] =	ssyncset.done $0x0  }
0x57: {  	[sflag:s19] =	ssyncadd.s32 $0xFFFFEC00  }
0x58: {  	_ =	strace $0x90000059  }
.LBB2_1:
0x59: {  	_ =	strace $0x80000048;
	s13 =	simm.s32 $0x100;
	s12 =	simm.s32 $0x0  }
.LBB2_2:
0x5a: {  	p1 =	sne.s32 s13, $0x13F00;
	[tilespmem:s12+$0xFF0] =	vst v0;
	s14 =	smov.u32 s13;
	s13 =	sadd.s32 $0x100, s13  }
.Ltmp2:
0x5b: {  	[tilespmem:s12+$0xFE0] =	vst v0;
	(pc) =	sbr.rel @p1 .LBB2_2-.Ltmp2, $3  }
0x5c: {  	[tilespmem:s12+$0xFC0] =	vst v0  }
0x5d: {  	[tilespmem:s12+$0xFD0] =	vst v0;
	_ =	sdelay $0x1  }
0x5e: {  	s12 =	sshra.s32 s14, $0x2  }
0x5f: {  	[tilespmem:s12+$0xFF0] =	vst v0  }
0x60: {  	[tilespmem:s12+$0xFE0] =	vst v0  }
0x61: {  	[tilespmem:s12+$0xFC0] =	vst v0  }
0x62: {  	[tilespmem:s12+$0xFD0] =	vst v0  }
0x63: {  	[spmem:s6] =	stream.linear.scatter [tilespmem:s18], [sflag:$0x7], $0x5000, $0x200038;
	[tilespmem:$0x1A9C0] =	vst v63  }
0x64: {  	_ =	swait.ge [sflag:s19], $0x5000  }
0x65: {  	[sflag:s19] =	ssyncset.done $0x0  }
0x66: {  	s14 =	rddreg [dreg:$0x3];
	[sflag:s19] =	ssyncadd.s32 $0xFFFFB000  }
0x67: {  	[spmem:s14] =	stream.linear.scatter [tilespmem:s18], [sflag:$0x7], $0x5000, $0x200038;
	[tilespmem:$0x1A9C0] =	vst v63  }
0x68: {  	_ =	swait.ge [sflag:s19], $0x5000  }
0x69: {  	[sflag:s19] =	ssyncset.done $0x0  }
0x6a: {  	[sflag:s19] =	ssyncadd.s32 $0xFFFFB000  }
0x6b: {  	[bflag:$0x0] =	sbarrier.arrive $0xFFFF  }
0x6c: {  	_ =	strace $0x90000048  }
0x6d: {  	[tilespmem:s3], [sflag:$0x7] =	stream.linear.gather [hbm4b:s8+s3], $0x1F8, $0x38;
	[tilespmem:$0x1A9C0] =	vst v63  }
0x6e: {  	_ =	swait.ge [sflag:s19], $0x1F8  }
0x6f: {  	[sflag:s19] =	ssyncset.done $0x0  }
0x70: {  	[sflag:s19] =	ssyncadd.s32 $0xFFFFFE08  }
0x71: {  	[tilespmem:s20], [sflag:$0x7] =	stream.linear.gather [hbm4b:s9+s3], $0x1F8, $0x38;
	[tilespmem:$0x1A9C0] =	vst v63  }
0x72: {  	_ =	swait.ge [sflag:s19], $0x1F8  }
0x73: {  	[sflag:s19] =	ssyncset.done $0x0  }
0x74: {  	s15 =	rddreg [dreg:$0x4];
	[sflag:s19] =	ssyncadd.s32 $0xFFFFFE08  }
0x75: {  	[tilespmem:s21], [sflag:$0x4] =	stream.linear.gather [hbm4b:s15+s3], $0x1F8, $0x38;
	[tilespmem:$0x1A9C0] =	vst v63  }
0x76: {  	s13 =	rddreg [dreg:$0x5]  }
0x77: {  	[tilespmem:s22], [sflag:$0x4] =	stream.linear.gather [hbm4b:s13+s3], $0x1F8, $0x38;
	[tilespmem:$0x1A9C0] =	vst v63  }
.Ltmp3:
0x78: {  	_ = 	snop;
	(pc) =	sbr.rel @!p0 .LBB2_4-.Ltmp3, $4  }
0x79: {  	s14 =	rddreg [dreg:$0x6]  }
0x7a: {  	[tilespmem:s23], [sflag:$0x5] =	stream.linear.gather [hbm4b:s14+s3], $0x1F8, $0x38;
	[tilespmem:$0x1A9C0] =	vst v63  }
0x7b: {  	s12 =	simm.s32 $0x0;
	s15 =	rddreg [dreg:$0x7]  }
0x7c: {  	[tilespmem:s24], [sflag:$0x5] =	stream.linear.gather [hbm4b:s15+s3], $0x1F8, $0x38;
	[tilespmem:$0x1A9C0] =	vst v63  }
0x7d: {  	[tilespmem:s18], [sflag:$0x1] =	stream.indirect.gather [hbm4b:s5+s25], $0x40, s12, s25, $0xb8;
	[tilespmem:$0x1A9C0] =	vst v63  }
0x7e: {  	_ =	swait.ge [sflag:s26], $0x1F8  }
0x7f: {  	[sflag:s26] =	ssyncset.done $0x0  }
0x80: {  	[sflag:s26] =	ssyncadd.s32 $0xFFFFFE08  }
0x81: {  	_ =	swait.ge [sflag:s26], $0x1F8  }
0x82: {  	[sflag:s26] =	ssyncset.done $0x0  }
0x83: {  	[sflag:s26] =	ssyncadd.s32 $0xFFFFFE08  }
0x84: {  	[tilespmem:s28], [sflag:$0x2] =	stream.indirect.gather [hbm4b:s5+s25], $0x40, s21, s25, $0xb8;
	[tilespmem:$0x1A9C0] =	vst v63  }
0x85: {  	_ =	swait.ge [sflag:s29], $0x7D00  }
0x86: {  	[sflag:s29] =	ssyncset.done $0x0  }
0x87: {  	[sflag:s29] =	ssyncadd.s32 $0xFFFF8300  }
0x88: {  	_ =	strace $0x80000051  }
0x89: {  	[spmem:s2] =	stream.indirect.scatter.add.f32 [tilespmem:s18], [sflag:$0x7], $0x40, s20, s25, $0x2000b8;
	[tilespmem:$0x1A9C0] =	vst v63  }
0x8a: {  	_ =	swait.ge [sflag:s19], $0x7D00  }
0x8b: {  	[sflag:s19] =	ssyncset.done $0x0  }
0x8c: {  	s12 =	sadd.s32 $0x0, s8;
	[sflag:s19] =	ssyncadd.s32 $0xFFFF8300  }
0x8d: {  	s14 =	sadd.s32 $0x0, s9;
	s13 =	sadd.s32 $0xBD0, s12;
	_ =	strace $0x90000051  }
0x8e: {  	[tilespmem:s30], [sflag:$0x6] =	stream.linear.gather [hbm4b:s13+s3], $0x1F8, $0x38;
	[tilespmem:$0x1A9C0] =	vst v63  }
0x8f: {  	s15 =	sadd.s32 $0xBD0, s14  }
0x90: {  	[tilespmem:s31], [sflag:$0x6] =	stream.linear.gather [hbm4b:s15+s3], $0x1F8, $0x38;
	[tilespmem:$0x1A9C0] =	vst v63  }
0x91: {  	_ =	swait.ge [sflag:s0], $0x1F8  }
0x92: {  	[sflag:s0] =	ssyncset.done $0x0  }
0x93: {  	[sflag:s0] =	ssyncadd.s32 $0xFFFFFE08  }
0x94: {  	_ =	swait.ge [sflag:s0], $0x1F8  }
0x95: {  	[sflag:s0] =	ssyncset.done $0x0  }
0x96: {  	[sflag:s0] =	ssyncadd.s32 $0xFFFFFE08  }
0x97: {  	[tilespmem:s18], [sflag:$0x1] =	stream.indirect.gather [hbm4b:s5+s25], $0x40, s23, s25, $0xb8;
	[tilespmem:$0x1A9C0] =	vst v63  }
0x98: {  	_ =	swait.ge [sflag:s1], $0x7D00  }
0x99: {  	[sflag:s1] =	ssyncset.done $0x0  }
0x9a: {  	[sflag:s1] =	ssyncadd.s32 $0xFFFF8300  }
0x9b: {  	_ =	strace $0x80000052  }
0x9c: {  	[spmem:s2] =	stream.indirect.scatter.add.f32 [tilespmem:s28], [sflag:$0x7], $0x40, s22, s25, $0x2000b8;
	[tilespmem:$0x1A9C0] =	vst v63  }
0x9d: {  	_ =	swait.ge [sflag:s19], $0x7D00  }
0x9e: {  	[sflag:s19] =	ssyncset.done $0x0  }
0x9f: {  	[sflag:s19] =	ssyncadd.s32 $0xFFFF8300  }
0xa0: {  	s15 =	sadd.s32 $0xFC0, s12;
	_ =	strace $0x90000052  }
0xa1: {  	[tilespmem:s3], [sflag:$0x3] =	stream.linear.gather [hbm4b:s15+s3], $0x1F8, $0x38;
	[tilespmem:$0x1A9C0] =	vst v63  }
0xa2: {  	s15 =	sadd.s32 $0xFC0, s14  }
0xa3: {  	[tilespmem:s20], [sflag:$0x3] =	stream.linear.gather [hbm4b:s15+s3], $0x1F8, $0x38;
	[tilespmem:$0x1A9C0] =	vst v63  }
0xa4: {  	_ =	swait.ge [sflag:s7], $0x1F8  }
0xa5: {  	[sflag:s7] =	ssyncset.done $0x0  }
0xa6: {  	[sflag:s7] =	ssyncadd.s32 $0xFFFFFE08  }
0xa7: {  	_ =	swait.ge [sflag:s7], $0x1F8  }
0xa8: {  	[sflag:s7] =	ssyncset.done $0x0  }
0xa9: {  	[sflag:s7] =	ssyncadd.s32 $0xFFFFFE08  }
0xaa: {  	[tilespmem:s28], [sflag:$0x2] =	stream.indirect.gather [hbm4b:s5+s25], $0x40, s30, s25, $0xb8;
	[tilespmem:$0x1A9C0] =	vst v63  }
0xab: {  	_ =	swait.ge [sflag:s29], $0x7D00  }
0xac: {  	[sflag:s29] =	ssyncset.done $0x0  }
0xad: {  	[sflag:s29] =	ssyncadd.s32 $0xFFFF8300  }
0xae: {  	_ =	strace $0x80000053  }
0xaf: {  	[spmem:s2] =	stream.indirect.scatter.add.f32 [tilespmem:s18], [sflag:$0x7], $0x40, s24, s25, $0x2000b8;
	[tilespmem:$0x1A9C0] =	vst v63  }
0xb0: {  	_ =	swait.ge [sflag:s19], $0x7D00  }
0xb1: {  	[sflag:s19] =	ssyncset.done $0x0  }
0xb2: {  	[sflag:s19] =	ssyncadd.s32 $0xFFFF8300  }
0xb3: {  	s15 =	sadd.s32 $0x13B0, s12;
	_ =	strace $0x90000053  }
0xb4: {  	[tilespmem:s21], [sflag:$0x4] =	stream.linear.gather [hbm4b:s15+s3], $0x1F8, $0x38;
	[tilespmem:$0x1A9C0] =	vst v63  }
0xb5: {  	s15 =	sadd.s32 $0x13B0, s14  }
0xb6: {  	[tilespmem:s22], [sflag:$0x4] =	stream.linear.gather [hbm4b:s15+s3], $0x1F8, $0x38;
	[tilespmem:$0x1A9C0] =	vst v63  }
0xb7: {  	_ =	swait.ge [sflag:s10], $0x1F8  }
0xb8: {  	[sflag:s10] =	ssyncset.done $0x0  }
0xb9: {  	[sflag:s10] =	ssyncadd.s32 $0xFFFFFE08  }
0xba: {  	_ =	swait.ge [sflag:s10], $0x1F8  }
0xbb: {  	[sflag:s10] =	ssyncset.done $0x0  }
0xbc: {  	[sflag:s10] =	ssyncadd.s32 $0xFFFFFE08  }
0xbd: {  	[tilespmem:s18], [sflag:$0x1] =	stream.indirect.gather [hbm4b:s5+s25], $0x40, s3, s25, $0xb8;
	[tilespmem:$0x1A9C0] =	vst v63  }
0xbe: {  	_ =	swait.ge [sflag:s1], $0x7D00  }
0xbf: {  	[sflag:s1] =	ssyncset.done $0x0  }
0xc0: {  	[sflag:s1] =	ssyncadd.s32 $0xFFFF8300  }
0xc1: {  	_ =	strace $0x80000054  }
0xc2: {  	[spmem:s2] =	stream.indirect.scatter.add.f32 [tilespmem:s28], [sflag:$0x7], $0x40, s31, s25, $0x2000b8;
	[tilespmem:$0x1A9C0] =	vst v63  }
0xc3: {  	_ =	swait.ge [sflag:s19], $0x7D00  }
0xc4: {  	[sflag:s19] =	ssyncset.done $0x0  }
0xc5: {  	[sflag:s19] =	ssyncadd.s32 $0xFFFF8300  }
0xc6: {  	s12 =	sadd.s32 $0x17A0, s12;
	_ =	strace $0x90000054  }
0xc7: {  	[tilespmem:s23], [sflag:$0x5] =	stream.linear.gather [hbm4b:s12+s3], $0x1F8, $0x38;
	[tilespmem:$0x1A9C0] =	vst v63  }
0xc8: {  	s15 =	sadd.s32 $0x17A0, s14  }
0xc9: {  	[tilespmem:s24], [sflag:$0x5] =	stream.linear.gather [hbm4b:s15+s3], $0x1F8, $0x38;
	[tilespmem:$0x1A9C0] =	vst v63  }
0xca: {  	_ =	swait.ge [sflag:s26], $0x1F8  }
0xcb: {  	[sflag:s26] =	ssyncset.done $0x0  }
0xcc: {  	[sflag:s26] =	ssyncadd.s32 $0xFFFFFE08  }
0xcd: {  	_ =	swait.ge [sflag:s26], $0x1F8  }
0xce: {  	[sflag:s26] =	ssyncset.done $0x0  }
0xcf: {  	s12 =	simm.s32 $0xFC0;
	[sflag:s26] =	ssyncadd.s32 $0xFFFFFE08  }
.LBB2_8:
0xd0: {  	[tilespmem:s28], [sflag:$0x2] =	stream.indirect.gather [hbm4b:s5+s25], $0x40, s21, s25, $0xb8;
	[tilespmem:$0x1A9C0] =	vst v63  }
0xd1: {  	s14 =	smov.u32 s12  }
0xd2: {  	p1 =	sne.s32 s12, $0x7E00;
	s12 =	sadd.s32 $0xFC0, s12;
	_ =	swait.ge [sflag:s29], $0x7D00  }
0xd3: {  	[sflag:s29] =	ssyncset.done $0x0  }
0xd4: {  	[sflag:s29] =	ssyncadd.s32 $0xFFFF8300  }
0xd5: {  	_ =	strace $0x80000051  }
0xd6: {  	[spmem:s2] =	stream.indirect.scatter.add.f32 [tilespmem:s18], [sflag:$0x7], $0x40, s20, s25, $0x2000b8;
	[tilespmem:$0x1A9C0] =	vst v63  }
0xd7: {  	_ =	swait.ge [sflag:s19], $0x7D00  }
0xd8: {  	[sflag:s19] =	ssyncset.done $0x0  }
0xd9: {  	s13 =	sadd.s32 s14, s8;
	[sflag:s19] =	ssyncadd.s32 $0xFFFF8300  }
0xda: {  	s14 =	sadd.s32 s14, s9;
	s15 =	sadd.s32 $0xBD0, s13;
	_ =	strace $0x90000051  }
0xdb: {  	[tilespmem:s30], [sflag:$0x6] =	stream.linear.gather [hbm4b:s15+s3], $0x1F8, $0x38;
	[tilespmem:$0x1A9C0] =	vst v63  }
0xdc: {  	s15 =	sadd.s32 $0xBD0, s14  }
0xdd: {  	[tilespmem:s31], [sflag:$0x6] =	stream.linear.gather [hbm4b:s15+s3], $0x1F8, $0x38;
	[tilespmem:$0x1A9C0] =	vst v63  }
0xde: {  	_ =	swait.ge [sflag:s0], $0x1F8  }
0xdf: {  	[sflag:s0] =	ssyncset.done $0x0  }
0xe0: {  	[sflag:s0] =	ssyncadd.s32 $0xFFFFFE08  }
0xe1: {  	_ =	swait.ge [sflag:s0], $0x1F8  }
0xe2: {  	[sflag:s0] =	ssyncset.done $0x0  }
0xe3: {  	[sflag:s0] =	ssyncadd.s32 $0xFFFFFE08  }
0xe4: {  	[tilespmem:s18], [sflag:$0x1] =	stream.indirect.gather [hbm4b:s5+s25], $0x40, s23, s25, $0xb8;
	[tilespmem:$0x1A9C0] =	vst v63  }
0xe5: {  	_ =	swait.ge [sflag:s1], $0x7D00  }
0xe6: {  	[sflag:s1] =	ssyncset.done $0x0  }
0xe7: {  	[sflag:s1] =	ssyncadd.s32 $0xFFFF8300  }
0xe8: {  	_ =	strace $0x80000052  }
0xe9: {  	[spmem:s2] =	stream.indirect.scatter.add.f32 [tilespmem:s28], [sflag:$0x7], $0x40, s22, s25, $0x2000b8;
	[tilespmem:$0x1A9C0] =	vst v63  }
0xea: {  	_ =	swait.ge [sflag:s19], $0x7D00  }
0xeb: {  	[sflag:s19] =	ssyncset.done $0x0  }
0xec: {  	[sflag:s19] =	ssyncadd.s32 $0xFFFF8300  }
0xed: {  	s15 =	sadd.s32 $0xFC0, s13;
	_ =	strace $0x90000052  }
0xee: {  	[tilespmem:s3], [sflag:$0x3] =	stream.linear.gather [hbm4b:s15+s3], $0x1F8, $0x38;
	[tilespmem:$0x1A9C0] =	vst v63  }
0xef: {  	s15 =	sadd.s32 $0xFC0, s14  }
0xf0: {  	[tilespmem:s20], [sflag:$0x3] =	stream.linear.gather [hbm4b:s15+s3], $0x1F8, $0x38;
	[tilespmem:$0x1A9C0] =	vst v63  }
0xf1: {  	_ =	swait.ge [sflag:s7], $0x1F8  }
0xf2: {  	[sflag:s7] =	ssyncset.done $0x0  }
0xf3: {  	[sflag:s7] =	ssyncadd.s32 $0xFFFFFE08  }
0xf4: {  	_ =	swait.ge [sflag:s7], $0x1F8  }
0xf5: {  	[sflag:s7] =	ssyncset.done $0x0  }
0xf6: {  	[sflag:s7] =	ssyncadd.s32 $0xFFFFFE08  }
0xf7: {  	[tilespmem:s28], [sflag:$0x2] =	stream.indirect.gather [hbm4b:s5+s25], $0x40, s30, s25, $0xb8;
	[tilespmem:$0x1A9C0] =	vst v63  }
0xf8: {  	_ =	swait.ge [sflag:s29], $0x7D00  }
0xf9: {  	[sflag:s29] =	ssyncset.done $0x0  }
0xfa: {  	[sflag:s29] =	ssyncadd.s32 $0xFFFF8300  }
0xfb: {  	_ =	strace $0x80000053  }
0xfc: {  	[spmem:s2] =	stream.indirect.scatter.add.f32 [tilespmem:s18], [sflag:$0x7], $0x40, s24, s25, $0x2000b8;
	[tilespmem:$0x1A9C0] =	vst v63  }
0xfd: {  	_ =	swait.ge [sflag:s19], $0x7D00  }
0xfe: {  	[sflag:s19] =	ssyncset.done $0x0  }
0xff: {  	[sflag:s19] =	ssyncadd.s32 $0xFFFF8300  }
0x100: {  	s15 =	sadd.s32 $0x13B0, s13;
	_ =	strace $0x90000053  }
0x101: {  	[tilespmem:s21], [sflag:$0x4] =	stream.linear.gather [hbm4b:s15+s3], $0x1F8, $0x38;
	[tilespmem:$0x1A9C0] =	vst v63  }
0x102: {  	s15 =	sadd.s32 $0x13B0, s14  }
0x103: {  	[tilespmem:s22], [sflag:$0x4] =	stream.linear.gather [hbm4b:s15+s3], $0x1F8, $0x38;
	[tilespmem:$0x1A9C0] =	vst v63  }
0x104: {  	_ =	swait.ge [sflag:s10], $0x1F8  }
0x105: {  	[sflag:s10] =	ssyncset.done $0x0  }
0x106: {  	[sflag:s10] =	ssyncadd.s32 $0xFFFFFE08  }
0x107: {  	_ =	swait.ge [sflag:s10], $0x1F8  }
0x108: {  	[sflag:s10] =	ssyncset.done $0x0  }
0x109: {  	[sflag:s10] =	ssyncadd.s32 $0xFFFFFE08  }
0x10a: {  	[tilespmem:s18], [sflag:$0x1] =	stream.indirect.gather [hbm4b:s5+s25], $0x40, s3, s25, $0xb8;
	[tilespmem:$0x1A9C0] =	vst v63  }
0x10b: {  	_ =	swait.ge [sflag:s1], $0x7D00  }
0x10c: {  	[sflag:s1] =	ssyncset.done $0x0  }
0x10d: {  	[sflag:s1] =	ssyncadd.s32 $0xFFFF8300  }
0x10e: {  	_ =	strace $0x80000054  }
0x10f: {  	[spmem:s2] =	stream.indirect.scatter.add.f32 [tilespmem:s28], [sflag:$0x7], $0x40, s31, s25, $0x2000b8;
	[tilespmem:$0x1A9C0] =	vst v63  }
0x110: {  	_ =	swait.ge [sflag:s19], $0x7D00  }
0x111: {  	[sflag:s19] =	ssyncset.done $0x0  }
0x112: {  	[sflag:s19] =	ssyncadd.s32 $0xFFFF8300  }
0x113: {  	s13 =	sadd.s32 $0x17A0, s13;
	_ =	strace $0x90000054  }
0x114: {  	[tilespmem:s23], [sflag:$0x5] =	stream.linear.gather [hbm4b:s13+s3], $0x1F8, $0x38;
	[tilespmem:$0x1A9C0] =	vst v63  }
0x115: {  	s13 =	sadd.s32 $0x17A0, s14  }
0x116: {  	[tilespmem:s24], [sflag:$0x5] =	stream.linear.gather [hbm4b:s13+s3], $0x1F8, $0x38;
	[tilespmem:$0x1A9C0] =	vst v63  }
0x117: {  	_ =	swait.ge [sflag:s26], $0x1F8  }
.Ltmp4:
0x118: {  	[sflag:s26] =	ssyncset.done $0x0;
	(pc) =	sbr.rel @p1 .LBB2_8-.Ltmp4, $4  }
0x119: {  	[sflag:s26] =	ssyncadd.s32 $0xFFFFFE08  }
0x11a: {  	_ =	swait.ge [sflag:s26], $0x1F8  }
0x11b: {  	[sflag:s26] =	ssyncset.done $0x0  }
0x11c: {  	[sflag:s26] =	ssyncadd.s32 $0xFFFFFE08  }
0x11d: {  	[tilespmem:s28], [sflag:$0x2] =	stream.indirect.gather [hbm4b:s5+s25], $0x40, s21, s25, $0xb8;
	[tilespmem:$0x1A9C0] =	vst v63  }
0x11e: {  	_ =	swait.ge [sflag:s29], $0x7D00  }
0x11f: {  	[sflag:s29] =	ssyncset.done $0x0  }
0x120: {  	[sflag:s29] =	ssyncadd.s32 $0xFFFF8300  }
0x121: {  	_ =	strace $0x80000055  }
0x122: {  	[spmem:s2] =	stream.indirect.scatter.add.f32 [tilespmem:s18], [sflag:$0x7], $0x40, s20, s25, $0x2000b8;
	[tilespmem:$0x1A9C0] =	vst v63  }
0x123: {  	_ =	swait.ge [sflag:s19], $0x7D00  }
0x124: {  	[sflag:s19] =	ssyncset.done $0x0  }
0x125: {  	[sflag:s19] =	ssyncadd.s32 $0xFFFF8300  }
0x126: {  	_ =	strace $0x90000055  }
0x127: {  	s12 =	rddreg [dreg:$0x8]  }
0x128: {  	[tilespmem:s30], [sflag:$0x6] =	stream.linear.gather [hbm4b:s12+s3], $0x1F8, $0x38;
	[tilespmem:$0x1A9C0] =	vst v63  }
0x129: {  	s15 =	rddreg [dreg:$0x9]  }
0x12a: {  	[tilespmem:s31], [sflag:$0x6] =	stream.linear.gather [hbm4b:s15+s3], $0x1F8, $0x38;
	[tilespmem:$0x1A9C0] =	vst v63  }
0x12b: {  	_ =	swait.ge [sflag:s0], $0x1F8  }
0x12c: {  	[sflag:s0] =	ssyncset.done $0x0  }
0x12d: {  	[sflag:s0] =	ssyncadd.s32 $0xFFFFFE08  }
0x12e: {  	_ =	swait.ge [sflag:s0], $0x1F8  }
0x12f: {  	[sflag:s0] =	ssyncset.done $0x0  }
0x130: {  	[sflag:s0] =	ssyncadd.s32 $0xFFFFFE08  }
0x131: {  	[tilespmem:s18], [sflag:$0x1] =	stream.indirect.gather [hbm4b:s5+s25], $0x40, s23, s25, $0xb8;
	[tilespmem:$0x1A9C0] =	vst v63  }
0x132: {  	_ =	swait.ge [sflag:s1], $0x7D00  }
0x133: {  	[sflag:s1] =	ssyncset.done $0x0  }
0x134: {  	[sflag:s1] =	ssyncadd.s32 $0xFFFF8300  }
0x135: {  	_ =	strace $0x80000056  }
0x136: {  	[spmem:s2] =	stream.indirect.scatter.add.f32 [tilespmem:s28], [sflag:$0x7], $0x40, s22, s25, $0x2000b8;
	[tilespmem:$0x1A9C0] =	vst v63  }
0x137: {  	_ =	swait.ge [sflag:s19], $0x7D00  }
0x138: {  	[sflag:s19] =	ssyncset.done $0x0  }
0x139: {  	[sflag:s19] =	ssyncadd.s32 $0xFFFF8300  }
0x13a: {  	_ =	strace $0x90000056  }
0x13b: {  	_ =	swait.ge [sflag:s7], $0x1F8  }
0x13c: {  	[sflag:s7] =	ssyncset.done $0x0  }
0x13d: {  	[sflag:s7] =	ssyncadd.s32 $0xFFFFFE08  }
0x13e: {  	_ =	swait.ge [sflag:s7], $0x1F8  }
0x13f: {  	[sflag:s7] =	ssyncset.done $0x0  }
0x140: {  	[sflag:s7] =	ssyncadd.s32 $0xFFFFFE08  }
0x141: {  	[tilespmem:s28], [sflag:$0x2] =	stream.indirect.gather [hbm4b:s5+s25], $0x40, s30, s25, $0xb8;
	[tilespmem:$0x1A9C0] =	vst v63  }
0x142: {  	_ =	swait.ge [sflag:s29], $0x7D00  }
0x143: {  	[sflag:s29] =	ssyncset.done $0x0  }
0x144: {  	[sflag:s29] =	ssyncadd.s32 $0xFFFF8300  }
0x145: {  	_ =	strace $0x80000057  }
0x146: {  	[spmem:s2] =	stream.indirect.scatter.add.f32 [tilespmem:s18], [sflag:$0x7], $0x40, s24, s25, $0x2000b8;
	[tilespmem:$0x1A9C0] =	vst v63  }
0x147: {  	_ =	swait.ge [sflag:s19], $0x7D00  }
0x148: {  	[sflag:s19] =	ssyncset.done $0x0  }
0x149: {  	[sflag:s19] =	ssyncadd.s32 $0xFFFF8300  }
0x14a: {  	_ =	strace $0x90000057  }
0x14b: {  	_ =	swait.ge [sflag:s1], $0x7D00  }
0x14c: {  	[sflag:s1] =	ssyncset.done $0x0  }
0x14d: {  	[sflag:s1] =	ssyncadd.s32 $0xFFFF8300  }
0x14e: {  	_ =	strace $0x80000058  }
0x14f: {  	[spmem:s2] =	stream.indirect.scatter.add.f32 [tilespmem:s28], [sflag:$0x7], $0x40, s31, s25, $0x2000b8;
	[tilespmem:$0x1A9C0] =	vst v63  }
.Ltmp5:
0x150: {  	_ = 	snop;
	(pc) =	sbr.rel .LBB2_10-.Ltmp5, $4  }
0x151: {  	_ =	swait.ge [sflag:s19], $0x7D00  }
0x152: {  	[sflag:s19] =	ssyncset.done $0x0  }
0x153: {  	[sflag:s19] =	ssyncadd.s32 $0xFFFF8300  }
0x154: {  	_ =	strace $0x90000058  }
.LBB2_4:
0x155: {  	[tilespmem:s18], [sflag:$0x1] =	stream.indirect.gather [hbm4b:s4+s25], $0x40, s12, s25, $0xb8;
	[tilespmem:$0x1A9C0] =	vst v63  }
0x156: {  	_ =	swait.ge [sflag:s26], $0x1F8  }
0x157: {  	[sflag:s26] =	ssyncset.done $0x0  }
0x158: {  	[sflag:s26] =	ssyncadd.s32 $0xFFFFFE08  }
0x159: {  	_ =	swait.ge [sflag:s26], $0x1F8  }
0x15a: {  	[sflag:s26] =	ssyncset.done $0x0  }
0x15b: {  	[sflag:s26] =	ssyncadd.s32 $0xFFFFFE08  }
0x15c: {  	[tilespmem:s28], [sflag:$0x2] =	stream.indirect.gather [hbm4b:s4+s25], $0x40, s21, s25, $0xb8;
	[tilespmem:$0x1A9C0] =	vst v63  }
0x15d: {  	_ =	swait.ge [sflag:s29], $0x7D00  }
0x15e: {  	[sflag:s29] =	ssyncset.done $0x0  }
0x15f: {  	[sflag:s29] =	ssyncadd.s32 $0xFFFF8300  }
0x160: {  	_ =	strace $0x80000049  }
0x161: {  	[spmem:s2] =	stream.indirect.scatter.add.f32 [tilespmem:s18], [sflag:$0x7], $0x40, s20, s25, $0x2000b8;
	[tilespmem:$0x1A9C0] =	vst v63  }
0x162: {  	_ =	swait.ge [sflag:s19], $0x7D00  }
0x163: {  	[sflag:s19] =	ssyncset.done $0x0  }
0x164: {  	s12 =	sadd.s32 $0x0, s8;
	[sflag:s19] =	ssyncadd.s32 $0xFFFF8300  }
0x165: {  	s14 =	sadd.s32 $0x0, s9;
	s13 =	sadd.s32 $0xBD0, s12;
	_ =	strace $0x90000049  }
0x166: {  	[tilespmem:s30], [sflag:$0x6] =	stream.linear.gather [hbm4b:s13+s3], $0x1F8, $0x38;
	[tilespmem:$0x1A9C0] =	vst v63  }
0x167: {  	s15 =	sadd.s32 $0xBD0, s14  }
0x168: {  	[tilespmem:s31], [sflag:$0x6] =	stream.linear.gather [hbm4b:s15+s3], $0x1F8, $0x38;
	[tilespmem:$0x1A9C0] =	vst v63  }
0x169: {  	_ =	swait.ge [sflag:s0], $0x1F8  }
0x16a: {  	[sflag:s0] =	ssyncset.done $0x0  }
0x16b: {  	[sflag:s0] =	ssyncadd.s32 $0xFFFFFE08  }
0x16c: {  	_ =	swait.ge [sflag:s0], $0x1F8  }
0x16d: {  	[sflag:s0] =	ssyncset.done $0x0  }
0x16e: {  	[sflag:s0] =	ssyncadd.s32 $0xFFFFFE08  }
0x16f: {  	[tilespmem:s18], [sflag:$0x1] =	stream.indirect.gather [hbm4b:s4+s25], $0x40, s23, s25, $0xb8;
	[tilespmem:$0x1A9C0] =	vst v63  }
0x170: {  	_ =	swait.ge [sflag:s1], $0x7D00  }
0x171: {  	[sflag:s1] =	ssyncset.done $0x0  }
0x172: {  	[sflag:s1] =	ssyncadd.s32 $0xFFFF8300  }
0x173: {  	_ =	strace $0x8000004A  }
0x174: {  	[spmem:s2] =	stream.indirect.scatter.add.f32 [tilespmem:s28], [sflag:$0x7], $0x40, s22, s25, $0x2000b8;
	[tilespmem:$0x1A9C0] =	vst v63  }
0x175: {  	_ =	swait.ge [sflag:s19], $0x7D00  }
0x176: {  	[sflag:s19] =	ssyncset.done $0x0  }
0x177: {  	[sflag:s19] =	ssyncadd.s32 $0xFFFF8300  }
0x178: {  	s15 =	sadd.s32 $0xFC0, s12;
	_ =	strace $0x9000004A  }
0x179: {  	[tilespmem:s3], [sflag:$0x3] =	stream.linear.gather [hbm4b:s15+s3], $0x1F8, $0x38;
	[tilespmem:$0x1A9C0] =	vst v63  }
0x17a: {  	s15 =	sadd.s32 $0xFC0, s14  }
0x17b: {  	[tilespmem:s20], [sflag:$0x3] =	stream.linear.gather [hbm4b:s15+s3], $0x1F8, $0x38;
	[tilespmem:$0x1A9C0] =	vst v63  }
0x17c: {  	_ =	swait.ge [sflag:s7], $0x1F8  }
0x17d: {  	[sflag:s7] =	ssyncset.done $0x0  }
0x17e: {  	[sflag:s7] =	ssyncadd.s32 $0xFFFFFE08  }
0x17f: {  	_ =	swait.ge [sflag:s7], $0x1F8  }
0x180: {  	[sflag:s7] =	ssyncset.done $0x0  }
0x181: {  	[sflag:s7] =	ssyncadd.s32 $0xFFFFFE08  }
0x182: {  	[tilespmem:s28], [sflag:$0x2] =	stream.indirect.gather [hbm4b:s4+s25], $0x40, s30, s25, $0xb8;
	[tilespmem:$0x1A9C0] =	vst v63  }
0x183: {  	_ =	swait.ge [sflag:s29], $0x7D00  }
0x184: {  	[sflag:s29] =	ssyncset.done $0x0  }
0x185: {  	[sflag:s29] =	ssyncadd.s32 $0xFFFF8300  }
0x186: {  	_ =	strace $0x8000004B  }
0x187: {  	[spmem:s2] =	stream.indirect.scatter.add.f32 [tilespmem:s18], [sflag:$0x7], $0x40, s24, s25, $0x2000b8;
	[tilespmem:$0x1A9C0] =	vst v63  }
0x188: {  	_ =	swait.ge [sflag:s19], $0x7D00  }
0x189: {  	[sflag:s19] =	ssyncset.done $0x0  }
0x18a: {  	[sflag:s19] =	ssyncadd.s32 $0xFFFF8300  }
0x18b: {  	s15 =	sadd.s32 $0x13B0, s12;
	_ =	strace $0x9000004B  }
0x18c: {  	[tilespmem:s21], [sflag:$0x4] =	stream.linear.gather [hbm4b:s15+s3], $0x1F8, $0x38;
	[tilespmem:$0x1A9C0] =	vst v63  }
0x18d: {  	s15 =	sadd.s32 $0x13B0, s14  }
0x18e: {  	[tilespmem:s22], [sflag:$0x4] =	stream.linear.gather [hbm4b:s15+s3], $0x1F8, $0x38;
	[tilespmem:$0x1A9C0] =	vst v63  }
0x18f: {  	_ =	swait.ge [sflag:s10], $0x1F8  }
0x190: {  	[sflag:s10] =	ssyncset.done $0x0  }
0x191: {  	[sflag:s10] =	ssyncadd.s32 $0xFFFFFE08  }
0x192: {  	_ =	swait.ge [sflag:s10], $0x1F8  }
0x193: {  	[sflag:s10] =	ssyncset.done $0x0  }
0x194: {  	[sflag:s10] =	ssyncadd.s32 $0xFFFFFE08  }
0x195: {  	[tilespmem:s18], [sflag:$0x1] =	stream.indirect.gather [hbm4b:s4+s25], $0x40, s3, s25, $0xb8;
	[tilespmem:$0x1A9C0] =	vst v63  }
0x196: {  	_ =	swait.ge [sflag:s1], $0x7D00  }
0x197: {  	[sflag:s1] =	ssyncset.done $0x0  }
0x198: {  	[sflag:s1] =	ssyncadd.s32 $0xFFFF8300  }
0x199: {  	_ =	strace $0x8000004C  }
0x19a: {  	[spmem:s2] =	stream.indirect.scatter.add.f32 [tilespmem:s28], [sflag:$0x7], $0x40, s31, s25, $0x2000b8;
	[tilespmem:$0x1A9C0] =	vst v63  }
0x19b: {  	_ =	swait.ge [sflag:s19], $0x7D00  }
0x19c: {  	[sflag:s19] =	ssyncset.done $0x0  }
0x19d: {  	[sflag:s19] =	ssyncadd.s32 $0xFFFF8300  }
0x19e: {  	s12 =	sadd.s32 $0x17A0, s12;
	_ =	strace $0x9000004C  }
0x19f: {  	[tilespmem:s23], [sflag:$0x5] =	stream.linear.gather [hbm4b:s12+s3], $0x1F8, $0x38;
	[tilespmem:$0x1A9C0] =	vst v63  }
0x1a0: {  	s15 =	sadd.s32 $0x17A0, s14  }
0x1a1: {  	[tilespmem:s24], [sflag:$0x5] =	stream.linear.gather [hbm4b:s15+s3], $0x1F8, $0x38;
	[tilespmem:$0x1A9C0] =	vst v63  }
0x1a2: {  	_ =	swait.ge [sflag:s26], $0x1F8  }
0x1a3: {  	[sflag:s26] =	ssyncset.done $0x0  }
0x1a4: {  	[sflag:s26] =	ssyncadd.s32 $0xFFFFFE08  }
0x1a5: {  	_ =	swait.ge [sflag:s26], $0x1F8  }
0x1a6: {  	[sflag:s26] =	ssyncset.done $0x0  }
0x1a7: {  	s12 =	simm.s32 $0xFC0;
	[sflag:s26] =	ssyncadd.s32 $0xFFFFFE08  }
.LBB2_5:
0x1a8: {  	[tilespmem:s28], [sflag:$0x2] =	stream.indirect.gather [hbm4b:s4+s25], $0x40, s21, s25, $0xb8;
	[tilespmem:$0x1A9C0] =	vst v63  }
0x1a9: {  	s14 =	smov.u32 s12  }
0x1aa: {  	p1 =	sne.s32 s12, $0x7E00;
	s12 =	sadd.s32 $0xFC0, s12;
	_ =	swait.ge [sflag:s29], $0x7D00  }
0x1ab: {  	[sflag:s29] =	ssyncset.done $0x0  }
0x1ac: {  	[sflag:s29] =	ssyncadd.s32 $0xFFFF8300  }
0x1ad: {  	_ =	strace $0x80000049  }
0x1ae: {  	[spmem:s2] =	stream.indirect.scatter.add.f32 [tilespmem:s18], [sflag:$0x7], $0x40, s20, s25, $0x2000b8;
	[tilespmem:$0x1A9C0] =	vst v63  }
0x1af: {  	_ =	swait.ge [sflag:s19], $0x7D00  }
0x1b0: {  	[sflag:s19] =	ssyncset.done $0x0  }
0x1b1: {  	s13 =	sadd.s32 s14, s8;
	[sflag:s19] =	ssyncadd.s32 $0xFFFF8300  }
0x1b2: {  	s14 =	sadd.s32 s14, s9;
	s15 =	sadd.s32 $0xBD0, s13;
	_ =	strace $0x90000049  }
0x1b3: {  	[tilespmem:s30], [sflag:$0x6] =	stream.linear.gather [hbm4b:s15+s3], $0x1F8, $0x38;
	[tilespmem:$0x1A9C0] =	vst v63  }
0x1b4: {  	s15 =	sadd.s32 $0xBD0, s14  }
0x1b5: {  	[tilespmem:s31], [sflag:$0x6] =	stream.linear.gather [hbm4b:s15+s3], $0x1F8, $0x38;
	[tilespmem:$0x1A9C0] =	vst v63  }
0x1b6: {  	_ =	swait.ge [sflag:s0], $0x1F8  }
0x1b7: {  	[sflag:s0] =	ssyncset.done $0x0  }
0x1b8: {  	[sflag:s0] =	ssyncadd.s32 $0xFFFFFE08  }
0x1b9: {  	_ =	swait.ge [sflag:s0], $0x1F8  }
0x1ba: {  	[sflag:s0] =	ssyncset.done $0x0  }
0x1bb: {  	[sflag:s0] =	ssyncadd.s32 $0xFFFFFE08  }
0x1bc: {  	[tilespmem:s18], [sflag:$0x1] =	stream.indirect.gather [hbm4b:s4+s25], $0x40, s23, s25, $0xb8;
	[tilespmem:$0x1A9C0] =	vst v63  }
0x1bd: {  	_ =	swait.ge [sflag:s1], $0x7D00  }
0x1be: {  	[sflag:s1] =	ssyncset.done $0x0  }
0x1bf: {  	[sflag:s1] =	ssyncadd.s32 $0xFFFF8300  }
0x1c0: {  	_ =	strace $0x8000004A  }
0x1c1: {  	[spmem:s2] =	stream.indirect.scatter.add.f32 [tilespmem:s28], [sflag:$0x7], $0x40, s22, s25, $0x2000b8;
	[tilespmem:$0x1A9C0] =	vst v63  }
0x1c2: {  	_ =	swait.ge [sflag:s19], $0x7D00  }
0x1c3: {  	[sflag:s19] =	ssyncset.done $0x0  }
0x1c4: {  	[sflag:s19] =	ssyncadd.s32 $0xFFFF8300  }
0x1c5: {  	s15 =	sadd.s32 $0xFC0, s13;
	_ =	strace $0x9000004A  }
0x1c6: {  	[tilespmem:s3], [sflag:$0x3] =	stream.linear.gather [hbm4b:s15+s3], $0x1F8, $0x38;
	[tilespmem:$0x1A9C0] =	vst v63  }
0x1c7: {  	s15 =	sadd.s32 $0xFC0, s14  }
0x1c8: {  	[tilespmem:s20], [sflag:$0x3] =	stream.linear.gather [hbm4b:s15+s3], $0x1F8, $0x38;
	[tilespmem:$0x1A9C0] =	vst v63  }
0x1c9: {  	_ =	swait.ge [sflag:s7], $0x1F8  }
0x1ca: {  	[sflag:s7] =	ssyncset.done $0x0  }
0x1cb: {  	[sflag:s7] =	ssyncadd.s32 $0xFFFFFE08  }
0x1cc: {  	_ =	swait.ge [sflag:s7], $0x1F8  }
0x1cd: {  	[sflag:s7] =	ssyncset.done $0x0  }
0x1ce: {  	[sflag:s7] =	ssyncadd.s32 $0xFFFFFE08  }
0x1cf: {  	[tilespmem:s28], [sflag:$0x2] =	stream.indirect.gather [hbm4b:s4+s25], $0x40, s30, s25, $0xb8;
	[tilespmem:$0x1A9C0] =	vst v63  }
0x1d0: {  	_ =	swait.ge [sflag:s29], $0x7D00  }
0x1d1: {  	[sflag:s29] =	ssyncset.done $0x0  }
0x1d2: {  	[sflag:s29] =	ssyncadd.s32 $0xFFFF8300  }
0x1d3: {  	_ =	strace $0x8000004B  }
0x1d4: {  	[spmem:s2] =	stream.indirect.scatter.add.f32 [tilespmem:s18], [sflag:$0x7], $0x40, s24, s25, $0x2000b8;
	[tilespmem:$0x1A9C0] =	vst v63  }
0x1d5: {  	_ =	swait.ge [sflag:s19], $0x7D00  }
0x1d6: {  	[sflag:s19] =	ssyncset.done $0x0  }
0x1d7: {  	[sflag:s19] =	ssyncadd.s32 $0xFFFF8300  }
0x1d8: {  	s15 =	sadd.s32 $0x13B0, s13;
	_ =	strace $0x9000004B  }
0x1d9: {  	[tilespmem:s21], [sflag:$0x4] =	stream.linear.gather [hbm4b:s15+s3], $0x1F8, $0x38;
	[tilespmem:$0x1A9C0] =	vst v63  }
0x1da: {  	s15 =	sadd.s32 $0x13B0, s14  }
0x1db: {  	[tilespmem:s22], [sflag:$0x4] =	stream.linear.gather [hbm4b:s15+s3], $0x1F8, $0x38;
	[tilespmem:$0x1A9C0] =	vst v63  }
0x1dc: {  	_ =	swait.ge [sflag:s10], $0x1F8  }
0x1dd: {  	[sflag:s10] =	ssyncset.done $0x0  }
0x1de: {  	[sflag:s10] =	ssyncadd.s32 $0xFFFFFE08  }
0x1df: {  	_ =	swait.ge [sflag:s10], $0x1F8  }
0x1e0: {  	[sflag:s10] =	ssyncset.done $0x0  }
0x1e1: {  	[sflag:s10] =	ssyncadd.s32 $0xFFFFFE08  }
0x1e2: {  	[tilespmem:s18], [sflag:$0x1] =	stream.indirect.gather [hbm4b:s4+s25], $0x40, s3, s25, $0xb8;
	[tilespmem:$0x1A9C0] =	vst v63  }
0x1e3: {  	_ =	swait.ge [sflag:s1], $0x7D00  }
0x1e4: {  	[sflag:s1] =	ssyncset.done $0x0  }
0x1e5: {  	[sflag:s1] =	ssyncadd.s32 $0xFFFF8300  }
0x1e6: {  	_ =	strace $0x8000004C  }
0x1e7: {  	[spmem:s2] =	stream.indirect.scatter.add.f32 [tilespmem:s28], [sflag:$0x7], $0x40, s31, s25, $0x2000b8;
	[tilespmem:$0x1A9C0] =	vst v63  }
0x1e8: {  	_ =	swait.ge [sflag:s19], $0x7D00  }
0x1e9: {  	[sflag:s19] =	ssyncset.done $0x0  }
0x1ea: {  	[sflag:s19] =	ssyncadd.s32 $0xFFFF8300  }
0x1eb: {  	s13 =	sadd.s32 $0x17A0, s13;
	_ =	strace $0x9000004C  }
0x1ec: {  	[tilespmem:s23], [sflag:$0x5] =	stream.linear.gather [hbm4b:s13+s3], $0x1F8, $0x38;
	[tilespmem:$0x1A9C0] =	vst v63  }
0x1ed: {  	s13 =	sadd.s32 $0x17A0, s14  }
0x1ee: {  	[tilespmem:s24], [sflag:$0x5] =	stream.linear.gather [hbm4b:s13+s3], $0x1F8, $0x38;
	[tilespmem:$0x1A9C0] =	vst v63  }
0x1ef: {  	_ =	swait.ge [sflag:s26], $0x1F8  }
.Ltmp6:
0x1f0: {  	[sflag:s26] =	ssyncset.done $0x0;
	(pc) =	sbr.rel @p1 .LBB2_5-.Ltmp6, $4  }
0x1f1: {  	[sflag:s26] =	ssyncadd.s32 $0xFFFFFE08  }
0x1f2: {  	_ =	swait.ge [sflag:s26], $0x1F8  }
0x1f3: {  	[sflag:s26] =	ssyncset.done $0x0  }
0x1f4: {  	[sflag:s26] =	ssyncadd.s32 $0xFFFFFE08  }
.Ltmp7:
0x1f5: {  	_ = 	snop;
	(pc) =	sbr.rel .LBB2_6-.Ltmp7, $1  }
0x1f6: {  	_ =	sdelay $0x3  }
.LBB2_11:
0x1f7: {  	_ =	sfence.sel $0x180000  }
0x1f8: {  	[bflag:$0x0] =	sbarrier.arrive $0xFFFF  }
0x1f9: {  	_ =	strace $0x90000047  }
0x1fa: {  	s0 =	stileid.u32;
	[bflag:$0x2] =	sbarrier.arrive $0xFFFF  }
0x1fb: {  	p0 =	sne.s32 s0, $0x0;
	s0 =	rddreg [dreg:$0x2]  }
0x1fc: {  	s0 =	sadd.s32 @!p0 $0x100000, s0  }
0x1fd: {  	[sflag:s0] =	ssyncadd.tile.s32 @!p0 $0x1;
	_ =	shalt  }
.Lfunc_end2:
_tile_overlayer_lowered:
.L_overlay_start_2:
0x1fe: {  	(tag) =	ssettag $0x2  }
0x1ff: {  	s0 =	rddreg [dreg:$0x0];
	s2 =	stileid.u32  }
0x200: {  	s1 =	rddreg [dreg:$0x1];
	p0 =	sne.s32 s2, $0x0  }
0x201: {  	s3 =	rddreg [dreg:$0x2];
	[bflag:$0x3] =	sbarrier.arrive $0xFFFF;
	s2 =	simm.s32 @!p0 $0x1C07  }
0x202: {  	[timem:s3], [sflag:s2] =	dma.local @!p0 [hbm:s0], s1  }
0x203: {  	s0 =	simm.s32 @!p0 $0x7  }
0x204: {  	_ =	swait.ge @!p0 [sflag:s0], s1  }
0x205: {  	s1 =	ssub.s32 @!p0 $0x0, s1;
	[sflag:s0] =	ssyncset.done @!p0 $0x0  }
0x206: {  	[sflag:s0] =	ssyncadd.s32 @!p0 s1  }
0x207: {  	[bflag:$0x3] =	sbarrier.arrive $0xFFFF  }
0x208: {  	_ =	shalt  }

// kernel: kernel.9.cloned.1.call-start
scs
__scs_entry_jumppad:
0x0: {  	(pc) =	sbr.rel $0x88, $3  }
0x1: {  	(tag) =	ssettag $0x0;
	lr =	simm.s32 $0x1  }
0x2: {  	[smem:$0x3F8C] =	sst lr;
	_ =	strace $0xD0000000  }
0x3: {  	_ = 	snop  }
0x4: {  	_ = 	snop  }
0x5: {  	_ = 	snop  }
0x6: {  	_ = 	snop  }
0x7: {  	_ = 	snop  }
__scs_overlays_trampoline_lowered:
0x8: {  	[smem:$0x3F9B] =	sst s0  }
0x9: {  	[smem:$0x3F9C] =	sst s1  }
0xa: {  	[smem:$0x3F9D] =	sst s2  }
0xb: {  	[smem:$0x3F9E] =	sst s3  }
0xc: {  	[smem:$0x3F9F] =	sst s4  }
0xd: {  	[smem:$0x3FA0] =	sst s5  }
0xe: {  	[smem:$0x3FA1] =	sst s6  }
0xf: {  	[smem:$0x3FA2] =	sst s7  }
0x10: {  	[smem:$0x3FA3] =	sst s8  }
0x11: {  	[smem:$0x3FA4] =	sst s9;
	s0 =	simm.s32 @!p0 $0x0  }
0x12: {  	s1 =	sld [smem:$0x3F8A];
	s0 =	simm.s32 @p0 $0x1  }
0x13: {  	[smem:$0x3FA5] =	sst s0;
	s0 =	simm.s32 @!p1 $0x0  }
0x14: {  	s2 =	sld [smem:$0x3F89];
	s0 =	simm.s32 @p1 $0x1  }
0x15: {  	[smem:$0x3FA6] =	sst s0;
	s0 =	simm.s32 @!p2 $0x0  }
0x16: {  	s3 =	sld [smem:$0x3FDB];
	s0 =	simm.s32 @p2 $0x1  }
0x17: {  	s4 =	simm.s32 $0x1BF5;
	[smem:$0x3FA8] =	sst s0  }
0x18: {  	s0 =	sld [smem:$0x3F8B];
	_ =	swait.ge [sflag:s4], $0x0  }
0x19: {  	s7 =	sld [smem:$0x3F8C]  }
0x1a: {  	s8 =	sadd.s32 $0xFFFFE003, lr  }
0x1b: {  	s9 =	sadd.s32 $0xFFFFFEF7, lr;
	s5 =	simm.s32 $0xFFFFFFFF;
	p2 =	slt.u32 s8, $0xFFFFF086  }
0x1c: {  	p1 =	slt.u32 s9, $0xF7A;
	s5 =	simm.s32 @!p2 $0x0  }
0x1d: {  	s5 =	simm.s32 @p1 $0x1;
	p0 =	seq.s32 s7, s2  }
0x1e: {  	s7 =	smul.u32 @!p0 $0xF7A, s2;
	p2 =	seq.s32 @!p0 s5, $0x0  }
0x1f: {  	s9 =	smul.u32 $0xF7A, s1;
	s8 =	simm.s32 @!p0 $0x1BF5;
	p2 =	por !p2, p0  }
0x20: {  	[sflag:s8] =	ssyncset.s32 @!p0 $0xFFFFF086;
	s6 =	sadd.s32 @!p0 s3, s7;
	s7 =	simm.s32 @!p0 $0x108  }
0x21: {  	s3 =	sadd.s32 s3, s9;
	s6 =	sadd.s32 @!p0 $0x88, s6;
	s7 =	simm.s32 @p2 $0x1082  }
0x22: {  	[simem:s7], [sflag:s8] =	dma.local @!p0 [hbm:s6], $0xF7A  }
0x23: {  	s9 =	sor.u32 $0xD0000000, s2;
	s6 =	simm.s32 $0x108;
	_ =	swait.ge @!p0 [sflag:s8], $0x0  }
0x24: {  	s3 =	sadd.s32 $0x88, s3;
	s6 =	simm.s32 @!p1 $0x1082;
	[sflag:s4] =	ssyncset.s32 $0xFFFFF086  }
0x25: {  	[simem:s6], [sflag:s4] =	dma.local [hbm:s3], $0xF7A  }
0x26: {  	[smem:$0x3F8C] =	sst s1;
	(tag) =	ssettag s2;
	_ =	strace s9  }
0x27: {  	s1 =	sld [smem:$0x3F9C]  }
0x28: {  	s2 =	sld [smem:$0x3F9D]  }
0x29: {  	s4 =	sld [smem:$0x3F9F]  }
0x2a: {  	p0 =	seq.s32 s5, $0x0;
	s5 =	sld [smem:$0x3FA0]  }
0x2b: {  	s6 =	sld [smem:$0x3FA1]  }
0x2c: {  	s7 =	sld [smem:$0x3FA2]  }
0x2d: {  	s3 =	simm.s32 $0x108;
	s8 =	sld [smem:$0x3FA3]  }
0x2e: {  	s3 =	simm.s32 @!p0 $0x1082;
	s9 =	sld [smem:$0x3FA4]  }
0x2f: {  	lr =	sadd.s32 s0, s3;
	s0 =	sld [smem:$0x3F9B]  }
0x30: {  	s3 =	sld [smem:$0x3F9E]  }
0x31: {  	[smem:$0x3FA7] =	sst s10  }
0x32: {  	s10 =	sld [smem:$0x3FA5];
	_ =	sdelay $0x3  }
0x33: {  	p0 =	seq.s32 s10, $0x1;
	s10 =	sld [smem:$0x3FA7];
	_ =	sdelay $0x3  }
0x34: {  	[smem:$0x3FA7] =	sst s10  }
0x35: {  	s10 =	sld [smem:$0x3FA6];
	_ =	sdelay $0x3  }
0x36: {  	p1 =	seq.s32 s10, $0x1;
	s10 =	sld [smem:$0x3FA7];
	_ =	sdelay $0x3  }
0x37: {  	[smem:$0x3FA7] =	sst s10  }
0x38: {  	s10 =	sld [smem:$0x3FA8]  }
0x39: {  	_ = 	snop;
	(pc) =	sbr.ind lr, $3  }
0x3a: {  	_ = 	snop  }
0x3b: {  	_ = 	snop  }
0x3c: {  	p2 =	seq.s32 s10, $0x1;
	s10 =	sld [smem:$0x3FA7]  }
0x3d: {  	_ =	shalt  }
0x3e: {  	_ =	shalt  }
0x3f: {  	_ =	shalt  }
0x40: {  	_ =	shalt  }
0x41: {  	_ =	shalt  }
0x42: {  	_ =	shalt  }
0x43: {  	_ =	shalt  }
0x44: {  	_ =	shalt  }
0x45: {  	_ =	shalt  }
0x46: {  	_ =	shalt  }
0x47: {  	_ =	shalt  }
0x48: {  	_ =	shalt  }
0x49: {  	_ =	shalt  }
0x4a: {  	_ =	shalt  }
0x4b: {  	_ =	shalt  }
0x4c: {  	_ =	shalt  }
0x4d: {  	_ =	shalt  }
0x4e: {  	_ =	shalt  }
0x4f: {  	_ =	shalt  }
0x50: {  	_ =	shalt  }
0x51: {  	_ =	shalt  }
0x52: {  	_ =	shalt  }
0x53: {  	_ =	shalt  }
0x54: {  	_ =	shalt  }
0x55: {  	_ =	shalt  }
0x56: {  	_ =	shalt  }
0x57: {  	_ =	shalt  }
0x58: {  	_ =	shalt  }
0x59: {  	_ =	shalt  }
0x5a: {  	_ =	shalt  }
0x5b: {  	_ =	shalt  }
0x5c: {  	_ =	shalt  }
0x5d: {  	_ =	shalt  }
0x5e: {  	_ =	shalt  }
0x5f: {  	_ =	shalt  }
0x60: {  	_ =	shalt  }
0x61: {  	_ =	shalt  }
0x62: {  	_ =	shalt  }
0x63: {  	_ =	shalt  }
0x64: {  	_ =	shalt  }
0x65: {  	_ =	shalt  }
0x66: {  	_ =	shalt  }
0x67: {  	_ =	shalt  }
0x68: {  	_ =	shalt  }
0x69: {  	_ =	shalt  }
0x6a: {  	_ =	shalt  }
0x6b: {  	_ =	shalt  }
0x6c: {  	_ =	shalt  }
0x6d: {  	_ =	shalt  }
0x6e: {  	_ =	shalt  }
0x6f: {  	_ =	shalt  }
0x70: {  	_ =	shalt  }
0x71: {  	_ =	shalt  }
0x72: {  	_ =	shalt  }
0x73: {  	_ =	shalt  }
0x74: {  	_ =	shalt  }
0x75: {  	_ =	shalt  }
0x76: {  	_ =	shalt  }
0x77: {  	_ =	shalt  }
0x78: {  	_ =	shalt  }
0x79: {  	_ =	shalt  }
0x7a: {  	_ =	shalt  }
0x7b: {  	_ =	shalt  }
0x7c: {  	_ =	shalt  }
0x7d: {  	_ =	shalt  }
0x7e: {  	_ =	shalt  }
0x7f: {  	_ =	shalt  }
0x80: {  	_ =	shalt  }
0x81: {  	_ =	shalt  }
0x82: {  	_ =	shalt  }
0x83: {  	_ =	shalt  }
0x84: {  	_ =	shalt  }
0x85: {  	_ =	shalt  }
0x86: {  	_ =	shalt  }
0x87: {  	_ =	shalt  }
.Lfunc_end0:
.L_simem_size_0:
called_computation.1_lowered:
.L_overlay_start_0:
0x88: {  	s2 =	sld [smem:$0x3FD9]  }
0x89: {  	s3 =	sld [smem:$0x3FFE];
	_ =	sdelay $0x1  }
0x8a: {  	s1 =	srdreg.scid  }
0x8b: {  	s0 =	sand.u32 $0x1, s1  }
0x8c: {  	s16 =	sshll.u32 s0, $0xA;
	s2 =	sadd.s32 s3, s2  }
0x8d: {  	s2 =	sadd.s32 s2, s16  }
0x8e: {  	[smem:$0x3FB3] =	sst s2  }
0x8f: {  	_ = 	snop  }
0x90: {  	(tm) =	ssettm $0x1  }
0x91: {  	s17 =	sld [smem:$0x3FFB];
	_ =	sdelay $0x3  }
0x92: {  	_ =	strace s17  }
0x93: {  	s2 =	sld [smem:$0x3FFC];
	_ =	sdelay $0x3  }
0x94: {  	_ =	strace s2  }
0x95: {  	s2 =	sld [smem:$0x3FFD];
	_ =	sdelay $0x3  }
0x96: {  	_ =	strace s2  }
0x97: {  	_ =	strace $0x8FFFFFFF  }
0x98: {  	s18 =	sld [smem:$0x3FDB];
	_ =	sdelay $0x1  }
0x99: {  	s19 =	simm.s32 $_scs_section_size  }
0x9a: {  	s4 =	simm.s32 $_size__tile_overlayer_lowered;
	s5 =	simm.s32 $_tile_overlayer_lowered  }
0x9b: {  	s22 =	simm.s32 $0x1BFF;
	s21 =	sshll.u32 s5, $0x1;
	s2 =	sadd.s32 s19, s18  }
0x9c: {  	s6 =	simm.s32 $0x0;
	s20 =	sshll.u32 s4, $0x1;
	s4 =	sadd.s32 s21, s2  }
0x9d: {  	[timem:s6], [sflag:s22] =	dma.local [hbm:s4], s20  }
0x9e: {  	_ =	swait.ge [sflag:s22], s20  }
0x9f: {  	s3 =	ssub.s32 $0x0, s20;
	[sflag:s22] =	ssyncset.done $0x0  }
0xa0: {  	[sflag:s22] =	ssyncadd.s32 s3;
	_ =	sdelay $0x1  }
0xa1: {  	s23 =	simm.s32 $0x1B8B  }
0xa2: {  	_ =	swait.ge [sflag:s23], $0x1  }
0xa3: {  	[sflag:s23] =	ssyncset.done $0x0  }
0xa4: {  	s25 =	simm.s32 $0x1B8E;
	s24 =	sld [smem:$0x3FFE];
	[sflag:s23] =	ssyncadd.s32 $0xFFFFFFFF  }
0xa5: {  	s26 =	simm.s32 $execute0_lowered;
	[smem:$0x3FD2] =	sst s25  }
0xa6: {  	s4 =	sshll.u32 s26, $0x1;
	_ =	strace $0x8000005B;
	[dreg:$0x1] =	wrdreg $0xFFFFFFFF  }
0xa7: {  	s28 =	simm.s32 $_size_execute0_lowered;
	s2 =	sadd.s32 s2, s4;
	[dreg:$0x0] =	wrdreg $0x0  }
0xa8: {  	s4 =	sshll.u32 s28, $0x1;
	[dreg:$0x2] =	wrdreg s2  }
0xa9: {  	[dreg:$0x3] =	wrdreg s4  }
0xaa: {  	[dreg:$0x4] =	wrdreg $0xC0  }
0xab: {  	_ =	task [dreg:s6], $0x5FFFF  }
0xac: {  	[dreg:$0x1] =	wrdreg $0xFFFFFFFF  }
0xad: {  	[dreg:$0x0] =	wrdreg $0x60  }
0xae: {  	[dreg:$0x2] =	wrdreg s24  }
0xaf: {  	[dreg:$0x3] =	wrdreg $0x109C00  }
0xb0: {  	[dreg:$0x4] =	wrdreg $0x9  }
0xb1: {  	_ =	task.clear_ibuf [dreg:s6], $0x5FFFF;
	_ =	strace $0x9000005B  }
0xb2: {  	s29 =	simm.s32 $0x9;
	_ =	strace $0x8000006F  }
0xb3: {  	_ =	swait.ge [sflag:s29], $0x1  }
0xb4: {  	[sflag:s29] =	ssyncadd.s32 $0xFFFFFFFF  }
0xb5: {  	_ =	strace $0x9000006F  }
0xb6: {  	_ =	sfence  }
0xb7: {  	s30 =	sld [smem:$0x0];
	_ =	sdelay $0x2  }
0xb8: {  	s31 =	sshll.u32 s1, $0xD;
	s1 =	sshrl.u32 s1, $0x2  }
0xb9: {  	s3 =	sand.u32 $0x4000, s31;
	s1 =	sadd.s32 s1, s30  }
0xba: {  	s0 =	sor.u32 s3, s0;
	s1 =	sshll.u32 s1, $0x11  }
0xbb: {  	s0 =	sor.u32 s1, s0  }
0xbc: {  	s0 =	sadd.s32 $0x8F2B, s0  }
0xbd: {  	[sflag:s0] =	ssyncadd.remote.s32 $0x1  }
0xbe: {  	_ =	sfence.sel $0xFFFF  }
0xbf: {  	[dreg:$0x0] =	wrdreg $0xFFFFFFFF;
	(pc) =	sbr.abs _section_cstart, $3  }
0xc0: {  	[dreg:$0x1] =	wrdreg $0xFFFFFFFF  }
0xc1: {  	_ =	task.clear_ibuf [dreg:s6], $0x2FFFF;
	_ =	strace $0x9FFFFFFF  }
0xc2: {  	(tm) =	ssettm $0x7FFFFFFF  }
0xc3: {  	_ =	shalt  }
tec
execute0_lowered:
.L_overlay_start_1:
0x0: {  	(tag) =	ssettag $0x1  }
0x1: {  	s0 =	rddreg [dreg:$0x0]  }
0x2: {  	s2 =	rddreg [dreg:$0x1]  }
0x3: {  	s1 =	srdreg.scid;
	s13 =	stileid.u32;
	s3 =	simm.s32 $0x0  }
0x4: {  	s28 =	simm.s32 $0x8CC0;
	s29 =	simm.s32 $0x1;
	s6 =	smul.u32 $0xA000, s13  }
0x5: {  	s30 =	simm.s32 $0x5E8;
	s31 =	simm.s32 $0xDC8;
	s9 =	smul.u32 $0x28000, s13  }
0x6: {  	s1 =	sand.u32 $0x1, s1;
	[smem:$0x7FF] =	sst s3;
	s12 =	smul.u32 $0x1F8, s13  }
0x7: {  	s4 =	sadd.s32 $0x17600, s0;
	s5 =	sadd.s32 $0x2B000, s0;
	s20 =	smul.u32 $0x3F, s13  }
0x8: {  	s10 =	sadd.s32 $0xD800, s0;
	s11 =	sadd.s32 $0x3A00, s0;
	s7 =	smul.u32 $0xA0000, s1  }
0x9: {  	_ =	strace $0x8000005C;
	s8 =	ssub.s32 $0x2, s1;
	p0 =	seq.s32 s1, $0x1  }
0xa: {  	s18 =	sshrl.u32 s8, $0x1;
	s19 =	sshrl.u32 s9, $0x2;
	s12 =	sshrl.u32 s12, $0x3  }
0xb: {  	s9 =	sadd.s32 s11, s20;
	s7 =	sadd.s32 s6, s7;
	s6 =	sadd.s32 s6, s2  }
0xc: {  	s21 =	sadd.s32 $0x3F0, s12;
	s23 =	sadd.s32 $0x7E0, s12;
	s12 =	sadd.s32 $0x9990, s12  }
0xd: {  	s7 =	sshrl.u32 s7, $0x3;
	s22 =	sadd.s32 s10, s21;
	s1 =	sadd.s32 s11, s21  }
0xe: {  	s24 =	sadd.s32 s10, s23;
	s25 =	sadd.s32 s10, s12;
	[dreg:$0x4] =	wrdreg s22  }
0xf: {  	s26 =	sadd.s32 s11, s12;
	s21 =	simm.s32 $0x1F8;
	[dreg:$0x5] =	wrdreg s1  }
0x10: {  	s0 =	sadd.s32 s7, s0;
	s7 =	ssub.s32 s8, s18;
	[dreg:$0x6] =	wrdreg s24  }
0x11: {  	s8 =	sadd.s32 s19, s2;
	s1 =	sadd.s32 s11, s23;
	[dreg:$0x8] =	wrdreg s25  }
0x12: {  	[dreg:$0x9] =	wrdreg s26;
	s18 =	simm.s32 $0xFC0;
	s19 =	simm.s32 $0x7  }
0x13: {  	s22 =	simm.s32 $0x9D8;
	s23 =	simm.s32 $0x3F0;
	s24 =	simm.s32 $0xBD0  }
.Ltmp0:
0x14: {  	s25 =	simm.s32 $0x1F4;
	s26 =	simm.s32 $0x4;
	(pc) =	sbr.rel .LBB2_1-.Ltmp0, $4  }
0x15: {  	s11 =	simm.s32 $0x0;
	s8 =	sadd.s32 $0x5000, s8;
	[dreg:$0x7] =	wrdreg s1  }
0x16: {  	s16 =	sadd.s32 $0x3EA00, s0;
	s17 =	smax.u32 s7, $0x1;
	s0 =	simm.s32 $0x5  }
0x17: {  	s1 =	simm.s32 $0x2;
	s7 =	simm.s32 $0x6;
	[dreg:$0x3] =	wrdreg s8  }
0x18: {  	v0 =	vimm.f32 $0.0e+00;
	s8 =	sadd.s32 s10, s20;
	s20 =	simm.s32 $0x7E0;
	s10 =	simm.s32 $0x3  }
.LBB2_6:
0x19: {  	[tilespmem:s28], [sflag:$0x2] =	stream.indirect.gather [hbm4b:s4+s25], $0x40, s21, s25, $0xb8;
	[tilespmem:$0x1A9C0] =	vst v63  }
0x1a: {  	_ =	swait.ge [sflag:s29], $0x7D00  }
0x1b: {  	[sflag:s29] =	ssyncset.done $0x0  }
0x1c: {  	[sflag:s29] =	ssyncadd.s32 $0xFFFF8300  }
0x1d: {  	_ =	strace $0x80000062  }
0x1e: {  	[spmem:s2] =	stream.indirect.scatter.add.f32 [tilespmem:s18], [sflag:$0x7], $0x40, s20, s25, $0x2000b8;
	[tilespmem:$0x1A9C0] =	vst v63  }
0x1f: {  	_ =	swait.ge [sflag:s19], $0x7D00  }
0x20: {  	[sflag:s19] =	ssyncset.done $0x0  }
0x21: {  	[sflag:s19] =	ssyncadd.s32 $0xFFFF8300  }
0x22: {  	_ =	strace $0x90000062  }
0x23: {  	s12 =	rddreg [dreg:$0x8]  }
0x24: {  	[tilespmem:s30], [sflag:$0x6] =	stream.linear.gather [hbm4b:s12+s3], $0x1F8, $0x38;
	[tilespmem:$0x1A9C0] =	vst v63  }
0x25: {  	s15 =	rddreg [dreg:$0x9]  }
0x26: {  	[tilespmem:s31], [sflag:$0x6] =	stream.linear.gather [hbm4b:s15+s3], $0x1F8, $0x38;
	[tilespmem:$0x1A9C0] =	vst v63  }
0x27: {  	_ =	swait.ge [sflag:s0], $0x1F8  }
0x28: {  	[sflag:s0] =	ssyncset.done $0x0  }
0x29: {  	[sflag:s0] =	ssyncadd.s32 $0xFFFFFE08  }
0x2a: {  	_ =	swait.ge [sflag:s0], $0x1F8  }
0x2b: {  	[sflag:s0] =	ssyncset.done $0x0  }
0x2c: {  	[sflag:s0] =	ssyncadd.s32 $0xFFFFFE08  }
0x2d: {  	[tilespmem:s18], [sflag:$0x1] =	stream.indirect.gather [hbm4b:s4+s25], $0x40, s23, s25, $0xb8;
	[tilespmem:$0x1A9C0] =	vst v63  }
0x2e: {  	_ =	swait.ge [sflag:s1], $0x7D00  }
0x2f: {  	[sflag:s1] =	ssyncset.done $0x0  }
0x30: {  	[sflag:s1] =	ssyncadd.s32 $0xFFFF8300  }
0x31: {  	_ =	strace $0x80000063  }
0x32: {  	[spmem:s2] =	stream.indirect.scatter.add.f32 [tilespmem:s28], [sflag:$0x7], $0x40, s22, s25, $0x2000b8;
	[tilespmem:$0x1A9C0] =	vst v63  }
0x33: {  	_ =	swait.ge [sflag:s19], $0x7D00  }
0x34: {  	[sflag:s19] =	ssyncset.done $0x0  }
0x35: {  	[sflag:s19] =	ssyncadd.s32 $0xFFFF8300  }
0x36: {  	_ =	strace $0x90000063  }
0x37: {  	_ =	swait.ge [sflag:s7], $0x1F8  }
0x38: {  	[sflag:s7] =	ssyncset.done $0x0  }
0x39: {  	[sflag:s7] =	ssyncadd.s32 $0xFFFFFE08  }
0x3a: {  	_ =	swait.ge [sflag:s7], $0x1F8  }
0x3b: {  	[sflag:s7] =	ssyncset.done $0x0  }
0x3c: {  	[sflag:s7] =	ssyncadd.s32 $0xFFFFFE08  }
0x3d: {  	[tilespmem:s28], [sflag:$0x2] =	stream.indirect.gather [hbm4b:s4+s25], $0x40, s30, s25, $0xb8;
	[tilespmem:$0x1A9C0] =	vst v63  }
0x3e: {  	_ =	swait.ge [sflag:s29], $0x7D00  }
0x3f: {  	[sflag:s29] =	ssyncset.done $0x0  }
0x40: {  	[sflag:s29] =	ssyncadd.s32 $0xFFFF8300  }
0x41: {  	_ =	strace $0x80000064  }
0x42: {  	[spmem:s2] =	stream.indirect.scatter.add.f32 [tilespmem:s18], [sflag:$0x7], $0x40, s24, s25, $0x2000b8;
	[tilespmem:$0x1A9C0] =	vst v63  }
0x43: {  	_ =	swait.ge [sflag:s19], $0x7D00  }
0x44: {  	[sflag:s19] =	ssyncset.done $0x0  }
0x45: {  	[sflag:s19] =	ssyncadd.s32 $0xFFFF8300  }
0x46: {  	_ =	strace $0x90000064  }
0x47: {  	_ =	swait.ge [sflag:s1], $0x7D00  }
0x48: {  	[sflag:s1] =	ssyncset.done $0x0  }
0x49: {  	[sflag:s1] =	ssyncadd.s32 $0xFFFF8300  }
0x4a: {  	_ =	strace $0x80000065  }
0x4b: {  	[spmem:s2] =	stream.indirect.scatter.add.f32 [tilespmem:s28], [sflag:$0x7], $0x40, s31, s25, $0x2000b8;
	[tilespmem:$0x1A9C0] =	vst v63  }
0x4c: {  	_ =	swait.ge [sflag:s19], $0x7D00  }
0x4d: {  	[sflag:s19] =	ssyncset.done $0x0  }
0x4e: {  	[sflag:s19] =	ssyncadd.s32 $0xFFFF8300  }
0x4f: {  	_ =	strace $0x90000065  }
.LBB2_10:
0x50: {  	[bflag:$0x0] =	sbarrier.arrive $0xFFFF;
	s12 =	stileid.u32  }
0x51: {  	s13 =	sshrl.u32 s6, $0x3;
	s11 =	sadd.s32 $0x1, s11;
	s12 =	sshll.u32 s12, $0x6  }
0x52: {  	_ =	strace $0x8000006E;
	p1 =	sne.s32 s11, s17;
	s12 =	sor.u32 $0x1C07, s12  }
0x53: {  	[hbm:s16], [sflag:s12] =	dma.local [spmem:s13], $0x1400  }
.Ltmp1:
0x54: {  	_ = 	snop;
	(pc) =	sbr.rel @!p1 .LBB2_11-.Ltmp1, $4  }
0x55: {  	_ =	swait.ge [sflag:s19], $0x1400  }
0x56: {  	[sflag:s19] =	ssyncset.done $0x0  }
0x57: {  	[sflag:s19] =	ssyncadd.s32 $0xFFFFEC00  }
0x58: {  	_ =	strace $0x9000006E  }
.LBB2_1:
0x59: {  	_ =	strace $0x8000005D;
	s13 =	simm.s32 $0x100;
	s12 =	simm.s32 $0x0  }
.LBB2_2:
0x5a: {  	p1 =	sne.s32 s13, $0x13F00;
	[tilespmem:s12+$0xFF0] =	vst v0;
	s14 =	smov.u32 s13;
	s13 =	sadd.s32 $0x100, s13  }
.Ltmp2:
0x5b: {  	[tilespmem:s12+$0xFE0] =	vst v0;
	(pc) =	sbr.rel @p1 .LBB2_2-.Ltmp2, $3  }
0x5c: {  	[tilespmem:s12+$0xFC0] =	vst v0  }
0x5d: {  	[tilespmem:s12+$0xFD0] =	vst v0;
	_ =	sdelay $0x1  }
0x5e: {  	s12 =	sshra.s32 s14, $0x2  }
0x5f: {  	[tilespmem:s12+$0xFF0] =	vst v0  }
0x60: {  	[tilespmem:s12+$0xFE0] =	vst v0  }
0x61: {  	[tilespmem:s12+$0xFC0] =	vst v0  }
0x62: {  	[tilespmem:s12+$0xFD0] =	vst v0  }
0x63: {  	[spmem:s6] =	stream.linear.scatter [tilespmem:s18], [sflag:$0x7], $0x5000, $0x200038;
	[tilespmem:$0x1A9C0] =	vst v63  }
0x64: {  	_ =	swait.ge [sflag:s19], $0x5000  }
0x65: {  	[sflag:s19] =	ssyncset.done $0x0  }
0x66: {  	s14 =	rddreg [dreg:$0x3];
	[sflag:s19] =	ssyncadd.s32 $0xFFFFB000  }
0x67: {  	[spmem:s14] =	stream.linear.scatter [tilespmem:s18], [sflag:$0x7], $0x5000, $0x200038;
	[tilespmem:$0x1A9C0] =	vst v63  }
0x68: {  	_ =	swait.ge [sflag:s19], $0x5000  }
0x69: {  	[sflag:s19] =	ssyncset.done $0x0  }
0x6a: {  	[sflag:s19] =	ssyncadd.s32 $0xFFFFB000  }
0x6b: {  	[bflag:$0x0] =	sbarrier.arrive $0xFFFF  }
0x6c: {  	_ =	strace $0x9000005D  }
0x6d: {  	[tilespmem:s3], [sflag:$0x7] =	stream.linear.gather [hbm4b:s8+s3], $0x1F8, $0x38;
	[tilespmem:$0x1A9C0] =	vst v63  }
0x6e: {  	_ =	swait.ge [sflag:s19], $0x1F8  }
0x6f: {  	[sflag:s19] =	ssyncset.done $0x0  }
0x70: {  	[sflag:s19] =	ssyncadd.s32 $0xFFFFFE08  }
0x71: {  	[tilespmem:s20], [sflag:$0x7] =	stream.linear.gather [hbm4b:s9+s3], $0x1F8, $0x38;
	[tilespmem:$0x1A9C0] =	vst v63  }
0x72: {  	_ =	swait.ge [sflag:s19], $0x1F8  }
0x73: {  	[sflag:s19] =	ssyncset.done $0x0  }
0x74: {  	s15 =	rddreg [dreg:$0x4];
	[sflag:s19] =	ssyncadd.s32 $0xFFFFFE08  }
0x75: {  	[tilespmem:s21], [sflag:$0x4] =	stream.linear.gather [hbm4b:s15+s3], $0x1F8, $0x38;
	[tilespmem:$0x1A9C0] =	vst v63  }
0x76: {  	s13 =	rddreg [dreg:$0x5]  }
0x77: {  	[tilespmem:s22], [sflag:$0x4] =	stream.linear.gather [hbm4b:s13+s3], $0x1F8, $0x38;
	[tilespmem:$0x1A9C0] =	vst v63  }
.Ltmp3:
0x78: {  	_ = 	snop;
	(pc) =	sbr.rel @!p0 .LBB2_4-.Ltmp3, $4  }
0x79: {  	s14 =	rddreg [dreg:$0x6]  }
0x7a: {  	[tilespmem:s23], [sflag:$0x5] =	stream.linear.gather [hbm4b:s14+s3], $0x1F8, $0x38;
	[tilespmem:$0x1A9C0] =	vst v63  }
0x7b: {  	s12 =	simm.s32 $0x0;
	s15 =	rddreg [dreg:$0x7]  }
0x7c: {  	[tilespmem:s24], [sflag:$0x5] =	stream.linear.gather [hbm4b:s15+s3], $0x1F8, $0x38;
	[tilespmem:$0x1A9C0] =	vst v63  }
0x7d: {  	[tilespmem:s18], [sflag:$0x1] =	stream.indirect.gather [hbm4b:s5+s25], $0x40, s12, s25, $0xb8;
	[tilespmem:$0x1A9C0] =	vst v63  }
0x7e: {  	_ =	swait.ge [sflag:s26], $0x1F8  }
0x7f: {  	[sflag:s26] =	ssyncset.done $0x0  }
0x80: {  	[sflag:s26] =	ssyncadd.s32 $0xFFFFFE08  }
0x81: {  	_ =	swait.ge [sflag:s26], $0x1F8  }
0x82: {  	[sflag:s26] =	ssyncset.done $0x0  }
0x83: {  	[sflag:s26] =	ssyncadd.s32 $0xFFFFFE08  }
0x84: {  	[tilespmem:s28], [sflag:$0x2] =	stream.indirect.gather [hbm4b:s5+s25], $0x40, s21, s25, $0xb8;
	[tilespmem:$0x1A9C0] =	vst v63  }
0x85: {  	_ =	swait.ge [sflag:s29], $0x7D00  }
0x86: {  	[sflag:s29] =	ssyncset.done $0x0  }
0x87: {  	[sflag:s29] =	ssyncadd.s32 $0xFFFF8300  }
0x88: {  	_ =	strace $0x80000066  }
0x89: {  	[spmem:s2] =	stream.indirect.scatter.add.f32 [tilespmem:s18], [sflag:$0x7], $0x40, s20, s25, $0x2000b8;
	[tilespmem:$0x1A9C0] =	vst v63  }
0x8a: {  	_ =	swait.ge [sflag:s19], $0x7D00  }
0x8b: {  	[sflag:s19] =	ssyncset.done $0x0  }
0x8c: {  	s12 =	sadd.s32 $0x0, s8;
	[sflag:s19] =	ssyncadd.s32 $0xFFFF8300  }
0x8d: {  	s14 =	sadd.s32 $0x0, s9;
	s13 =	sadd.s32 $0xBD0, s12;
	_ =	strace $0x90000066  }
0x8e: {  	[tilespmem:s30], [sflag:$0x6] =	stream.linear.gather [hbm4b:s13+s3], $0x1F8, $0x38;
	[tilespmem:$0x1A9C0] =	vst v63  }
0x8f: {  	s15 =	sadd.s32 $0xBD0, s14  }
0x90: {  	[tilespmem:s31], [sflag:$0x6] =	stream.linear.gather [hbm4b:s15+s3], $0x1F8, $0x38;
	[tilespmem:$0x1A9C0] =	vst v63  }
0x91: {  	_ =	swait.ge [sflag:s0], $0x1F8  }
0x92: {  	[sflag:s0] =	ssyncset.done $0x0  }
0x93: {  	[sflag:s0] =	ssyncadd.s32 $0xFFFFFE08  }
0x94: {  	_ =	swait.ge [sflag:s0], $0x1F8  }
0x95: {  	[sflag:s0] =	ssyncset.done $0x0  }
0x96: {  	[sflag:s0] =	ssyncadd.s32 $0xFFFFFE08  }
0x97: {  	[tilespmem:s18], [sflag:$0x1] =	stream.indirect.gather [hbm4b:s5+s25], $0x40, s23, s25, $0xb8;
	[tilespmem:$0x1A9C0] =	vst v63  }
0x98: {  	_ =	swait.ge [sflag:s1], $0x7D00  }
0x99: {  	[sflag:s1] =	ssyncset.done $0x0  }
0x9a: {  	[sflag:s1] =	ssyncadd.s32 $0xFFFF8300  }
0x9b: {  	_ =	strace $0x80000067  }
0x9c: {  	[spmem:s2] =	stream.indirect.scatter.add.f32 [tilespmem:s28], [sflag:$0x7], $0x40, s22, s25, $0x2000b8;
	[tilespmem:$0x1A9C0] =	vst v63  }
0x9d: {  	_ =	swait.ge [sflag:s19], $0x7D00  }
0x9e: {  	[sflag:s19] =	ssyncset.done $0x0  }
0x9f: {  	[sflag:s19] =	ssyncadd.s32 $0xFFFF8300  }
0xa0: {  	s15 =	sadd.s32 $0xFC0, s12;
	_ =	strace $0x90000067  }
0xa1: {  	[tilespmem:s3], [sflag:$0x3] =	stream.linear.gather [hbm4b:s15+s3], $0x1F8, $0x38;
	[tilespmem:$0x1A9C0] =	vst v63  }
0xa2: {  	s15 =	sadd.s32 $0xFC0, s14  }
0xa3: {  	[tilespmem:s20], [sflag:$0x3] =	stream.linear.gather [hbm4b:s15+s3], $0x1F8, $0x38;
	[tilespmem:$0x1A9C0] =	vst v63  }
0xa4: {  	_ =	swait.ge [sflag:s7], $0x1F8  }
0xa5: {  	[sflag:s7] =	ssyncset.done $0x0  }
0xa6: {  	[sflag:s7] =	ssyncadd.s32 $0xFFFFFE08  }
0xa7: {  	_ =	swait.ge [sflag:s7], $0x1F8  }
0xa8: {  	[sflag:s7] =	ssyncset.done $0x0  }
0xa9: {  	[sflag:s7] =	ssyncadd.s32 $0xFFFFFE08  }
0xaa: {  	[tilespmem:s28], [sflag:$0x2] =	stream.indirect.gather [hbm4b:s5+s25], $0x40, s30, s25, $0xb8;
	[tilespmem:$0x1A9C0] =	vst v63  }
0xab: {  	_ =	swait.ge [sflag:s29], $0x7D00  }
0xac: {  	[sflag:s29] =	ssyncset.done $0x0  }
0xad: {  	[sflag:s29] =	ssyncadd.s32 $0xFFFF8300  }
0xae: {  	_ =	strace $0x80000068  }
0xaf: {  	[spmem:s2] =	stream.indirect.scatter.add.f32 [tilespmem:s18], [sflag:$0x7], $0x40, s24, s25, $0x2000b8;
	[tilespmem:$0x1A9C0] =	vst v63  }
0xb0: {  	_ =	swait.ge [sflag:s19], $0x7D00  }
0xb1: {  	[sflag:s19] =	ssyncset.done $0x0  }
0xb2: {  	[sflag:s19] =	ssyncadd.s32 $0xFFFF8300  }
0xb3: {  	s15 =	sadd.s32 $0x13B0, s12;
	_ =	strace $0x90000068  }
0xb4: {  	[tilespmem:s21], [sflag:$0x4] =	stream.linear.gather [hbm4b:s15+s3], $0x1F8, $0x38;
	[tilespmem:$0x1A9C0] =	vst v63  }
0xb5: {  	s15 =	sadd.s32 $0x13B0, s14  }
0xb6: {  	[tilespmem:s22], [sflag:$0x4] =	stream.linear.gather [hbm4b:s15+s3], $0x1F8, $0x38;
	[tilespmem:$0x1A9C0] =	vst v63  }
0xb7: {  	_ =	swait.ge [sflag:s10], $0x1F8  }
0xb8: {  	[sflag:s10] =	ssyncset.done $0x0  }
0xb9: {  	[sflag:s10] =	ssyncadd.s32 $0xFFFFFE08  }
0xba: {  	_ =	swait.ge [sflag:s10], $0x1F8  }
0xbb: {  	[sflag:s10] =	ssyncset.done $0x0  }
0xbc: {  	[sflag:s10] =	ssyncadd.s32 $0xFFFFFE08  }
0xbd: {  	[tilespmem:s18], [sflag:$0x1] =	stream.indirect.gather [hbm4b:s5+s25], $0x40, s3, s25, $0xb8;
	[tilespmem:$0x1A9C0] =	vst v63  }
0xbe: {  	_ =	swait.ge [sflag:s1], $0x7D00  }
0xbf: {  	[sflag:s1] =	ssyncset.done $0x0  }
0xc0: {  	[sflag:s1] =	ssyncadd.s32 $0xFFFF8300  }
0xc1: {  	_ =	strace $0x80000069  }
0xc2: {  	[spmem:s2] =	stream.indirect.scatter.add.f32 [tilespmem:s28], [sflag:$0x7], $0x40, s31, s25, $0x2000b8;
	[tilespmem:$0x1A9C0] =	vst v63  }
0xc3: {  	_ =	swait.ge [sflag:s19], $0x7D00  }
0xc4: {  	[sflag:s19] =	ssyncset.done $0x0  }
0xc5: {  	[sflag:s19] =	ssyncadd.s32 $0xFFFF8300  }
0xc6: {  	s12 =	sadd.s32 $0x17A0, s12;
	_ =	strace $0x90000069  }
0xc7: {  	[tilespmem:s23], [sflag:$0x5] =	stream.linear.gather [hbm4b:s12+s3], $0x1F8, $0x38;
	[tilespmem:$0x1A9C0] =	vst v63  }
0xc8: {  	s15 =	sadd.s32 $0x17A0, s14  }
0xc9: {  	[tilespmem:s24], [sflag:$0x5] =	stream.linear.gather [hbm4b:s15+s3], $0x1F8, $0x38;
	[tilespmem:$0x1A9C0] =	vst v63  }
0xca: {  	_ =	swait.ge [sflag:s26], $0x1F8  }
0xcb: {  	[sflag:s26] =	ssyncset.done $0x0  }
0xcc: {  	[sflag:s26] =	ssyncadd.s32 $0xFFFFFE08  }
0xcd: {  	_ =	swait.ge [sflag:s26], $0x1F8  }
0xce: {  	[sflag:s26] =	ssyncset.done $0x0  }
0xcf: {  	s12 =	simm.s32 $0xFC0;
	[sflag:s26] =	ssyncadd.s32 $0xFFFFFE08  }
.LBB2_8:
0xd0: {  	[tilespmem:s28], [sflag:$0x2] =	stream.indirect.gather [hbm4b:s5+s25], $0x40, s21, s25, $0xb8;
	[tilespmem:$0x1A9C0] =	vst v63  }
0xd1: {  	s14 =	smov.u32 s12  }
0xd2: {  	p1 =	sne.s32 s12, $0x7E00;
	s12 =	sadd.s32 $0xFC0, s12;
	_ =	swait.ge [sflag:s29], $0x7D00  }
0xd3: {  	[sflag:s29] =	ssyncset.done $0x0  }
0xd4: {  	[sflag:s29] =	ssyncadd.s32 $0xFFFF8300  }
0xd5: {  	_ =	strace $0x80000066  }
0xd6: {  	[spmem:s2] =	stream.indirect.scatter.add.f32 [tilespmem:s18], [sflag:$0x7], $0x40, s20, s25, $0x2000b8;
	[tilespmem:$0x1A9C0] =	vst v63  }
0xd7: {  	_ =	swait.ge [sflag:s19], $0x7D00  }
0xd8: {  	[sflag:s19] =	ssyncset.done $0x0  }
0xd9: {  	s13 =	sadd.s32 s14, s8;
	[sflag:s19] =	ssyncadd.s32 $0xFFFF8300  }
0xda: {  	s14 =	sadd.s32 s14, s9;
	s15 =	sadd.s32 $0xBD0, s13;
	_ =	strace $0x90000066  }
0xdb: {  	[tilespmem:s30], [sflag:$0x6] =	stream.linear.gather [hbm4b:s15+s3], $0x1F8, $0x38;
	[tilespmem:$0x1A9C0] =	vst v63  }
0xdc: {  	s15 =	sadd.s32 $0xBD0, s14  }
0xdd: {  	[tilespmem:s31], [sflag:$0x6] =	stream.linear.gather [hbm4b:s15+s3], $0x1F8, $0x38;
	[tilespmem:$0x1A9C0] =	vst v63  }
0xde: {  	_ =	swait.ge [sflag:s0], $0x1F8  }
0xdf: {  	[sflag:s0] =	ssyncset.done $0x0  }
0xe0: {  	[sflag:s0] =	ssyncadd.s32 $0xFFFFFE08  }
0xe1: {  	_ =	swait.ge [sflag:s0], $0x1F8  }
0xe2: {  	[sflag:s0] =	ssyncset.done $0x0  }
0xe3: {  	[sflag:s0] =	ssyncadd.s32 $0xFFFFFE08  }
0xe4: {  	[tilespmem:s18], [sflag:$0x1] =	stream.indirect.gather [hbm4b:s5+s25], $0x40, s23, s25, $0xb8;
	[tilespmem:$0x1A9C0] =	vst v63  }
0xe5: {  	_ =	swait.ge [sflag:s1], $0x7D00  }
0xe6: {  	[sflag:s1] =	ssyncset.done $0x0  }
0xe7: {  	[sflag:s1] =	ssyncadd.s32 $0xFFFF8300  }
0xe8: {  	_ =	strace $0x80000067  }
0xe9: {  	[spmem:s2] =	stream.indirect.scatter.add.f32 [tilespmem:s28], [sflag:$0x7], $0x40, s22, s25, $0x2000b8;
	[tilespmem:$0x1A9C0] =	vst v63  }
0xea: {  	_ =	swait.ge [sflag:s19], $0x7D00  }
0xeb: {  	[sflag:s19] =	ssyncset.done $0x0  }
0xec: {  	[sflag:s19] =	ssyncadd.s32 $0xFFFF8300  }
0xed: {  	s15 =	sadd.s32 $0xFC0, s13;
	_ =	strace $0x90000067  }
0xee: {  	[tilespmem:s3], [sflag:$0x3] =	stream.linear.gather [hbm4b:s15+s3], $0x1F8, $0x38;
	[tilespmem:$0x1A9C0] =	vst v63  }
0xef: {  	s15 =	sadd.s32 $0xFC0, s14  }
0xf0: {  	[tilespmem:s20], [sflag:$0x3] =	stream.linear.gather [hbm4b:s15+s3], $0x1F8, $0x38;
	[tilespmem:$0x1A9C0] =	vst v63  }
0xf1: {  	_ =	swait.ge [sflag:s7], $0x1F8  }
0xf2: {  	[sflag:s7] =	ssyncset.done $0x0  }
0xf3: {  	[sflag:s7] =	ssyncadd.s32 $0xFFFFFE08  }
0xf4: {  	_ =	swait.ge [sflag:s7], $0x1F8  }
0xf5: {  	[sflag:s7] =	ssyncset.done $0x0  }
0xf6: {  	[sflag:s7] =	ssyncadd.s32 $0xFFFFFE08  }
0xf7: {  	[tilespmem:s28], [sflag:$0x2] =	stream.indirect.gather [hbm4b:s5+s25], $0x40, s30, s25, $0xb8;
	[tilespmem:$0x1A9C0] =	vst v63  }
0xf8: {  	_ =	swait.ge [sflag:s29], $0x7D00  }
0xf9: {  	[sflag:s29] =	ssyncset.done $0x0  }
0xfa: {  	[sflag:s29] =	ssyncadd.s32 $0xFFFF8300  }
0xfb: {  	_ =	strace $0x80000068  }
0xfc: {  	[spmem:s2] =	stream.indirect.scatter.add.f32 [tilespmem:s18], [sflag:$0x7], $0x40, s24, s25, $0x2000b8;
	[tilespmem:$0x1A9C0] =	vst v63  }
0xfd: {  	_ =	swait.ge [sflag:s19], $0x7D00  }
0xfe: {  	[sflag:s19] =	ssyncset.done $0x0  }
0xff: {  	[sflag:s19] =	ssyncadd.s32 $0xFFFF8300  }
0x100: {  	s15 =	sadd.s32 $0x13B0, s13;
	_ =	strace $0x90000068  }
0x101: {  	[tilespmem:s21], [sflag:$0x4] =	stream.linear.gather [hbm4b:s15+s3], $0x1F8, $0x38;
	[tilespmem:$0x1A9C0] =	vst v63  }
0x102: {  	s15 =	sadd.s32 $0x13B0, s14  }
0x103: {  	[tilespmem:s22], [sflag:$0x4] =	stream.linear.gather [hbm4b:s15+s3], $0x1F8, $0x38;
	[tilespmem:$0x1A9C0] =	vst v63  }
0x104: {  	_ =	swait.ge [sflag:s10], $0x1F8  }
0x105: {  	[sflag:s10] =	ssyncset.done $0x0  }
0x106: {  	[sflag:s10] =	ssyncadd.s32 $0xFFFFFE08  }
0x107: {  	_ =	swait.ge [sflag:s10], $0x1F8  }
0x108: {  	[sflag:s10] =	ssyncset.done $0x0  }
0x109: {  	[sflag:s10] =	ssyncadd.s32 $0xFFFFFE08  }
0x10a: {  	[tilespmem:s18], [sflag:$0x1] =	stream.indirect.gather [hbm4b:s5+s25], $0x40, s3, s25, $0xb8;
	[tilespmem:$0x1A9C0] =	vst v63  }
0x10b: {  	_ =	swait.ge [sflag:s1], $0x7D00  }
0x10c: {  	[sflag:s1] =	ssyncset.done $0x0  }
0x10d: {  	[sflag:s1] =	ssyncadd.s32 $0xFFFF8300  }
0x10e: {  	_ =	strace $0x80000069  }
0x10f: {  	[spmem:s2] =	stream.indirect.scatter.add.f32 [tilespmem:s28], [sflag:$0x7], $0x40, s31, s25, $0x2000b8;
	[tilespmem:$0x1A9C0] =	vst v63  }
0x110: {  	_ =	swait.ge [sflag:s19], $0x7D00  }
0x111: {  	[sflag:s19] =	ssyncset.done $0x0  }
0x112: {  	[sflag:s19] =	ssyncadd.s32 $0xFFFF8300  }
0x113: {  	s13 =	sadd.s32 $0x17A0, s13;
	_ =	strace $0x90000069  }
0x114: {  	[tilespmem:s23], [sflag:$0x5] =	stream.linear.gather [hbm4b:s13+s3], $0x1F8, $0x38;
	[tilespmem:$0x1A9C0] =	vst v63  }
0x115: {  	s13 =	sadd.s32 $0x17A0, s14  }
0x116: {  	[tilespmem:s24], [sflag:$0x5] =	stream.linear.gather [hbm4b:s13+s3], $0x1F8, $0x38;
	[tilespmem:$0x1A9C0] =	vst v63  }
0x117: {  	_ =	swait.ge [sflag:s26], $0x1F8  }
.Ltmp4:
0x118: {  	[sflag:s26] =	ssyncset.done $0x0;
	(pc) =	sbr.rel @p1 .LBB2_8-.Ltmp4, $4  }
0x119: {  	[sflag:s26] =	ssyncadd.s32 $0xFFFFFE08  }
0x11a: {  	_ =	swait.ge [sflag:s26], $0x1F8  }
0x11b: {  	[sflag:s26] =	ssyncset.done $0x0  }
0x11c: {  	[sflag:s26] =	ssyncadd.s32 $0xFFFFFE08  }
0x11d: {  	[tilespmem:s28], [sflag:$0x2] =	stream.indirect.gather [hbm4b:s5+s25], $0x40, s21, s25, $0xb8;
	[tilespmem:$0x1A9C0] =	vst v63  }
0x11e: {  	_ =	swait.ge [sflag:s29], $0x7D00  }
0x11f: {  	[sflag:s29] =	ssyncset.done $0x0  }
0x120: {  	[sflag:s29] =	ssyncadd.s32 $0xFFFF8300  }
0x121: {  	_ =	strace $0x8000006A  }
0x122: {  	[spmem:s2] =	stream.indirect.scatter.add.f32 [tilespmem:s18], [sflag:$0x7], $0x40, s20, s25, $0x2000b8;
	[tilespmem:$0x1A9C0] =	vst v63  }
0x123: {  	_ =	swait.ge [sflag:s19], $0x7D00  }
0x124: {  	[sflag:s19] =	ssyncset.done $0x0  }
0x125: {  	[sflag:s19] =	ssyncadd.s32 $0xFFFF8300  }
0x126: {  	_ =	strace $0x9000006A  }
0x127: {  	s12 =	rddreg [dreg:$0x8]  }
0x128: {  	[tilespmem:s30], [sflag:$0x6] =	stream.linear.gather [hbm4b:s12+s3], $0x1F8, $0x38;
	[tilespmem:$0x1A9C0] =	vst v63  }
0x129: {  	s15 =	rddreg [dreg:$0x9]  }
0x12a: {  	[tilespmem:s31], [sflag:$0x6] =	stream.linear.gather [hbm4b:s15+s3], $0x1F8, $0x38;
	[tilespmem:$0x1A9C0] =	vst v63  }
0x12b: {  	_ =	swait.ge [sflag:s0], $0x1F8  }
0x12c: {  	[sflag:s0] =	ssyncset.done $0x0  }
0x12d: {  	[sflag:s0] =	ssyncadd.s32 $0xFFFFFE08  }
0x12e: {  	_ =	swait.ge [sflag:s0], $0x1F8  }
0x12f: {  	[sflag:s0] =	ssyncset.done $0x0  }
0x130: {  	[sflag:s0] =	ssyncadd.s32 $0xFFFFFE08  }
0x131: {  	[tilespmem:s18], [sflag:$0x1] =	stream.indirect.gather [hbm4b:s5+s25], $0x40, s23, s25, $0xb8;
	[tilespmem:$0x1A9C0] =	vst v63  }
0x132: {  	_ =	swait.ge [sflag:s1], $0x7D00  }
0x133: {  	[sflag:s1] =	ssyncset.done $0x0  }
0x134: {  	[sflag:s1] =	ssyncadd.s32 $0xFFFF8300  }
0x135: {  	_ =	strace $0x8000006B  }
0x136: {  	[spmem:s2] =	stream.indirect.scatter.add.f32 [tilespmem:s28], [sflag:$0x7], $0x40, s22, s25, $0x2000b8;
	[tilespmem:$0x1A9C0] =	vst v63  }
0x137: {  	_ =	swait.ge [sflag:s19], $0x7D00  }
0x138: {  	[sflag:s19] =	ssyncset.done $0x0  }
0x139: {  	[sflag:s19] =	ssyncadd.s32 $0xFFFF8300  }
0x13a: {  	_ =	strace $0x9000006B  }
0x13b: {  	_ =	swait.ge [sflag:s7], $0x1F8  }
0x13c: {  	[sflag:s7] =	ssyncset.done $0x0  }
0x13d: {  	[sflag:s7] =	ssyncadd.s32 $0xFFFFFE08  }
0x13e: {  	_ =	swait.ge [sflag:s7], $0x1F8  }
0x13f: {  	[sflag:s7] =	ssyncset.done $0x0  }
0x140: {  	[sflag:s7] =	ssyncadd.s32 $0xFFFFFE08  }
0x141: {  	[tilespmem:s28], [sflag:$0x2] =	stream.indirect.gather [hbm4b:s5+s25], $0x40, s30, s25, $0xb8;
	[tilespmem:$0x1A9C0] =	vst v63  }
0x142: {  	_ =	swait.ge [sflag:s29], $0x7D00  }
0x143: {  	[sflag:s29] =	ssyncset.done $0x0  }
0x144: {  	[sflag:s29] =	ssyncadd.s32 $0xFFFF8300  }
0x145: {  	_ =	strace $0x8000006C  }
0x146: {  	[spmem:s2] =	stream.indirect.scatter.add.f32 [tilespmem:s18], [sflag:$0x7], $0x40, s24, s25, $0x2000b8;
	[tilespmem:$0x1A9C0] =	vst v63  }
0x147: {  	_ =	swait.ge [sflag:s19], $0x7D00  }
0x148: {  	[sflag:s19] =	ssyncset.done $0x0  }
0x149: {  	[sflag:s19] =	ssyncadd.s32 $0xFFFF8300  }
0x14a: {  	_ =	strace $0x9000006C  }
0x14b: {  	_ =	swait.ge [sflag:s1], $0x7D00  }
0x14c: {  	[sflag:s1] =	ssyncset.done $0x0  }
0x14d: {  	[sflag:s1] =	ssyncadd.s32 $0xFFFF8300  }
0x14e: {  	_ =	strace $0x8000006D  }
0x14f: {  	[spmem:s2] =	stream.indirect.scatter.add.f32 [tilespmem:s28], [sflag:$0x7], $0x40, s31, s25, $0x2000b8;
	[tilespmem:$0x1A9C0] =	vst v63  }
.Ltmp5:
0x150: {  	_ = 	snop;
	(pc) =	sbr.rel .LBB2_10-.Ltmp5, $4  }
0x151: {  	_ =	swait.ge [sflag:s19], $0x7D00  }
0x152: {  	[sflag:s19] =	ssyncset.done $0x0  }
0x153: {  	[sflag:s19] =	ssyncadd.s32 $0xFFFF8300  }
0x154: {  	_ =	strace $0x9000006D  }
.LBB2_4:
0x155: {  	[tilespmem:s18], [sflag:$0x1] =	stream.indirect.gather [hbm4b:s4+s25], $0x40, s12, s25, $0xb8;
	[tilespmem:$0x1A9C0] =	vst v63  }
0x156: {  	_ =	swait.ge [sflag:s26], $0x1F8  }
0x157: {  	[sflag:s26] =	ssyncset.done $0x0  }
0x158: {  	[sflag:s26] =	ssyncadd.s32 $0xFFFFFE08  }
0x159: {  	_ =	swait.ge [sflag:s26], $0x1F8  }
0x15a: {  	[sflag:s26] =	ssyncset.done $0x0  }
0x15b: {  	[sflag:s26] =	ssyncadd.s32 $0xFFFFFE08  }
0x15c: {  	[tilespmem:s28], [sflag:$0x2] =	stream.indirect.gather [hbm4b:s4+s25], $0x40, s21, s25, $0xb8;
	[tilespmem:$0x1A9C0] =	vst v63  }
0x15d: {  	_ =	swait.ge [sflag:s29], $0x7D00  }
0x15e: {  	[sflag:s29] =	ssyncset.done $0x0  }
0x15f: {  	[sflag:s29] =	ssyncadd.s32 $0xFFFF8300  }
0x160: {  	_ =	strace $0x8000005E  }
0x161: {  	[spmem:s2] =	stream.indirect.scatter.add.f32 [tilespmem:s18], [sflag:$0x7], $0x40, s20, s25, $0x2000b8;
	[tilespmem:$0x1A9C0] =	vst v63  }
0x162: {  	_ =	swait.ge [sflag:s19], $0x7D00  }
0x163: {  	[sflag:s19] =	ssyncset.done $0x0  }
0x164: {  	s12 =	sadd.s32 $0x0, s8;
	[sflag:s19] =	ssyncadd.s32 $0xFFFF8300  }
0x165: {  	s14 =	sadd.s32 $0x0, s9;
	s13 =	sadd.s32 $0xBD0, s12;
	_ =	strace $0x9000005E  }
0x166: {  	[tilespmem:s30], [sflag:$0x6] =	stream.linear.gather [hbm4b:s13+s3], $0x1F8, $0x38;
	[tilespmem:$0x1A9C0] =	vst v63  }
0x167: {  	s15 =	sadd.s32 $0xBD0, s14  }
0x168: {  	[tilespmem:s31], [sflag:$0x6] =	stream.linear.gather [hbm4b:s15+s3], $0x1F8, $0x38;
	[tilespmem:$0x1A9C0] =	vst v63  }
0x169: {  	_ =	swait.ge [sflag:s0], $0x1F8  }
0x16a: {  	[sflag:s0] =	ssyncset.done $0x0  }
0x16b: {  	[sflag:s0] =	ssyncadd.s32 $0xFFFFFE08  }
0x16c: {  	_ =	swait.ge [sflag:s0], $0x1F8  }
0x16d: {  	[sflag:s0] =	ssyncset.done $0x0  }
0x16e: {  	[sflag:s0] =	ssyncadd.s32 $0xFFFFFE08  }
0x16f: {  	[tilespmem:s18], [sflag:$0x1] =	stream.indirect.gather [hbm4b:s4+s25], $0x40, s23, s25, $0xb8;
	[tilespmem:$0x1A9C0] =	vst v63  }
0x170: {  	_ =	swait.ge [sflag:s1], $0x7D00  }
0x171: {  	[sflag:s1] =	ssyncset.done $0x0  }
0x172: {  	[sflag:s1] =	ssyncadd.s32 $0xFFFF8300  }
0x173: {  	_ =	strace $0x8000005F  }
0x174: {  	[spmem:s2] =	stream.indirect.scatter.add.f32 [tilespmem:s28], [sflag:$0x7], $0x40, s22, s25, $0x2000b8;
	[tilespmem:$0x1A9C0] =	vst v63  }
0x175: {  	_ =	swait.ge [sflag:s19], $0x7D00  }
0x176: {  	[sflag:s19] =	ssyncset.done $0x0  }
0x177: {  	[sflag:s19] =	ssyncadd.s32 $0xFFFF8300  }
0x178: {  	s15 =	sadd.s32 $0xFC0, s12;
	_ =	strace $0x9000005F  }
0x179: {  	[tilespmem:s3], [sflag:$0x3] =	stream.linear.gather [hbm4b:s15+s3], $0x1F8, $0x38;
	[tilespmem:$0x1A9C0] =	vst v63  }
0x17a: {  	s15 =	sadd.s32 $0xFC0, s14  }
0x17b: {  	[tilespmem:s20], [sflag:$0x3] =	stream.linear.gather [hbm4b:s15+s3], $0x1F8, $0x38;
	[tilespmem:$0x1A9C0] =	vst v63  }
0x17c: {  	_ =	swait.ge [sflag:s7], $0x1F8  }
0x17d: {  	[sflag:s7] =	ssyncset.done $0x0  }
0x17e: {  	[sflag:s7] =	ssyncadd.s32 $0xFFFFFE08  }
0x17f: {  	_ =	swait.ge [sflag:s7], $0x1F8  }
0x180: {  	[sflag:s7] =	ssyncset.done $0x0  }
0x181: {  	[sflag:s7] =	ssyncadd.s32 $0xFFFFFE08  }
0x182: {  	[tilespmem:s28], [sflag:$0x2] =	stream.indirect.gather [hbm4b:s4+s25], $0x40, s30, s25, $0xb8;
	[tilespmem:$0x1A9C0] =	vst v63  }
0x183: {  	_ =	swait.ge [sflag:s29], $0x7D00  }
0x184: {  	[sflag:s29] =	ssyncset.done $0x0  }
0x185: {  	[sflag:s29] =	ssyncadd.s32 $0xFFFF8300  }
0x186: {  	_ =	strace $0x80000060  }
0x187: {  	[spmem:s2] =	stream.indirect.scatter.add.f32 [tilespmem:s18], [sflag:$0x7], $0x40, s24, s25, $0x2000b8;
	[tilespmem:$0x1A9C0] =	vst v63  }
0x188: {  	_ =	swait.ge [sflag:s19], $0x7D00  }
0x189: {  	[sflag:s19] =	ssyncset.done $0x0  }
0x18a: {  	[sflag:s19] =	ssyncadd.s32 $0xFFFF8300  }
0x18b: {  	s15 =	sadd.s32 $0x13B0, s12;
	_ =	strace $0x90000060  }
0x18c: {  	[tilespmem:s21], [sflag:$0x4] =	stream.linear.gather [hbm4b:s15+s3], $0x1F8, $0x38;
	[tilespmem:$0x1A9C0] =	vst v63  }
0x18d: {  	s15 =	sadd.s32 $0x13B0, s14  }
0x18e: {  	[tilespmem:s22], [sflag:$0x4] =	stream.linear.gather [hbm4b:s15+s3], $0x1F8, $0x38;
	[tilespmem:$0x1A9C0] =	vst v63  }
0x18f: {  	_ =	swait.ge [sflag:s10], $0x1F8  }
0x190: {  	[sflag:s10] =	ssyncset.done $0x0  }
0x191: {  	[sflag:s10] =	ssyncadd.s32 $0xFFFFFE08  }
0x192: {  	_ =	swait.ge [sflag:s10], $0x1F8  }
0x193: {  	[sflag:s10] =	ssyncset.done $0x0  }
0x194: {  	[sflag:s10] =	ssyncadd.s32 $0xFFFFFE08  }
0x195: {  	[tilespmem:s18], [sflag:$0x1] =	stream.indirect.gather [hbm4b:s4+s25], $0x40, s3, s25, $0xb8;
	[tilespmem:$0x1A9C0] =	vst v63  }
0x196: {  	_ =	swait.ge [sflag:s1], $0x7D00  }
0x197: {  	[sflag:s1] =	ssyncset.done $0x0  }
0x198: {  	[sflag:s1] =	ssyncadd.s32 $0xFFFF8300  }
0x199: {  	_ =	strace $0x80000061  }
0x19a: {  	[spmem:s2] =	stream.indirect.scatter.add.f32 [tilespmem:s28], [sflag:$0x7], $0x40, s31, s25, $0x2000b8;
	[tilespmem:$0x1A9C0] =	vst v63  }
0x19b: {  	_ =	swait.ge [sflag:s19], $0x7D00  }
0x19c: {  	[sflag:s19] =	ssyncset.done $0x0  }
0x19d: {  	[sflag:s19] =	ssyncadd.s32 $0xFFFF8300  }
0x19e: {  	s12 =	sadd.s32 $0x17A0, s12;
	_ =	strace $0x90000061  }
0x19f: {  	[tilespmem:s23], [sflag:$0x5] =	stream.linear.gather [hbm4b:s12+s3], $0x1F8, $0x38;
	[tilespmem:$0x1A9C0] =	vst v63  }
0x1a0: {  	s15 =	sadd.s32 $0x17A0, s14  }
0x1a1: {  	[tilespmem:s24], [sflag:$0x5] =	stream.linear.gather [hbm4b:s15+s3], $0x1F8, $0x38;
	[tilespmem:$0x1A9C0] =	vst v63  }
0x1a2: {  	_ =	swait.ge [sflag:s26], $0x1F8  }
0x1a3: {  	[sflag:s26] =	ssyncset.done $0x0  }
0x1a4: {  	[sflag:s26] =	ssyncadd.s32 $0xFFFFFE08  }
0x1a5: {  	_ =	swait.ge [sflag:s26], $0x1F8  }
0x1a6: {  	[sflag:s26] =	ssyncset.done $0x0  }
0x1a7: {  	s12 =	simm.s32 $0xFC0;
	[sflag:s26] =	ssyncadd.s32 $0xFFFFFE08  }
.LBB2_5:
0x1a8: {  	[tilespmem:s28], [sflag:$0x2] =	stream.indirect.gather [hbm4b:s4+s25], $0x40, s21, s25, $0xb8;
	[tilespmem:$0x1A9C0] =	vst v63  }
0x1a9: {  	s14 =	smov.u32 s12  }
0x1aa: {  	p1 =	sne.s32 s12, $0x7E00;
	s12 =	sadd.s32 $0xFC0, s12;
	_ =	swait.ge [sflag:s29], $0x7D00  }
0x1ab: {  	[sflag:s29] =	ssyncset.done $0x0  }
0x1ac: {  	[sflag:s29] =	ssyncadd.s32 $0xFFFF8300  }
0x1ad: {  	_ =	strace $0x8000005E  }
0x1ae: {  	[spmem:s2] =	stream.indirect.scatter.add.f32 [tilespmem:s18], [sflag:$0x7], $0x40, s20, s25, $0x2000b8;
	[tilespmem:$0x1A9C0] =	vst v63  }
0x1af: {  	_ =	swait.ge [sflag:s19], $0x7D00  }
0x1b0: {  	[sflag:s19] =	ssyncset.done $0x0  }
0x1b1: {  	s13 =	sadd.s32 s14, s8;
	[sflag:s19] =	ssyncadd.s32 $0xFFFF8300  }
0x1b2: {  	s14 =	sadd.s32 s14, s9;
	s15 =	sadd.s32 $0xBD0, s13;
	_ =	strace $0x9000005E  }
0x1b3: {  	[tilespmem:s30], [sflag:$0x6] =	stream.linear.gather [hbm4b:s15+s3], $0x1F8, $0x38;
	[tilespmem:$0x1A9C0] =	vst v63  }
0x1b4: {  	s15 =	sadd.s32 $0xBD0, s14  }
0x1b5: {  	[tilespmem:s31], [sflag:$0x6] =	stream.linear.gather [hbm4b:s15+s3], $0x1F8, $0x38;
	[tilespmem:$0x1A9C0] =	vst v63  }
0x1b6: {  	_ =	swait.ge [sflag:s0], $0x1F8  }
0x1b7: {  	[sflag:s0] =	ssyncset.done $0x0  }
0x1b8: {  	[sflag:s0] =	ssyncadd.s32 $0xFFFFFE08  }
0x1b9: {  	_ =	swait.ge [sflag:s0], $0x1F8  }
0x1ba: {  	[sflag:s0] =	ssyncset.done $0x0  }
0x1bb: {  	[sflag:s0] =	ssyncadd.s32 $0xFFFFFE08  }
0x1bc: {  	[tilespmem:s18], [sflag:$0x1] =	stream.indirect.gather [hbm4b:s4+s25], $0x40, s23, s25, $0xb8;
	[tilespmem:$0x1A9C0] =	vst v63  }
0x1bd: {  	_ =	swait.ge [sflag:s1], $0x7D00  }
0x1be: {  	[sflag:s1] =	ssyncset.done $0x0  }
0x1bf: {  	[sflag:s1] =	ssyncadd.s32 $0xFFFF8300  }
0x1c0: {  	_ =	strace $0x8000005F  }
0x1c1: {  	[spmem:s2] =	stream.indirect.scatter.add.f32 [tilespmem:s28], [sflag:$0x7], $0x40, s22, s25, $0x2000b8;
	[tilespmem:$0x1A9C0] =	vst v63  }
0x1c2: {  	_ =	swait.ge [sflag:s19], $0x7D00  }
0x1c3: {  	[sflag:s19] =	ssyncset.done $0x0  }
0x1c4: {  	[sflag:s19] =	ssyncadd.s32 $0xFFFF8300  }
0x1c5: {  	s15 =	sadd.s32 $0xFC0, s13;
	_ =	strace $0x9000005F  }
0x1c6: {  	[tilespmem:s3], [sflag:$0x3] =	stream.linear.gather [hbm4b:s15+s3], $0x1F8, $0x38;
	[tilespmem:$0x1A9C0] =	vst v63  }
0x1c7: {  	s15 =	sadd.s32 $0xFC0, s14  }
0x1c8: {  	[tilespmem:s20], [sflag:$0x3] =	stream.linear.gather [hbm4b:s15+s3], $0x1F8, $0x38;
	[tilespmem:$0x1A9C0] =	vst v63  }
0x1c9: {  	_ =	swait.ge [sflag:s7], $0x1F8  }
0x1ca: {  	[sflag:s7] =	ssyncset.done $0x0  }
0x1cb: {  	[sflag:s7] =	ssyncadd.s32 $0xFFFFFE08  }
0x1cc: {  	_ =	swait.ge [sflag:s7], $0x1F8  }
0x1cd: {  	[sflag:s7] =	ssyncset.done $0x0  }
0x1ce: {  	[sflag:s7] =	ssyncadd.s32 $0xFFFFFE08  }
0x1cf: {  	[tilespmem:s28], [sflag:$0x2] =	stream.indirect.gather [hbm4b:s4+s25], $0x40, s30, s25, $0xb8;
	[tilespmem:$0x1A9C0] =	vst v63  }
0x1d0: {  	_ =	swait.ge [sflag:s29], $0x7D00  }
0x1d1: {  	[sflag:s29] =	ssyncset.done $0x0  }
0x1d2: {  	[sflag:s29] =	ssyncadd.s32 $0xFFFF8300  }
0x1d3: {  	_ =	strace $0x80000060  }
0x1d4: {  	[spmem:s2] =	stream.indirect.scatter.add.f32 [tilespmem:s18], [sflag:$0x7], $0x40, s24, s25, $0x2000b8;
	[tilespmem:$0x1A9C0] =	vst v63  }
0x1d5: {  	_ =	swait.ge [sflag:s19], $0x7D00  }
0x1d6: {  	[sflag:s19] =	ssyncset.done $0x0  }
0x1d7: {  	[sflag:s19] =	ssyncadd.s32 $0xFFFF8300  }
0x1d8: {  	s15 =	sadd.s32 $0x13B0, s13;
	_ =	strace $0x90000060  }
0x1d9: {  	[tilespmem:s21], [sflag:$0x4] =	stream.linear.gather [hbm4b:s15+s3], $0x1F8, $0x38;
	[tilespmem:$0x1A9C0] =	vst v63  }
0x1da: {  	s15 =	sadd.s32 $0x13B0, s14  }
0x1db: {  	[tilespmem:s22], [sflag:$0x4] =	stream.linear.gather [hbm4b:s15+s3], $0x1F8, $0x38;
	[tilespmem:$0x1A9C0] =	vst v63  }
0x1dc: {  	_ =	swait.ge [sflag:s10], $0x1F8  }
0x1dd: {  	[sflag:s10] =	ssyncset.done $0x0  }
0x1de: {  	[sflag:s10] =	ssyncadd.s32 $0xFFFFFE08  }
0x1df: {  	_ =	swait.ge [sflag:s10], $0x1F8  }
0x1e0: {  	[sflag:s10] =	ssyncset.done $0x0  }
0x1e1: {  	[sflag:s10] =	ssyncadd.s32 $0xFFFFFE08  }
0x1e2: {  	[tilespmem:s18], [sflag:$0x1] =	stream.indirect.gather [hbm4b:s4+s25], $0x40, s3, s25, $0xb8;
	[tilespmem:$0x1A9C0] =	vst v63  }
0x1e3: {  	_ =	swait.ge [sflag:s1], $0x7D00  }
0x1e4: {  	[sflag:s1] =	ssyncset.done $0x0  }
0x1e5: {  	[sflag:s1] =	ssyncadd.s32 $0xFFFF8300  }
0x1e6: {  	_ =	strace $0x80000061  }
0x1e7: {  	[spmem:s2] =	stream.indirect.scatter.add.f32 [tilespmem:s28], [sflag:$0x7], $0x40, s31, s25, $0x2000b8;
	[tilespmem:$0x1A9C0] =	vst v63  }
0x1e8: {  	_ =	swait.ge [sflag:s19], $0x7D00  }
0x1e9: {  	[sflag:s19] =	ssyncset.done $0x0  }
0x1ea: {  	[sflag:s19] =	ssyncadd.s32 $0xFFFF8300  }
0x1eb: {  	s13 =	sadd.s32 $0x17A0, s13;
	_ =	strace $0x90000061  }
0x1ec: {  	[tilespmem:s23], [sflag:$0x5] =	stream.linear.gather [hbm4b:s13+s3], $0x1F8, $0x38;
	[tilespmem:$0x1A9C0] =	vst v63  }
0x1ed: {  	s13 =	sadd.s32 $0x17A0, s14  }
0x1ee: {  	[tilespmem:s24], [sflag:$0x5] =	stream.linear.gather [hbm4b:s13+s3], $0x1F8, $0x38;
	[tilespmem:$0x1A9C0] =	vst v63  }
0x1ef: {  	_ =	swait.ge [sflag:s26], $0x1F8  }
.Ltmp6:
0x1f0: {  	[sflag:s26] =	ssyncset.done $0x0;
	(pc) =	sbr.rel @p1 .LBB2_5-.Ltmp6, $4  }
0x1f1: {  	[sflag:s26] =	ssyncadd.s32 $0xFFFFFE08  }
0x1f2: {  	_ =	swait.ge [sflag:s26], $0x1F8  }
0x1f3: {  	[sflag:s26] =	ssyncset.done $0x0  }
0x1f4: {  	[sflag:s26] =	ssyncadd.s32 $0xFFFFFE08  }
.Ltmp7:
0x1f5: {  	_ = 	snop;
	(pc) =	sbr.rel .LBB2_6-.Ltmp7, $1  }
0x1f6: {  	_ =	sdelay $0x3  }
.LBB2_11:
0x1f7: {  	_ =	sfence.sel $0x180000  }
0x1f8: {  	[bflag:$0x0] =	sbarrier.arrive $0xFFFF  }
0x1f9: {  	_ =	strace $0x9000005C  }
0x1fa: {  	s0 =	stileid.u32;
	[bflag:$0x2] =	sbarrier.arrive $0xFFFF  }
0x1fb: {  	p0 =	sne.s32 s0, $0x0;
	s0 =	rddreg [dreg:$0x2]  }
0x1fc: {  	s0 =	sadd.s32 @!p0 $0x100000, s0  }
0x1fd: {  	[sflag:s0] =	ssyncadd.tile.s32 @!p0 $0x1;
	_ =	shalt  }
.Lfunc_end2:
_tile_overlayer_lowered:
.L_overlay_start_2:
0x1fe: {  	(tag) =	ssettag $0x2  }
0x1ff: {  	s0 =	rddreg [dreg:$0x0];
	s2 =	stileid.u32  }
0x200: {  	s1 =	rddreg [dreg:$0x1];
	p0 =	sne.s32 s2, $0x0  }
0x201: {  	s3 =	rddreg [dreg:$0x2];
	[bflag:$0x3] =	sbarrier.arrive $0xFFFF;
	s2 =	simm.s32 @!p0 $0x1C07  }
0x202: {  	[timem:s3], [sflag:s2] =	dma.local @!p0 [hbm:s0], s1  }
0x203: {  	s0 =	simm.s32 @!p0 $0x7  }
0x204: {  	_ =	swait.ge @!p0 [sflag:s0], s1  }
0x205: {  	s1 =	ssub.s32 @!p0 $0x0, s1;
	[sflag:s0] =	ssyncset.done @!p0 $0x0  }
0x206: {  	[sflag:s0] =	ssyncadd.s32 @!p0 s1  }
0x207: {  	[bflag:$0x3] =	sbarrier.arrive $0xFFFF  }
0x208: {  	_ =	shalt  }

</sc_bundles>
